<compile_context>
chip_gen: v7x
topology: tpu7x:2x2x1
jax: 0.10.2.dev20260603
libtpu: 0.0.44.dev20260713+nightly
codegen_flags: <defaults>
</compile_context>

<pallas_src>
import functools

import jax
import jax.numpy as jnp
from jax import lax
from jax.experimental import pallas as pl
from jax.experimental.pallas import tpu as pltpu
from jax.experimental.pallas import tpu_sc as plsc

N = 10000
E = 320000
IN_C = 128
H = 64

NC = 2
NS = 16
NW = NC * NS

NP = 10240
RPT = NP // NS
EPW = E // NW
KR = 125
K = 128
NCK = EPW // KR
G = E // KR
RING = 8
STEADY = NCK // RING - 1

BT = 1024
GRID = NP // BT

_mesh = plsc.VectorSubcoreMesh(core_axis_name="c", subcore_axis_name="s")
_sc_params = pltpu.CompilerParams(
    needs_layout_passes=False, use_tc_tiling_on_sc=False
)


@functools.partial(
    pl.kernel,
    out_type=jax.ShapeDtypeStruct((NC, NP), jnp.float32),
    mesh=_mesh,
    scratch_types=[
        pltpu.VMEM((EPW,), jnp.int32),
        pltpu.VMEM((NP,), jnp.float32),
        pltpu.VMEM((NS, RPT), jnp.float32),
        pltpu.VMEM_SHARED((NS, NP), jnp.float32),
    ],
    compiler_params=_sc_params,
)
def _deg_kernel(dst_hbm, out_hbm, dstv, degv, redv, shared):
    c = lax.axis_index("c")
    s = lax.axis_index("s")
    wid = c * NS + s
    pltpu.sync_copy(dst_hbm.at[pl.ds(wid * EPW, EPW)], dstv)

    zero16 = jnp.zeros((16,), jnp.float32)
    ones16 = jnp.ones((16,), jnp.float32)

    def zbody(i, carry):
        degv[pl.ds(i * 16, 16)] = zero16
        return carry

    lax.fori_loop(0, NP // 16, zbody, 0)

    def hbody(i, carry):
        idx = dstv[pl.ds(i * 16, 16)]
        plsc.addupdate_scatter(degv, [idx], ones16)
        return carry

    lax.fori_loop(0, EPW // 16, hbody, 0)

    pltpu.sync_copy(degv, shared.at[s])
    plsc.subcore_barrier()
    pltpu.sync_copy(shared.at[:, pl.ds(s * RPT, RPT)], redv)

    def rbody(v, carry):
        acc = redv[0, pl.ds(v * 16, 16)]
        for r in range(1, NS):
            acc = acc + redv[r, pl.ds(v * 16, 16)]
        degv[pl.ds(v * 16, 16)] = acc
        return carry

    lax.fori_loop(0, RPT // 16, rbody, 0)
    pltpu.sync_copy(degv.at[pl.ds(0, RPT)], out_hbm.at[c, pl.ds(s * RPT, RPT)])


@functools.partial(
    pl.kernel,
    out_type=jax.ShapeDtypeStruct((NC, NP, H), jnp.float32),
    mesh=_mesh,
    scratch_types=(
        [pltpu.VMEM((2, K), jnp.int32) for _ in range(RING)]
        + [pltpu.VMEM((K, H), jnp.float32) for _ in range(RING)]
        + [pltpu.VMEM_SHARED((NP, H), jnp.float32)]
        + [pltpu.SemaphoreType.DMA for _ in range(2 * RING)]
    ),
    compiler_params=_sc_params,
)
def _edge_kernel(p_hbm, ei_hbm, z_hbm, out_hbm, *refs):
    ibufs = refs[0:RING]
    rbufs = refs[RING:2 * RING]
    acc = refs[2 * RING]
    isems = refs[2 * RING + 1:2 * RING + 1 + RING]
    gsems = refs[2 * RING + 1 + RING:2 * RING + 1 + 2 * RING]

    c = lax.axis_index("c")
    s = lax.axis_index("s")
    wid = c * NS + s
    g0 = wid * NCK
    rslice = pl.ds(s * RPT, RPT)

    def issue_idx(g, m):
        pltpu.async_copy(ei_hbm.at[g], ibufs[m], isems[m])

    def wait_idx(m):
        pltpu.make_async_copy(ei_hbm.at[0], ibufs[m], isems[m]).wait()

    def issue_gather(m, b):
        pltpu.async_copy(p_hbm.at[ibufs[m].at[0]], rbufs[b], gsems[b])

    def wait_gather(b):
        pltpu.make_async_copy(p_hbm.at[pl.ds(0, K)], rbufs[b], gsems[b]).wait()

    def scatter_add(b, m):
        pltpu.sync_copy(rbufs[b], acc.at[ibufs[m].at[1]], add=True)

    for m in range(5):
        issue_idx(g0 + m, m)

    @pl.when(c == 0)
    def _():
        pltpu.sync_copy(p_hbm.at[rslice], acc.at[rslice])

    @pl.when(c != 0)
    def _():
        pltpu.sync_copy(z_hbm.at[rslice], acc.at[rslice])

    for m in range(4):
        wait_idx(m)
        issue_gather(m, m)

    plsc.subcore_barrier()

    def outer(t, carry):
        jb = t * RING
        for u in range(RING):
            m = u
            mp4 = (u + 4) % RING
            mp5 = (u + 5) % RING
            wait_idx(mp4)
            issue_gather(mp4, mp4)
            issue_idx(g0 + jb + u + 5, mp5)
            wait_gather(m)
            scatter_add(m, m)
        return carry

    lax.fori_loop(0, STEADY, outer, 0)

    for j in range(NCK - RING, NCK):
        m = j % RING
        if j + 4 < NCK:
            mp4 = (j + 4) % RING
            wait_idx(mp4)
            issue_gather(mp4, mp4)
        if j + 5 < NCK:
            issue_idx(g0 + j + 5, (j + 5) % RING)
        wait_gather(m)
        scatter_add(m, m)

    plsc.subcore_barrier()
    pltpu.sync_copy(acc.at[rslice], out_hbm.at[c, rslice])


def _dis_block(d_ref):
    return lax.rsqrt(d_ref[0, :] + d_ref[1, :] + 1.0)


def _tc_first_body(x_ref, w_ref, d_ref, o_ref):
    dis = _dis_block(d_ref)
    h = jnp.dot(x_ref[...], w_ref[...], preferred_element_type=jnp.float32)
    o_ref[...] = h * dis[:, None]


def _tc_first(xp, w1, deg2):
    return pl.pallas_call(
        _tc_first_body,
        grid=(GRID,),
        in_specs=[
            pl.BlockSpec((BT, IN_C), lambda i: (i, 0)),
            pl.BlockSpec((IN_C, H), lambda i: (0, 0)),
            pl.BlockSpec((NC, BT), lambda i: (0, i)),
        ],
        out_specs=pl.BlockSpec((BT, H), lambda i: (i, 0)),
        out_shape=jax.ShapeDtypeStruct((NP, H), jnp.float32),
    )(xp, w1, deg2)


def _tc_mid_body(a_ref, d_ref, b_ref, w_ref, o_ref):
    dis = _dis_block(d_ref)
    h = (a_ref[0] + a_ref[1]) * dis[:, None] + b_ref[0, :][None, :]
    act = jnp.maximum(h, 0.0)
    o_ref[...] = jnp.dot(act, w_ref[...],
                         preferred_element_type=jnp.float32) * dis[:, None]


def _tc_mid(acc, deg2, b_prev, w_next):
    return pl.pallas_call(
        _tc_mid_body,
        grid=(GRID,),
        in_specs=[
            pl.BlockSpec((NC, BT, H), lambda i: (0, i, 0)),
            pl.BlockSpec((NC, BT), lambda i: (0, i)),
            pl.BlockSpec((1, H), lambda i: (0, 0)),
            pl.BlockSpec((H, H), lambda i: (0, 0)),
        ],
        out_specs=pl.BlockSpec((BT, H), lambda i: (i, 0)),
        out_shape=jax.ShapeDtypeStruct((NP, H), jnp.float32),
    )(acc, deg2, b_prev, w_next)


def _tc_head_body(a_ref, d_ref, b_ref, wh_ref, bh_ref, s_ref, w_ref):
    dis = _dis_block(d_ref)
    h = (a_ref[0] + a_ref[1]) * dis[:, None] + b_ref[0, :][None, :]
    act = jnp.maximum(h, 0.0)
    o = jnp.dot(act, wh_ref[...],
                preferred_element_type=jnp.float32) + bh_ref[0, :][None, :]
    s_ref[...] = o[:, 0:2]
    w_ref[...] = jax.nn.softplus(o[:, 2:3])


def _tc_head(acc, deg2, b3, wh, bh):
    return pl.pallas_call(
        _tc_head_body,
        grid=(GRID,),
        in_specs=[
            pl.BlockSpec((NC, BT, H), lambda i: (0, i, 0)),
            pl.BlockSpec((NC, BT), lambda i: (0, i)),
            pl.BlockSpec((1, H), lambda i: (0, 0)),
            pl.BlockSpec((H, 3), lambda i: (0, 0)),
            pl.BlockSpec((1, 3), lambda i: (0, 0)),
        ],
        out_specs=[
            pl.BlockSpec((BT, 2), lambda i: (i, 0)),
            pl.BlockSpec((BT, 1), lambda i: (i, 0)),
        ],
        out_shape=[
            jax.ShapeDtypeStruct((NP, 2), jnp.float32),
            jax.ShapeDtypeStruct((NP, 1), jnp.float32),
        ],
    )(acc, deg2, b3, wh, bh)


def kernel(x, edge_index, W1, b1, W2, b2, W3, b3, Ws, bs, Ww, bw):
    xp = jnp.zeros((NP, IN_C), jnp.float32).at[:N].set(x)
    ei = edge_index.astype(jnp.int32)
    pad_row = (N + (jnp.arange(G, dtype=jnp.int32) % (NP - N)))[:, None]
    srcs = jnp.concatenate(
        [ei[0].reshape(G, KR),
         jnp.broadcast_to(pad_row, (G, K - KR))], axis=1)
    dsts = jnp.concatenate(
        [ei[1].reshape(G, KR),
         jnp.broadcast_to(pad_row, (G, K - KR))], axis=1)
    ei_packed = jnp.stack([srcs, dsts], axis=1)
    dst_flat = ei[1]
    zeros_nph = jnp.zeros((NP, H), jnp.float32)
    wh = jnp.concatenate([Ws, Ww], axis=1)
    bh = jnp.concatenate([bs, bw]).reshape(1, 3)
    b1r = b1.reshape(1, H)
    b2r = b2.reshape(1, H)
    b3r = b3.reshape(1, H)

    deg2 = _deg_kernel(dst_flat)
    p1 = _tc_first(xp, W1, deg2)
    acc1 = _edge_kernel(p1, ei_packed, zeros_nph)
    p2 = _tc_mid(acc1, deg2, b1r, W2)
    acc2 = _edge_kernel(p2, ei_packed, zeros_nph)
    p3 = _tc_mid(acc2, deg2, b2r, W3)
    acc3 = _edge_kernel(p3, ei_packed, zeros_nph)
    shifts, weights = _tc_head(acc3, deg2, b3r, wh, bh)
    return (shifts[:N], weights[:N, 0])

# --- scband reference (transcript-rebuilt; emitter-appended) ---
"""Pipeline reference for scband-graph-quadrature-net-19267223289970 (READ-ONLY COPY).

The authoritative reference and input builder live on the scoring server;
editing this copy changes nothing except your own understanding.
"""

import jax, jax.numpy as jnp
import numpy as np

N = 10000
E = 320000
IN_C = 128
H = 64


def setup_inputs(seed: int = 0) -> dict:
    key = jax.random.key(seed)
    ks = jax.random.split(key, 12)
    x = jax.random.normal(ks[0], (N, IN_C), dtype=jnp.float32)
    edge_index = jax.random.randint(ks[1], (2, E), 0, N, dtype=jnp.int32)
    W1 = jax.random.normal(ks[2], (IN_C, H), dtype=jnp.float32) * (1.0 / np.sqrt(IN_C))
    b1 = jnp.zeros((H,), dtype=jnp.float32)
    W2 = jax.random.normal(ks[3], (H, H), dtype=jnp.float32) * (1.0 / np.sqrt(H))
    b2 = jnp.zeros((H,), dtype=jnp.float32)
    W3 = jax.random.normal(ks[4], (H, H), dtype=jnp.float32) * (1.0 / np.sqrt(H))
    b3 = jnp.zeros((H,), dtype=jnp.float32)
    Ws = jax.random.normal(ks[5], (H, 2), dtype=jnp.float32) * (1.0 / np.sqrt(H))
    bs = jnp.zeros((2,), dtype=jnp.float32)
    Ww = jax.random.normal(ks[6], (H, 1), dtype=jnp.float32) * (1.0 / np.sqrt(H))
    bw = jnp.zeros((1,), dtype=jnp.float32)
    return {"x": x, "edge_index": edge_index, "W1": W1, "b1": b1, "W2": W2, "b2": b2, "W3": W3, "b3": b3, "Ws": Ws, "bs": bs, "Ww": Ww, "bw": bw}


def gcn_conv(x, edge_index, W, b):
    n = x.shape[0]
    loop = jnp.arange(n, dtype=edge_index.dtype)
    src = jnp.concatenate([edge_index[0], loop])
    dst = jnp.concatenate([edge_index[1], loop])
    h = x @ W
    deg = jnp.zeros((n,), dtype=h.dtype).at[dst].add(1.0)
    dis = jnp.where(deg > 0, 1.0 / jnp.sqrt(deg), 0.0)
    norm = dis[src] * dis[dst]
    msgs = h[src] * norm[:, None]
    out = jnp.zeros_like(h).at[dst].add(msgs)
    return out + b


def reference(x, edge_index, W1, b1, W2, b2, W3, b3, Ws, bs, Ww, bw):
    h = jax.nn.relu(gcn_conv(x, edge_index, W1, b1))
    h = jax.nn.relu(gcn_conv(h, edge_index, W2, b2))
    h = jax.nn.relu(gcn_conv(h, edge_index, W3, b3))
    shifts = h @ Ws + bs
    weights = jax.nn.softplus(h @ Ww + bw)[:, 0]
    return (shifts, weights)

if __name__ == "__main__":
    import jax
    _d = setup_inputs()
    print(jax.jit(kernel)(*tuple(_d.values())))

</pallas_src>

<mosaic_0001>
#map = affine_map<(d0, d1) -> (0)>
#map1 = affine_map<(d0, d1) -> (0, 0)>
module attributes {stable_mosaic.version = 14 : i64} {
  func.func @_deg_kernel(%arg0: i32, %arg1: i32, %arg2: memref<320000xi32, #tpu.memory_space<hbm>>, %arg3: memref<2x10240xf32, #tpu.memory_space<hbm>>, %arg4: memref<10000xi32, #tpu.memory_space<vmem>>, %arg5: memref<10240xf32, #tpu.memory_space<vmem>>, %arg6: memref<16x640xf32, #tpu.memory_space<vmem>>, %arg7: memref<16x10240xf32, #tpu.memory_space<vmem_shared>>) attributes {dimension_semantics = [#tpu.dimension_semantics<core_parallel>, #tpu.dimension_semantics<subcore_parallel>], iteration_bounds = array<i64: 2, 16>, scalar_prefetch = 0 : i64, scratch_operands = 4 : i64, tpu.core_type = #tpu.core_type<sc_vector_subcore>, window_params = [{transform_indices = #map}, {transform_indices = #map1}]} {
    %mul3A = arith.constant 16 : i32
    %mul3A_0 = arith.muli %arg0, %mul3A : i32
    %add3A = arith.addi %mul3A_0, %arg1 : i32
    %mul3A_1 = arith.constant 10000 : i32
    %mul3A_2 = arith.muli %add3A, %mul3A_1 : i32
    "tpu.region"() ({
      %run_scoped3A = tpu.sem_alloc : memref<!tpu.dma_semaphore, #tpu.memory_space<semaphore_mem>>
      %dma_start3A = tpu.memref_slice %arg2[%mul3A_2] : memref<320000xi32, #tpu.memory_space<hbm>> -> memref<10000xi32, #tpu.memory_space<hbm>>
      %dma_start3A_27 = tpu.memref_slice %arg2[%mul3A_2] : memref<320000xi32, #tpu.memory_space<hbm>> -> memref<10000xi32, #tpu.memory_space<hbm>>
      tpu.enqueue_dma source(%dma_start3A_27 : memref<10000xi32, #tpu.memory_space<hbm>>) target(%arg4 : memref<10000xi32, #tpu.memory_space<vmem>>) target_semaphore(%run_scoped3A : memref<!tpu.dma_semaphore, #tpu.memory_space<semaphore_mem>>)
      %dma_wait3A = tpu.memref_slice %arg2[%mul3A_2] : memref<320000xi32, #tpu.memory_space<hbm>> -> memref<10000xi32, #tpu.memory_space<hbm>>
      %dma_wait3A_28 = tpu.memref_slice %arg2[%mul3A_2] : memref<320000xi32, #tpu.memory_space<hbm>> -> memref<10000xi32, #tpu.memory_space<hbm>>
      tpu.wait_dma2 semaphore(%run_scoped3A : memref<!tpu.dma_semaphore, #tpu.memory_space<semaphore_mem>>) src(%dma_wait3A_28 : memref<10000xi32, #tpu.memory_space<hbm>>) dst(%arg4 : memref<10000xi32, #tpu.memory_space<vmem>>)
      tpu.yield
    }) : () -> ()
    %broadcast_in_dim3A = arith.constant 0.000000e+00 : f32
    %broadcast_in_dim3A_3 = vector.broadcast %broadcast_in_dim3A : f32 to vector<16xf32>
    %broadcast_in_dim3A_4 = arith.constant 1.000000e+00 : f32
    %broadcast_in_dim3A_5 = vector.broadcast %broadcast_in_dim3A_4 : f32 to vector<16xf32>
    %scan3A = arith.constant 0 : i32
    %scan3A_6 = arith.constant 0 : i32
    %scan3A_7 = arith.constant 640 : i32
    %scan3A_8 = arith.addi %scan3A_6, %scan3A_7 : i32
    %scan3A_9 = arith.constant 1 : i32
    scf.for %scan3A_27 = %scan3A_6 to %scan3A_8 step %scan3A_9  : i32 {
      %mul3A_28 = arith.constant 16 : i32
      %mul3A_29 = arith.muli %scan3A_27, %mul3A_28 : i32
      %swap3A = arith.index_cast %mul3A_29 : i32 to index
      %swap3A_30 = tpu.vector_load %arg5[%swap3A] {strides = array<i32>} : memref<10240xf32, #tpu.memory_space<vmem>>, vector<16xf32>,
      tpu.vector_store %arg5[%swap3A], %broadcast_in_dim3A_3 {strides = array<i32>} : memref<10240xf32, #tpu.memory_space<vmem>>, vector<16xf32>,
    }
    %scan3A_10 = arith.constant 640 : i32
    %scan3A_11 = arith.constant 0 : i32
    %scan3A_12 = arith.constant 0 : i32
    %scan3A_13 = arith.constant 625 : i32
    %scan3A_14 = arith.addi %scan3A_12, %scan3A_13 : i32
    %scan3A_15 = arith.constant 1 : i32
    scf.for %scan3A_27 = %scan3A_12 to %scan3A_14 step %scan3A_15  : i32 {
      %mul3A_28 = arith.constant 16 : i32
      %mul3A_29 = arith.muli %scan3A_27, %mul3A_28 : i32
      %get3A = arith.index_cast %mul3A_29 : i32 to index
      %get3A_30 = tpu.vector_load %arg4[%get3A] {strides = array<i32>} : memref<10000xi32, #tpu.memory_space<vmem>>, vector<16xi32>,
      tpu.vector_store_idx %arg5[%get3A_30], %broadcast_in_dim3A_5 {add = true} : memref<10240xf32, #tpu.memory_space<vmem>>[vector<16xi32>], vector<16xf32>,
    }
    %scan3A_16 = arith.constant 625 : i32
    "tpu.region"() ({
      %run_scoped3A = tpu.sem_alloc : memref<!tpu.dma_semaphore, #tpu.memory_space<semaphore_mem>>
      %dma_start3A = arith.constant 0 : i32
      %dma_start3A_27 = tpu.memref_slice %arg7[%arg1, %dma_start3A] : memref<16x10240xf32, #tpu.memory_space<vmem_shared>> -> memref<1x10240xf32, #tpu.memory_space<vmem_shared>>
      %dma_start3A_28 = tpu.memref_squeeze %dma_start3A_27 : memref<1x10240xf32, #tpu.memory_space<vmem_shared>> -> memref<10240xf32, #tpu.memory_space<vmem_shared>>
      %dma_start3A_29 = arith.constant 0 : i32
      %dma_start3A_30 = tpu.memref_slice %arg7[%arg1, %dma_start3A_29] : memref<16x10240xf32, #tpu.memory_space<vmem_shared>> -> memref<1x10240xf32, #tpu.memory_space<vmem_shared>>
      %dma_start3A_31 = tpu.memref_squeeze %dma_start3A_30 : memref<1x10240xf32, #tpu.memory_space<vmem_shared>> -> memref<10240xf32, #tpu.memory_space<vmem_shared>>
      tpu.enqueue_dma source(%arg5 : memref<10240xf32, #tpu.memory_space<vmem>>) target(%dma_start3A_31 : memref<10240xf32, #tpu.memory_space<vmem_shared>>) target_semaphore(%run_scoped3A : memref<!tpu.dma_semaphore, #tpu.memory_space<semaphore_mem>>)
      %dma_wait3A = arith.constant 0 : i32
      %dma_wait3A_32 = tpu.memref_slice %arg7[%arg1, %dma_wait3A] : memref<16x10240xf32, #tpu.memory_space<vmem_shared>> -> memref<1x10240xf32, #tpu.memory_space<vmem_shared>>
      %dma_wait3A_33 = tpu.memref_squeeze %dma_wait3A_32 : memref<1x10240xf32, #tpu.memory_space<vmem_shared>> -> memref<10240xf32, #tpu.memory_space<vmem_shared>>
      %dma_wait3A_34 = arith.constant 0 : i32
      %dma_wait3A_35 = tpu.memref_slice %arg7[%arg1, %dma_wait3A_34] : memref<16x10240xf32, #tpu.memory_space<vmem_shared>> -> memref<1x10240xf32, #tpu.memory_space<vmem_shared>>
      %dma_wait3A_36 = tpu.memref_squeeze %dma_wait3A_35 : memref<1x10240xf32, #tpu.memory_space<vmem_shared>> -> memref<10240xf32, #tpu.memory_space<vmem_shared>>
      tpu.wait_dma2 semaphore(%run_scoped3A : memref<!tpu.dma_semaphore, #tpu.memory_space<semaphore_mem>>) src(%arg5 : memref<10240xf32, #tpu.memory_space<vmem>>) dst(%dma_wait3A_36 : memref<10240xf32, #tpu.memory_space<vmem_shared>>)
      tpu.yield
    }) : () -> ()
    %barrier3A = arith.constant 0 : index
    tpu.barrier barrier_id(%barrier3A)
    %mul3A_17 = arith.constant 640 : i32
    %mul3A_18 = arith.muli %arg1, %mul3A_17 : i32
    "tpu.region"() ({
      %run_scoped3A = tpu.sem_alloc : memref<!tpu.dma_semaphore, #tpu.memory_space<semaphore_mem>>
      %dma_start3A = arith.constant 0 : i32
      %dma_start3A_27 = tpu.memref_slice %arg7[%dma_start3A, %mul3A_18] : memref<16x10240xf32, #tpu.memory_space<vmem_shared>> -> memref<16x640xf32, #tpu.memory_space<vmem_shared>>
      %dma_start3A_28 = arith.constant 0 : i32
      %dma_start3A_29 = tpu.memref_slice %arg7[%dma_start3A_28, %mul3A_18] : memref<16x10240xf32, #tpu.memory_space<vmem_shared>> -> memref<16x640xf32, #tpu.memory_space<vmem_shared>>
      tpu.enqueue_dma source(%dma_start3A_29 : memref<16x640xf32, #tpu.memory_space<vmem_shared>>) target(%arg6 : memref<16x640xf32, #tpu.memory_space<vmem>>) target_semaphore(%run_scoped3A : memref<!tpu.dma_semaphore, #tpu.memory_space<semaphore_mem>>)
      %dma_wait3A = arith.constant 0 : i32
      %dma_wait3A_30 = tpu.memref_slice %arg7[%dma_wait3A, %mul3A_18] : memref<16x10240xf32, #tpu.memory_space<vmem_shared>> -> memref<16x640xf32, #tpu.memory_space<vmem_shared>>
      %dma_wait3A_31 = arith.constant 0 : i32
      %dma_wait3A_32 = tpu.memref_slice %arg7[%dma_wait3A_31, %mul3A_18] : memref<16x10240xf32, #tpu.memory_space<vmem_shared>> -> memref<16x640xf32, #tpu.memory_space<vmem_shared>>
      tpu.wait_dma2 semaphore(%run_scoped3A : memref<!tpu.dma_semaphore, #tpu.memory_space<semaphore_mem>>) src(%dma_wait3A_32 : memref<16x640xf32, #tpu.memory_space<vmem_shared>>) dst(%arg6 : memref<16x640xf32, #tpu.memory_space<vmem>>)
      tpu.yield
    }) : () -> ()
    %scan3A_19 = arith.constant 0 : i32
    %scan3A_20 = arith.constant 0 : i32
    %scan3A_21 = arith.constant 40 : i32
    %scan3A_22 = arith.addi %scan3A_20, %scan3A_21 : i32
    %scan3A_23 = arith.constant 1 : i32
    scf.for %scan3A_27 = %scan3A_20 to %scan3A_22 step %scan3A_23  : i32 {
      %mul3A_28 = arith.constant 16 : i32
      %mul3A_29 = arith.muli %scan3A_27, %mul3A_28 : i32
      %get3A = arith.constant 0 : i32
      %get3A_30 = arith.index_cast %get3A : i32 to index
      %get3A_31 = arith.index_cast %mul3A_29 : i32 to index
      %get3A_32 = tpu.vector_load %arg6[%get3A_30, %get3A_31] {strides = array<i32>} : memref<16x640xf32, #tpu.memory_space<vmem>>, vector<16xf32>,
      %mul3A_33 = arith.constant 16 : i32
      %mul3A_34 = arith.muli %scan3A_27, %mul3A_33 : i32
      %get3A_35 = arith.constant 1 : i32
      %get3A_36 = arith.index_cast %get3A_35 : i32 to index
      %get3A_37 = arith.index_cast %mul3A_34 : i32 to index
      %get3A_38 = tpu.vector_load %arg6[%get3A_36, %get3A_37] {strides = array<i32>} : memref<16x640xf32, #tpu.memory_space<vmem>>, vector<16xf32>,
      %add3A_39 = arith.addf %get3A_32, %get3A_38 : vector<16xf32>
      %mul3A_40 = arith.constant 16 : i32
      %mul3A_41 = arith.muli %scan3A_27, %mul3A_40 : i32
      %get3A_42 = arith.constant 2 : i32
      %get3A_43 = arith.index_cast %get3A_42 : i32 to index
      %get3A_44 = arith.index_cast %mul3A_41 : i32 to index
      %get3A_45 = tpu.vector_load %arg6[%get3A_43, %get3A_44] {strides = array<i32>} : memref<16x640xf32, #tpu.memory_space<vmem>>, vector<16xf32>,
      %add3A_46 = arith.addf %add3A_39, %get3A_45 : vector<16xf32>
      %mul3A_47 = arith.constant 16 : i32
      %mul3A_48 = arith.muli %scan3A_27, %mul3A_47 : i32
      %get3A_49 = arith.constant 3 : i32
      %get3A_50 = arith.index_cast %get3A_49 : i32 to index
      %get3A_51 = arith.index_cast %mul3A_48 : i32 to index
      %get3A_52 = tpu.vector_load %arg6[%get3A_50, %get3A_51] {strides = array<i32>} : memref<16x640xf32, #tpu.memory_space<vmem>>, vector<16xf32>,
      %add3A_53 = arith.addf %add3A_46, %get3A_52 : vector<16xf32>
      %mul3A_54 = arith.constant 16 : i32
      %mul3A_55 = arith.muli %scan3A_27, %mul3A_54 : i32
      %get3A_56 = arith.constant 4 : i32
      %get3A_57 = arith.index_cast %get3A_56 : i32 to index
      %get3A_58 = arith.index_cast %mul3A_55 : i32 to index
      %get3A_59 = tpu.vector_load %arg6[%get3A_57, %get3A_58] {strides = array<i32>} : memref<16x640xf32, #tpu.memory_space<vmem>>, vector<16xf32>,
      %add3A_60 = arith.addf %add3A_53, %get3A_59 : vector<16xf32>
      %mul3A_61 = arith.constant 16 : i32
      %mul3A_62 = arith.muli %scan3A_27, %mul3A_61 : i32
      %get3A_63 = arith.constant 5 : i32
      %get3A_64 = arith.index_cast %get3A_63 : i32 to index
      %get3A_65 = arith.index_cast %mul3A_62 : i32 to index
      %get3A_66 = tpu.vector_load %arg6[%get3A_64, %get3A_65] {strides = array<i32>} : memref<16x640xf32, #tpu.memory_space<vmem>>, vector<16xf32>,
      %add3A_67 = arith.addf %add3A_60, %get3A_66 : vector<16xf32>
      %mul3A_68 = arith.constant 16 : i32
      %mul3A_69 = arith.muli %scan3A_27, %mul3A_68 : i32
      %get3A_70 = arith.constant 6 : i32
      %get3A_71 = arith.index_cast %get3A_70 : i32 to index
      %get3A_72 = arith.index_cast %mul3A_69 : i32 to index
      %get3A_73 = tpu.vector_load %arg6[%get3A_71, %get3A_72] {strides = array<i32>} : memref<16x640xf32, #tpu.memory_space<vmem>>, vector<16xf32>,
      %add3A_74 = arith.addf %add3A_67, %get3A_73 : vector<16xf32>
      %mul3A_75 = arith.constant 16 : i32
      %mul3A_76 = arith.muli %scan3A_27, %mul3A_75 : i32
      %get3A_77 = arith.constant 7 : i32
      %get3A_78 = arith.index_cast %get3A_77 : i32 to index
      %get3A_79 = arith.index_cast %mul3A_76 : i32 to index
      %get3A_80 = tpu.vector_load %arg6[%get3A_78, %get3A_79] {strides = array<i32>} : memref<16x640xf32, #tpu.memory_space<vmem>>, vector<16xf32>,
      %add3A_81 = arith.addf %add3A_74, %get3A_80 : vector<16xf32>
      %mul3A_82 = arith.constant 16 : i32
      %mul3A_83 = arith.muli %scan3A_27, %mul3A_82 : i32
      %get3A_84 = arith.constant 8 : i32
      %get3A_85 = arith.index_cast %get3A_84 : i32 to index
      %get3A_86 = arith.index_cast %mul3A_83 : i32 to index
      %get3A_87 = tpu.vector_load %arg6[%get3A_85, %get3A_86] {strides = array<i32>} : memref<16x640xf32, #tpu.memory_space<vmem>>, vector<16xf32>,
      %add3A_88 = arith.addf %add3A_81, %get3A_87 : vector<16xf32>
      %mul3A_89 = arith.constant 16 : i32
      %mul3A_90 = arith.muli %scan3A_27, %mul3A_89 : i32
      %get3A_91 = arith.constant 9 : i32
      %get3A_92 = arith.index_cast %get3A_91 : i32 to index
      %get3A_93 = arith.index_cast %mul3A_90 : i32 to index
      %get3A_94 = tpu.vector_load %arg6[%get3A_92, %get3A_93] {strides = array<i32>} : memref<16x640xf32, #tpu.memory_space<vmem>>, vector<16xf32>,
      %add3A_95 = arith.addf %add3A_88, %get3A_94 : vector<16xf32>
      %mul3A_96 = arith.constant 16 : i32
      %mul3A_97 = arith.muli %scan3A_27, %mul3A_96 : i32
      %get3A_98 = arith.constant 10 : i32
      %get3A_99 = arith.index_cast %get3A_98 : i32 to index
      %get3A_100 = arith.index_cast %mul3A_97 : i32 to index
      %get3A_101 = tpu.vector_load %arg6[%get3A_99, %get3A_100] {strides = array<i32>} : memref<16x640xf32, #tpu.memory_space<vmem>>, vector<16xf32>,
      %add3A_102 = arith.addf %add3A_95, %get3A_101 : vector<16xf32>
      %mul3A_103 = arith.constant 16 : i32
      %mul3A_104 = arith.muli %scan3A_27, %mul3A_103 : i32
      %get3A_105 = arith.constant 11 : i32
      %get3A_106 = arith.index_cast %get3A_105 : i32 to index
      %get3A_107 = arith.index_cast %mul3A_104 : i32 to index
      %get3A_108 = tpu.vector_load %arg6[%get3A_106, %get3A_107] {strides = array<i32>} : memref<16x640xf32, #tpu.memory_space<vmem>>, vector<16xf32>,
      %add3A_109 = arith.addf %add3A_102, %get3A_108 : vector<16xf32>
      %mul3A_110 = arith.constant 16 : i32
      %mul3A_111 = arith.muli %scan3A_27, %mul3A_110 : i32
      %get3A_112 = arith.constant 12 : i32
      %get3A_113 = arith.index_cast %get3A_112 : i32 to index
      %get3A_114 = arith.index_cast %mul3A_111 : i32 to index
      %get3A_115 = tpu.vector_load %arg6[%get3A_113, %get3A_114] {strides = array<i32>} : memref<16x640xf32, #tpu.memory_space<vmem>>, vector<16xf32>,
      %add3A_116 = arith.addf %add3A_109, %get3A_115 : vector<16xf32>
      %mul3A_117 = arith.constant 16 : i32
      %mul3A_118 = arith.muli %scan3A_27, %mul3A_117 : i32
      %get3A_119 = arith.constant 13 : i32
      %get3A_120 = arith.index_cast %get3A_119 : i32 to index
      %get3A_121 = arith.index_cast %mul3A_118 : i32 to index
      %get3A_122 = tpu.vector_load %arg6[%get3A_120, %get3A_121] {strides = array<i32>} : memref<16x640xf32, #tpu.memory_space<vmem>>, vector<16xf32>,
      %add3A_123 = arith.addf %add3A_116, %get3A_122 : vector<16xf32>
      %mul3A_124 = arith.constant 16 : i32
      %mul3A_125 = arith.muli %scan3A_27, %mul3A_124 : i32
      %get3A_126 = arith.constant 14 : i32
      %get3A_127 = arith.index_cast %get3A_126 : i32 to index
      %get3A_128 = arith.index_cast %mul3A_125 : i32 to index
      %get3A_129 = tpu.vector_load %arg6[%get3A_127, %get3A_128] {strides = array<i32>} : memref<16x640xf32, #tpu.memory_space<vmem>>, vector<16xf32>,
      %add3A_130 = arith.addf %add3A_123, %get3A_129 : vector<16xf32>
      %mul3A_131 = arith.constant 16 : i32
      %mul3A_132 = arith.muli %scan3A_27, %mul3A_131 : i32
      %get3A_133 = arith.constant 15 : i32
      %get3A_134 = arith.index_cast %get3A_133 : i32 to index
      %get3A_135 = arith.index_cast %mul3A_132 : i32 to index
      %get3A_136 = tpu.vector_load %arg6[%get3A_134, %get3A_135] {strides = array<i32>} : memref<16x640xf32, #tpu.memory_space<vmem>>, vector<16xf32>,
      %add3A_137 = arith.addf %add3A_130, %get3A_136 : vector<16xf32>
      %mul3A_138 = arith.constant 16 : i32
      %mul3A_139 = arith.muli %scan3A_27, %mul3A_138 : i32
      %swap3A = arith.index_cast %mul3A_139 : i32 to index
      %swap3A_140 = tpu.vector_load %arg5[%swap3A] {strides = array<i32>} : memref<10240xf32, #tpu.memory_space<vmem>>, vector<16xf32>,
      tpu.vector_store %arg5[%swap3A], %add3A_137 {strides = array<i32>} : memref<10240xf32, #tpu.memory_space<vmem>>, vector<16xf32>,
    }
    %scan3A_24 = arith.constant 40 : i32
    %mul3A_25 = arith.constant 640 : i32
    %mul3A_26 = arith.muli %arg1, %mul3A_25 : i32
    "tpu.region"() ({
      %run_scoped3A = tpu.sem_alloc : memref<!tpu.dma_semaphore, #tpu.memory_space<semaphore_mem>>
      %dma_start3A = arith.constant 0 : i32
      %dma_start3A_27 = tpu.memref_slice %arg5[%dma_start3A] : memref<10240xf32, #tpu.memory_space<vmem>> -> memref<640xf32, #tpu.memory_space<vmem>>
      %dma_start3A_28 = tpu.memref_slice %arg3[%arg0, %mul3A_26] : memref<2x10240xf32, #tpu.memory_space<hbm>> -> memref<1x640xf32, #tpu.memory_space<hbm>>
      %dma_start3A_29 = tpu.memref_squeeze %dma_start3A_28 : memref<1x640xf32, #tpu.memory_space<hbm>> -> memref<640xf32, #tpu.memory_space<hbm>>
      %dma_start3A_30 = tpu.memref_slice %arg3[%arg0, %mul3A_26] : memref<2x10240xf32, #tpu.memory_space<hbm>> -> memref<1x640xf32, #tpu.memory_space<hbm>>
      %dma_start3A_31 = tpu.memref_squeeze %dma_start3A_30 : memref<1x640xf32, #tpu.memory_space<hbm>> -> memref<640xf32, #tpu.memory_space<hbm>>
      %dma_start3A_32 = arith.constant 0 : i32
      %dma_start3A_33 = tpu.memref_slice %arg5[%dma_start3A_32] : memref<10240xf32, #tpu.memory_space<vmem>> -> memref<640xf32, #tpu.memory_space<vmem>>
      tpu.enqueue_dma source(%dma_start3A_33 : memref<640xf32, #tpu.memory_space<vmem>>) target(%dma_start3A_31 : memref<640xf32, #tpu.memory_space<hbm>>) target_semaphore(%run_scoped3A : memref<!tpu.dma_semaphore, #tpu.memory_space<semaphore_mem>>)
      %dma_wait3A = arith.constant 0 : i32
      %dma_wait3A_34 = tpu.memref_slice %arg5[%dma_wait3A] : memref<10240xf32, #tpu.memory_space<vmem>> -> memref<640xf32, #tpu.memory_space<vmem>>
      %dma_wait3A_35 = tpu.memref_slice %arg3[%arg0, %mul3A_26] : memref<2x10240xf32, #tpu.memory_space<hbm>> -> memref<1x640xf32, #tpu.memory_space<hbm>>
      %dma_wait3A_36 = tpu.memref_squeeze %dma_wait3A_35 : memref<1x640xf32, #tpu.memory_space<hbm>> -> memref<640xf32, #tpu.memory_space<hbm>>
      %dma_wait3A_37 = tpu.memref_slice %arg3[%arg0, %mul3A_26] : memref<2x10240xf32, #tpu.memory_space<hbm>> -> memref<1x640xf32, #tpu.memory_space<hbm>>
      %dma_wait3A_38 = tpu.memref_squeeze %dma_wait3A_37 : memref<1x640xf32, #tpu.memory_space<hbm>> -> memref<640xf32, #tpu.memory_space<hbm>>
      %dma_wait3A_39 = arith.constant 0 : i32
      %dma_wait3A_40 = tpu.memref_slice %arg5[%dma_wait3A_39] : memref<10240xf32, #tpu.memory_space<vmem>> -> memref<640xf32, #tpu.memory_space<vmem>>
      tpu.wait_dma2 semaphore(%run_scoped3A : memref<!tpu.dma_semaphore, #tpu.memory_space<semaphore_mem>>) src(%dma_wait3A_40 : memref<640xf32, #tpu.memory_space<vmem>>) dst(%dma_wait3A_38 : memref<640xf32, #tpu.memory_space<hbm>>)
      tpu.yield
    }) : () -> ()
    return
  }
}

#map = affine_map<(d0, d1) -> (0, 0)>
#map1 = affine_map<(d0, d1) -> (0, 0, 0)>
module attributes {stable_mosaic.version = 14 : i64} {
  func.func @_edge_kernel(%arg0: i32, %arg1: i32, %arg2: memref<10240x64xf32, #tpu.memory_space<hbm>>, %arg3: memref<2560x2x128xi32, #tpu.memory_space<hbm>>, %arg4: memref<10240x64xf32, #tpu.memory_space<hbm>>, %arg5: memref<2x10240x64xf32, #tpu.memory_space<hbm>>, %arg6: memref<2x128xi32, #tpu.memory_space<vmem>>, %arg7: memref<2x128xi32, #tpu.memory_space<vmem>>, %arg8: memref<2x128xi32, #tpu.memory_space<vmem>>, %arg9: memref<2x128xi32, #tpu.memory_space<vmem>>, %arg10: memref<2x128xi32, #tpu.memory_space<vmem>>, %arg11: memref<2x128xi32, #tpu.memory_space<vmem>>, %arg12: memref<2x128xi32, #tpu.memory_space<vmem>>, %arg13: memref<2x128xi32, #tpu.memory_space<vmem>>, %arg14: memref<128x64xf32, #tpu.memory_space<vmem>>, %arg15: memref<128x64xf32, #tpu.memory_space<vmem>>, %arg16: memref<128x64xf32, #tpu.memory_space<vmem>>, %arg17: memref<128x64xf32, #tpu.memory_space<vmem>>, %arg18: memref<128x64xf32, #tpu.memory_space<vmem>>, %arg19: memref<128x64xf32, #tpu.memory_space<vmem>>, %arg20: memref<128x64xf32, #tpu.memory_space<vmem>>, %arg21: memref<128x64xf32, #tpu.memory_space<vmem>>, %arg22: memref<10240x64xf32, #tpu.memory_space<vmem_shared>>, %arg23: memref<!tpu.dma_semaphore, #tpu.memory_space<semaphore_mem>>, %arg24: memref<!tpu.dma_semaphore, #tpu.memory_space<semaphore_mem>>, %arg25: memref<!tpu.dma_semaphore, #tpu.memory_space<semaphore_mem>>, %arg26: memref<!tpu.dma_semaphore, #tpu.memory_space<semaphore_mem>>, %arg27: memref<!tpu.dma_semaphore, #tpu.memory_space<semaphore_mem>>, %arg28: memref<!tpu.dma_semaphore, #tpu.memory_space<semaphore_mem>>, %arg29: memref<!tpu.dma_semaphore, #tpu.memory_space<semaphore_mem>>, %arg30: memref<!tpu.dma_semaphore, #tpu.memory_space<semaphore_mem>>, %arg31: memref<!tpu.dma_semaphore, #tpu.memory_space<semaphore_mem>>, %arg32: memref<!tpu.dma_semaphore, #tpu.memory_space<semaphore_mem>>, %arg33: memref<!tpu.dma_semaphore, #tpu.memory_space<semaphore_mem>>, %arg34: memref<!tpu.dma_semaphore, #tpu.memory_space<semaphore_mem>>, %arg35: memref<!tpu.dma_semaphore, #tpu.memory_space<semaphore_mem>>, %arg36: memref<!tpu.dma_semaphore, #tpu.memory_space<semaphore_mem>>, %arg37: memref<!tpu.dma_semaphore, #tpu.memory_space<semaphore_mem>>, %arg38: memref<!tpu.dma_semaphore, #tpu.memory_space<semaphore_mem>>) attributes {dimension_semantics = [#tpu.dimension_semantics<core_parallel>, #tpu.dimension_semantics<subcore_parallel>], iteration_bounds = array<i64: 2, 16>, scalar_prefetch = 0 : i64, scratch_operands = 33 : i64, tpu.core_type = #tpu.core_type<sc_vector_subcore>, window_params = [{transform_indices = #map}, {transform_indices = #map1}, {transform_indices = #map}, {transform_indices = #map1}]} {
    %mul3A = arith.constant 16 : i32
    %mul3A_0 = arith.muli %arg0, %mul3A : i32
    %add3A = arith.addi %mul3A_0, %arg1 : i32
    %mul3A_1 = arith.constant 80 : i32
    %mul3A_2 = arith.muli %add3A, %mul3A_1 : i32
    %mul3A_3 = arith.constant 640 : i32
    %mul3A_4 = arith.muli %arg1, %mul3A_3 : i32
    %add3A_5 = arith.constant 0 : i32
    %add3A_6 = arith.addi %mul3A_2, %add3A_5 : i32
    %dma_start3A = arith.constant 0 : i32
    %dma_start3A_7 = arith.constant 0 : i32
    %dma_start3A_8 = tpu.memref_slice %arg3[%add3A_6, %dma_start3A, %dma_start3A_7] : memref<2560x2x128xi32, #tpu.memory_space<hbm>> -> memref<1x2x128xi32, #tpu.memory_space<hbm>>
    %dma_start3A_9 = tpu.memref_squeeze %dma_start3A_8 : memref<1x2x128xi32, #tpu.memory_space<hbm>> -> memref<2x128xi32, #tpu.memory_space<hbm>>
    %dma_start3A_10 = arith.constant 0 : i32
    %dma_start3A_11 = arith.constant 0 : i32
    %dma_start3A_12 = tpu.memref_slice %arg3[%add3A_6, %dma_start3A_10, %dma_start3A_11] : memref<2560x2x128xi32, #tpu.memory_space<hbm>> -> memref<1x2x128xi32, #tpu.memory_space<hbm>>
    %dma_start3A_13 = tpu.memref_squeeze %dma_start3A_12 : memref<1x2x128xi32, #tpu.memory_space<hbm>> -> memref<2x128xi32, #tpu.memory_space<hbm>>
    tpu.enqueue_dma source(%dma_start3A_13 : memref<2x128xi32, #tpu.memory_space<hbm>>) target(%arg6 : memref<2x128xi32, #tpu.memory_space<vmem>>) target_semaphore(%arg23 : memref<!tpu.dma_semaphore, #tpu.memory_space<semaphore_mem>>)
    %add3A_14 = arith.constant 1 : i32
    %add3A_15 = arith.addi %mul3A_2, %add3A_14 : i32
    %dma_start3A_16 = arith.constant 0 : i32
    %dma_start3A_17 = arith.constant 0 : i32
    %dma_start3A_18 = tpu.memref_slice %arg3[%add3A_15, %dma_start3A_16, %dma_start3A_17] : memref<2560x2x128xi32, #tpu.memory_space<hbm>> -> memref<1x2x128xi32, #tpu.memory_space<hbm>>
    %dma_start3A_19 = tpu.memref_squeeze %dma_start3A_18 : memref<1x2x128xi32, #tpu.memory_space<hbm>> -> memref<2x128xi32, #tpu.memory_space<hbm>>
    %dma_start3A_20 = arith.constant 0 : i32
    %dma_start3A_21 = arith.constant 0 : i32
    %dma_start3A_22 = tpu.memref_slice %arg3[%add3A_15, %dma_start3A_20, %dma_start3A_21] : memref<2560x2x128xi32, #tpu.memory_space<hbm>> -> memref<1x2x128xi32, #tpu.memory_space<hbm>>
    %dma_start3A_23 = tpu.memref_squeeze %dma_start3A_22 : memref<1x2x128xi32, #tpu.memory_space<hbm>> -> memref<2x128xi32, #tpu.memory_space<hbm>>
    tpu.enqueue_dma source(%dma_start3A_23 : memref<2x128xi32, #tpu.memory_space<hbm>>) target(%arg7 : memref<2x128xi32, #tpu.memory_space<vmem>>) target_semaphore(%arg24 : memref<!tpu.dma_semaphore, #tpu.memory_space<semaphore_mem>>)
    %add3A_24 = arith.constant 2 : i32
    %add3A_25 = arith.addi %mul3A_2, %add3A_24 : i32
    %dma_start3A_26 = arith.constant 0 : i32
    %dma_start3A_27 = arith.constant 0 : i32
    %dma_start3A_28 = tpu.memref_slice %arg3[%add3A_25, %dma_start3A_26, %dma_start3A_27] : memref<2560x2x128xi32, #tpu.memory_space<hbm>> -> memref<1x2x128xi32, #tpu.memory_space<hbm>>
    %dma_start3A_29 = tpu.memref_squeeze %dma_start3A_28 : memref<1x2x128xi32, #tpu.memory_space<hbm>> -> memref<2x128xi32, #tpu.memory_space<hbm>>
    %dma_start3A_30 = arith.constant 0 : i32
    %dma_start3A_31 = arith.constant 0 : i32
    %dma_start3A_32 = tpu.memref_slice %arg3[%add3A_25, %dma_start3A_30, %dma_start3A_31] : memref<2560x2x128xi32, #tpu.memory_space<hbm>> -> memref<1x2x128xi32, #tpu.memory_space<hbm>>
    %dma_start3A_33 = tpu.memref_squeeze %dma_start3A_32 : memref<1x2x128xi32, #tpu.memory_space<hbm>> -> memref<2x128xi32, #tpu.memory_space<hbm>>
    tpu.enqueue_dma source(%dma_start3A_33 : memref<2x128xi32, #tpu.memory_space<hbm>>) target(%arg8 : memref<2x128xi32, #tpu.memory_space<vmem>>) target_semaphore(%arg25 : memref<!tpu.dma_semaphore, #tpu.memory_space<semaphore_mem>>)
    %add3A_34 = arith.constant 3 : i32
    %add3A_35 = arith.addi %mul3A_2, %add3A_34 : i32
    %dma_start3A_36 = arith.constant 0 : i32
    %dma_start3A_37 = arith.constant 0 : i32
    %dma_start3A_38 = tpu.memref_slice %arg3[%add3A_35, %dma_start3A_36, %dma_start3A_37] : memref<2560x2x128xi32, #tpu.memory_space<hbm>> -> memref<1x2x128xi32, #tpu.memory_space<hbm>>
    %dma_start3A_39 = tpu.memref_squeeze %dma_start3A_38 : memref<1x2x128xi32, #tpu.memory_space<hbm>> -> memref<2x128xi32, #tpu.memory_space<hbm>>
    %dma_start3A_40 = arith.constant 0 : i32
    %dma_start3A_41 = arith.constant 0 : i32
    %dma_start3A_42 = tpu.memref_slice %arg3[%add3A_35, %dma_start3A_40, %dma_start3A_41] : memref<2560x2x128xi32, #tpu.memory_space<hbm>> -> memref<1x2x128xi32, #tpu.memory_space<hbm>>
    %dma_start3A_43 = tpu.memref_squeeze %dma_start3A_42 : memref<1x2x128xi32, #tpu.memory_space<hbm>> -> memref<2x128xi32, #tpu.memory_space<hbm>>
    tpu.enqueue_dma source(%dma_start3A_43 : memref<2x128xi32, #tpu.memory_space<hbm>>) target(%arg9 : memref<2x128xi32, #tpu.memory_space<vmem>>) target_semaphore(%arg26 : memref<!tpu.dma_semaphore, #tpu.memory_space<semaphore_mem>>)
    %add3A_44 = arith.constant 4 : i32
    %add3A_45 = arith.addi %mul3A_2, %add3A_44 : i32
    %dma_start3A_46 = arith.constant 0 : i32
    %dma_start3A_47 = arith.constant 0 : i32
    %dma_start3A_48 = tpu.memref_slice %arg3[%add3A_45, %dma_start3A_46, %dma_start3A_47] : memref<2560x2x128xi32, #tpu.memory_space<hbm>> -> memref<1x2x128xi32, #tpu.memory_space<hbm>>
    %dma_start3A_49 = tpu.memref_squeeze %dma_start3A_48 : memref<1x2x128xi32, #tpu.memory_space<hbm>> -> memref<2x128xi32, #tpu.memory_space<hbm>>
    %dma_start3A_50 = arith.constant 0 : i32
    %dma_start3A_51 = arith.constant 0 : i32
    %dma_start3A_52 = tpu.memref_slice %arg3[%add3A_45, %dma_start3A_50, %dma_start3A_51] : memref<2560x2x128xi32, #tpu.memory_space<hbm>> -> memref<1x2x128xi32, #tpu.memory_space<hbm>>
    %dma_start3A_53 = tpu.memref_squeeze %dma_start3A_52 : memref<1x2x128xi32, #tpu.memory_space<hbm>> -> memref<2x128xi32, #tpu.memory_space<hbm>>
    tpu.enqueue_dma source(%dma_start3A_53 : memref<2x128xi32, #tpu.memory_space<hbm>>) target(%arg10 : memref<2x128xi32, #tpu.memory_space<vmem>>) target_semaphore(%arg27 : memref<!tpu.dma_semaphore, #tpu.memory_space<semaphore_mem>>)
    %eq3A = arith.constant 0 : i32
    %eq3A_54 = arith.cmpi eq, %arg0, %eq3A : i32
    %convert_element_type3A = arith.extui %eq3A_54 : i1 to i32
    %cond3A = arith.constant 0 : i32
    %cond3A_55 = arith.cmpi ne, %convert_element_type3A, %cond3A : i32
    scf.if %cond3A_55 {
      "tpu.region"() ({
        %run_scoped3A_284 = tpu.sem_alloc : memref<!tpu.dma_semaphore, #tpu.memory_space<semaphore_mem>>
        %dma_start3A_285 = arith.constant 0 : i32
        %dma_start3A_286 = tpu.memref_slice %arg22[%mul3A_4, %dma_start3A_285] : memref<10240x64xf32, #tpu.memory_space<vmem_shared>> -> memref<640x64xf32, #tpu.memory_space<vmem_shared>>
        %dma_start3A_287 = arith.constant 0 : i32
        %dma_start3A_288 = tpu.memref_slice %arg2[%mul3A_4, %dma_start3A_287] : memref<10240x64xf32, #tpu.memory_space<hbm>> -> memref<640x64xf32, #tpu.memory_space<hbm>>
        tpu.enqueue_dma source(%dma_start3A_288 : memref<640x64xf32, #tpu.memory_space<hbm>>) target(%dma_start3A_286 : memref<640x64xf32, #tpu.memory_space<vmem_shared>>) target_semaphore(%run_scoped3A_284 : memref<!tpu.dma_semaphore, #tpu.memory_space<semaphore_mem>>)
        %dma_wait3A_289 = arith.constant 0 : i32
        %dma_wait3A_290 = tpu.memref_slice %arg22[%mul3A_4, %dma_wait3A_289] : memref<10240x64xf32, #tpu.memory_space<vmem_shared>> -> memref<640x64xf32, #tpu.memory_space<vmem_shared>>
        %dma_wait3A_291 = arith.constant 0 : i32
        %dma_wait3A_292 = tpu.memref_slice %arg2[%mul3A_4, %dma_wait3A_291] : memref<10240x64xf32, #tpu.memory_space<hbm>> -> memref<640x64xf32, #tpu.memory_space<hbm>>
        tpu.wait_dma2 semaphore(%run_scoped3A_284 : memref<!tpu.dma_semaphore, #tpu.memory_space<semaphore_mem>>) src(%dma_wait3A_292 : memref<640x64xf32, #tpu.memory_space<hbm>>) dst(%dma_wait3A_290 : memref<640x64xf32, #tpu.memory_space<vmem_shared>>)
        tpu.yield
      }) : () -> ()
    } else {
    }
    %ne3A = arith.constant 0 : i32
    %ne3A_56 = arith.cmpi ne, %arg0, %ne3A : i32
    %convert_element_type3A_57 = arith.extui %ne3A_56 : i1 to i32
    %cond3A_58 = arith.constant 0 : i32
    %cond3A_59 = arith.cmpi ne, %convert_element_type3A_57, %cond3A_58 : i32
    scf.if %cond3A_59 {
      "tpu.region"() ({
        %run_scoped3A_284 = tpu.sem_alloc : memref<!tpu.dma_semaphore, #tpu.memory_space<semaphore_mem>>
        %dma_start3A_285 = arith.constant 0 : i32
        %dma_start3A_286 = tpu.memref_slice %arg22[%mul3A_4, %dma_start3A_285] : memref<10240x64xf32, #tpu.memory_space<vmem_shared>> -> memref<640x64xf32, #tpu.memory_space<vmem_shared>>
        %dma_start3A_287 = arith.constant 0 : i32
        %dma_start3A_288 = tpu.memref_slice %arg4[%mul3A_4, %dma_start3A_287] : memref<10240x64xf32, #tpu.memory_space<hbm>> -> memref<640x64xf32, #tpu.memory_space<hbm>>
        tpu.enqueue_dma source(%dma_start3A_288 : memref<640x64xf32, #tpu.memory_space<hbm>>) target(%dma_start3A_286 : memref<640x64xf32, #tpu.memory_space<vmem_shared>>) target_semaphore(%run_scoped3A_284 : memref<!tpu.dma_semaphore, #tpu.memory_space<semaphore_mem>>)
        %dma_wait3A_289 = arith.constant 0 : i32
        %dma_wait3A_290 = tpu.memref_slice %arg22[%mul3A_4, %dma_wait3A_289] : memref<10240x64xf32, #tpu.memory_space<vmem_shared>> -> memref<640x64xf32, #tpu.memory_space<vmem_shared>>
        %dma_wait3A_291 = arith.constant 0 : i32
        %dma_wait3A_292 = tpu.memref_slice %arg4[%mul3A_4, %dma_wait3A_291] : memref<10240x64xf32, #tpu.memory_space<hbm>> -> memref<640x64xf32, #tpu.memory_space<hbm>>
        tpu.wait_dma2 semaphore(%run_scoped3A_284 : memref<!tpu.dma_semaphore, #tpu.memory_space<semaphore_mem>>) src(%dma_wait3A_292 : memref<640x64xf32, #tpu.memory_space<hbm>>) dst(%dma_wait3A_290 : memref<640x64xf32, #tpu.memory_space<vmem_shared>>)
        tpu.yield
      }) : () -> ()
    } else {
    }
    %dma_wait3A = arith.constant 0 : i32
    %dma_wait3A_60 = arith.constant 0 : i32
    %dma_wait3A_61 = arith.constant 0 : i32
    %dma_wait3A_62 = tpu.memref_slice %arg3[%dma_wait3A, %dma_wait3A_60, %dma_wait3A_61] : memref<2560x2x128xi32, #tpu.memory_space<hbm>> -> memref<1x2x128xi32, #tpu.memory_space<hbm>>
    %dma_wait3A_63 = tpu.memref_squeeze %dma_wait3A_62 : memref<1x2x128xi32, #tpu.memory_space<hbm>> -> memref<2x128xi32, #tpu.memory_space<hbm>>
    %dma_wait3A_64 = arith.constant 0 : i32
    %dma_wait3A_65 = arith.constant 0 : i32
    %dma_wait3A_66 = tpu.memref_slice %arg3[%dma_wait3A, %dma_wait3A_64, %dma_wait3A_65] : memref<2560x2x128xi32, #tpu.memory_space<hbm>> -> memref<1x2x128xi32, #tpu.memory_space<hbm>>
    %dma_wait3A_67 = tpu.memref_squeeze %dma_wait3A_66 : memref<1x2x128xi32, #tpu.memory_space<hbm>> -> memref<2x128xi32, #tpu.memory_space<hbm>>
    tpu.wait_dma2 semaphore(%arg23 : memref<!tpu.dma_semaphore, #tpu.memory_space<semaphore_mem>>) src(%dma_wait3A_67 : memref<2x128xi32, #tpu.memory_space<hbm>>) dst(%arg6 : memref<2x128xi32, #tpu.memory_space<vmem>>)
    %dma_start3A_68 = arith.constant 0 : i32
    %dma_start3A_69 = arith.constant 0 : i32
    %dma_start3A_70 = tpu.memref_slice %arg6[%dma_start3A_68, %dma_start3A_69] : memref<2x128xi32, #tpu.memory_space<vmem>> -> memref<1x128xi32, #tpu.memory_space<vmem>>
    %dma_start3A_71 = tpu.memref_squeeze %dma_start3A_70 : memref<1x128xi32, #tpu.memory_space<vmem>> -> memref<128xi32, #tpu.memory_space<vmem>>
    %dma_start3A_72 = arith.constant 0 : i32
    %dma_start3A_73 = arith.constant 0 : i32
    %dma_start3A_74 = tpu.memref_slice %arg2[%dma_start3A_72, %dma_start3A_73] : memref<10240x64xf32, #tpu.memory_space<hbm>> -> memref<10240x64xf32, #tpu.memory_space<hbm>>
    tpu.enqueue_indirect_dma source(%dma_start3A_74 : memref<10240x64xf32, #tpu.memory_space<hbm>>) target(%arg14 : memref<128x64xf32, #tpu.memory_space<vmem>>) offsets(%dma_start3A_71 : memref<128xi32, #tpu.memory_space<vmem>>) semaphore(%arg31 : memref<!tpu.dma_semaphore, #tpu.memory_space<semaphore_mem>>)
    %dma_wait3A_75 = arith.constant 0 : i32
    %dma_wait3A_76 = arith.constant 0 : i32
    %dma_wait3A_77 = arith.constant 0 : i32
    %dma_wait3A_78 = tpu.memref_slice %arg3[%dma_wait3A_75, %dma_wait3A_76, %dma_wait3A_77] : memref<2560x2x128xi32, #tpu.memory_space<hbm>> -> memref<1x2x128xi32, #tpu.memory_space<hbm>>
    %dma_wait3A_79 = tpu.memref_squeeze %dma_wait3A_78 : memref<1x2x128xi32, #tpu.memory_space<hbm>> -> memref<2x128xi32, #tpu.memory_space<hbm>>
    %dma_wait3A_80 = arith.constant 0 : i32
    %dma_wait3A_81 = arith.constant 0 : i32
    %dma_wait3A_82 = tpu.memref_slice %arg3[%dma_wait3A_75, %dma_wait3A_80, %dma_wait3A_81] : memref<2560x2x128xi32, #tpu.memory_space<hbm>> -> memref<1x2x128xi32, #tpu.memory_space<hbm>>
    %dma_wait3A_83 = tpu.memref_squeeze %dma_wait3A_82 : memref<1x2x128xi32, #tpu.memory_space<hbm>> -> memref<2x128xi32, #tpu.memory_space<hbm>>
    tpu.wait_dma2 semaphore(%arg24 : memref<!tpu.dma_semaphore, #tpu.memory_space<semaphore_mem>>) src(%dma_wait3A_83 : memref<2x128xi32, #tpu.memory_space<hbm>>) dst(%arg7 : memref<2x128xi32, #tpu.memory_space<vmem>>)
    %dma_start3A_84 = arith.constant 0 : i32
    %dma_start3A_85 = arith.constant 0 : i32
    %dma_start3A_86 = tpu.memref_slice %arg7[%dma_start3A_84, %dma_start3A_85] : memref<2x128xi32, #tpu.memory_space<vmem>> -> memref<1x128xi32, #tpu.memory_space<vmem>>
    %dma_start3A_87 = tpu.memref_squeeze %dma_start3A_86 : memref<1x128xi32, #tpu.memory_space<vmem>> -> memref<128xi32, #tpu.memory_space<vmem>>
    %dma_start3A_88 = arith.constant 0 : i32
    %dma_start3A_89 = arith.constant 0 : i32
    %dma_start3A_90 = tpu.memref_slice %arg2[%dma_start3A_88, %dma_start3A_89] : memref<10240x64xf32, #tpu.memory_space<hbm>> -> memref<10240x64xf32, #tpu.memory_space<hbm>>
    tpu.enqueue_indirect_dma source(%dma_start3A_90 : memref<10240x64xf32, #tpu.memory_space<hbm>>) target(%arg15 : memref<128x64xf32, #tpu.memory_space<vmem>>) offsets(%dma_start3A_87 : memref<128xi32, #tpu.memory_space<vmem>>) semaphore(%arg32 : memref<!tpu.dma_semaphore, #tpu.memory_space<semaphore_mem>>)
    %dma_wait3A_91 = arith.constant 0 : i32
    %dma_wait3A_92 = arith.constant 0 : i32
    %dma_wait3A_93 = arith.constant 0 : i32
    %dma_wait3A_94 = tpu.memref_slice %arg3[%dma_wait3A_91, %dma_wait3A_92, %dma_wait3A_93] : memref<2560x2x128xi32, #tpu.memory_space<hbm>> -> memref<1x2x128xi32, #tpu.memory_space<hbm>>
    %dma_wait3A_95 = tpu.memref_squeeze %dma_wait3A_94 : memref<1x2x128xi32, #tpu.memory_space<hbm>> -> memref<2x128xi32, #tpu.memory_space<hbm>>
    %dma_wait3A_96 = arith.constant 0 : i32
    %dma_wait3A_97 = arith.constant 0 : i32
    %dma_wait3A_98 = tpu.memref_slice %arg3[%dma_wait3A_91, %dma_wait3A_96, %dma_wait3A_97] : memref<2560x2x128xi32, #tpu.memory_space<hbm>> -> memref<1x2x128xi32, #tpu.memory_space<hbm>>
    %dma_wait3A_99 = tpu.memref_squeeze %dma_wait3A_98 : memref<1x2x128xi32, #tpu.memory_space<hbm>> -> memref<2x128xi32, #tpu.memory_space<hbm>>
    tpu.wait_dma2 semaphore(%arg25 : memref<!tpu.dma_semaphore, #tpu.memory_space<semaphore_mem>>) src(%dma_wait3A_99 : memref<2x128xi32, #tpu.memory_space<hbm>>) dst(%arg8 : memref<2x128xi32, #tpu.memory_space<vmem>>)
    %dma_start3A_100 = arith.constant 0 : i32
    %dma_start3A_101 = arith.constant 0 : i32
    %dma_start3A_102 = tpu.memref_slice %arg8[%dma_start3A_100, %dma_start3A_101] : memref<2x128xi32, #tpu.memory_space<vmem>> -> memref<1x128xi32, #tpu.memory_space<vmem>>
    %dma_start3A_103 = tpu.memref_squeeze %dma_start3A_102 : memref<1x128xi32, #tpu.memory_space<vmem>> -> memref<128xi32, #tpu.memory_space<vmem>>
    %dma_start3A_104 = arith.constant 0 : i32
    %dma_start3A_105 = arith.constant 0 : i32
    %dma_start3A_106 = tpu.memref_slice %arg2[%dma_start3A_104, %dma_start3A_105] : memref<10240x64xf32, #tpu.memory_space<hbm>> -> memref<10240x64xf32, #tpu.memory_space<hbm>>
    tpu.enqueue_indirect_dma source(%dma_start3A_106 : memref<10240x64xf32, #tpu.memory_space<hbm>>) target(%arg16 : memref<128x64xf32, #tpu.memory_space<vmem>>) offsets(%dma_start3A_103 : memref<128xi32, #tpu.memory_space<vmem>>) semaphore(%arg33 : memref<!tpu.dma_semaphore, #tpu.memory_space<semaphore_mem>>)
    %dma_wait3A_107 = arith.constant 0 : i32
    %dma_wait3A_108 = arith.constant 0 : i32
    %dma_wait3A_109 = arith.constant 0 : i32
    %dma_wait3A_110 = tpu.memref_slice %arg3[%dma_wait3A_107, %dma_wait3A_108, %dma_wait3A_109] : memref<2560x2x128xi32, #tpu.memory_space<hbm>> -> memref<1x2x128xi32, #tpu.memory_space<hbm>>
    %dma_wait3A_111 = tpu.memref_squeeze %dma_wait3A_110 : memref<1x2x128xi32, #tpu.memory_space<hbm>> -> memref<2x128xi32, #tpu.memory_space<hbm>>
    %dma_wait3A_112 = arith.constant 0 : i32
    %dma_wait3A_113 = arith.constant 0 : i32
    %dma_wait3A_114 = tpu.memref_slice %arg3[%dma_wait3A_107, %dma_wait3A_112, %dma_wait3A_113] : memref<2560x2x128xi32, #tpu.memory_space<hbm>> -> memref<1x2x128xi32, #tpu.memory_space<hbm>>
    %dma_wait3A_115 = tpu.memref_squeeze %dma_wait3A_114 : memref<1x2x128xi32, #tpu.memory_space<hbm>> -> memref<2x128xi32, #tpu.memory_space<hbm>>
    tpu.wait_dma2 semaphore(%arg26 : memref<!tpu.dma_semaphore, #tpu.memory_space<semaphore_mem>>) src(%dma_wait3A_115 : memref<2x128xi32, #tpu.memory_space<hbm>>) dst(%arg9 : memref<2x128xi32, #tpu.memory_space<vmem>>)
    %dma_start3A_116 = arith.constant 0 : i32
    %dma_start3A_117 = arith.constant 0 : i32
    %dma_start3A_118 = tpu.memref_slice %arg9[%dma_start3A_116, %dma_start3A_117] : memref<2x128xi32, #tpu.memory_space<vmem>> -> memref<1x128xi32, #tpu.memory_space<vmem>>
    %dma_start3A_119 = tpu.memref_squeeze %dma_start3A_118 : memref<1x128xi32, #tpu.memory_space<vmem>> -> memref<128xi32, #tpu.memory_space<vmem>>
    %dma_start3A_120 = arith.constant 0 : i32
    %dma_start3A_121 = arith.constant 0 : i32
    %dma_start3A_122 = tpu.memref_slice %arg2[%dma_start3A_120, %dma_start3A_121] : memref<10240x64xf32, #tpu.memory_space<hbm>> -> memref<10240x64xf32, #tpu.memory_space<hbm>>
    tpu.enqueue_indirect_dma source(%dma_start3A_122 : memref<10240x64xf32, #tpu.memory_space<hbm>>) target(%arg17 : memref<128x64xf32, #tpu.memory_space<vmem>>) offsets(%dma_start3A_119 : memref<128xi32, #tpu.memory_space<vmem>>) semaphore(%arg34 : memref<!tpu.dma_semaphore, #tpu.memory_space<semaphore_mem>>)
    %barrier3A = arith.constant 0 : index
    tpu.barrier barrier_id(%barrier3A)
    %scan3A = arith.constant 0 : i32
    %scan3A_123 = arith.constant 0 : i32
    %scan3A_124 = arith.constant 9 : i32
    %scan3A_125 = arith.addi %scan3A_123, %scan3A_124 : i32
    %scan3A_126 = arith.constant 1 : i32
    scf.for %scan3A_284 = %scan3A_123 to %scan3A_125 step %scan3A_126  : i32 {
      %mul3A_285 = arith.constant 8 : i32
      %mul3A_286 = arith.muli %scan3A_284, %mul3A_285 : i32
      %dma_wait3A_287 = arith.constant 0 : i32
      %dma_wait3A_288 = arith.constant 0 : i32
      %dma_wait3A_289 = arith.constant 0 : i32
      %dma_wait3A_290 = tpu.memref_slice %arg3[%dma_wait3A_287, %dma_wait3A_288, %dma_wait3A_289] : memref<2560x2x128xi32, #tpu.memory_space<hbm>> -> memref<1x2x128xi32, #tpu.memory_space<hbm>>
      %dma_wait3A_291 = tpu.memref_squeeze %dma_wait3A_290 : memref<1x2x128xi32, #tpu.memory_space<hbm>> -> memref<2x128xi32, #tpu.memory_space<hbm>>
      %dma_wait3A_292 = arith.constant 0 : i32
      %dma_wait3A_293 = arith.constant 0 : i32
      %dma_wait3A_294 = tpu.memref_slice %arg3[%dma_wait3A_287, %dma_wait3A_292, %dma_wait3A_293] : memref<2560x2x128xi32, #tpu.memory_space<hbm>> -> memref<1x2x128xi32, #tpu.memory_space<hbm>>
      %dma_wait3A_295 = tpu.memref_squeeze %dma_wait3A_294 : memref<1x2x128xi32, #tpu.memory_space<hbm>> -> memref<2x128xi32, #tpu.memory_space<hbm>>
      tpu.wait_dma2 semaphore(%arg27 : memref<!tpu.dma_semaphore, #tpu.memory_space<semaphore_mem>>) src(%dma_wait3A_295 : memref<2x128xi32, #tpu.memory_space<hbm>>) dst(%arg10 : memref<2x128xi32, #tpu.memory_space<vmem>>)
      %dma_start3A_296 = arith.constant 0 : i32
      %dma_start3A_297 = arith.constant 0 : i32
      %dma_start3A_298 = tpu.memref_slice %arg10[%dma_start3A_296, %dma_start3A_297] : memref<2x128xi32, #tpu.memory_space<vmem>> -> memref<1x128xi32, #tpu.memory_space<vmem>>
      %dma_start3A_299 = tpu.memref_squeeze %dma_start3A_298 : memref<1x128xi32, #tpu.memory_space<vmem>> -> memref<128xi32, #tpu.memory_space<vmem>>
      %dma_start3A_300 = arith.constant 0 : i32
      %dma_start3A_301 = arith.constant 0 : i32
      %dma_start3A_302 = tpu.memref_slice %arg2[%dma_start3A_300, %dma_start3A_301] : memref<10240x64xf32, #tpu.memory_space<hbm>> -> memref<10240x64xf32, #tpu.memory_space<hbm>>
      tpu.enqueue_indirect_dma source(%dma_start3A_302 : memref<10240x64xf32, #tpu.memory_space<hbm>>) target(%arg18 : memref<128x64xf32, #tpu.memory_space<vmem>>) offsets(%dma_start3A_299 : memref<128xi32, #tpu.memory_space<vmem>>) semaphore(%arg35 : memref<!tpu.dma_semaphore, #tpu.memory_space<semaphore_mem>>)
      %add3A_303 = arith.addi %mul3A_2, %mul3A_286 : i32
      %add3A_304 = arith.constant 0 : i32
      %add3A_305 = arith.addi %add3A_303, %add3A_304 : i32
      %add3A_306 = arith.constant 5 : i32
      %add3A_307 = arith.addi %add3A_305, %add3A_306 : i32
      %dma_start3A_308 = arith.constant 0 : i32
      %dma_start3A_309 = arith.constant 0 : i32
      %dma_start3A_310 = tpu.memref_slice %arg3[%add3A_307, %dma_start3A_308, %dma_start3A_309] : memref<2560x2x128xi32, #tpu.memory_space<hbm>> -> memref<1x2x128xi32, #tpu.memory_space<hbm>>
      %dma_start3A_311 = tpu.memref_squeeze %dma_start3A_310 : memref<1x2x128xi32, #tpu.memory_space<hbm>> -> memref<2x128xi32, #tpu.memory_space<hbm>>
      %dma_start3A_312 = arith.constant 0 : i32
      %dma_start3A_313 = arith.constant 0 : i32
      %dma_start3A_314 = tpu.memref_slice %arg3[%add3A_307, %dma_start3A_312, %dma_start3A_313] : memref<2560x2x128xi32, #tpu.memory_space<hbm>> -> memref<1x2x128xi32, #tpu.memory_space<hbm>>
      %dma_start3A_315 = tpu.memref_squeeze %dma_start3A_314 : memref<1x2x128xi32, #tpu.memory_space<hbm>> -> memref<2x128xi32, #tpu.memory_space<hbm>>
      tpu.enqueue_dma source(%dma_start3A_315 : memref<2x128xi32, #tpu.memory_space<hbm>>) target(%arg11 : memref<2x128xi32, #tpu.memory_space<vmem>>) target_semaphore(%arg28 : memref<!tpu.dma_semaphore, #tpu.memory_space<semaphore_mem>>)
      %dma_wait3A_316 = arith.constant 0 : i32
      %dma_wait3A_317 = arith.constant 0 : i32
      %dma_wait3A_318 = tpu.memref_slice %arg2[%dma_wait3A_316, %dma_wait3A_317] : memref<10240x64xf32, #tpu.memory_space<hbm>> -> memref<128x64xf32, #tpu.memory_space<hbm>>
      %dma_wait3A_319 = arith.constant 0 : i32
      %dma_wait3A_320 = arith.constant 0 : i32
      %dma_wait3A_321 = tpu.memref_slice %arg2[%dma_wait3A_319, %dma_wait3A_320] : memref<10240x64xf32, #tpu.memory_space<hbm>> -> memref<128x64xf32, #tpu.memory_space<hbm>>
      tpu.wait_dma2 semaphore(%arg31 : memref<!tpu.dma_semaphore, #tpu.memory_space<semaphore_mem>>) src(%dma_wait3A_321 : memref<128x64xf32, #tpu.memory_space<hbm>>) dst(%arg14 : memref<128x64xf32, #tpu.memory_space<vmem>>)
      %run_scoped3A_322 = arith.constant 1 : i32
      "tpu.region"() ({
        %run_scoped3A_575 = tpu.sem_alloc : memref<!tpu.dma_semaphore, #tpu.memory_space<semaphore_mem>>
        %dma_start3A_576 = arith.constant 0 : i32
        %dma_start3A_577 = tpu.memref_slice %arg6[%run_scoped3A_322, %dma_start3A_576] : memref<2x128xi32, #tpu.memory_space<vmem>> -> memref<1x128xi32, #tpu.memory_space<vmem>>
        %dma_start3A_578 = tpu.memref_squeeze %dma_start3A_577 : memref<1x128xi32, #tpu.memory_space<vmem>> -> memref<128xi32, #tpu.memory_space<vmem>>
        %dma_start3A_579 = arith.constant 0 : i32
        %dma_start3A_580 = arith.constant 0 : i32
        %dma_start3A_581 = tpu.memref_slice %arg22[%dma_start3A_579, %dma_start3A_580] : memref<10240x64xf32, #tpu.memory_space<vmem_shared>> -> memref<10240x64xf32, #tpu.memory_space<vmem_shared>>
        tpu.enqueue_indirect_dma source(%arg14 : memref<128x64xf32, #tpu.memory_space<vmem>>) target(%dma_start3A_581 : memref<10240x64xf32, #tpu.memory_space<vmem_shared>>) offsets(%dma_start3A_578 : memref<128xi32, #tpu.memory_space<vmem>>) semaphore(%run_scoped3A_575 : memref<!tpu.dma_semaphore, #tpu.memory_space<semaphore_mem>>) {add = true}
        %dma_wait3A_582 = arith.constant 0 : i32
        %dma_wait3A_583 = tpu.memref_slice %arg6[%run_scoped3A_322, %dma_wait3A_582] : memref<2x128xi32, #tpu.memory_space<vmem>> -> memref<1x128xi32, #tpu.memory_space<vmem>>
        %dma_wait3A_584 = tpu.memref_squeeze %dma_wait3A_583 : memref<1x128xi32, #tpu.memory_space<vmem>> -> memref<128xi32, #tpu.memory_space<vmem>>
        %dma_wait3A_585 = arith.constant 0 : i32
        %dma_wait3A_586 = arith.constant 0 : i32
        %dma_wait3A_587 = tpu.memref_slice %arg22[%dma_wait3A_585, %dma_wait3A_586] : memref<10240x64xf32, #tpu.memory_space<vmem_shared>> -> memref<10240x64xf32, #tpu.memory_space<vmem_shared>>
        tpu.wait_indirect_dma semaphore(%run_scoped3A_575 : memref<!tpu.dma_semaphore, #tpu.memory_space<semaphore_mem>>) src(%arg14 : memref<128x64xf32, #tpu.memory_space<vmem>>) dst(%dma_wait3A_587 : memref<10240x64xf32, #tpu.memory_space<vmem_shared>>)
        tpu.yield
      }) : () -> ()
      %dma_wait3A_323 = arith.constant 0 : i32
      %dma_wait3A_324 = arith.constant 0 : i32
      %dma_wait3A_325 = arith.constant 0 : i32
      %dma_wait3A_326 = tpu.memref_slice %arg3[%dma_wait3A_323, %dma_wait3A_324, %dma_wait3A_325] : memref<2560x2x128xi32, #tpu.memory_space<hbm>> -> memref<1x2x128xi32, #tpu.memory_space<hbm>>
      %dma_wait3A_327 = tpu.memref_squeeze %dma_wait3A_326 : memref<1x2x128xi32, #tpu.memory_space<hbm>> -> memref<2x128xi32, #tpu.memory_space<hbm>>
      %dma_wait3A_328 = arith.constant 0 : i32
      %dma_wait3A_329 = arith.constant 0 : i32
      %dma_wait3A_330 = tpu.memref_slice %arg3[%dma_wait3A_323, %dma_wait3A_328, %dma_wait3A_329] : memref<2560x2x128xi32, #tpu.memory_space<hbm>> -> memref<1x2x128xi32, #tpu.memory_space<hbm>>
      %dma_wait3A_331 = tpu.memref_squeeze %dma_wait3A_330 : memref<1x2x128xi32, #tpu.memory_space<hbm>> -> memref<2x128xi32, #tpu.memory_space<hbm>>
      tpu.wait_dma2 semaphore(%arg28 : memref<!tpu.dma_semaphore, #tpu.memory_space<semaphore_mem>>) src(%dma_wait3A_331 : memref<2x128xi32, #tpu.memory_space<hbm>>) dst(%arg11 : memref<2x128xi32, #tpu.memory_space<vmem>>)
      %dma_start3A_332 = arith.constant 0 : i32
      %dma_start3A_333 = arith.constant 0 : i32
      %dma_start3A_334 = tpu.memref_slice %arg11[%dma_start3A_332, %dma_start3A_333] : memref<2x128xi32, #tpu.memory_space<vmem>> -> memref<1x128xi32, #tpu.memory_space<vmem>>
      %dma_start3A_335 = tpu.memref_squeeze %dma_start3A_334 : memref<1x128xi32, #tpu.memory_space<vmem>> -> memref<128xi32, #tpu.memory_space<vmem>>
      %dma_start3A_336 = arith.constant 0 : i32
      %dma_start3A_337 = arith.constant 0 : i32
      %dma_start3A_338 = tpu.memref_slice %arg2[%dma_start3A_336, %dma_start3A_337] : memref<10240x64xf32, #tpu.memory_space<hbm>> -> memref<10240x64xf32, #tpu.memory_space<hbm>>
      tpu.enqueue_indirect_dma source(%dma_start3A_338 : memref<10240x64xf32, #tpu.memory_space<hbm>>) target(%arg19 : memref<128x64xf32, #tpu.memory_space<vmem>>) offsets(%dma_start3A_335 : memref<128xi32, #tpu.memory_space<vmem>>) semaphore(%arg36 : memref<!tpu.dma_semaphore, #tpu.memory_space<semaphore_mem>>)
      %add3A_339 = arith.addi %mul3A_2, %mul3A_286 : i32
      %add3A_340 = arith.constant 1 : i32
      %add3A_341 = arith.addi %add3A_339, %add3A_340 : i32
      %add3A_342 = arith.constant 5 : i32
      %add3A_343 = arith.addi %add3A_341, %add3A_342 : i32
      %dma_start3A_344 = arith.constant 0 : i32
      %dma_start3A_345 = arith.constant 0 : i32
      %dma_start3A_346 = tpu.memref_slice %arg3[%add3A_343, %dma_start3A_344, %dma_start3A_345] : memref<2560x2x128xi32, #tpu.memory_space<hbm>> -> memref<1x2x128xi32, #tpu.memory_space<hbm>>
      %dma_start3A_347 = tpu.memref_squeeze %dma_start3A_346 : memref<1x2x128xi32, #tpu.memory_space<hbm>> -> memref<2x128xi32, #tpu.memory_space<hbm>>
      %dma_start3A_348 = arith.constant 0 : i32
      %dma_start3A_349 = arith.constant 0 : i32
      %dma_start3A_350 = tpu.memref_slice %arg3[%add3A_343, %dma_start3A_348, %dma_start3A_349] : memref<2560x2x128xi32, #tpu.memory_space<hbm>> -> memref<1x2x128xi32, #tpu.memory_space<hbm>>
      %dma_start3A_351 = tpu.memref_squeeze %dma_start3A_350 : memref<1x2x128xi32, #tpu.memory_space<hbm>> -> memref<2x128xi32, #tpu.memory_space<hbm>>
      tpu.enqueue_dma source(%dma_start3A_351 : memref<2x128xi32, #tpu.memory_space<hbm>>) target(%arg12 : memref<2x128xi32, #tpu.memory_space<vmem>>) target_semaphore(%arg29 : memref<!tpu.dma_semaphore, #tpu.memory_space<semaphore_mem>>)
      %dma_wait3A_352 = arith.constant 0 : i32
      %dma_wait3A_353 = arith.constant 0 : i32
      %dma_wait3A_354 = tpu.memref_slice %arg2[%dma_wait3A_352, %dma_wait3A_353] : memref<10240x64xf32, #tpu.memory_space<hbm>> -> memref<128x64xf32, #tpu.memory_space<hbm>>
      %dma_wait3A_355 = arith.constant 0 : i32
      %dma_wait3A_356 = arith.constant 0 : i32
      %dma_wait3A_357 = tpu.memref_slice %arg2[%dma_wait3A_355, %dma_wait3A_356] : memref<10240x64xf32, #tpu.memory_space<hbm>> -> memref<128x64xf32, #tpu.memory_space<hbm>>
      tpu.wait_dma2 semaphore(%arg32 : memref<!tpu.dma_semaphore, #tpu.memory_space<semaphore_mem>>) src(%dma_wait3A_357 : memref<128x64xf32, #tpu.memory_space<hbm>>) dst(%arg15 : memref<128x64xf32, #tpu.memory_space<vmem>>)
      %run_scoped3A_358 = arith.constant 1 : i32
      "tpu.region"() ({
        %run_scoped3A_575 = tpu.sem_alloc : memref<!tpu.dma_semaphore, #tpu.memory_space<semaphore_mem>>
        %dma_start3A_576 = arith.constant 0 : i32
        %dma_start3A_577 = tpu.memref_slice %arg7[%run_scoped3A_358, %dma_start3A_576] : memref<2x128xi32, #tpu.memory_space<vmem>> -> memref<1x128xi32, #tpu.memory_space<vmem>>
        %dma_start3A_578 = tpu.memref_squeeze %dma_start3A_577 : memref<1x128xi32, #tpu.memory_space<vmem>> -> memref<128xi32, #tpu.memory_space<vmem>>
        %dma_start3A_579 = arith.constant 0 : i32
        %dma_start3A_580 = arith.constant 0 : i32
        %dma_start3A_581 = tpu.memref_slice %arg22[%dma_start3A_579, %dma_start3A_580] : memref<10240x64xf32, #tpu.memory_space<vmem_shared>> -> memref<10240x64xf32, #tpu.memory_space<vmem_shared>>
        tpu.enqueue_indirect_dma source(%arg15 : memref<128x64xf32, #tpu.memory_space<vmem>>) target(%dma_start3A_581 : memref<10240x64xf32, #tpu.memory_space<vmem_shared>>) offsets(%dma_start3A_578 : memref<128xi32, #tpu.memory_space<vmem>>) semaphore(%run_scoped3A_575 : memref<!tpu.dma_semaphore, #tpu.memory_space<semaphore_mem>>) {add = true}
        %dma_wait3A_582 = arith.constant 0 : i32
        %dma_wait3A_583 = tpu.memref_slice %arg7[%run_scoped3A_358, %dma_wait3A_582] : memref<2x128xi32, #tpu.memory_space<vmem>> -> memref<1x128xi32, #tpu.memory_space<vmem>>
        %dma_wait3A_584 = tpu.memref_squeeze %dma_wait3A_583 : memref<1x128xi32, #tpu.memory_space<vmem>> -> memref<128xi32, #tpu.memory_space<vmem>>
        %dma_wait3A_585 = arith.constant 0 : i32
        %dma_wait3A_586 = arith.constant 0 : i32
        %dma_wait3A_587 = tpu.memref_slice %arg22[%dma_wait3A_585, %dma_wait3A_586] : memref<10240x64xf32, #tpu.memory_space<vmem_shared>> -> memref<10240x64xf32, #tpu.memory_space<vmem_shared>>
        tpu.wait_indirect_dma semaphore(%run_scoped3A_575 : memref<!tpu.dma_semaphore, #tpu.memory_space<semaphore_mem>>) src(%arg15 : memref<128x64xf32, #tpu.memory_space<vmem>>) dst(%dma_wait3A_587 : memref<10240x64xf32, #tpu.memory_space<vmem_shared>>)
        tpu.yield
      }) : () -> ()
      %dma_wait3A_359 = arith.constant 0 : i32
      %dma_wait3A_360 = arith.constant 0 : i32
      %dma_wait3A_361 = arith.constant 0 : i32
      %dma_wait3A_362 = tpu.memref_slice %arg3[%dma_wait3A_359, %dma_wait3A_360, %dma_wait3A_361] : memref<2560x2x128xi32, #tpu.memory_space<hbm>> -> memref<1x2x128xi32, #tpu.memory_space<hbm>>
      %dma_wait3A_363 = tpu.memref_squeeze %dma_wait3A_362 : memref<1x2x128xi32, #tpu.memory_space<hbm>> -> memref<2x128xi32, #tpu.memory_space<hbm>>
      %dma_wait3A_364 = arith.constant 0 : i32
      %dma_wait3A_365 = arith.constant 0 : i32
      %dma_wait3A_366 = tpu.memref_slice %arg3[%dma_wait3A_359, %dma_wait3A_364, %dma_wait3A_365] : memref<2560x2x128xi32, #tpu.memory_space<hbm>> -> memref<1x2x128xi32, #tpu.memory_space<hbm>>
      %dma_wait3A_367 = tpu.memref_squeeze %dma_wait3A_366 : memref<1x2x128xi32, #tpu.memory_space<hbm>> -> memref<2x128xi32, #tpu.memory_space<hbm>>
      tpu.wait_dma2 semaphore(%arg29 : memref<!tpu.dma_semaphore, #tpu.memory_space<semaphore_mem>>) src(%dma_wait3A_367 : memref<2x128xi32, #tpu.memory_space<hbm>>) dst(%arg12 : memref<2x128xi32, #tpu.memory_space<vmem>>)
      %dma_start3A_368 = arith.constant 0 : i32
      %dma_start3A_369 = arith.constant 0 : i32
      %dma_start3A_370 = tpu.memref_slice %arg12[%dma_start3A_368, %dma_start3A_369] : memref<2x128xi32, #tpu.memory_space<vmem>> -> memref<1x128xi32, #tpu.memory_space<vmem>>
      %dma_start3A_371 = tpu.memref_squeeze %dma_start3A_370 : memref<1x128xi32, #tpu.memory_space<vmem>> -> memref<128xi32, #tpu.memory_space<vmem>>
      %dma_start3A_372 = arith.constant 0 : i32
      %dma_start3A_373 = arith.constant 0 : i32
      %dma_start3A_374 = tpu.memref_slice %arg2[%dma_start3A_372, %dma_start3A_373] : memref<10240x64xf32, #tpu.memory_space<hbm>> -> memref<10240x64xf32, #tpu.memory_space<hbm>>
      tpu.enqueue_indirect_dma source(%dma_start3A_374 : memref<10240x64xf32, #tpu.memory_space<hbm>>) target(%arg20 : memref<128x64xf32, #tpu.memory_space<vmem>>) offsets(%dma_start3A_371 : memref<128xi32, #tpu.memory_space<vmem>>) semaphore(%arg37 : memref<!tpu.dma_semaphore, #tpu.memory_space<semaphore_mem>>)
      %add3A_375 = arith.addi %mul3A_2, %mul3A_286 : i32
      %add3A_376 = arith.constant 2 : i32
      %add3A_377 = arith.addi %add3A_375, %add3A_376 : i32
      %add3A_378 = arith.constant 5 : i32
      %add3A_379 = arith.addi %add3A_377, %add3A_378 : i32
      %dma_start3A_380 = arith.constant 0 : i32
      %dma_start3A_381 = arith.constant 0 : i32
      %dma_start3A_382 = tpu.memref_slice %arg3[%add3A_379, %dma_start3A_380, %dma_start3A_381] : memref<2560x2x128xi32, #tpu.memory_space<hbm>> -> memref<1x2x128xi32, #tpu.memory_space<hbm>>
      %dma_start3A_383 = tpu.memref_squeeze %dma_start3A_382 : memref<1x2x128xi32, #tpu.memory_space<hbm>> -> memref<2x128xi32, #tpu.memory_space<hbm>>
      %dma_start3A_384 = arith.constant 0 : i32
      %dma_start3A_385 = arith.constant 0 : i32
      %dma_start3A_386 = tpu.memref_slice %arg3[%add3A_379, %dma_start3A_384, %dma_start3A_385] : memref<2560x2x128xi32, #tpu.memory_space<hbm>> -> memref<1x2x128xi32, #tpu.memory_space<hbm>>
      %dma_start3A_387 = tpu.memref_squeeze %dma_start3A_386 : memref<1x2x128xi32, #tpu.memory_space<hbm>> -> memref<2x128xi32, #tpu.memory_space<hbm>>
      tpu.enqueue_dma source(%dma_start3A_387 : memref<2x128xi32, #tpu.memory_space<hbm>>) target(%arg13 : memref<2x128xi32, #tpu.memory_space<vmem>>) target_semaphore(%arg30 : memref<!tpu.dma_semaphore, #tpu.memory_space<semaphore_mem>>)
      %dma_wait3A_388 = arith.constant 0 : i32
      %dma_wait3A_389 = arith.constant 0 : i32
      %dma_wait3A_390 = tpu.memref_slice %arg2[%dma_wait3A_388, %dma_wait3A_389] : memref<10240x64xf32, #tpu.memory_space<hbm>> -> memref<128x64xf32, #tpu.memory_space<hbm>>
      %dma_wait3A_391 = arith.constant 0 : i32
      %dma_wait3A_392 = arith.constant 0 : i32
      %dma_wait3A_393 = tpu.memref_slice %arg2[%dma_wait3A_391, %dma_wait3A_392] : memref<10240x64xf32, #tpu.memory_space<hbm>> -> memref<128x64xf32, #tpu.memory_space<hbm>>
      tpu.wait_dma2 semaphore(%arg33 : memref<!tpu.dma_semaphore, #tpu.memory_space<semaphore_mem>>) src(%dma_wait3A_393 : memref<128x64xf32, #tpu.memory_space<hbm>>) dst(%arg16 : memref<128x64xf32, #tpu.memory_space<vmem>>)
      %run_scoped3A_394 = arith.constant 1 : i32
      "tpu.region"() ({
        %run_scoped3A_575 = tpu.sem_alloc : memref<!tpu.dma_semaphore, #tpu.memory_space<semaphore_mem>>
        %dma_start3A_576 = arith.constant 0 : i32
        %dma_start3A_577 = tpu.memref_slice %arg8[%run_scoped3A_394, %dma_start3A_576] : memref<2x128xi32, #tpu.memory_space<vmem>> -> memref<1x128xi32, #tpu.memory_space<vmem>>
        %dma_start3A_578 = tpu.memref_squeeze %dma_start3A_577 : memref<1x128xi32, #tpu.memory_space<vmem>> -> memref<128xi32, #tpu.memory_space<vmem>>
        %dma_start3A_579 = arith.constant 0 : i32
        %dma_start3A_580 = arith.constant 0 : i32
        %dma_start3A_581 = tpu.memref_slice %arg22[%dma_start3A_579, %dma_start3A_580] : memref<10240x64xf32, #tpu.memory_space<vmem_shared>> -> memref<10240x64xf32, #tpu.memory_space<vmem_shared>>
        tpu.enqueue_indirect_dma source(%arg16 : memref<128x64xf32, #tpu.memory_space<vmem>>) target(%dma_start3A_581 : memref<10240x64xf32, #tpu.memory_space<vmem_shared>>) offsets(%dma_start3A_578 : memref<128xi32, #tpu.memory_space<vmem>>) semaphore(%run_scoped3A_575 : memref<!tpu.dma_semaphore, #tpu.memory_space<semaphore_mem>>) {add = true}
        %dma_wait3A_582 = arith.constant 0 : i32
        %dma_wait3A_583 = tpu.memref_slice %arg8[%run_scoped3A_394, %dma_wait3A_582] : memref<2x128xi32, #tpu.memory_space<vmem>> -> memref<1x128xi32, #tpu.memory_space<vmem>>
        %dma_wait3A_584 = tpu.memref_squeeze %dma_wait3A_583 : memref<1x128xi32, #tpu.memory_space<vmem>> -> memref<128xi32, #tpu.memory_space<vmem>>
        %dma_wait3A_585 = arith.constant 0 : i32
        %dma_wait3A_586 = arith.constant 0 : i32
        %dma_wait3A_587 = tpu.memref_slice %arg22[%dma_wait3A_585, %dma_wait3A_586] : memref<10240x64xf32, #tpu.memory_space<vmem_shared>> -> memref<10240x64xf32, #tpu.memory_space<vmem_shared>>
        tpu.wait_indirect_dma semaphore(%run_scoped3A_575 : memref<!tpu.dma_semaphore, #tpu.memory_space<semaphore_mem>>) src(%arg16 : memref<128x64xf32, #tpu.memory_space<vmem>>) dst(%dma_wait3A_587 : memref<10240x64xf32, #tpu.memory_space<vmem_shared>>)
        tpu.yield
      }) : () -> ()
      %dma_wait3A_395 = arith.constant 0 : i32
      %dma_wait3A_396 = arith.constant 0 : i32
      %dma_wait3A_397 = arith.constant 0 : i32
      %dma_wait3A_398 = tpu.memref_slice %arg3[%dma_wait3A_395, %dma_wait3A_396, %dma_wait3A_397] : memref<2560x2x128xi32, #tpu.memory_space<hbm>> -> memref<1x2x128xi32, #tpu.memory_space<hbm>>
      %dma_wait3A_399 = tpu.memref_squeeze %dma_wait3A_398 : memref<1x2x128xi32, #tpu.memory_space<hbm>> -> memref<2x128xi32, #tpu.memory_space<hbm>>
      %dma_wait3A_400 = arith.constant 0 : i32
      %dma_wait3A_401 = arith.constant 0 : i32
      %dma_wait3A_402 = tpu.memref_slice %arg3[%dma_wait3A_395, %dma_wait3A_400, %dma_wait3A_401] : memref<2560x2x128xi32, #tpu.memory_space<hbm>> -> memref<1x2x128xi32, #tpu.memory_space<hbm>>
      %dma_wait3A_403 = tpu.memref_squeeze %dma_wait3A_402 : memref<1x2x128xi32, #tpu.memory_space<hbm>> -> memref<2x128xi32, #tpu.memory_space<hbm>>
      tpu.wait_dma2 semaphore(%arg30 : memref<!tpu.dma_semaphore, #tpu.memory_space<semaphore_mem>>) src(%dma_wait3A_403 : memref<2x128xi32, #tpu.memory_space<hbm>>) dst(%arg13 : memref<2x128xi32, #tpu.memory_space<vmem>>)
      %dma_start3A_404 = arith.constant 0 : i32
      %dma_start3A_405 = arith.constant 0 : i32
      %dma_start3A_406 = tpu.memref_slice %arg13[%dma_start3A_404, %dma_start3A_405] : memref<2x128xi32, #tpu.memory_space<vmem>> -> memref<1x128xi32, #tpu.memory_space<vmem>>
      %dma_start3A_407 = tpu.memref_squeeze %dma_start3A_406 : memref<1x128xi32, #tpu.memory_space<vmem>> -> memref<128xi32, #tpu.memory_space<vmem>>
      %dma_start3A_408 = arith.constant 0 : i32
      %dma_start3A_409 = arith.constant 0 : i32
      %dma_start3A_410 = tpu.memref_slice %arg2[%dma_start3A_408, %dma_start3A_409] : memref<10240x64xf32, #tpu.memory_space<hbm>> -> memref<10240x64xf32, #tpu.memory_space<hbm>>
      tpu.enqueue_indirect_dma source(%dma_start3A_410 : memref<10240x64xf32, #tpu.memory_space<hbm>>) target(%arg21 : memref<128x64xf32, #tpu.memory_space<vmem>>) offsets(%dma_start3A_407 : memref<128xi32, #tpu.memory_space<vmem>>) semaphore(%arg38 : memref<!tpu.dma_semaphore, #tpu.memory_space<semaphore_mem>>)
      %add3A_411 = arith.addi %mul3A_2, %mul3A_286 : i32
      %add3A_412 = arith.constant 3 : i32
      %add3A_413 = arith.addi %add3A_411, %add3A_412 : i32
      %add3A_414 = arith.constant 5 : i32
      %add3A_415 = arith.addi %add3A_413, %add3A_414 : i32
      %dma_start3A_416 = arith.constant 0 : i32
      %dma_start3A_417 = arith.constant 0 : i32
      %dma_start3A_418 = tpu.memref_slice %arg3[%add3A_415, %dma_start3A_416, %dma_start3A_417] : memref<2560x2x128xi32, #tpu.memory_space<hbm>> -> memref<1x2x128xi32, #tpu.memory_space<hbm>>
      %dma_start3A_419 = tpu.memref_squeeze %dma_start3A_418 : memref<1x2x128xi32, #tpu.memory_space<hbm>> -> memref<2x128xi32, #tpu.memory_space<hbm>>
      %dma_start3A_420 = arith.constant 0 : i32
      %dma_start3A_421 = arith.constant 0 : i32
      %dma_start3A_422 = tpu.memref_slice %arg3[%add3A_415, %dma_start3A_420, %dma_start3A_421] : memref<2560x2x128xi32, #tpu.memory_space<hbm>> -> memref<1x2x128xi32, #tpu.memory_space<hbm>>
      %dma_start3A_423 = tpu.memref_squeeze %dma_start3A_422 : memref<1x2x128xi32, #tpu.memory_space<hbm>> -> memref<2x128xi32, #tpu.memory_space<hbm>>
      tpu.enqueue_dma source(%dma_start3A_423 : memref<2x128xi32, #tpu.memory_space<hbm>>) target(%arg6 : memref<2x128xi32, #tpu.memory_space<vmem>>) target_semaphore(%arg23 : memref<!tpu.dma_semaphore, #tpu.memory_space<semaphore_mem>>)
      %dma_wait3A_424 = arith.constant 0 : i32
      %dma_wait3A_425 = arith.constant 0 : i32
      %dma_wait3A_426 = tpu.memref_slice %arg2[%dma_wait3A_424, %dma_wait3A_425] : memref<10240x64xf32, #tpu.memory_space<hbm>> -> memref<128x64xf32, #tpu.memory_space<hbm>>
      %dma_wait3A_427 = arith.constant 0 : i32
      %dma_wait3A_428 = arith.constant 0 : i32
      %dma_wait3A_429 = tpu.memref_slice %arg2[%dma_wait3A_427, %dma_wait3A_428] : memref<10240x64xf32, #tpu.memory_space<hbm>> -> memref<128x64xf32, #tpu.memory_space<hbm>>
      tpu.wait_dma2 semaphore(%arg34 : memref<!tpu.dma_semaphore, #tpu.memory_space<semaphore_mem>>) src(%dma_wait3A_429 : memref<128x64xf32, #tpu.memory_space<hbm>>) dst(%arg17 : memref<128x64xf32, #tpu.memory_space<vmem>>)
      %run_scoped3A_430 = arith.constant 1 : i32
      "tpu.region"() ({
        %run_scoped3A_575 = tpu.sem_alloc : memref<!tpu.dma_semaphore, #tpu.memory_space<semaphore_mem>>
        %dma_start3A_576 = arith.constant 0 : i32
        %dma_start3A_577 = tpu.memref_slice %arg9[%run_scoped3A_430, %dma_start3A_576] : memref<2x128xi32, #tpu.memory_space<vmem>> -> memref<1x128xi32, #tpu.memory_space<vmem>>
        %dma_start3A_578 = tpu.memref_squeeze %dma_start3A_577 : memref<1x128xi32, #tpu.memory_space<vmem>> -> memref<128xi32, #tpu.memory_space<vmem>>
        %dma_start3A_579 = arith.constant 0 : i32
        %dma_start3A_580 = arith.constant 0 : i32
        %dma_start3A_581 = tpu.memref_slice %arg22[%dma_start3A_579, %dma_start3A_580] : memref<10240x64xf32, #tpu.memory_space<vmem_shared>> -> memref<10240x64xf32, #tpu.memory_space<vmem_shared>>
        tpu.enqueue_indirect_dma source(%arg17 : memref<128x64xf32, #tpu.memory_space<vmem>>) target(%dma_start3A_581 : memref<10240x64xf32, #tpu.memory_space<vmem_shared>>) offsets(%dma_start3A_578 : memref<128xi32, #tpu.memory_space<vmem>>) semaphore(%run_scoped3A_575 : memref<!tpu.dma_semaphore, #tpu.memory_space<semaphore_mem>>) {add = true}
        %dma_wait3A_582 = arith.constant 0 : i32
        %dma_wait3A_583 = tpu.memref_slice %arg9[%run_scoped3A_430, %dma_wait3A_582] : memref<2x128xi32, #tpu.memory_space<vmem>> -> memref<1x128xi32, #tpu.memory_space<vmem>>
        %dma_wait3A_584 = tpu.memref_squeeze %dma_wait3A_583 : memref<1x128xi32, #tpu.memory_space<vmem>> -> memref<128xi32, #tpu.memory_space<vmem>>
        %dma_wait3A_585 = arith.constant 0 : i32
        %dma_wait3A_586 = arith.constant 0 : i32
        %dma_wait3A_587 = tpu.memref_slice %arg22[%dma_wait3A_585, %dma_wait3A_586] : memref<10240x64xf32, #tpu.memory_space<vmem_shared>> -> memref<10240x64xf32, #tpu.memory_space<vmem_shared>>
        tpu.wait_indirect_dma semaphore(%run_scoped3A_575 : memref<!tpu.dma_semaphore, #tpu.memory_space<semaphore_mem>>) src(%arg17 : memref<128x64xf32, #tpu.memory_space<vmem>>) dst(%dma_wait3A_587 : memref<10240x64xf32, #tpu.memory_space<vmem_shared>>)
        tpu.yield
      }) : () -> ()
      %dma_wait3A_431 = arith.constant 0 : i32
      %dma_wait3A_432 = arith.constant 0 : i32
      %dma_wait3A_433 = arith.constant 0 : i32
      %dma_wait3A_434 = tpu.memref_slice %arg3[%dma_wait3A_431, %dma_wait3A_432, %dma_wait3A_433] : memref<2560x2x128xi32, #tpu.memory_space<hbm>> -> memref<1x2x128xi32, #tpu.memory_space<hbm>>
      %dma_wait3A_435 = tpu.memref_squeeze %dma_wait3A_434 : memref<1x2x128xi32, #tpu.memory_space<hbm>> -> memref<2x128xi32, #tpu.memory_space<hbm>>
      %dma_wait3A_436 = arith.constant 0 : i32
      %dma_wait3A_437 = arith.constant 0 : i32
      %dma_wait3A_438 = tpu.memref_slice %arg3[%dma_wait3A_431, %dma_wait3A_436, %dma_wait3A_437] : memref<2560x2x128xi32, #tpu.memory_space<hbm>> -> memref<1x2x128xi32, #tpu.memory_space<hbm>>
      %dma_wait3A_439 = tpu.memref_squeeze %dma_wait3A_438 : memref<1x2x128xi32, #tpu.memory_space<hbm>> -> memref<2x128xi32, #tpu.memory_space<hbm>>
      tpu.wait_dma2 semaphore(%arg23 : memref<!tpu.dma_semaphore, #tpu.memory_space<semaphore_mem>>) src(%dma_wait3A_439 : memref<2x128xi32, #tpu.memory_space<hbm>>) dst(%arg6 : memref<2x128xi32, #tpu.memory_space<vmem>>)
      %dma_start3A_440 = arith.constant 0 : i32
      %dma_start3A_441 = arith.constant 0 : i32
      %dma_start3A_442 = tpu.memref_slice %arg6[%dma_start3A_440, %dma_start3A_441] : memref<2x128xi32, #tpu.memory_space<vmem>> -> memref<1x128xi32, #tpu.memory_space<vmem>>
      %dma_start3A_443 = tpu.memref_squeeze %dma_start3A_442 : memref<1x128xi32, #tpu.memory_space<vmem>> -> memref<128xi32, #tpu.memory_space<vmem>>
      %dma_start3A_444 = arith.constant 0 : i32
      %dma_start3A_445 = arith.constant 0 : i32
      %dma_start3A_446 = tpu.memref_slice %arg2[%dma_start3A_444, %dma_start3A_445] : memref<10240x64xf32, #tpu.memory_space<hbm>> -> memref<10240x64xf32, #tpu.memory_space<hbm>>
      tpu.enqueue_indirect_dma source(%dma_start3A_446 : memref<10240x64xf32, #tpu.memory_space<hbm>>) target(%arg14 : memref<128x64xf32, #tpu.memory_space<vmem>>) offsets(%dma_start3A_443 : memref<128xi32, #tpu.memory_space<vmem>>) semaphore(%arg31 : memref<!tpu.dma_semaphore, #tpu.memory_space<semaphore_mem>>)
      %add3A_447 = arith.addi %mul3A_2, %mul3A_286 : i32
      %add3A_448 = arith.constant 4 : i32
      %add3A_449 = arith.addi %add3A_447, %add3A_448 : i32
      %add3A_450 = arith.constant 5 : i32
      %add3A_451 = arith.addi %add3A_449, %add3A_450 : i32
      %dma_start3A_452 = arith.constant 0 : i32
      %dma_start3A_453 = arith.constant 0 : i32
      %dma_start3A_454 = tpu.memref_slice %arg3[%add3A_451, %dma_start3A_452, %dma_start3A_453] : memref<2560x2x128xi32, #tpu.memory_space<hbm>> -> memref<1x2x128xi32, #tpu.memory_space<hbm>>
      %dma_start3A_455 = tpu.memref_squeeze %dma_start3A_454 : memref<1x2x128xi32, #tpu.memory_space<hbm>> -> memref<2x128xi32, #tpu.memory_space<hbm>>
      %dma_start3A_456 = arith.constant 0 : i32
      %dma_start3A_457 = arith.constant 0 : i32
      %dma_start3A_458 = tpu.memref_slice %arg3[%add3A_451, %dma_start3A_456, %dma_start3A_457] : memref<2560x2x128xi32, #tpu.memory_space<hbm>> -> memref<1x2x128xi32, #tpu.memory_space<hbm>>
      %dma_start3A_459 = tpu.memref_squeeze %dma_start3A_458 : memref<1x2x128xi32, #tpu.memory_space<hbm>> -> memref<2x128xi32, #tpu.memory_space<hbm>>
      tpu.enqueue_dma source(%dma_start3A_459 : memref<2x128xi32, #tpu.memory_space<hbm>>) target(%arg7 : memref<2x128xi32, #tpu.memory_space<vmem>>) target_semaphore(%arg24 : memref<!tpu.dma_semaphore, #tpu.memory_space<semaphore_mem>>)
      %dma_wait3A_460 = arith.constant 0 : i32
      %dma_wait3A_461 = arith.constant 0 : i32
      %dma_wait3A_462 = tpu.memref_slice %arg2[%dma_wait3A_460, %dma_wait3A_461] : memref<10240x64xf32, #tpu.memory_space<hbm>> -> memref<128x64xf32, #tpu.memory_space<hbm>>
      %dma_wait3A_463 = arith.constant 0 : i32
      %dma_wait3A_464 = arith.constant 0 : i32
      %dma_wait3A_465 = tpu.memref_slice %arg2[%dma_wait3A_463, %dma_wait3A_464] : memref<10240x64xf32, #tpu.memory_space<hbm>> -> memref<128x64xf32, #tpu.memory_space<hbm>>
      tpu.wait_dma2 semaphore(%arg35 : memref<!tpu.dma_semaphore, #tpu.memory_space<semaphore_mem>>) src(%dma_wait3A_465 : memref<128x64xf32, #tpu.memory_space<hbm>>) dst(%arg18 : memref<128x64xf32, #tpu.memory_space<vmem>>)
      %run_scoped3A_466 = arith.constant 1 : i32
      "tpu.region"() ({
        %run_scoped3A_575 = tpu.sem_alloc : memref<!tpu.dma_semaphore, #tpu.memory_space<semaphore_mem>>
        %dma_start3A_576 = arith.constant 0 : i32
        %dma_start3A_577 = tpu.memref_slice %arg10[%run_scoped3A_466, %dma_start3A_576] : memref<2x128xi32, #tpu.memory_space<vmem>> -> memref<1x128xi32, #tpu.memory_space<vmem>>
        %dma_start3A_578 = tpu.memref_squeeze %dma_start3A_577 : memref<1x128xi32, #tpu.memory_space<vmem>> -> memref<128xi32, #tpu.memory_space<vmem>>
        %dma_start3A_579 = arith.constant 0 : i32
        %dma_start3A_580 = arith.constant 0 : i32
        %dma_start3A_581 = tpu.memref_slice %arg22[%dma_start3A_579, %dma_start3A_580] : memref<10240x64xf32, #tpu.memory_space<vmem_shared>> -> memref<10240x64xf32, #tpu.memory_space<vmem_shared>>
        tpu.enqueue_indirect_dma source(%arg18 : memref<128x64xf32, #tpu.memory_space<vmem>>) target(%dma_start3A_581 : memref<10240x64xf32, #tpu.memory_space<vmem_shared>>) offsets(%dma_start3A_578 : memref<128xi32, #tpu.memory_space<vmem>>) semaphore(%run_scoped3A_575 : memref<!tpu.dma_semaphore, #tpu.memory_space<semaphore_mem>>) {add = true}
        %dma_wait3A_582 = arith.constant 0 : i32
        %dma_wait3A_583 = tpu.memref_slice %arg10[%run_scoped3A_466, %dma_wait3A_582] : memref<2x128xi32, #tpu.memory_space<vmem>> -> memref<1x128xi32, #tpu.memory_space<vmem>>
        %dma_wait3A_584 = tpu.memref_squeeze %dma_wait3A_583 : memref<1x128xi32, #tpu.memory_space<vmem>> -> memref<128xi32, #tpu.memory_space<vmem>>
        %dma_wait3A_585 = arith.constant 0 : i32
        %dma_wait3A_586 = arith.constant 0 : i32
        %dma_wait3A_587 = tpu.memref_slice %arg22[%dma_wait3A_585, %dma_wait3A_586] : memref<10240x64xf32, #tpu.memory_space<vmem_shared>> -> memref<10240x64xf32, #tpu.memory_space<vmem_shared>>
        tpu.wait_indirect_dma semaphore(%run_scoped3A_575 : memref<!tpu.dma_semaphore, #tpu.memory_space<semaphore_mem>>) src(%arg18 : memref<128x64xf32, #tpu.memory_space<vmem>>) dst(%dma_wait3A_587 : memref<10240x64xf32, #tpu.memory_space<vmem_shared>>)
        tpu.yield
      }) : () -> ()
      %dma_wait3A_467 = arith.constant 0 : i32
      %dma_wait3A_468 = arith.constant 0 : i32
      %dma_wait3A_469 = arith.constant 0 : i32
      %dma_wait3A_470 = tpu.memref_slice %arg3[%dma_wait3A_467, %dma_wait3A_468, %dma_wait3A_469] : memref<2560x2x128xi32, #tpu.memory_space<hbm>> -> memref<1x2x128xi32, #tpu.memory_space<hbm>>
      %dma_wait3A_471 = tpu.memref_squeeze %dma_wait3A_470 : memref<1x2x128xi32, #tpu.memory_space<hbm>> -> memref<2x128xi32, #tpu.memory_space<hbm>>
      %dma_wait3A_472 = arith.constant 0 : i32
      %dma_wait3A_473 = arith.constant 0 : i32
      %dma_wait3A_474 = tpu.memref_slice %arg3[%dma_wait3A_467, %dma_wait3A_472, %dma_wait3A_473] : memref<2560x2x128xi32, #tpu.memory_space<hbm>> -> memref<1x2x128xi32, #tpu.memory_space<hbm>>
      %dma_wait3A_475 = tpu.memref_squeeze %dma_wait3A_474 : memref<1x2x128xi32, #tpu.memory_space<hbm>> -> memref<2x128xi32, #tpu.memory_space<hbm>>
      tpu.wait_dma2 semaphore(%arg24 : memref<!tpu.dma_semaphore, #tpu.memory_space<semaphore_mem>>) src(%dma_wait3A_475 : memref<2x128xi32, #tpu.memory_space<hbm>>) dst(%arg7 : memref<2x128xi32, #tpu.memory_space<vmem>>)
      %dma_start3A_476 = arith.constant 0 : i32
      %dma_start3A_477 = arith.constant 0 : i32
      %dma_start3A_478 = tpu.memref_slice %arg7[%dma_start3A_476, %dma_start3A_477] : memref<2x128xi32, #tpu.memory_space<vmem>> -> memref<1x128xi32, #tpu.memory_space<vmem>>
      %dma_start3A_479 = tpu.memref_squeeze %dma_start3A_478 : memref<1x128xi32, #tpu.memory_space<vmem>> -> memref<128xi32, #tpu.memory_space<vmem>>
      %dma_start3A_480 = arith.constant 0 : i32
      %dma_start3A_481 = arith.constant 0 : i32
      %dma_start3A_482 = tpu.memref_slice %arg2[%dma_start3A_480, %dma_start3A_481] : memref<10240x64xf32, #tpu.memory_space<hbm>> -> memref<10240x64xf32, #tpu.memory_space<hbm>>
      tpu.enqueue_indirect_dma source(%dma_start3A_482 : memref<10240x64xf32, #tpu.memory_space<hbm>>) target(%arg15 : memref<128x64xf32, #tpu.memory_space<vmem>>) offsets(%dma_start3A_479 : memref<128xi32, #tpu.memory_space<vmem>>) semaphore(%arg32 : memref<!tpu.dma_semaphore, #tpu.memory_space<semaphore_mem>>)
      %add3A_483 = arith.addi %mul3A_2, %mul3A_286 : i32
      %add3A_484 = arith.constant 5 : i32
      %add3A_485 = arith.addi %add3A_483, %add3A_484 : i32
      %add3A_486 = arith.constant 5 : i32
      %add3A_487 = arith.addi %add3A_485, %add3A_486 : i32
      %dma_start3A_488 = arith.constant 0 : i32
      %dma_start3A_489 = arith.constant 0 : i32
      %dma_start3A_490 = tpu.memref_slice %arg3[%add3A_487, %dma_start3A_488, %dma_start3A_489] : memref<2560x2x128xi32, #tpu.memory_space<hbm>> -> memref<1x2x128xi32, #tpu.memory_space<hbm>>
      %dma_start3A_491 = tpu.memref_squeeze %dma_start3A_490 : memref<1x2x128xi32, #tpu.memory_space<hbm>> -> memref<2x128xi32, #tpu.memory_space<hbm>>
      %dma_start3A_492 = arith.constant 0 : i32
      %dma_start3A_493 = arith.constant 0 : i32
      %dma_start3A_494 = tpu.memref_slice %arg3[%add3A_487, %dma_start3A_492, %dma_start3A_493] : memref<2560x2x128xi32, #tpu.memory_space<hbm>> -> memref<1x2x128xi32, #tpu.memory_space<hbm>>
      %dma_start3A_495 = tpu.memref_squeeze %dma_start3A_494 : memref<1x2x128xi32, #tpu.memory_space<hbm>> -> memref<2x128xi32, #tpu.memory_space<hbm>>
      tpu.enqueue_dma source(%dma_start3A_495 : memref<2x128xi32, #tpu.memory_space<hbm>>) target(%arg8 : memref<2x128xi32, #tpu.memory_space<vmem>>) target_semaphore(%arg25 : memref<!tpu.dma_semaphore, #tpu.memory_space<semaphore_mem>>)
      %dma_wait3A_496 = arith.constant 0 : i32
      %dma_wait3A_497 = arith.constant 0 : i32
      %dma_wait3A_498 = tpu.memref_slice %arg2[%dma_wait3A_496, %dma_wait3A_497] : memref<10240x64xf32, #tpu.memory_space<hbm>> -> memref<128x64xf32, #tpu.memory_space<hbm>>
      %dma_wait3A_499 = arith.constant 0 : i32
      %dma_wait3A_500 = arith.constant 0 : i32
      %dma_wait3A_501 = tpu.memref_slice %arg2[%dma_wait3A_499, %dma_wait3A_500] : memref<10240x64xf32, #tpu.memory_space<hbm>> -> memref<128x64xf32, #tpu.memory_space<hbm>>
      tpu.wait_dma2 semaphore(%arg36 : memref<!tpu.dma_semaphore, #tpu.memory_space<semaphore_mem>>) src(%dma_wait3A_501 : memref<128x64xf32, #tpu.memory_space<hbm>>) dst(%arg19 : memref<128x64xf32, #tpu.memory_space<vmem>>)
      %run_scoped3A_502 = arith.constant 1 : i32
      "tpu.region"() ({
        %run_scoped3A_575 = tpu.sem_alloc : memref<!tpu.dma_semaphore, #tpu.memory_space<semaphore_mem>>
        %dma_start3A_576 = arith.constant 0 : i32
        %dma_start3A_577 = tpu.memref_slice %arg11[%run_scoped3A_502, %dma_start3A_576] : memref<2x128xi32, #tpu.memory_space<vmem>> -> memref<1x128xi32, #tpu.memory_space<vmem>>
        %dma_start3A_578 = tpu.memref_squeeze %dma_start3A_577 : memref<1x128xi32, #tpu.memory_space<vmem>> -> memref<128xi32, #tpu.memory_space<vmem>>
        %dma_start3A_579 = arith.constant 0 : i32
        %dma_start3A_580 = arith.constant 0 : i32
        %dma_start3A_581 = tpu.memref_slice %arg22[%dma_start3A_579, %dma_start3A_580] : memref<10240x64xf32, #tpu.memory_space<vmem_shared>> -> memref<10240x64xf32, #tpu.memory_space<vmem_shared>>
        tpu.enqueue_indirect_dma source(%arg19 : memref<128x64xf32, #tpu.memory_space<vmem>>) target(%dma_start3A_581 : memref<10240x64xf32, #tpu.memory_space<vmem_shared>>) offsets(%dma_start3A_578 : memref<128xi32, #tpu.memory_space<vmem>>) semaphore(%run_scoped3A_575 : memref<!tpu.dma_semaphore, #tpu.memory_space<semaphore_mem>>) {add = true}
        %dma_wait3A_582 = arith.constant 0 : i32
        %dma_wait3A_583 = tpu.memref_slice %arg11[%run_scoped3A_502, %dma_wait3A_582] : memref<2x128xi32, #tpu.memory_space<vmem>> -> memref<1x128xi32, #tpu.memory_space<vmem>>
        %dma_wait3A_584 = tpu.memref_squeeze %dma_wait3A_583 : memref<1x128xi32, #tpu.memory_space<vmem>> -> memref<128xi32, #tpu.memory_space<vmem>>
        %dma_wait3A_585 = arith.constant 0 : i32
        %dma_wait3A_586 = arith.constant 0 : i32
        %dma_wait3A_587 = tpu.memref_slice %arg22[%dma_wait3A_585, %dma_wait3A_586] : memref<10240x64xf32, #tpu.memory_space<vmem_shared>> -> memref<10240x64xf32, #tpu.memory_space<vmem_shared>>
        tpu.wait_indirect_dma semaphore(%run_scoped3A_575 : memref<!tpu.dma_semaphore, #tpu.memory_space<semaphore_mem>>) src(%arg19 : memref<128x64xf32, #tpu.memory_space<vmem>>) dst(%dma_wait3A_587 : memref<10240x64xf32, #tpu.memory_space<vmem_shared>>)
        tpu.yield
      }) : () -> ()
      %dma_wait3A_503 = arith.constant 0 : i32
      %dma_wait3A_504 = arith.constant 0 : i32
      %dma_wait3A_505 = arith.constant 0 : i32
      %dma_wait3A_506 = tpu.memref_slice %arg3[%dma_wait3A_503, %dma_wait3A_504, %dma_wait3A_505] : memref<2560x2x128xi32, #tpu.memory_space<hbm>> -> memref<1x2x128xi32, #tpu.memory_space<hbm>>
      %dma_wait3A_507 = tpu.memref_squeeze %dma_wait3A_506 : memref<1x2x128xi32, #tpu.memory_space<hbm>> -> memref<2x128xi32, #tpu.memory_space<hbm>>
      %dma_wait3A_508 = arith.constant 0 : i32
      %dma_wait3A_509 = arith.constant 0 : i32
      %dma_wait3A_510 = tpu.memref_slice %arg3[%dma_wait3A_503, %dma_wait3A_508, %dma_wait3A_509] : memref<2560x2x128xi32, #tpu.memory_space<hbm>> -> memref<1x2x128xi32, #tpu.memory_space<hbm>>
      %dma_wait3A_511 = tpu.memref_squeeze %dma_wait3A_510 : memref<1x2x128xi32, #tpu.memory_space<hbm>> -> memref<2x128xi32, #tpu.memory_space<hbm>>
      tpu.wait_dma2 semaphore(%arg25 : memref<!tpu.dma_semaphore, #tpu.memory_space<semaphore_mem>>) src(%dma_wait3A_511 : memref<2x128xi32, #tpu.memory_space<hbm>>) dst(%arg8 : memref<2x128xi32, #tpu.memory_space<vmem>>)
      %dma_start3A_512 = arith.constant 0 : i32
      %dma_start3A_513 = arith.constant 0 : i32
      %dma_start3A_514 = tpu.memref_slice %arg8[%dma_start3A_512, %dma_start3A_513] : memref<2x128xi32, #tpu.memory_space<vmem>> -> memref<1x128xi32, #tpu.memory_space<vmem>>
      %dma_start3A_515 = tpu.memref_squeeze %dma_start3A_514 : memref<1x128xi32, #tpu.memory_space<vmem>> -> memref<128xi32, #tpu.memory_space<vmem>>
      %dma_start3A_516 = arith.constant 0 : i32
      %dma_start3A_517 = arith.constant 0 : i32
      %dma_start3A_518 = tpu.memref_slice %arg2[%dma_start3A_516, %dma_start3A_517] : memref<10240x64xf32, #tpu.memory_space<hbm>> -> memref<10240x64xf32, #tpu.memory_space<hbm>>
      tpu.enqueue_indirect_dma source(%dma_start3A_518 : memref<10240x64xf32, #tpu.memory_space<hbm>>) target(%arg16 : memref<128x64xf32, #tpu.memory_space<vmem>>) offsets(%dma_start3A_515 : memref<128xi32, #tpu.memory_space<vmem>>) semaphore(%arg33 : memref<!tpu.dma_semaphore, #tpu.memory_space<semaphore_mem>>)
      %add3A_519 = arith.addi %mul3A_2, %mul3A_286 : i32
      %add3A_520 = arith.constant 6 : i32
      %add3A_521 = arith.addi %add3A_519, %add3A_520 : i32
      %add3A_522 = arith.constant 5 : i32
      %add3A_523 = arith.addi %add3A_521, %add3A_522 : i32
      %dma_start3A_524 = arith.constant 0 : i32
      %dma_start3A_525 = arith.constant 0 : i32
      %dma_start3A_526 = tpu.memref_slice %arg3[%add3A_523, %dma_start3A_524, %dma_start3A_525] : memref<2560x2x128xi32, #tpu.memory_space<hbm>> -> memref<1x2x128xi32, #tpu.memory_space<hbm>>
      %dma_start3A_527 = tpu.memref_squeeze %dma_start3A_526 : memref<1x2x128xi32, #tpu.memory_space<hbm>> -> memref<2x128xi32, #tpu.memory_space<hbm>>
      %dma_start3A_528 = arith.constant 0 : i32
      %dma_start3A_529 = arith.constant 0 : i32
      %dma_start3A_530 = tpu.memref_slice %arg3[%add3A_523, %dma_start3A_528, %dma_start3A_529] : memref<2560x2x128xi32, #tpu.memory_space<hbm>> -> memref<1x2x128xi32, #tpu.memory_space<hbm>>
      %dma_start3A_531 = tpu.memref_squeeze %dma_start3A_530 : memref<1x2x128xi32, #tpu.memory_space<hbm>> -> memref<2x128xi32, #tpu.memory_space<hbm>>
      tpu.enqueue_dma source(%dma_start3A_531 : memref<2x128xi32, #tpu.memory_space<hbm>>) target(%arg9 : memref<2x128xi32, #tpu.memory_space<vmem>>) target_semaphore(%arg26 : memref<!tpu.dma_semaphore, #tpu.memory_space<semaphore_mem>>)
      %dma_wait3A_532 = arith.constant 0 : i32
      %dma_wait3A_533 = arith.constant 0 : i32
      %dma_wait3A_534 = tpu.memref_slice %arg2[%dma_wait3A_532, %dma_wait3A_533] : memref<10240x64xf32, #tpu.memory_space<hbm>> -> memref<128x64xf32, #tpu.memory_space<hbm>>
      %dma_wait3A_535 = arith.constant 0 : i32
      %dma_wait3A_536 = arith.constant 0 : i32
      %dma_wait3A_537 = tpu.memref_slice %arg2[%dma_wait3A_535, %dma_wait3A_536] : memref<10240x64xf32, #tpu.memory_space<hbm>> -> memref<128x64xf32, #tpu.memory_space<hbm>>
      tpu.wait_dma2 semaphore(%arg37 : memref<!tpu.dma_semaphore, #tpu.memory_space<semaphore_mem>>) src(%dma_wait3A_537 : memref<128x64xf32, #tpu.memory_space<hbm>>) dst(%arg20 : memref<128x64xf32, #tpu.memory_space<vmem>>)
      %run_scoped3A_538 = arith.constant 1 : i32
      "tpu.region"() ({
        %run_scoped3A_575 = tpu.sem_alloc : memref<!tpu.dma_semaphore, #tpu.memory_space<semaphore_mem>>
        %dma_start3A_576 = arith.constant 0 : i32
        %dma_start3A_577 = tpu.memref_slice %arg12[%run_scoped3A_538, %dma_start3A_576] : memref<2x128xi32, #tpu.memory_space<vmem>> -> memref<1x128xi32, #tpu.memory_space<vmem>>
        %dma_start3A_578 = tpu.memref_squeeze %dma_start3A_577 : memref<1x128xi32, #tpu.memory_space<vmem>> -> memref<128xi32, #tpu.memory_space<vmem>>
        %dma_start3A_579 = arith.constant 0 : i32
        %dma_start3A_580 = arith.constant 0 : i32
        %dma_start3A_581 = tpu.memref_slice %arg22[%dma_start3A_579, %dma_start3A_580] : memref<10240x64xf32, #tpu.memory_space<vmem_shared>> -> memref<10240x64xf32, #tpu.memory_space<vmem_shared>>
        tpu.enqueue_indirect_dma source(%arg20 : memref<128x64xf32, #tpu.memory_space<vmem>>) target(%dma_start3A_581 : memref<10240x64xf32, #tpu.memory_space<vmem_shared>>) offsets(%dma_start3A_578 : memref<128xi32, #tpu.memory_space<vmem>>) semaphore(%run_scoped3A_575 : memref<!tpu.dma_semaphore, #tpu.memory_space<semaphore_mem>>) {add = true}
        %dma_wait3A_582 = arith.constant 0 : i32
        %dma_wait3A_583 = tpu.memref_slice %arg12[%run_scoped3A_538, %dma_wait3A_582] : memref<2x128xi32, #tpu.memory_space<vmem>> -> memref<1x128xi32, #tpu.memory_space<vmem>>
        %dma_wait3A_584 = tpu.memref_squeeze %dma_wait3A_583 : memref<1x128xi32, #tpu.memory_space<vmem>> -> memref<128xi32, #tpu.memory_space<vmem>>
        %dma_wait3A_585 = arith.constant 0 : i32
        %dma_wait3A_586 = arith.constant 0 : i32
        %dma_wait3A_587 = tpu.memref_slice %arg22[%dma_wait3A_585, %dma_wait3A_586] : memref<10240x64xf32, #tpu.memory_space<vmem_shared>> -> memref<10240x64xf32, #tpu.memory_space<vmem_shared>>
        tpu.wait_indirect_dma semaphore(%run_scoped3A_575 : memref<!tpu.dma_semaphore, #tpu.memory_space<semaphore_mem>>) src(%arg20 : memref<128x64xf32, #tpu.memory_space<vmem>>) dst(%dma_wait3A_587 : memref<10240x64xf32, #tpu.memory_space<vmem_shared>>)
        tpu.yield
      }) : () -> ()
      %dma_wait3A_539 = arith.constant 0 : i32
      %dma_wait3A_540 = arith.constant 0 : i32
      %dma_wait3A_541 = arith.constant 0 : i32
      %dma_wait3A_542 = tpu.memref_slice %arg3[%dma_wait3A_539, %dma_wait3A_540, %dma_wait3A_541] : memref<2560x2x128xi32, #tpu.memory_space<hbm>> -> memref<1x2x128xi32, #tpu.memory_space<hbm>>
      %dma_wait3A_543 = tpu.memref_squeeze %dma_wait3A_542 : memref<1x2x128xi32, #tpu.memory_space<hbm>> -> memref<2x128xi32, #tpu.memory_space<hbm>>
      %dma_wait3A_544 = arith.constant 0 : i32
      %dma_wait3A_545 = arith.constant 0 : i32
      %dma_wait3A_546 = tpu.memref_slice %arg3[%dma_wait3A_539, %dma_wait3A_544, %dma_wait3A_545] : memref<2560x2x128xi32, #tpu.memory_space<hbm>> -> memref<1x2x128xi32, #tpu.memory_space<hbm>>
      %dma_wait3A_547 = tpu.memref_squeeze %dma_wait3A_546 : memref<1x2x128xi32, #tpu.memory_space<hbm>> -> memref<2x128xi32, #tpu.memory_space<hbm>>
      tpu.wait_dma2 semaphore(%arg26 : memref<!tpu.dma_semaphore, #tpu.memory_space<semaphore_mem>>) src(%dma_wait3A_547 : memref<2x128xi32, #tpu.memory_space<hbm>>) dst(%arg9 : memref<2x128xi32, #tpu.memory_space<vmem>>)
      %dma_start3A_548 = arith.constant 0 : i32
      %dma_start3A_549 = arith.constant 0 : i32
      %dma_start3A_550 = tpu.memref_slice %arg9[%dma_start3A_548, %dma_start3A_549] : memref<2x128xi32, #tpu.memory_space<vmem>> -> memref<1x128xi32, #tpu.memory_space<vmem>>
      %dma_start3A_551 = tpu.memref_squeeze %dma_start3A_550 : memref<1x128xi32, #tpu.memory_space<vmem>> -> memref<128xi32, #tpu.memory_space<vmem>>
      %dma_start3A_552 = arith.constant 0 : i32
      %dma_start3A_553 = arith.constant 0 : i32
      %dma_start3A_554 = tpu.memref_slice %arg2[%dma_start3A_552, %dma_start3A_553] : memref<10240x64xf32, #tpu.memory_space<hbm>> -> memref<10240x64xf32, #tpu.memory_space<hbm>>
      tpu.enqueue_indirect_dma source(%dma_start3A_554 : memref<10240x64xf32, #tpu.memory_space<hbm>>) target(%arg17 : memref<128x64xf32, #tpu.memory_space<vmem>>) offsets(%dma_start3A_551 : memref<128xi32, #tpu.memory_space<vmem>>) semaphore(%arg34 : memref<!tpu.dma_semaphore, #tpu.memory_space<semaphore_mem>>)
      %add3A_555 = arith.addi %mul3A_2, %mul3A_286 : i32
      %add3A_556 = arith.constant 7 : i32
      %add3A_557 = arith.addi %add3A_555, %add3A_556 : i32
      %add3A_558 = arith.constant 5 : i32
      %add3A_559 = arith.addi %add3A_557, %add3A_558 : i32
      %dma_start3A_560 = arith.constant 0 : i32
      %dma_start3A_561 = arith.constant 0 : i32
      %dma_start3A_562 = tpu.memref_slice %arg3[%add3A_559, %dma_start3A_560, %dma_start3A_561] : memref<2560x2x128xi32, #tpu.memory_space<hbm>> -> memref<1x2x128xi32, #tpu.memory_space<hbm>>
      %dma_start3A_563 = tpu.memref_squeeze %dma_start3A_562 : memref<1x2x128xi32, #tpu.memory_space<hbm>> -> memref<2x128xi32, #tpu.memory_space<hbm>>
      %dma_start3A_564 = arith.constant 0 : i32
      %dma_start3A_565 = arith.constant 0 : i32
      %dma_start3A_566 = tpu.memref_slice %arg3[%add3A_559, %dma_start3A_564, %dma_start3A_565] : memref<2560x2x128xi32, #tpu.memory_space<hbm>> -> memref<1x2x128xi32, #tpu.memory_space<hbm>>
      %dma_start3A_567 = tpu.memref_squeeze %dma_start3A_566 : memref<1x2x128xi32, #tpu.memory_space<hbm>> -> memref<2x128xi32, #tpu.memory_space<hbm>>
      tpu.enqueue_dma source(%dma_start3A_567 : memref<2x128xi32, #tpu.memory_space<hbm>>) target(%arg10 : memref<2x128xi32, #tpu.memory_space<vmem>>) target_semaphore(%arg27 : memref<!tpu.dma_semaphore, #tpu.memory_space<semaphore_mem>>)
      %dma_wait3A_568 = arith.constant 0 : i32
      %dma_wait3A_569 = arith.constant 0 : i32
      %dma_wait3A_570 = tpu.memref_slice %arg2[%dma_wait3A_568, %dma_wait3A_569] : memref<10240x64xf32, #tpu.memory_space<hbm>> -> memref<128x64xf32, #tpu.memory_space<hbm>>
      %dma_wait3A_571 = arith.constant 0 : i32
      %dma_wait3A_572 = arith.constant 0 : i32
      %dma_wait3A_573 = tpu.memref_slice %arg2[%dma_wait3A_571, %dma_wait3A_572] : memref<10240x64xf32, #tpu.memory_space<hbm>> -> memref<128x64xf32, #tpu.memory_space<hbm>>
      tpu.wait_dma2 semaphore(%arg38 : memref<!tpu.dma_semaphore, #tpu.memory_space<semaphore_mem>>) src(%dma_wait3A_573 : memref<128x64xf32, #tpu.memory_space<hbm>>) dst(%arg21 : memref<128x64xf32, #tpu.memory_space<vmem>>)
      %run_scoped3A_574 = arith.constant 1 : i32
      "tpu.region"() ({
        %run_scoped3A_575 = tpu.sem_alloc : memref<!tpu.dma_semaphore, #tpu.memory_space<semaphore_mem>>
        %dma_start3A_576 = arith.constant 0 : i32
        %dma_start3A_577 = tpu.memref_slice %arg13[%run_scoped3A_574, %dma_start3A_576] : memref<2x128xi32, #tpu.memory_space<vmem>> -> memref<1x128xi32, #tpu.memory_space<vmem>>
        %dma_start3A_578 = tpu.memref_squeeze %dma_start3A_577 : memref<1x128xi32, #tpu.memory_space<vmem>> -> memref<128xi32, #tpu.memory_space<vmem>>
        %dma_start3A_579 = arith.constant 0 : i32
        %dma_start3A_580 = arith.constant 0 : i32
        %dma_start3A_581 = tpu.memref_slice %arg22[%dma_start3A_579, %dma_start3A_580] : memref<10240x64xf32, #tpu.memory_space<vmem_shared>> -> memref<10240x64xf32, #tpu.memory_space<vmem_shared>>
        tpu.enqueue_indirect_dma source(%arg21 : memref<128x64xf32, #tpu.memory_space<vmem>>) target(%dma_start3A_581 : memref<10240x64xf32, #tpu.memory_space<vmem_shared>>) offsets(%dma_start3A_578 : memref<128xi32, #tpu.memory_space<vmem>>) semaphore(%run_scoped3A_575 : memref<!tpu.dma_semaphore, #tpu.memory_space<semaphore_mem>>) {add = true}
        %dma_wait3A_582 = arith.constant 0 : i32
        %dma_wait3A_583 = tpu.memref_slice %arg13[%run_scoped3A_574, %dma_wait3A_582] : memref<2x128xi32, #tpu.memory_space<vmem>> -> memref<1x128xi32, #tpu.memory_space<vmem>>
        %dma_wait3A_584 = tpu.memref_squeeze %dma_wait3A_583 : memref<1x128xi32, #tpu.memory_space<vmem>> -> memref<128xi32, #tpu.memory_space<vmem>>
        %dma_wait3A_585 = arith.constant 0 : i32
        %dma_wait3A_586 = arith.constant 0 : i32
        %dma_wait3A_587 = tpu.memref_slice %arg22[%dma_wait3A_585, %dma_wait3A_586] : memref<10240x64xf32, #tpu.memory_space<vmem_shared>> -> memref<10240x64xf32, #tpu.memory_space<vmem_shared>>
        tpu.wait_indirect_dma semaphore(%run_scoped3A_575 : memref<!tpu.dma_semaphore, #tpu.memory_space<semaphore_mem>>) src(%arg21 : memref<128x64xf32, #tpu.memory_space<vmem>>) dst(%dma_wait3A_587 : memref<10240x64xf32, #tpu.memory_space<vmem_shared>>)
        tpu.yield
      }) : () -> ()
    }
    %scan3A_127 = arith.constant 9 : i32
    %dma_wait3A_128 = arith.constant 0 : i32
    %dma_wait3A_129 = arith.constant 0 : i32
    %dma_wait3A_130 = arith.constant 0 : i32
    %dma_wait3A_131 = tpu.memref_slice %arg3[%dma_wait3A_128, %dma_wait3A_129, %dma_wait3A_130] : memref<2560x2x128xi32, #tpu.memory_space<hbm>> -> memref<1x2x128xi32, #tpu.memory_space<hbm>>
    %dma_wait3A_132 = tpu.memref_squeeze %dma_wait3A_131 : memref<1x2x128xi32, #tpu.memory_space<hbm>> -> memref<2x128xi32, #tpu.memory_space<hbm>>
    %dma_wait3A_133 = arith.constant 0 : i32
    %dma_wait3A_134 = arith.constant 0 : i32
    %dma_wait3A_135 = tpu.memref_slice %arg3[%dma_wait3A_128, %dma_wait3A_133, %dma_wait3A_134] : memref<2560x2x128xi32, #tpu.memory_space<hbm>> -> memref<1x2x128xi32, #tpu.memory_space<hbm>>
    %dma_wait3A_136 = tpu.memref_squeeze %dma_wait3A_135 : memref<1x2x128xi32, #tpu.memory_space<hbm>> -> memref<2x128xi32, #tpu.memory_space<hbm>>
    tpu.wait_dma2 semaphore(%arg27 : memref<!tpu.dma_semaphore, #tpu.memory_space<semaphore_mem>>) src(%dma_wait3A_136 : memref<2x128xi32, #tpu.memory_space<hbm>>) dst(%arg10 : memref<2x128xi32, #tpu.memory_space<vmem>>)
    %dma_start3A_137 = arith.constant 0 : i32
    %dma_start3A_138 = arith.constant 0 : i32
    %dma_start3A_139 = tpu.memref_slice %arg10[%dma_start3A_137, %dma_start3A_138] : memref<2x128xi32, #tpu.memory_space<vmem>> -> memref<1x128xi32, #tpu.memory_space<vmem>>
    %dma_start3A_140 = tpu.memref_squeeze %dma_start3A_139 : memref<1x128xi32, #tpu.memory_space<vmem>> -> memref<128xi32, #tpu.memory_space<vmem>>
    %dma_start3A_141 = arith.constant 0 : i32
    %dma_start3A_142 = arith.constant 0 : i32
    %dma_start3A_143 = tpu.memref_slice %arg2[%dma_start3A_141, %dma_start3A_142] : memref<10240x64xf32, #tpu.memory_space<hbm>> -> memref<10240x64xf32, #tpu.memory_space<hbm>>
    tpu.enqueue_indirect_dma source(%dma_start3A_143 : memref<10240x64xf32, #tpu.memory_space<hbm>>) target(%arg18 : memref<128x64xf32, #tpu.memory_space<vmem>>) offsets(%dma_start3A_140 : memref<128xi32, #tpu.memory_space<vmem>>) semaphore(%arg35 : memref<!tpu.dma_semaphore, #tpu.memory_space<semaphore_mem>>)
    %add3A_144 = arith.constant 72 : i32
    %add3A_145 = arith.addi %mul3A_2, %add3A_144 : i32
    %add3A_146 = arith.constant 5 : i32
    %add3A_147 = arith.addi %add3A_145, %add3A_146 : i32
    %dma_start3A_148 = arith.constant 0 : i32
    %dma_start3A_149 = arith.constant 0 : i32
    %dma_start3A_150 = tpu.memref_slice %arg3[%add3A_147, %dma_start3A_148, %dma_start3A_149] : memref<2560x2x128xi32, #tpu.memory_space<hbm>> -> memref<1x2x128xi32, #tpu.memory_space<hbm>>
    %dma_start3A_151 = tpu.memref_squeeze %dma_start3A_150 : memref<1x2x128xi32, #tpu.memory_space<hbm>> -> memref<2x128xi32, #tpu.memory_space<hbm>>
    %dma_start3A_152 = arith.constant 0 : i32
    %dma_start3A_153 = arith.constant 0 : i32
    %dma_start3A_154 = tpu.memref_slice %arg3[%add3A_147, %dma_start3A_152, %dma_start3A_153] : memref<2560x2x128xi32, #tpu.memory_space<hbm>> -> memref<1x2x128xi32, #tpu.memory_space<hbm>>
    %dma_start3A_155 = tpu.memref_squeeze %dma_start3A_154 : memref<1x2x128xi32, #tpu.memory_space<hbm>> -> memref<2x128xi32, #tpu.memory_space<hbm>>
    tpu.enqueue_dma source(%dma_start3A_155 : memref<2x128xi32, #tpu.memory_space<hbm>>) target(%arg11 : memref<2x128xi32, #tpu.memory_space<vmem>>) target_semaphore(%arg28 : memref<!tpu.dma_semaphore, #tpu.memory_space<semaphore_mem>>)
    %dma_wait3A_156 = arith.constant 0 : i32
    %dma_wait3A_157 = arith.constant 0 : i32
    %dma_wait3A_158 = tpu.memref_slice %arg2[%dma_wait3A_156, %dma_wait3A_157] : memref<10240x64xf32, #tpu.memory_space<hbm>> -> memref<128x64xf32, #tpu.memory_space<hbm>>
    %dma_wait3A_159 = arith.constant 0 : i32
    %dma_wait3A_160 = arith.constant 0 : i32
    %dma_wait3A_161 = tpu.memref_slice %arg2[%dma_wait3A_159, %dma_wait3A_160] : memref<10240x64xf32, #tpu.memory_space<hbm>> -> memref<128x64xf32, #tpu.memory_space<hbm>>
    tpu.wait_dma2 semaphore(%arg31 : memref<!tpu.dma_semaphore, #tpu.memory_space<semaphore_mem>>) src(%dma_wait3A_161 : memref<128x64xf32, #tpu.memory_space<hbm>>) dst(%arg14 : memref<128x64xf32, #tpu.memory_space<vmem>>)
    %run_scoped3A = arith.constant 1 : i32
    "tpu.region"() ({
      %run_scoped3A_284 = tpu.sem_alloc : memref<!tpu.dma_semaphore, #tpu.memory_space<semaphore_mem>>
      %dma_start3A_285 = arith.constant 0 : i32
      %dma_start3A_286 = tpu.memref_slice %arg6[%run_scoped3A, %dma_start3A_285] : memref<2x128xi32, #tpu.memory_space<vmem>> -> memref<1x128xi32, #tpu.memory_space<vmem>>
      %dma_start3A_287 = tpu.memref_squeeze %dma_start3A_286 : memref<1x128xi32, #tpu.memory_space<vmem>> -> memref<128xi32, #tpu.memory_space<vmem>>
      %dma_start3A_288 = arith.constant 0 : i32
      %dma_start3A_289 = arith.constant 0 : i32
      %dma_start3A_290 = tpu.memref_slice %arg22[%dma_start3A_288, %dma_start3A_289] : memref<10240x64xf32, #tpu.memory_space<vmem_shared>> -> memref<10240x64xf32, #tpu.memory_space<vmem_shared>>
      tpu.enqueue_indirect_dma source(%arg14 : memref<128x64xf32, #tpu.memory_space<vmem>>) target(%dma_start3A_290 : memref<10240x64xf32, #tpu.memory_space<vmem_shared>>) offsets(%dma_start3A_287 : memref<128xi32, #tpu.memory_space<vmem>>) semaphore(%run_scoped3A_284 : memref<!tpu.dma_semaphore, #tpu.memory_space<semaphore_mem>>) {add = true}
      %dma_wait3A_291 = arith.constant 0 : i32
      %dma_wait3A_292 = tpu.memref_slice %arg6[%run_scoped3A, %dma_wait3A_291] : memref<2x128xi32, #tpu.memory_space<vmem>> -> memref<1x128xi32, #tpu.memory_space<vmem>>
      %dma_wait3A_293 = tpu.memref_squeeze %dma_wait3A_292 : memref<1x128xi32, #tpu.memory_space<vmem>> -> memref<128xi32, #tpu.memory_space<vmem>>
      %dma_wait3A_294 = arith.constant 0 : i32
      %dma_wait3A_295 = arith.constant 0 : i32
      %dma_wait3A_296 = tpu.memref_slice %arg22[%dma_wait3A_294, %dma_wait3A_295] : memref<10240x64xf32, #tpu.memory_space<vmem_shared>> -> memref<10240x64xf32, #tpu.memory_space<vmem_shared>>
      tpu.wait_indirect_dma semaphore(%run_scoped3A_284 : memref<!tpu.dma_semaphore, #tpu.memory_space<semaphore_mem>>) src(%arg14 : memref<128x64xf32, #tpu.memory_space<vmem>>) dst(%dma_wait3A_296 : memref<10240x64xf32, #tpu.memory_space<vmem_shared>>)
      tpu.yield
    }) : () -> ()
    %dma_wait3A_162 = arith.constant 0 : i32
    %dma_wait3A_163 = arith.constant 0 : i32
    %dma_wait3A_164 = arith.constant 0 : i32
    %dma_wait3A_165 = tpu.memref_slice %arg3[%dma_wait3A_162, %dma_wait3A_163, %dma_wait3A_164] : memref<2560x2x128xi32, #tpu.memory_space<hbm>> -> memref<1x2x128xi32, #tpu.memory_space<hbm>>
    %dma_wait3A_166 = tpu.memref_squeeze %dma_wait3A_165 : memref<1x2x128xi32, #tpu.memory_space<hbm>> -> memref<2x128xi32, #tpu.memory_space<hbm>>
    %dma_wait3A_167 = arith.constant 0 : i32
    %dma_wait3A_168 = arith.constant 0 : i32
    %dma_wait3A_169 = tpu.memref_slice %arg3[%dma_wait3A_162, %dma_wait3A_167, %dma_wait3A_168] : memref<2560x2x128xi32, #tpu.memory_space<hbm>> -> memref<1x2x128xi32, #tpu.memory_space<hbm>>
    %dma_wait3A_170 = tpu.memref_squeeze %dma_wait3A_169 : memref<1x2x128xi32, #tpu.memory_space<hbm>> -> memref<2x128xi32, #tpu.memory_space<hbm>>
    tpu.wait_dma2 semaphore(%arg28 : memref<!tpu.dma_semaphore, #tpu.memory_space<semaphore_mem>>) src(%dma_wait3A_170 : memref<2x128xi32, #tpu.memory_space<hbm>>) dst(%arg11 : memref<2x128xi32, #tpu.memory_space<vmem>>)
    %dma_start3A_171 = arith.constant 0 : i32
    %dma_start3A_172 = arith.constant 0 : i32
    %dma_start3A_173 = tpu.memref_slice %arg11[%dma_start3A_171, %dma_start3A_172] : memref<2x128xi32, #tpu.memory_space<vmem>> -> memref<1x128xi32, #tpu.memory_space<vmem>>
    %dma_start3A_174 = tpu.memref_squeeze %dma_start3A_173 : memref<1x128xi32, #tpu.memory_space<vmem>> -> memref<128xi32, #tpu.memory_space<vmem>>
    %dma_start3A_175 = arith.constant 0 : i32
    %dma_start3A_176 = arith.constant 0 : i32
    %dma_start3A_177 = tpu.memref_slice %arg2[%dma_start3A_175, %dma_start3A_176] : memref<10240x64xf32, #tpu.memory_space<hbm>> -> memref<10240x64xf32, #tpu.memory_space<hbm>>
    tpu.enqueue_indirect_dma source(%dma_start3A_177 : memref<10240x64xf32, #tpu.memory_space<hbm>>) target(%arg19 : memref<128x64xf32, #tpu.memory_space<vmem>>) offsets(%dma_start3A_174 : memref<128xi32, #tpu.memory_space<vmem>>) semaphore(%arg36 : memref<!tpu.dma_semaphore, #tpu.memory_space<semaphore_mem>>)
    %add3A_178 = arith.constant 73 : i32
    %add3A_179 = arith.addi %mul3A_2, %add3A_178 : i32
    %add3A_180 = arith.constant 5 : i32
    %add3A_181 = arith.addi %add3A_179, %add3A_180 : i32
    %dma_start3A_182 = arith.constant 0 : i32
    %dma_start3A_183 = arith.constant 0 : i32
    %dma_start3A_184 = tpu.memref_slice %arg3[%add3A_181, %dma_start3A_182, %dma_start3A_183] : memref<2560x2x128xi32, #tpu.memory_space<hbm>> -> memref<1x2x128xi32, #tpu.memory_space<hbm>>
    %dma_start3A_185 = tpu.memref_squeeze %dma_start3A_184 : memref<1x2x128xi32, #tpu.memory_space<hbm>> -> memref<2x128xi32, #tpu.memory_space<hbm>>
    %dma_start3A_186 = arith.constant 0 : i32
    %dma_start3A_187 = arith.constant 0 : i32
    %dma_start3A_188 = tpu.memref_slice %arg3[%add3A_181, %dma_start3A_186, %dma_start3A_187] : memref<2560x2x128xi32, #tpu.memory_space<hbm>> -> memref<1x2x128xi32, #tpu.memory_space<hbm>>
    %dma_start3A_189 = tpu.memref_squeeze %dma_start3A_188 : memref<1x2x128xi32, #tpu.memory_space<hbm>> -> memref<2x128xi32, #tpu.memory_space<hbm>>
    tpu.enqueue_dma source(%dma_start3A_189 : memref<2x128xi32, #tpu.memory_space<hbm>>) target(%arg12 : memref<2x128xi32, #tpu.memory_space<vmem>>) target_semaphore(%arg29 : memref<!tpu.dma_semaphore, #tpu.memory_space<semaphore_mem>>)
    %dma_wait3A_190 = arith.constant 0 : i32
    %dma_wait3A_191 = arith.constant 0 : i32
    %dma_wait3A_192 = tpu.memref_slice %arg2[%dma_wait3A_190, %dma_wait3A_191] : memref<10240x64xf32, #tpu.memory_space<hbm>> -> memref<128x64xf32, #tpu.memory_space<hbm>>
    %dma_wait3A_193 = arith.constant 0 : i32
    %dma_wait3A_194 = arith.constant 0 : i32
    %dma_wait3A_195 = tpu.memref_slice %arg2[%dma_wait3A_193, %dma_wait3A_194] : memref<10240x64xf32, #tpu.memory_space<hbm>> -> memref<128x64xf32, #tpu.memory_space<hbm>>
    tpu.wait_dma2 semaphore(%arg32 : memref<!tpu.dma_semaphore, #tpu.memory_space<semaphore_mem>>) src(%dma_wait3A_195 : memref<128x64xf32, #tpu.memory_space<hbm>>) dst(%arg15 : memref<128x64xf32, #tpu.memory_space<vmem>>)
    %run_scoped3A_196 = arith.constant 1 : i32
    "tpu.region"() ({
      %run_scoped3A_284 = tpu.sem_alloc : memref<!tpu.dma_semaphore, #tpu.memory_space<semaphore_mem>>
      %dma_start3A_285 = arith.constant 0 : i32
      %dma_start3A_286 = tpu.memref_slice %arg7[%run_scoped3A_196, %dma_start3A_285] : memref<2x128xi32, #tpu.memory_space<vmem>> -> memref<1x128xi32, #tpu.memory_space<vmem>>
      %dma_start3A_287 = tpu.memref_squeeze %dma_start3A_286 : memref<1x128xi32, #tpu.memory_space<vmem>> -> memref<128xi32, #tpu.memory_space<vmem>>
      %dma_start3A_288 = arith.constant 0 : i32
      %dma_start3A_289 = arith.constant 0 : i32
      %dma_start3A_290 = tpu.memref_slice %arg22[%dma_start3A_288, %dma_start3A_289] : memref<10240x64xf32, #tpu.memory_space<vmem_shared>> -> memref<10240x64xf32, #tpu.memory_space<vmem_shared>>
      tpu.enqueue_indirect_dma source(%arg15 : memref<128x64xf32, #tpu.memory_space<vmem>>) target(%dma_start3A_290 : memref<10240x64xf32, #tpu.memory_space<vmem_shared>>) offsets(%dma_start3A_287 : memref<128xi32, #tpu.memory_space<vmem>>) semaphore(%run_scoped3A_284 : memref<!tpu.dma_semaphore, #tpu.memory_space<semaphore_mem>>) {add = true}
      %dma_wait3A_291 = arith.constant 0 : i32
      %dma_wait3A_292 = tpu.memref_slice %arg7[%run_scoped3A_196, %dma_wait3A_291] : memref<2x128xi32, #tpu.memory_space<vmem>> -> memref<1x128xi32, #tpu.memory_space<vmem>>
      %dma_wait3A_293 = tpu.memref_squeeze %dma_wait3A_292 : memref<1x128xi32, #tpu.memory_space<vmem>> -> memref<128xi32, #tpu.memory_space<vmem>>
      %dma_wait3A_294 = arith.constant 0 : i32
      %dma_wait3A_295 = arith.constant 0 : i32
      %dma_wait3A_296 = tpu.memref_slice %arg22[%dma_wait3A_294, %dma_wait3A_295] : memref<10240x64xf32, #tpu.memory_space<vmem_shared>> -> memref<10240x64xf32, #tpu.memory_space<vmem_shared>>
      tpu.wait_indirect_dma semaphore(%run_scoped3A_284 : memref<!tpu.dma_semaphore, #tpu.memory_space<semaphore_mem>>) src(%arg15 : memref<128x64xf32, #tpu.memory_space<vmem>>) dst(%dma_wait3A_296 : memref<10240x64xf32, #tpu.memory_space<vmem_shared>>)
      tpu.yield
    }) : () -> ()
    %dma_wait3A_197 = arith.constant 0 : i32
    %dma_wait3A_198 = arith.constant 0 : i32
    %dma_wait3A_199 = arith.constant 0 : i32
    %dma_wait3A_200 = tpu.memref_slice %arg3[%dma_wait3A_197, %dma_wait3A_198, %dma_wait3A_199] : memref<2560x2x128xi32, #tpu.memory_space<hbm>> -> memref<1x2x128xi32, #tpu.memory_space<hbm>>
    %dma_wait3A_201 = tpu.memref_squeeze %dma_wait3A_200 : memref<1x2x128xi32, #tpu.memory_space<hbm>> -> memref<2x128xi32, #tpu.memory_space<hbm>>
    %dma_wait3A_202 = arith.constant 0 : i32
    %dma_wait3A_203 = arith.constant 0 : i32
    %dma_wait3A_204 = tpu.memref_slice %arg3[%dma_wait3A_197, %dma_wait3A_202, %dma_wait3A_203] : memref<2560x2x128xi32, #tpu.memory_space<hbm>> -> memref<1x2x128xi32, #tpu.memory_space<hbm>>
    %dma_wait3A_205 = tpu.memref_squeeze %dma_wait3A_204 : memref<1x2x128xi32, #tpu.memory_space<hbm>> -> memref<2x128xi32, #tpu.memory_space<hbm>>
    tpu.wait_dma2 semaphore(%arg29 : memref<!tpu.dma_semaphore, #tpu.memory_space<semaphore_mem>>) src(%dma_wait3A_205 : memref<2x128xi32, #tpu.memory_space<hbm>>) dst(%arg12 : memref<2x128xi32, #tpu.memory_space<vmem>>)
    %dma_start3A_206 = arith.constant 0 : i32
    %dma_start3A_207 = arith.constant 0 : i32
    %dma_start3A_208 = tpu.memref_slice %arg12[%dma_start3A_206, %dma_start3A_207] : memref<2x128xi32, #tpu.memory_space<vmem>> -> memref<1x128xi32, #tpu.memory_space<vmem>>
    %dma_start3A_209 = tpu.memref_squeeze %dma_start3A_208 : memref<1x128xi32, #tpu.memory_space<vmem>> -> memref<128xi32, #tpu.memory_space<vmem>>
    %dma_start3A_210 = arith.constant 0 : i32
    %dma_start3A_211 = arith.constant 0 : i32
    %dma_start3A_212 = tpu.memref_slice %arg2[%dma_start3A_210, %dma_start3A_211] : memref<10240x64xf32, #tpu.memory_space<hbm>> -> memref<10240x64xf32, #tpu.memory_space<hbm>>
    tpu.enqueue_indirect_dma source(%dma_start3A_212 : memref<10240x64xf32, #tpu.memory_space<hbm>>) target(%arg20 : memref<128x64xf32, #tpu.memory_space<vmem>>) offsets(%dma_start3A_209 : memref<128xi32, #tpu.memory_space<vmem>>) semaphore(%arg37 : memref<!tpu.dma_semaphore, #tpu.memory_space<semaphore_mem>>)
    %add3A_213 = arith.constant 74 : i32
    %add3A_214 = arith.addi %mul3A_2, %add3A_213 : i32
    %add3A_215 = arith.constant 5 : i32
    %add3A_216 = arith.addi %add3A_214, %add3A_215 : i32
    %dma_start3A_217 = arith.constant 0 : i32
    %dma_start3A_218 = arith.constant 0 : i32
    %dma_start3A_219 = tpu.memref_slice %arg3[%add3A_216, %dma_start3A_217, %dma_start3A_218] : memref<2560x2x128xi32, #tpu.memory_space<hbm>> -> memref<1x2x128xi32, #tpu.memory_space<hbm>>
    %dma_start3A_220 = tpu.memref_squeeze %dma_start3A_219 : memref<1x2x128xi32, #tpu.memory_space<hbm>> -> memref<2x128xi32, #tpu.memory_space<hbm>>
    %dma_start3A_221 = arith.constant 0 : i32
    %dma_start3A_222 = arith.constant 0 : i32
    %dma_start3A_223 = tpu.memref_slice %arg3[%add3A_216, %dma_start3A_221, %dma_start3A_222] : memref<2560x2x128xi32, #tpu.memory_space<hbm>> -> memref<1x2x128xi32, #tpu.memory_space<hbm>>
    %dma_start3A_224 = tpu.memref_squeeze %dma_start3A_223 : memref<1x2x128xi32, #tpu.memory_space<hbm>> -> memref<2x128xi32, #tpu.memory_space<hbm>>
    tpu.enqueue_dma source(%dma_start3A_224 : memref<2x128xi32, #tpu.memory_space<hbm>>) target(%arg13 : memref<2x128xi32, #tpu.memory_space<vmem>>) target_semaphore(%arg30 : memref<!tpu.dma_semaphore, #tpu.memory_space<semaphore_mem>>)
    %dma_wait3A_225 = arith.constant 0 : i32
    %dma_wait3A_226 = arith.constant 0 : i32
    %dma_wait3A_227 = tpu.memref_slice %arg2[%dma_wait3A_225, %dma_wait3A_226] : memref<10240x64xf32, #tpu.memory_space<hbm>> -> memref<128x64xf32, #tpu.memory_space<hbm>>
    %dma_wait3A_228 = arith.constant 0 : i32
    %dma_wait3A_229 = arith.constant 0 : i32
    %dma_wait3A_230 = tpu.memref_slice %arg2[%dma_wait3A_228, %dma_wait3A_229] : memref<10240x64xf32, #tpu.memory_space<hbm>> -> memref<128x64xf32, #tpu.memory_space<hbm>>
    tpu.wait_dma2 semaphore(%arg33 : memref<!tpu.dma_semaphore, #tpu.memory_space<semaphore_mem>>) src(%dma_wait3A_230 : memref<128x64xf32, #tpu.memory_space<hbm>>) dst(%arg16 : memref<128x64xf32, #tpu.memory_space<vmem>>)
    %run_scoped3A_231 = arith.constant 1 : i32
    "tpu.region"() ({
      %run_scoped3A_284 = tpu.sem_alloc : memref<!tpu.dma_semaphore, #tpu.memory_space<semaphore_mem>>
      %dma_start3A_285 = arith.constant 0 : i32
      %dma_start3A_286 = tpu.memref_slice %arg8[%run_scoped3A_231, %dma_start3A_285] : memref<2x128xi32, #tpu.memory_space<vmem>> -> memref<1x128xi32, #tpu.memory_space<vmem>>
      %dma_start3A_287 = tpu.memref_squeeze %dma_start3A_286 : memref<1x128xi32, #tpu.memory_space<vmem>> -> memref<128xi32, #tpu.memory_space<vmem>>
      %dma_start3A_288 = arith.constant 0 : i32
      %dma_start3A_289 = arith.constant 0 : i32
      %dma_start3A_290 = tpu.memref_slice %arg22[%dma_start3A_288, %dma_start3A_289] : memref<10240x64xf32, #tpu.memory_space<vmem_shared>> -> memref<10240x64xf32, #tpu.memory_space<vmem_shared>>
      tpu.enqueue_indirect_dma source(%arg16 : memref<128x64xf32, #tpu.memory_space<vmem>>) target(%dma_start3A_290 : memref<10240x64xf32, #tpu.memory_space<vmem_shared>>) offsets(%dma_start3A_287 : memref<128xi32, #tpu.memory_space<vmem>>) semaphore(%run_scoped3A_284 : memref<!tpu.dma_semaphore, #tpu.memory_space<semaphore_mem>>) {add = true}
      %dma_wait3A_291 = arith.constant 0 : i32
      %dma_wait3A_292 = tpu.memref_slice %arg8[%run_scoped3A_231, %dma_wait3A_291] : memref<2x128xi32, #tpu.memory_space<vmem>> -> memref<1x128xi32, #tpu.memory_space<vmem>>
      %dma_wait3A_293 = tpu.memref_squeeze %dma_wait3A_292 : memref<1x128xi32, #tpu.memory_space<vmem>> -> memref<128xi32, #tpu.memory_space<vmem>>
      %dma_wait3A_294 = arith.constant 0 : i32
      %dma_wait3A_295 = arith.constant 0 : i32
      %dma_wait3A_296 = tpu.memref_slice %arg22[%dma_wait3A_294, %dma_wait3A_295] : memref<10240x64xf32, #tpu.memory_space<vmem_shared>> -> memref<10240x64xf32, #tpu.memory_space<vmem_shared>>
      tpu.wait_indirect_dma semaphore(%run_scoped3A_284 : memref<!tpu.dma_semaphore, #tpu.memory_space<semaphore_mem>>) src(%arg16 : memref<128x64xf32, #tpu.memory_space<vmem>>) dst(%dma_wait3A_296 : memref<10240x64xf32, #tpu.memory_space<vmem_shared>>)
      tpu.yield
    }) : () -> ()
    %dma_wait3A_232 = arith.constant 0 : i32
    %dma_wait3A_233 = arith.constant 0 : i32
    %dma_wait3A_234 = arith.constant 0 : i32
    %dma_wait3A_235 = tpu.memref_slice %arg3[%dma_wait3A_232, %dma_wait3A_233, %dma_wait3A_234] : memref<2560x2x128xi32, #tpu.memory_space<hbm>> -> memref<1x2x128xi32, #tpu.memory_space<hbm>>
    %dma_wait3A_236 = tpu.memref_squeeze %dma_wait3A_235 : memref<1x2x128xi32, #tpu.memory_space<hbm>> -> memref<2x128xi32, #tpu.memory_space<hbm>>
    %dma_wait3A_237 = arith.constant 0 : i32
    %dma_wait3A_238 = arith.constant 0 : i32
    %dma_wait3A_239 = tpu.memref_slice %arg3[%dma_wait3A_232, %dma_wait3A_237, %dma_wait3A_238] : memref<2560x2x128xi32, #tpu.memory_space<hbm>> -> memref<1x2x128xi32, #tpu.memory_space<hbm>>
    %dma_wait3A_240 = tpu.memref_squeeze %dma_wait3A_239 : memref<1x2x128xi32, #tpu.memory_space<hbm>> -> memref<2x128xi32, #tpu.memory_space<hbm>>
    tpu.wait_dma2 semaphore(%arg30 : memref<!tpu.dma_semaphore, #tpu.memory_space<semaphore_mem>>) src(%dma_wait3A_240 : memref<2x128xi32, #tpu.memory_space<hbm>>) dst(%arg13 : memref<2x128xi32, #tpu.memory_space<vmem>>)
    %dma_start3A_241 = arith.constant 0 : i32
    %dma_start3A_242 = arith.constant 0 : i32
    %dma_start3A_243 = tpu.memref_slice %arg13[%dma_start3A_241, %dma_start3A_242] : memref<2x128xi32, #tpu.memory_space<vmem>> -> memref<1x128xi32, #tpu.memory_space<vmem>>
    %dma_start3A_244 = tpu.memref_squeeze %dma_start3A_243 : memref<1x128xi32, #tpu.memory_space<vmem>> -> memref<128xi32, #tpu.memory_space<vmem>>
    %dma_start3A_245 = arith.constant 0 : i32
    %dma_start3A_246 = arith.constant 0 : i32
    %dma_start3A_247 = tpu.memref_slice %arg2[%dma_start3A_245, %dma_start3A_246] : memref<10240x64xf32, #tpu.memory_space<hbm>> -> memref<10240x64xf32, #tpu.memory_space<hbm>>
    tpu.enqueue_indirect_dma source(%dma_start3A_247 : memref<10240x64xf32, #tpu.memory_space<hbm>>) target(%arg21 : memref<128x64xf32, #tpu.memory_space<vmem>>) offsets(%dma_start3A_244 : memref<128xi32, #tpu.memory_space<vmem>>) semaphore(%arg38 : memref<!tpu.dma_semaphore, #tpu.memory_space<semaphore_mem>>)
    %dma_wait3A_248 = arith.constant 0 : i32
    %dma_wait3A_249 = arith.constant 0 : i32
    %dma_wait3A_250 = tpu.memref_slice %arg2[%dma_wait3A_248, %dma_wait3A_249] : memref<10240x64xf32, #tpu.memory_space<hbm>> -> memref<128x64xf32, #tpu.memory_space<hbm>>
    %dma_wait3A_251 = arith.constant 0 : i32
    %dma_wait3A_252 = arith.constant 0 : i32
    %dma_wait3A_253 = tpu.memref_slice %arg2[%dma_wait3A_251, %dma_wait3A_252] : memref<10240x64xf32, #tpu.memory_space<hbm>> -> memref<128x64xf32, #tpu.memory_space<hbm>>
    tpu.wait_dma2 semaphore(%arg34 : memref<!tpu.dma_semaphore, #tpu.memory_space<semaphore_mem>>) src(%dma_wait3A_253 : memref<128x64xf32, #tpu.memory_space<hbm>>) dst(%arg17 : memref<128x64xf32, #tpu.memory_space<vmem>>)
    %run_scoped3A_254 = arith.constant 1 : i32
    "tpu.region"() ({
      %run_scoped3A_284 = tpu.sem_alloc : memref<!tpu.dma_semaphore, #tpu.memory_space<semaphore_mem>>
      %dma_start3A_285 = arith.constant 0 : i32
      %dma_start3A_286 = tpu.memref_slice %arg9[%run_scoped3A_254, %dma_start3A_285] : memref<2x128xi32, #tpu.memory_space<vmem>> -> memref<1x128xi32, #tpu.memory_space<vmem>>
      %dma_start3A_287 = tpu.memref_squeeze %dma_start3A_286 : memref<1x128xi32, #tpu.memory_space<vmem>> -> memref<128xi32, #tpu.memory_space<vmem>>
      %dma_start3A_288 = arith.constant 0 : i32
      %dma_start3A_289 = arith.constant 0 : i32
      %dma_start3A_290 = tpu.memref_slice %arg22[%dma_start3A_288, %dma_start3A_289] : memref<10240x64xf32, #tpu.memory_space<vmem_shared>> -> memref<10240x64xf32, #tpu.memory_space<vmem_shared>>
      tpu.enqueue_indirect_dma source(%arg17 : memref<128x64xf32, #tpu.memory_space<vmem>>) target(%dma_start3A_290 : memref<10240x64xf32, #tpu.memory_space<vmem_shared>>) offsets(%dma_start3A_287 : memref<128xi32, #tpu.memory_space<vmem>>) semaphore(%run_scoped3A_284 : memref<!tpu.dma_semaphore, #tpu.memory_space<semaphore_mem>>) {add = true}
      %dma_wait3A_291 = arith.constant 0 : i32
      %dma_wait3A_292 = tpu.memref_slice %arg9[%run_scoped3A_254, %dma_wait3A_291] : memref<2x128xi32, #tpu.memory_space<vmem>> -> memref<1x128xi32, #tpu.memory_space<vmem>>
      %dma_wait3A_293 = tpu.memref_squeeze %dma_wait3A_292 : memref<1x128xi32, #tpu.memory_space<vmem>> -> memref<128xi32, #tpu.memory_space<vmem>>
      %dma_wait3A_294 = arith.constant 0 : i32
      %dma_wait3A_295 = arith.constant 0 : i32
      %dma_wait3A_296 = tpu.memref_slice %arg22[%dma_wait3A_294, %dma_wait3A_295] : memref<10240x64xf32, #tpu.memory_space<vmem_shared>> -> memref<10240x64xf32, #tpu.memory_space<vmem_shared>>
      tpu.wait_indirect_dma semaphore(%run_scoped3A_284 : memref<!tpu.dma_semaphore, #tpu.memory_space<semaphore_mem>>) src(%arg17 : memref<128x64xf32, #tpu.memory_space<vmem>>) dst(%dma_wait3A_296 : memref<10240x64xf32, #tpu.memory_space<vmem_shared>>)
      tpu.yield
    }) : () -> ()
    %dma_wait3A_255 = arith.constant 0 : i32
    %dma_wait3A_256 = arith.constant 0 : i32
    %dma_wait3A_257 = tpu.memref_slice %arg2[%dma_wait3A_255, %dma_wait3A_256] : memref<10240x64xf32, #tpu.memory_space<hbm>> -> memref<128x64xf32, #tpu.memory_space<hbm>>
    %dma_wait3A_258 = arith.constant 0 : i32
    %dma_wait3A_259 = arith.constant 0 : i32
    %dma_wait3A_260 = tpu.memref_slice %arg2[%dma_wait3A_258, %dma_wait3A_259] : memref<10240x64xf32, #tpu.memory_space<hbm>> -> memref<128x64xf32, #tpu.memory_space<hbm>>
    tpu.wait_dma2 semaphore(%arg35 : memref<!tpu.dma_semaphore, #tpu.memory_space<semaphore_mem>>) src(%dma_wait3A_260 : memref<128x64xf32, #tpu.memory_space<hbm>>) dst(%arg18 : memref<128x64xf32, #tpu.memory_space<vmem>>)
    %run_scoped3A_261 = arith.constant 1 : i32
    "tpu.region"() ({
      %run_scoped3A_284 = tpu.sem_alloc : memref<!tpu.dma_semaphore, #tpu.memory_space<semaphore_mem>>
      %dma_start3A_285 = arith.constant 0 : i32
      %dma_start3A_286 = tpu.memref_slice %arg10[%run_scoped3A_261, %dma_start3A_285] : memref<2x128xi32, #tpu.memory_space<vmem>> -> memref<1x128xi32, #tpu.memory_space<vmem>>
      %dma_start3A_287 = tpu.memref_squeeze %dma_start3A_286 : memref<1x128xi32, #tpu.memory_space<vmem>> -> memref<128xi32, #tpu.memory_space<vmem>>
      %dma_start3A_288 = arith.constant 0 : i32
      %dma_start3A_289 = arith.constant 0 : i32
      %dma_start3A_290 = tpu.memref_slice %arg22[%dma_start3A_288, %dma_start3A_289] : memref<10240x64xf32, #tpu.memory_space<vmem_shared>> -> memref<10240x64xf32, #tpu.memory_space<vmem_shared>>
      tpu.enqueue_indirect_dma source(%arg18 : memref<128x64xf32, #tpu.memory_space<vmem>>) target(%dma_start3A_290 : memref<10240x64xf32, #tpu.memory_space<vmem_shared>>) offsets(%dma_start3A_287 : memref<128xi32, #tpu.memory_space<vmem>>) semaphore(%run_scoped3A_284 : memref<!tpu.dma_semaphore, #tpu.memory_space<semaphore_mem>>) {add = true}
      %dma_wait3A_291 = arith.constant 0 : i32
      %dma_wait3A_292 = tpu.memref_slice %arg10[%run_scoped3A_261, %dma_wait3A_291] : memref<2x128xi32, #tpu.memory_space<vmem>> -> memref<1x128xi32, #tpu.memory_space<vmem>>
      %dma_wait3A_293 = tpu.memref_squeeze %dma_wait3A_292 : memref<1x128xi32, #tpu.memory_space<vmem>> -> memref<128xi32, #tpu.memory_space<vmem>>
      %dma_wait3A_294 = arith.constant 0 : i32
      %dma_wait3A_295 = arith.constant 0 : i32
      %dma_wait3A_296 = tpu.memref_slice %arg22[%dma_wait3A_294, %dma_wait3A_295] : memref<10240x64xf32, #tpu.memory_space<vmem_shared>> -> memref<10240x64xf32, #tpu.memory_space<vmem_shared>>
      tpu.wait_indirect_dma semaphore(%run_scoped3A_284 : memref<!tpu.dma_semaphore, #tpu.memory_space<semaphore_mem>>) src(%arg18 : memref<128x64xf32, #tpu.memory_space<vmem>>) dst(%dma_wait3A_296 : memref<10240x64xf32, #tpu.memory_space<vmem_shared>>)
      tpu.yield
    }) : () -> ()
    %dma_wait3A_262 = arith.constant 0 : i32
    %dma_wait3A_263 = arith.constant 0 : i32
    %dma_wait3A_264 = tpu.memref_slice %arg2[%dma_wait3A_262, %dma_wait3A_263] : memref<10240x64xf32, #tpu.memory_space<hbm>> -> memref<128x64xf32, #tpu.memory_space<hbm>>
    %dma_wait3A_265 = arith.constant 0 : i32
    %dma_wait3A_266 = arith.constant 0 : i32
    %dma_wait3A_267 = tpu.memref_slice %arg2[%dma_wait3A_265, %dma_wait3A_266] : memref<10240x64xf32, #tpu.memory_space<hbm>> -> memref<128x64xf32, #tpu.memory_space<hbm>>
    tpu.wait_dma2 semaphore(%arg36 : memref<!tpu.dma_semaphore, #tpu.memory_space<semaphore_mem>>) src(%dma_wait3A_267 : memref<128x64xf32, #tpu.memory_space<hbm>>) dst(%arg19 : memref<128x64xf32, #tpu.memory_space<vmem>>)
    %run_scoped3A_268 = arith.constant 1 : i32
    "tpu.region"() ({
      %run_scoped3A_284 = tpu.sem_alloc : memref<!tpu.dma_semaphore, #tpu.memory_space<semaphore_mem>>
      %dma_start3A_285 = arith.constant 0 : i32
      %dma_start3A_286 = tpu.memref_slice %arg11[%run_scoped3A_268, %dma_start3A_285] : memref<2x128xi32, #tpu.memory_space<vmem>> -> memref<1x128xi32, #tpu.memory_space<vmem>>
      %dma_start3A_287 = tpu.memref_squeeze %dma_start3A_286 : memref<1x128xi32, #tpu.memory_space<vmem>> -> memref<128xi32, #tpu.memory_space<vmem>>
      %dma_start3A_288 = arith.constant 0 : i32
      %dma_start3A_289 = arith.constant 0 : i32
      %dma_start3A_290 = tpu.memref_slice %arg22[%dma_start3A_288, %dma_start3A_289] : memref<10240x64xf32, #tpu.memory_space<vmem_shared>> -> memref<10240x64xf32, #tpu.memory_space<vmem_shared>>
      tpu.enqueue_indirect_dma source(%arg19 : memref<128x64xf32, #tpu.memory_space<vmem>>) target(%dma_start3A_290 : memref<10240x64xf32, #tpu.memory_space<vmem_shared>>) offsets(%dma_start3A_287 : memref<128xi32, #tpu.memory_space<vmem>>) semaphore(%run_scoped3A_284 : memref<!tpu.dma_semaphore, #tpu.memory_space<semaphore_mem>>) {add = true}
      %dma_wait3A_291 = arith.constant 0 : i32
      %dma_wait3A_292 = tpu.memref_slice %arg11[%run_scoped3A_268, %dma_wait3A_291] : memref<2x128xi32, #tpu.memory_space<vmem>> -> memref<1x128xi32, #tpu.memory_space<vmem>>
      %dma_wait3A_293 = tpu.memref_squeeze %dma_wait3A_292 : memref<1x128xi32, #tpu.memory_space<vmem>> -> memref<128xi32, #tpu.memory_space<vmem>>
      %dma_wait3A_294 = arith.constant 0 : i32
      %dma_wait3A_295 = arith.constant 0 : i32
      %dma_wait3A_296 = tpu.memref_slice %arg22[%dma_wait3A_294, %dma_wait3A_295] : memref<10240x64xf32, #tpu.memory_space<vmem_shared>> -> memref<10240x64xf32, #tpu.memory_space<vmem_shared>>
      tpu.wait_indirect_dma semaphore(%run_scoped3A_284 : memref<!tpu.dma_semaphore, #tpu.memory_space<semaphore_mem>>) src(%arg19 : memref<128x64xf32, #tpu.memory_space<vmem>>) dst(%dma_wait3A_296 : memref<10240x64xf32, #tpu.memory_space<vmem_shared>>)
      tpu.yield
    }) : () -> ()
    %dma_wait3A_269 = arith.constant 0 : i32
    %dma_wait3A_270 = arith.constant 0 : i32
    %dma_wait3A_271 = tpu.memref_slice %arg2[%dma_wait3A_269, %dma_wait3A_270] : memref<10240x64xf32, #tpu.memory_space<hbm>> -> memref<128x64xf32, #tpu.memory_space<hbm>>
    %dma_wait3A_272 = arith.constant 0 : i32
    %dma_wait3A_273 = arith.constant 0 : i32
    %dma_wait3A_274 = tpu.memref_slice %arg2[%dma_wait3A_272, %dma_wait3A_273] : memref<10240x64xf32, #tpu.memory_space<hbm>> -> memref<128x64xf32, #tpu.memory_space<hbm>>
    tpu.wait_dma2 semaphore(%arg37 : memref<!tpu.dma_semaphore, #tpu.memory_space<semaphore_mem>>) src(%dma_wait3A_274 : memref<128x64xf32, #tpu.memory_space<hbm>>) dst(%arg20 : memref<128x64xf32, #tpu.memory_space<vmem>>)
    %run_scoped3A_275 = arith.constant 1 : i32
    "tpu.region"() ({
      %run_scoped3A_284 = tpu.sem_alloc : memref<!tpu.dma_semaphore, #tpu.memory_space<semaphore_mem>>
      %dma_start3A_285 = arith.constant 0 : i32
      %dma_start3A_286 = tpu.memref_slice %arg12[%run_scoped3A_275, %dma_start3A_285] : memref<2x128xi32, #tpu.memory_space<vmem>> -> memref<1x128xi32, #tpu.memory_space<vmem>>
      %dma_start3A_287 = tpu.memref_squeeze %dma_start3A_286 : memref<1x128xi32, #tpu.memory_space<vmem>> -> memref<128xi32, #tpu.memory_space<vmem>>
      %dma_start3A_288 = arith.constant 0 : i32
      %dma_start3A_289 = arith.constant 0 : i32
      %dma_start3A_290 = tpu.memref_slice %arg22[%dma_start3A_288, %dma_start3A_289] : memref<10240x64xf32, #tpu.memory_space<vmem_shared>> -> memref<10240x64xf32, #tpu.memory_space<vmem_shared>>
      tpu.enqueue_indirect_dma source(%arg20 : memref<128x64xf32, #tpu.memory_space<vmem>>) target(%dma_start3A_290 : memref<10240x64xf32, #tpu.memory_space<vmem_shared>>) offsets(%dma_start3A_287 : memref<128xi32, #tpu.memory_space<vmem>>) semaphore(%run_scoped3A_284 : memref<!tpu.dma_semaphore, #tpu.memory_space<semaphore_mem>>) {add = true}
      %dma_wait3A_291 = arith.constant 0 : i32
      %dma_wait3A_292 = tpu.memref_slice %arg12[%run_scoped3A_275, %dma_wait3A_291] : memref<2x128xi32, #tpu.memory_space<vmem>> -> memref<1x128xi32, #tpu.memory_space<vmem>>
      %dma_wait3A_293 = tpu.memref_squeeze %dma_wait3A_292 : memref<1x128xi32, #tpu.memory_space<vmem>> -> memref<128xi32, #tpu.memory_space<vmem>>
      %dma_wait3A_294 = arith.constant 0 : i32
      %dma_wait3A_295 = arith.constant 0 : i32
      %dma_wait3A_296 = tpu.memref_slice %arg22[%dma_wait3A_294, %dma_wait3A_295] : memref<10240x64xf32, #tpu.memory_space<vmem_shared>> -> memref<10240x64xf32, #tpu.memory_space<vmem_shared>>
      tpu.wait_indirect_dma semaphore(%run_scoped3A_284 : memref<!tpu.dma_semaphore, #tpu.memory_space<semaphore_mem>>) src(%arg20 : memref<128x64xf32, #tpu.memory_space<vmem>>) dst(%dma_wait3A_296 : memref<10240x64xf32, #tpu.memory_space<vmem_shared>>)
      tpu.yield
    }) : () -> ()
    %dma_wait3A_276 = arith.constant 0 : i32
    %dma_wait3A_277 = arith.constant 0 : i32
    %dma_wait3A_278 = tpu.memref_slice %arg2[%dma_wait3A_276, %dma_wait3A_277] : memref<10240x64xf32, #tpu.memory_space<hbm>> -> memref<128x64xf32, #tpu.memory_space<hbm>>
    %dma_wait3A_279 = arith.constant 0 : i32
    %dma_wait3A_280 = arith.constant 0 : i32
    %dma_wait3A_281 = tpu.memref_slice %arg2[%dma_wait3A_279, %dma_wait3A_280] : memref<10240x64xf32, #tpu.memory_space<hbm>> -> memref<128x64xf32, #tpu.memory_space<hbm>>
    tpu.wait_dma2 semaphore(%arg38 : memref<!tpu.dma_semaphore, #tpu.memory_space<semaphore_mem>>) src(%dma_wait3A_281 : memref<128x64xf32, #tpu.memory_space<hbm>>) dst(%arg21 : memref<128x64xf32, #tpu.memory_space<vmem>>)
    %run_scoped3A_282 = arith.constant 1 : i32
    "tpu.region"() ({
      %run_scoped3A_284 = tpu.sem_alloc : memref<!tpu.dma_semaphore, #tpu.memory_space<semaphore_mem>>
      %dma_start3A_285 = arith.constant 0 : i32
      %dma_start3A_286 = tpu.memref_slice %arg13[%run_scoped3A_282, %dma_start3A_285] : memref<2x128xi32, #tpu.memory_space<vmem>> -> memref<1x128xi32, #tpu.memory_space<vmem>>
      %dma_start3A_287 = tpu.memref_squeeze %dma_start3A_286 : memref<1x128xi32, #tpu.memory_space<vmem>> -> memref<128xi32, #tpu.memory_space<vmem>>
      %dma_start3A_288 = arith.constant 0 : i32
      %dma_start3A_289 = arith.constant 0 : i32
      %dma_start3A_290 = tpu.memref_slice %arg22[%dma_start3A_288, %dma_start3A_289] : memref<10240x64xf32, #tpu.memory_space<vmem_shared>> -> memref<10240x64xf32, #tpu.memory_space<vmem_shared>>
      tpu.enqueue_indirect_dma source(%arg21 : memref<128x64xf32, #tpu.memory_space<vmem>>) target(%dma_start3A_290 : memref<10240x64xf32, #tpu.memory_space<vmem_shared>>) offsets(%dma_start3A_287 : memref<128xi32, #tpu.memory_space<vmem>>) semaphore(%run_scoped3A_284 : memref<!tpu.dma_semaphore, #tpu.memory_space<semaphore_mem>>) {add = true}
      %dma_wait3A_291 = arith.constant 0 : i32
      %dma_wait3A_292 = tpu.memref_slice %arg13[%run_scoped3A_282, %dma_wait3A_291] : memref<2x128xi32, #tpu.memory_space<vmem>> -> memref<1x128xi32, #tpu.memory_space<vmem>>
      %dma_wait3A_293 = tpu.memref_squeeze %dma_wait3A_292 : memref<1x128xi32, #tpu.memory_space<vmem>> -> memref<128xi32, #tpu.memory_space<vmem>>
      %dma_wait3A_294 = arith.constant 0 : i32
      %dma_wait3A_295 = arith.constant 0 : i32
      %dma_wait3A_296 = tpu.memref_slice %arg22[%dma_wait3A_294, %dma_wait3A_295] : memref<10240x64xf32, #tpu.memory_space<vmem_shared>> -> memref<10240x64xf32, #tpu.memory_space<vmem_shared>>
      tpu.wait_indirect_dma semaphore(%run_scoped3A_284 : memref<!tpu.dma_semaphore, #tpu.memory_space<semaphore_mem>>) src(%arg21 : memref<128x64xf32, #tpu.memory_space<vmem>>) dst(%dma_wait3A_296 : memref<10240x64xf32, #tpu.memory_space<vmem_shared>>)
      tpu.yield
    }) : () -> ()
    %barrier3A_283 = arith.constant 0 : index
    tpu.barrier barrier_id(%barrier3A_283)
    "tpu.region"() ({
      %run_scoped3A_284 = tpu.sem_alloc : memref<!tpu.dma_semaphore, #tpu.memory_space<semaphore_mem>>
      %dma_start3A_285 = arith.constant 0 : i32
      %dma_start3A_286 = tpu.memref_slice %arg5[%arg0, %mul3A_4, %dma_start3A_285] : memref<2x10240x64xf32, #tpu.memory_space<hbm>> -> memref<1x640x64xf32, #tpu.memory_space<hbm>>
      %dma_start3A_287 = tpu.memref_squeeze %dma_start3A_286 : memref<1x640x64xf32, #tpu.memory_space<hbm>> -> memref<640x64xf32, #tpu.memory_space<hbm>>
      %dma_start3A_288 = arith.constant 0 : i32
      %dma_start3A_289 = tpu.memref_slice %arg22[%mul3A_4, %dma_start3A_288] : memref<10240x64xf32, #tpu.memory_space<vmem_shared>> -> memref<640x64xf32, #tpu.memory_space<vmem_shared>>
      tpu.enqueue_dma source(%dma_start3A_289 : memref<640x64xf32, #tpu.memory_space<vmem_shared>>) target(%dma_start3A_287 : memref<640x64xf32, #tpu.memory_space<hbm>>) target_semaphore(%run_scoped3A_284 : memref<!tpu.dma_semaphore, #tpu.memory_space<semaphore_mem>>)
      %dma_wait3A_290 = arith.constant 0 : i32
      %dma_wait3A_291 = tpu.memref_slice %arg5[%arg0, %mul3A_4, %dma_wait3A_290] : memref<2x10240x64xf32, #tpu.memory_space<hbm>> -> memref<1x640x64xf32, #tpu.memory_space<hbm>>
      %dma_wait3A_292 = tpu.memref_squeeze %dma_wait3A_291 : memref<1x640x64xf32, #tpu.memory_space<hbm>> -> memref<640x64xf32, #tpu.memory_space<hbm>>
      %dma_wait3A_293 = arith.constant 0 : i32
      %dma_wait3A_294 = tpu.memref_slice %arg22[%mul3A_4, %dma_wait3A_293] : memref<10240x64xf32, #tpu.memory_space<vmem_shared>> -> memref<640x64xf32, #tpu.memory_space<vmem_shared>>
      tpu.wait_dma2 semaphore(%run_scoped3A_284 : memref<!tpu.dma_semaphore, #tpu.memory_space<semaphore_mem>>) src(%dma_wait3A_294 : memref<640x64xf32, #tpu.memory_space<vmem_shared>>) dst(%dma_wait3A_292 : memref<640x64xf32, #tpu.memory_space<hbm>>)
      tpu.yield
    }) : () -> ()
    return
  }
}

#map = affine_map<(d0, d1) -> (0, 0)>
#map1 = affine_map<(d0, d1) -> (0, 0, 0)>
module attributes {stable_mosaic.version = 14 : i64} {
  func.func @_edge_kernel(%arg0: i32, %arg1: i32, %arg2: memref<10240x64xf32, #tpu.memory_space<hbm>>, %arg3: memref<2560x2x128xi32, #tpu.memory_space<hbm>>, %arg4: memref<10240x64xf32, #tpu.memory_space<hbm>>, %arg5: memref<2x10240x64xf32, #tpu.memory_space<hbm>>, %arg6: memref<2x128xi32, #tpu.memory_space<vmem>>, %arg7: memref<2x128xi32, #tpu.memory_space<vmem>>, %arg8: memref<2x128xi32, #tpu.memory_space<vmem>>, %arg9: memref<2x128xi32, #tpu.memory_space<vmem>>, %arg10: memref<2x128xi32, #tpu.memory_space<vmem>>, %arg11: memref<2x128xi32, #tpu.memory_space<vmem>>, %arg12: memref<2x128xi32, #tpu.memory_space<vmem>>, %arg13: memref<2x128xi32, #tpu.memory_space<vmem>>, %arg14: memref<128x64xf32, #tpu.memory_space<vmem>>, %arg15: memref<128x64xf32, #tpu.memory_space<vmem>>, %arg16: memref<128x64xf32, #tpu.memory_space<vmem>>, %arg17: memref<128x64xf32, #tpu.memory_space<vmem>>, %arg18: memref<128x64xf32, #tpu.memory_space<vmem>>, %arg19: memref<128x64xf32, #tpu.memory_space<vmem>>, %arg20: memref<128x64xf32, #tpu.memory_space<vmem>>, %arg21: memref<128x64xf32, #tpu.memory_space<vmem>>, %arg22: memref<10240x64xf32, #tpu.memory_space<vmem_shared>>, %arg23: memref<!tpu.dma_semaphore, #tpu.memory_space<semaphore_mem>>, %arg24: memref<!tpu.dma_semaphore, #tpu.memory_space<semaphore_mem>>, %arg25: memref<!tpu.dma_semaphore, #tpu.memory_space<semaphore_mem>>, %arg26: memref<!tpu.dma_semaphore, #tpu.memory_space<semaphore_mem>>, %arg27: memref<!tpu.dma_semaphore, #tpu.memory_space<semaphore_mem>>, %arg28: memref<!tpu.dma_semaphore, #tpu.memory_space<semaphore_mem>>, %arg29: memref<!tpu.dma_semaphore, #tpu.memory_space<semaphore_mem>>, %arg30: memref<!tpu.dma_semaphore, #tpu.memory_space<semaphore_mem>>, %arg31: memref<!tpu.dma_semaphore, #tpu.memory_space<semaphore_mem>>, %arg32: memref<!tpu.dma_semaphore, #tpu.memory_space<semaphore_mem>>, %arg33: memref<!tpu.dma_semaphore, #tpu.memory_space<semaphore_mem>>, %arg34: memref<!tpu.dma_semaphore, #tpu.memory_space<semaphore_mem>>, %arg35: memref<!tpu.dma_semaphore, #tpu.memory_space<semaphore_mem>>, %arg36: memref<!tpu.dma_semaphore, #tpu.memory_space<semaphore_mem>>, %arg37: memref<!tpu.dma_semaphore, #tpu.memory_space<semaphore_mem>>, %arg38: memref<!tpu.dma_semaphore, #tpu.memory_space<semaphore_mem>>) attributes {dimension_semantics = [#tpu.dimension_semantics<core_parallel>, #tpu.dimension_semantics<subcore_parallel>], iteration_bounds = array<i64: 2, 16>, scalar_prefetch = 0 : i64, scratch_operands = 33 : i64, tpu.core_type = #tpu.core_type<sc_vector_subcore>, window_params = [{transform_indices = #map}, {transform_indices = #map1}, {transform_indices = #map}, {transform_indices = #map1}]} {
    %mul3A = arith.constant 16 : i32
    %mul3A_0 = arith.muli %arg0, %mul3A : i32
    %add3A = arith.addi %mul3A_0, %arg1 : i32
    %mul3A_1 = arith.constant 80 : i32
    %mul3A_2 = arith.muli %add3A, %mul3A_1 : i32
    %mul3A_3 = arith.constant 640 : i32
    %mul3A_4 = arith.muli %arg1, %mul3A_3 : i32
    %add3A_5 = arith.constant 0 : i32
    %add3A_6 = arith.addi %mul3A_2, %add3A_5 : i32
    %dma_start3A = arith.constant 0 : i32
    %dma_start3A_7 = arith.constant 0 : i32
    %dma_start3A_8 = tpu.memref_slice %arg3[%add3A_6, %dma_start3A, %dma_start3A_7] : memref<2560x2x128xi32, #tpu.memory_space<hbm>> -> memref<1x2x128xi32, #tpu.memory_space<hbm>>
    %dma_start3A_9 = tpu.memref_squeeze %dma_start3A_8 : memref<1x2x128xi32, #tpu.memory_space<hbm>> -> memref<2x128xi32, #tpu.memory_space<hbm>>
    %dma_start3A_10 = arith.constant 0 : i32
    %dma_start3A_11 = arith.constant 0 : i32
    %dma_start3A_12 = tpu.memref_slice %arg3[%add3A_6, %dma_start3A_10, %dma_start3A_11] : memref<2560x2x128xi32, #tpu.memory_space<hbm>> -> memref<1x2x128xi32, #tpu.memory_space<hbm>>
    %dma_start3A_13 = tpu.memref_squeeze %dma_start3A_12 : memref<1x2x128xi32, #tpu.memory_space<hbm>> -> memref<2x128xi32, #tpu.memory_space<hbm>>
    tpu.enqueue_dma source(%dma_start3A_13 : memref<2x128xi32, #tpu.memory_space<hbm>>) target(%arg6 : memref<2x128xi32, #tpu.memory_space<vmem>>) target_semaphore(%arg23 : memref<!tpu.dma_semaphore, #tpu.memory_space<semaphore_mem>>)
    %add3A_14 = arith.constant 1 : i32
    %add3A_15 = arith.addi %mul3A_2, %add3A_14 : i32
    %dma_start3A_16 = arith.constant 0 : i32
    %dma_start3A_17 = arith.constant 0 : i32
    %dma_start3A_18 = tpu.memref_slice %arg3[%add3A_15, %dma_start3A_16, %dma_start3A_17] : memref<2560x2x128xi32, #tpu.memory_space<hbm>> -> memref<1x2x128xi32, #tpu.memory_space<hbm>>
    %dma_start3A_19 = tpu.memref_squeeze %dma_start3A_18 : memref<1x2x128xi32, #tpu.memory_space<hbm>> -> memref<2x128xi32, #tpu.memory_space<hbm>>
    %dma_start3A_20 = arith.constant 0 : i32
    %dma_start3A_21 = arith.constant 0 : i32
    %dma_start3A_22 = tpu.memref_slice %arg3[%add3A_15, %dma_start3A_20, %dma_start3A_21] : memref<2560x2x128xi32, #tpu.memory_space<hbm>> -> memref<1x2x128xi32, #tpu.memory_space<hbm>>
    %dma_start3A_23 = tpu.memref_squeeze %dma_start3A_22 : memref<1x2x128xi32, #tpu.memory_space<hbm>> -> memref<2x128xi32, #tpu.memory_space<hbm>>
    tpu.enqueue_dma source(%dma_start3A_23 : memref<2x128xi32, #tpu.memory_space<hbm>>) target(%arg7 : memref<2x128xi32, #tpu.memory_space<vmem>>) target_semaphore(%arg24 : memref<!tpu.dma_semaphore, #tpu.memory_space<semaphore_mem>>)
    %add3A_24 = arith.constant 2 : i32
    %add3A_25 = arith.addi %mul3A_2, %add3A_24 : i32
    %dma_start3A_26 = arith.constant 0 : i32
    %dma_start3A_27 = arith.constant 0 : i32
    %dma_start3A_28 = tpu.memref_slice %arg3[%add3A_25, %dma_start3A_26, %dma_start3A_27] : memref<2560x2x128xi32, #tpu.memory_space<hbm>> -> memref<1x2x128xi32, #tpu.memory_space<hbm>>
    %dma_start3A_29 = tpu.memref_squeeze %dma_start3A_28 : memref<1x2x128xi32, #tpu.memory_space<hbm>> -> memref<2x128xi32, #tpu.memory_space<hbm>>
    %dma_start3A_30 = arith.constant 0 : i32
    %dma_start3A_31 = arith.constant 0 : i32
    %dma_start3A_32 = tpu.memref_slice %arg3[%add3A_25, %dma_start3A_30, %dma_start3A_31] : memref<2560x2x128xi32, #tpu.memory_space<hbm>> -> memref<1x2x128xi32, #tpu.memory_space<hbm>>
    %dma_start3A_33 = tpu.memref_squeeze %dma_start3A_32 : memref<1x2x128xi32, #tpu.memory_space<hbm>> -> memref<2x128xi32, #tpu.memory_space<hbm>>
    tpu.enqueue_dma source(%dma_start3A_33 : memref<2x128xi32, #tpu.memory_space<hbm>>) target(%arg8 : memref<2x128xi32, #tpu.memory_space<vmem>>) target_semaphore(%arg25 : memref<!tpu.dma_semaphore, #tpu.memory_space<semaphore_mem>>)
    %add3A_34 = arith.constant 3 : i32
    %add3A_35 = arith.addi %mul3A_2, %add3A_34 : i32
    %dma_start3A_36 = arith.constant 0 : i32
    %dma_start3A_37 = arith.constant 0 : i32
    %dma_start3A_38 = tpu.memref_slice %arg3[%add3A_35, %dma_start3A_36, %dma_start3A_37] : memref<2560x2x128xi32, #tpu.memory_space<hbm>> -> memref<1x2x128xi32, #tpu.memory_space<hbm>>
    %dma_start3A_39 = tpu.memref_squeeze %dma_start3A_38 : memref<1x2x128xi32, #tpu.memory_space<hbm>> -> memref<2x128xi32, #tpu.memory_space<hbm>>
    %dma_start3A_40 = arith.constant 0 : i32
    %dma_start3A_41 = arith.constant 0 : i32
    %dma_start3A_42 = tpu.memref_slice %arg3[%add3A_35, %dma_start3A_40, %dma_start3A_41] : memref<2560x2x128xi32, #tpu.memory_space<hbm>> -> memref<1x2x128xi32, #tpu.memory_space<hbm>>
    %dma_start3A_43 = tpu.memref_squeeze %dma_start3A_42 : memref<1x2x128xi32, #tpu.memory_space<hbm>> -> memref<2x128xi32, #tpu.memory_space<hbm>>
    tpu.enqueue_dma source(%dma_start3A_43 : memref<2x128xi32, #tpu.memory_space<hbm>>) target(%arg9 : memref<2x128xi32, #tpu.memory_space<vmem>>) target_semaphore(%arg26 : memref<!tpu.dma_semaphore, #tpu.memory_space<semaphore_mem>>)
    %add3A_44 = arith.constant 4 : i32
    %add3A_45 = arith.addi %mul3A_2, %add3A_44 : i32
    %dma_start3A_46 = arith.constant 0 : i32
    %dma_start3A_47 = arith.constant 0 : i32
    %dma_start3A_48 = tpu.memref_slice %arg3[%add3A_45, %dma_start3A_46, %dma_start3A_47] : memref<2560x2x128xi32, #tpu.memory_space<hbm>> -> memref<1x2x128xi32, #tpu.memory_space<hbm>>
    %dma_start3A_49 = tpu.memref_squeeze %dma_start3A_48 : memref<1x2x128xi32, #tpu.memory_space<hbm>> -> memref<2x128xi32, #tpu.memory_space<hbm>>
    %dma_start3A_50 = arith.constant 0 : i32
    %dma_start3A_51 = arith.constant 0 : i32
    %dma_start3A_52 = tpu.memref_slice %arg3[%add3A_45, %dma_start3A_50, %dma_start3A_51] : memref<2560x2x128xi32, #tpu.memory_space<hbm>> -> memref<1x2x128xi32, #tpu.memory_space<hbm>>
    %dma_start3A_53 = tpu.memref_squeeze %dma_start3A_52 : memref<1x2x128xi32, #tpu.memory_space<hbm>> -> memref<2x128xi32, #tpu.memory_space<hbm>>
    tpu.enqueue_dma source(%dma_start3A_53 : memref<2x128xi32, #tpu.memory_space<hbm>>) target(%arg10 : memref<2x128xi32, #tpu.memory_space<vmem>>) target_semaphore(%arg27 : memref<!tpu.dma_semaphore, #tpu.memory_space<semaphore_mem>>)
    %eq3A = arith.constant 0 : i32
    %eq3A_54 = arith.cmpi eq, %arg0, %eq3A : i32
    %convert_element_type3A = arith.extui %eq3A_54 : i1 to i32
    %cond3A = arith.constant 0 : i32
    %cond3A_55 = arith.cmpi ne, %convert_element_type3A, %cond3A : i32
    scf.if %cond3A_55 {
      "tpu.region"() ({
        %run_scoped3A_284 = tpu.sem_alloc : memref<!tpu.dma_semaphore, #tpu.memory_space<semaphore_mem>>
        %dma_start3A_285 = arith.constant 0 : i32
        %dma_start3A_286 = tpu.memref_slice %arg22[%mul3A_4, %dma_start3A_285] : memref<10240x64xf32, #tpu.memory_space<vmem_shared>> -> memref<640x64xf32, #tpu.memory_space<vmem_shared>>
        %dma_start3A_287 = arith.constant 0 : i32
        %dma_start3A_288 = tpu.memref_slice %arg2[%mul3A_4, %dma_start3A_287] : memref<10240x64xf32, #tpu.memory_space<hbm>> -> memref<640x64xf32, #tpu.memory_space<hbm>>
        tpu.enqueue_dma source(%dma_start3A_288 : memref<640x64xf32, #tpu.memory_space<hbm>>) target(%dma_start3A_286 : memref<640x64xf32, #tpu.memory_space<vmem_shared>>) target_semaphore(%run_scoped3A_284 : memref<!tpu.dma_semaphore, #tpu.memory_space<semaphore_mem>>)
        %dma_wait3A_289 = arith.constant 0 : i32
        %dma_wait3A_290 = tpu.memref_slice %arg22[%mul3A_4, %dma_wait3A_289] : memref<10240x64xf32, #tpu.memory_space<vmem_shared>> -> memref<640x64xf32, #tpu.memory_space<vmem_shared>>
        %dma_wait3A_291 = arith.constant 0 : i32
        %dma_wait3A_292 = tpu.memref_slice %arg2[%mul3A_4, %dma_wait3A_291] : memref<10240x64xf32, #tpu.memory_space<hbm>> -> memref<640x64xf32, #tpu.memory_space<hbm>>
        tpu.wait_dma2 semaphore(%run_scoped3A_284 : memref<!tpu.dma_semaphore, #tpu.memory_space<semaphore_mem>>) src(%dma_wait3A_292 : memref<640x64xf32, #tpu.memory_space<hbm>>) dst(%dma_wait3A_290 : memref<640x64xf32, #tpu.memory_space<vmem_shared>>)
        tpu.yield
      }) : () -> ()
    } else {
    }
    %ne3A = arith.constant 0 : i32
    %ne3A_56 = arith.cmpi ne, %arg0, %ne3A : i32
    %convert_element_type3A_57 = arith.extui %ne3A_56 : i1 to i32
    %cond3A_58 = arith.constant 0 : i32
    %cond3A_59 = arith.cmpi ne, %convert_element_type3A_57, %cond3A_58 : i32
    scf.if %cond3A_59 {
      "tpu.region"() ({
        %run_scoped3A_284 = tpu.sem_alloc : memref<!tpu.dma_semaphore, #tpu.memory_space<semaphore_mem>>
        %dma_start3A_285 = arith.constant 0 : i32
        %dma_start3A_286 = tpu.memref_slice %arg22[%mul3A_4, %dma_start3A_285] : memref<10240x64xf32, #tpu.memory_space<vmem_shared>> -> memref<640x64xf32, #tpu.memory_space<vmem_shared>>
        %dma_start3A_287 = arith.constant 0 : i32
        %dma_start3A_288 = tpu.memref_slice %arg4[%mul3A_4, %dma_start3A_287] : memref<10240x64xf32, #tpu.memory_space<hbm>> -> memref<640x64xf32, #tpu.memory_space<hbm>>
        tpu.enqueue_dma source(%dma_start3A_288 : memref<640x64xf32, #tpu.memory_space<hbm>>) target(%dma_start3A_286 : memref<640x64xf32, #tpu.memory_space<vmem_shared>>) target_semaphore(%run_scoped3A_284 : memref<!tpu.dma_semaphore, #tpu.memory_space<semaphore_mem>>)
        %dma_wait3A_289 = arith.constant 0 : i32
        %dma_wait3A_290 = tpu.memref_slice %arg22[%mul3A_4, %dma_wait3A_289] : memref<10240x64xf32, #tpu.memory_space<vmem_shared>> -> memref<640x64xf32, #tpu.memory_space<vmem_shared>>
        %dma_wait3A_291 = arith.constant 0 : i32
        %dma_wait3A_292 = tpu.memref_slice %arg4[%mul3A_4, %dma_wait3A_291] : memref<10240x64xf32, #tpu.memory_space<hbm>> -> memref<640x64xf32, #tpu.memory_space<hbm>>
        tpu.wait_dma2 semaphore(%run_scoped3A_284 : memref<!tpu.dma_semaphore, #tpu.memory_space<semaphore_mem>>) src(%dma_wait3A_292 : memref<640x64xf32, #tpu.memory_space<hbm>>) dst(%dma_wait3A_290 : memref<640x64xf32, #tpu.memory_space<vmem_shared>>)
        tpu.yield
      }) : () -> ()
    } else {
    }
    %dma_wait3A = arith.constant 0 : i32
    %dma_wait3A_60 = arith.constant 0 : i32
    %dma_wait3A_61 = arith.constant 0 : i32
    %dma_wait3A_62 = tpu.memref_slice %arg3[%dma_wait3A, %dma_wait3A_60, %dma_wait3A_61] : memref<2560x2x128xi32, #tpu.memory_space<hbm>> -> memref<1x2x128xi32, #tpu.memory_space<hbm>>
    %dma_wait3A_63 = tpu.memref_squeeze %dma_wait3A_62 : memref<1x2x128xi32, #tpu.memory_space<hbm>> -> memref<2x128xi32, #tpu.memory_space<hbm>>
    %dma_wait3A_64 = arith.constant 0 : i32
    %dma_wait3A_65 = arith.constant 0 : i32
    %dma_wait3A_66 = tpu.memref_slice %arg3[%dma_wait3A, %dma_wait3A_64, %dma_wait3A_65] : memref<2560x2x128xi32, #tpu.memory_space<hbm>> -> memref<1x2x128xi32, #tpu.memory_space<hbm>>
    %dma_wait3A_67 = tpu.memref_squeeze %dma_wait3A_66 : memref<1x2x128xi32, #tpu.memory_space<hbm>> -> memref<2x128xi32, #tpu.memory_space<hbm>>
    tpu.wait_dma2 semaphore(%arg23 : memref<!tpu.dma_semaphore, #tpu.memory_space<semaphore_mem>>) src(%dma_wait3A_67 : memref<2x128xi32, #tpu.memory_space<hbm>>) dst(%arg6 : memref<2x128xi32, #tpu.memory_space<vmem>>)
    %dma_start3A_68 = arith.constant 0 : i32
    %dma_start3A_69 = arith.constant 0 : i32
    %dma_start3A_70 = tpu.memref_slice %arg6[%dma_start3A_68, %dma_start3A_69] : memref<2x128xi32, #tpu.memory_space<vmem>> -> memref<1x128xi32, #tpu.memory_space<vmem>>
    %dma_start3A_71 = tpu.memref_squeeze %dma_start3A_70 : memref<1x128xi32, #tpu.memory_space<vmem>> -> memref<128xi32, #tpu.memory_space<vmem>>
    %dma_start3A_72 = arith.constant 0 : i32
    %dma_start3A_73 = arith.constant 0 : i32
    %dma_start3A_74 = tpu.memref_slice %arg2[%dma_start3A_72, %dma_start3A_73] : memref<10240x64xf32, #tpu.memory_space<hbm>> -> memref<10240x64xf32, #tpu.memory_space<hbm>>
    tpu.enqueue_indirect_dma source(%dma_start3A_74 : memref<10240x64xf32, #tpu.memory_space<hbm>>) target(%arg14 : memref<128x64xf32, #tpu.memory_space<vmem>>) offsets(%dma_start3A_71 : memref<128xi32, #tpu.memory_space<vmem>>) semaphore(%arg31 : memref<!tpu.dma_semaphore, #tpu.memory_space<semaphore_mem>>)
    %dma_wait3A_75 = arith.constant 0 : i32
    %dma_wait3A_76 = arith.constant 0 : i32
    %dma_wait3A_77 = arith.constant 0 : i32
    %dma_wait3A_78 = tpu.memref_slice %arg3[%dma_wait3A_75, %dma_wait3A_76, %dma_wait3A_77] : memref<2560x2x128xi32, #tpu.memory_space<hbm>> -> memref<1x2x128xi32, #tpu.memory_space<hbm>>
    %dma_wait3A_79 = tpu.memref_squeeze %dma_wait3A_78 : memref<1x2x128xi32, #tpu.memory_space<hbm>> -> memref<2x128xi32, #tpu.memory_space<hbm>>
    %dma_wait3A_80 = arith.constant 0 : i32
    %dma_wait3A_81 = arith.constant 0 : i32
    %dma_wait3A_82 = tpu.memref_slice %arg3[%dma_wait3A_75, %dma_wait3A_80, %dma_wait3A_81] : memref<2560x2x128xi32, #tpu.memory_space<hbm>> -> memref<1x2x128xi32, #tpu.memory_space<hbm>>
    %dma_wait3A_83 = tpu.memref_squeeze %dma_wait3A_82 : memref<1x2x128xi32, #tpu.memory_space<hbm>> -> memref<2x128xi32, #tpu.memory_space<hbm>>
    tpu.wait_dma2 semaphore(%arg24 : memref<!tpu.dma_semaphore, #tpu.memory_space<semaphore_mem>>) src(%dma_wait3A_83 : memref<2x128xi32, #tpu.memory_space<hbm>>) dst(%arg7 : memref<2x128xi32, #tpu.memory_space<vmem>>)
    %dma_start3A_84 = arith.constant 0 : i32
    %dma_start3A_85 = arith.constant 0 : i32
    %dma_start3A_86 = tpu.memref_slice %arg7[%dma_start3A_84, %dma_start3A_85] : memref<2x128xi32, #tpu.memory_space<vmem>> -> memref<1x128xi32, #tpu.memory_space<vmem>>
    %dma_start3A_87 = tpu.memref_squeeze %dma_start3A_86 : memref<1x128xi32, #tpu.memory_space<vmem>> -> memref<128xi32, #tpu.memory_space<vmem>>
    %dma_start3A_88 = arith.constant 0 : i32
    %dma_start3A_89 = arith.constant 0 : i32
    %dma_start3A_90 = tpu.memref_slice %arg2[%dma_start3A_88, %dma_start3A_89] : memref<10240x64xf32, #tpu.memory_space<hbm>> -> memref<10240x64xf32, #tpu.memory_space<hbm>>
    tpu.enqueue_indirect_dma source(%dma_start3A_90 : memref<10240x64xf32, #tpu.memory_space<hbm>>) target(%arg15 : memref<128x64xf32, #tpu.memory_space<vmem>>) offsets(%dma_start3A_87 : memref<128xi32, #tpu.memory_space<vmem>>) semaphore(%arg32 : memref<!tpu.dma_semaphore, #tpu.memory_space<semaphore_mem>>)
    %dma_wait3A_91 = arith.constant 0 : i32
    %dma_wait3A_92 = arith.constant 0 : i32
    %dma_wait3A_93 = arith.constant 0 : i32
    %dma_wait3A_94 = tpu.memref_slice %arg3[%dma_wait3A_91, %dma_wait3A_92, %dma_wait3A_93] : memref<2560x2x128xi32, #tpu.memory_space<hbm>> -> memref<1x2x128xi32, #tpu.memory_space<hbm>>
    %dma_wait3A_95 = tpu.memref_squeeze %dma_wait3A_94 : memref<1x2x128xi32, #tpu.memory_space<hbm>> -> memref<2x128xi32, #tpu.memory_space<hbm>>
    %dma_wait3A_96 = arith.constant 0 : i32
    %dma_wait3A_97 = arith.constant 0 : i32
    %dma_wait3A_98 = tpu.memref_slice %arg3[%dma_wait3A_91, %dma_wait3A_96, %dma_wait3A_97] : memref<2560x2x128xi32, #tpu.memory_space<hbm>> -> memref<1x2x128xi32, #tpu.memory_space<hbm>>
    %dma_wait3A_99 = tpu.memref_squeeze %dma_wait3A_98 : memref<1x2x128xi32, #tpu.memory_space<hbm>> -> memref<2x128xi32, #tpu.memory_space<hbm>>
    tpu.wait_dma2 semaphore(%arg25 : memref<!tpu.dma_semaphore, #tpu.memory_space<semaphore_mem>>) src(%dma_wait3A_99 : memref<2x128xi32, #tpu.memory_space<hbm>>) dst(%arg8 : memref<2x128xi32, #tpu.memory_space<vmem>>)
    %dma_start3A_100 = arith.constant 0 : i32
    %dma_start3A_101 = arith.constant 0 : i32
    %dma_start3A_102 = tpu.memref_slice %arg8[%dma_start3A_100, %dma_start3A_101] : memref<2x128xi32, #tpu.memory_space<vmem>> -> memref<1x128xi32, #tpu.memory_space<vmem>>
    %dma_start3A_103 = tpu.memref_squeeze %dma_start3A_102 : memref<1x128xi32, #tpu.memory_space<vmem>> -> memref<128xi32, #tpu.memory_space<vmem>>
    %dma_start3A_104 = arith.constant 0 : i32
    %dma_start3A_105 = arith.constant 0 : i32
    %dma_start3A_106 = tpu.memref_slice %arg2[%dma_start3A_104, %dma_start3A_105] : memref<10240x64xf32, #tpu.memory_space<hbm>> -> memref<10240x64xf32, #tpu.memory_space<hbm>>
    tpu.enqueue_indirect_dma source(%dma_start3A_106 : memref<10240x64xf32, #tpu.memory_space<hbm>>) target(%arg16 : memref<128x64xf32, #tpu.memory_space<vmem>>) offsets(%dma_start3A_103 : memref<128xi32, #tpu.memory_space<vmem>>) semaphore(%arg33 : memref<!tpu.dma_semaphore, #tpu.memory_space<semaphore_mem>>)
    %dma_wait3A_107 = arith.constant 0 : i32
    %dma_wait3A_108 = arith.constant 0 : i32
    %dma_wait3A_109 = arith.constant 0 : i32
    %dma_wait3A_110 = tpu.memref_slice %arg3[%dma_wait3A_107, %dma_wait3A_108, %dma_wait3A_109] : memref<2560x2x128xi32, #tpu.memory_space<hbm>> -> memref<1x2x128xi32, #tpu.memory_space<hbm>>
    %dma_wait3A_111 = tpu.memref_squeeze %dma_wait3A_110 : memref<1x2x128xi32, #tpu.memory_space<hbm>> -> memref<2x128xi32, #tpu.memory_space<hbm>>
    %dma_wait3A_112 = arith.constant 0 : i32
    %dma_wait3A_113 = arith.constant 0 : i32
    %dma_wait3A_114 = tpu.memref_slice %arg3[%dma_wait3A_107, %dma_wait3A_112, %dma_wait3A_113] : memref<2560x2x128xi32, #tpu.memory_space<hbm>> -> memref<1x2x128xi32, #tpu.memory_space<hbm>>
    %dma_wait3A_115 = tpu.memref_squeeze %dma_wait3A_114 : memref<1x2x128xi32, #tpu.memory_space<hbm>> -> memref<2x128xi32, #tpu.memory_space<hbm>>
    tpu.wait_dma2 semaphore(%arg26 : memref<!tpu.dma_semaphore, #tpu.memory_space<semaphore_mem>>) src(%dma_wait3A_115 : memref<2x128xi32, #tpu.memory_space<hbm>>) dst(%arg9 : memref<2x128xi32, #tpu.memory_space<vmem>>)
    %dma_start3A_116 = arith.constant 0 : i32
    %dma_start3A_117 = arith.constant 0 : i32
    %dma_start3A_118 = tpu.memref_slice %arg9[%dma_start3A_116, %dma_start3A_117] : memref<2x128xi32, #tpu.memory_space<vmem>> -> memref<1x128xi32, #tpu.memory_space<vmem>>
    %dma_start3A_119 = tpu.memref_squeeze %dma_start3A_118 : memref<1x128xi32, #tpu.memory_space<vmem>> -> memref<128xi32, #tpu.memory_space<vmem>>
    %dma_start3A_120 = arith.constant 0 : i32
    %dma_start3A_121 = arith.constant 0 : i32
    %dma_start3A_122 = tpu.memref_slice %arg2[%dma_start3A_120, %dma_start3A_121] : memref<10240x64xf32, #tpu.memory_space<hbm>> -> memref<10240x64xf32, #tpu.memory_space<hbm>>
    tpu.enqueue_indirect_dma source(%dma_start3A_122 : memref<10240x64xf32, #tpu.memory_space<hbm>>) target(%arg17 : memref<128x64xf32, #tpu.memory_space<vmem>>) offsets(%dma_start3A_119 : memref<128xi32, #tpu.memory_space<vmem>>) semaphore(%arg34 : memref<!tpu.dma_semaphore, #tpu.memory_space<semaphore_mem>>)
    %barrier3A = arith.constant 0 : index
    tpu.barrier barrier_id(%barrier3A)
    %scan3A = arith.constant 0 : i32
    %scan3A_123 = arith.constant 0 : i32
    %scan3A_124 = arith.constant 9 : i32
    %scan3A_125 = arith.addi %scan3A_123, %scan3A_124 : i32
    %scan3A_126 = arith.constant 1 : i32
    scf.for %scan3A_284 = %scan3A_123 to %scan3A_125 step %scan3A_126  : i32 {
      %mul3A_285 = arith.constant 8 : i32
      %mul3A_286 = arith.muli %scan3A_284, %mul3A_285 : i32
      %dma_wait3A_287 = arith.constant 0 : i32
      %dma_wait3A_288 = arith.constant 0 : i32
      %dma_wait3A_289 = arith.constant 0 : i32
      %dma_wait3A_290 = tpu.memref_slice %arg3[%dma_wait3A_287, %dma_wait3A_288, %dma_wait3A_289] : memref<2560x2x128xi32, #tpu.memory_space<hbm>> -> memref<1x2x128xi32, #tpu.memory_space<hbm>>
      %dma_wait3A_291 = tpu.memref_squeeze %dma_wait3A_290 : memref<1x2x128xi32, #tpu.memory_space<hbm>> -> memref<2x128xi32, #tpu.memory_space<hbm>>
      %dma_wait3A_292 = arith.constant 0 : i32
      %dma_wait3A_293 = arith.constant 0 : i32
      %dma_wait3A_294 = tpu.memref_slice %arg3[%dma_wait3A_287, %dma_wait3A_292, %dma_wait3A_293] : memref<2560x2x128xi32, #tpu.memory_space<hbm>> -> memref<1x2x128xi32, #tpu.memory_space<hbm>>
      %dma_wait3A_295 = tpu.memref_squeeze %dma_wait3A_294 : memref<1x2x128xi32, #tpu.memory_space<hbm>> -> memref<2x128xi32, #tpu.memory_space<hbm>>
      tpu.wait_dma2 semaphore(%arg27 : memref<!tpu.dma_semaphore, #tpu.memory_space<semaphore_mem>>) src(%dma_wait3A_295 : memref<2x128xi32, #tpu.memory_space<hbm>>) dst(%arg10 : memref<2x128xi32, #tpu.memory_space<vmem>>)
      %dma_start3A_296 = arith.constant 0 : i32
      %dma_start3A_297 = arith.constant 0 : i32
      %dma_start3A_298 = tpu.memref_slice %arg10[%dma_start3A_296, %dma_start3A_297] : memref<2x128xi32, #tpu.memory_space<vmem>> -> memref<1x128xi32, #tpu.memory_space<vmem>>
      %dma_start3A_299 = tpu.memref_squeeze %dma_start3A_298 : memref<1x128xi32, #tpu.memory_space<vmem>> -> memref<128xi32, #tpu.memory_space<vmem>>
      %dma_start3A_300 = arith.constant 0 : i32
      %dma_start3A_301 = arith.constant 0 : i32
      %dma_start3A_302 = tpu.memref_slice %arg2[%dma_start3A_300, %dma_start3A_301] : memref<10240x64xf32, #tpu.memory_space<hbm>> -> memref<10240x64xf32, #tpu.memory_space<hbm>>
      tpu.enqueue_indirect_dma source(%dma_start3A_302 : memref<10240x64xf32, #tpu.memory_space<hbm>>) target(%arg18 : memref<128x64xf32, #tpu.memory_space<vmem>>) offsets(%dma_start3A_299 : memref<128xi32, #tpu.memory_space<vmem>>) semaphore(%arg35 : memref<!tpu.dma_semaphore, #tpu.memory_space<semaphore_mem>>)
      %add3A_303 = arith.addi %mul3A_2, %mul3A_286 : i32
      %add3A_304 = arith.constant 0 : i32
      %add3A_305 = arith.addi %add3A_303, %add3A_304 : i32
      %add3A_306 = arith.constant 5 : i32
      %add3A_307 = arith.addi %add3A_305, %add3A_306 : i32
      %dma_start3A_308 = arith.constant 0 : i32
      %dma_start3A_309 = arith.constant 0 : i32
      %dma_start3A_310 = tpu.memref_slice %arg3[%add3A_307, %dma_start3A_308, %dma_start3A_309] : memref<2560x2x128xi32, #tpu.memory_space<hbm>> -> memref<1x2x128xi32, #tpu.memory_space<hbm>>
      %dma_start3A_311 = tpu.memref_squeeze %dma_start3A_310 : memref<1x2x128xi32, #tpu.memory_space<hbm>> -> memref<2x128xi32, #tpu.memory_space<hbm>>
      %dma_start3A_312 = arith.constant 0 : i32
      %dma_start3A_313 = arith.constant 0 : i32
      %dma_start3A_314 = tpu.memref_slice %arg3[%add3A_307, %dma_start3A_312, %dma_start3A_313] : memref<2560x2x128xi32, #tpu.memory_space<hbm>> -> memref<1x2x128xi32, #tpu.memory_space<hbm>>
      %dma_start3A_315 = tpu.memref_squeeze %dma_start3A_314 : memref<1x2x128xi32, #tpu.memory_space<hbm>> -> memref<2x128xi32, #tpu.memory_space<hbm>>
      tpu.enqueue_dma source(%dma_start3A_315 : memref<2x128xi32, #tpu.memory_space<hbm>>) target(%arg11 : memref<2x128xi32, #tpu.memory_space<vmem>>) target_semaphore(%arg28 : memref<!tpu.dma_semaphore, #tpu.memory_space<semaphore_mem>>)
      %dma_wait3A_316 = arith.constant 0 : i32
      %dma_wait3A_317 = arith.constant 0 : i32
      %dma_wait3A_318 = tpu.memref_slice %arg2[%dma_wait3A_316, %dma_wait3A_317] : memref<10240x64xf32, #tpu.memory_space<hbm>> -> memref<128x64xf32, #tpu.memory_space<hbm>>
      %dma_wait3A_319 = arith.constant 0 : i32
      %dma_wait3A_320 = arith.constant 0 : i32
      %dma_wait3A_321 = tpu.memref_slice %arg2[%dma_wait3A_319, %dma_wait3A_320] : memref<10240x64xf32, #tpu.memory_space<hbm>> -> memref<128x64xf32, #tpu.memory_space<hbm>>
      tpu.wait_dma2 semaphore(%arg31 : memref<!tpu.dma_semaphore, #tpu.memory_space<semaphore_mem>>) src(%dma_wait3A_321 : memref<128x64xf32, #tpu.memory_space<hbm>>) dst(%arg14 : memref<128x64xf32, #tpu.memory_space<vmem>>)
      %run_scoped3A_322 = arith.constant 1 : i32
      "tpu.region"() ({
        %run_scoped3A_575 = tpu.sem_alloc : memref<!tpu.dma_semaphore, #tpu.memory_space<semaphore_mem>>
        %dma_start3A_576 = arith.constant 0 : i32
        %dma_start3A_577 = tpu.memref_slice %arg6[%run_scoped3A_322, %dma_start3A_576] : memref<2x128xi32, #tpu.memory_space<vmem>> -> memref<1x128xi32, #tpu.memory_space<vmem>>
        %dma_start3A_578 = tpu.memref_squeeze %dma_start3A_577 : memref<1x128xi32, #tpu.memory_space<vmem>> -> memref<128xi32, #tpu.memory_space<vmem>>
        %dma_start3A_579 = arith.constant 0 : i32
        %dma_start3A_580 = arith.constant 0 : i32
        %dma_start3A_581 = tpu.memref_slice %arg22[%dma_start3A_579, %dma_start3A_580] : memref<10240x64xf32, #tpu.memory_space<vmem_shared>> -> memref<10240x64xf32, #tpu.memory_space<vmem_shared>>
        tpu.enqueue_indirect_dma source(%arg14 : memref<128x64xf32, #tpu.memory_space<vmem>>) target(%dma_start3A_581 : memref<10240x64xf32, #tpu.memory_space<vmem_shared>>) offsets(%dma_start3A_578 : memref<128xi32, #tpu.memory_space<vmem>>) semaphore(%run_scoped3A_575 : memref<!tpu.dma_semaphore, #tpu.memory_space<semaphore_mem>>) {add = true}
        %dma_wait3A_582 = arith.constant 0 : i32
        %dma_wait3A_583 = tpu.memref_slice %arg6[%run_scoped3A_322, %dma_wait3A_582] : memref<2x128xi32, #tpu.memory_space<vmem>> -> memref<1x128xi32, #tpu.memory_space<vmem>>
        %dma_wait3A_584 = tpu.memref_squeeze %dma_wait3A_583 : memref<1x128xi32, #tpu.memory_space<vmem>> -> memref<128xi32, #tpu.memory_space<vmem>>
        %dma_wait3A_585 = arith.constant 0 : i32
        %dma_wait3A_586 = arith.constant 0 : i32
        %dma_wait3A_587 = tpu.memref_slice %arg22[%dma_wait3A_585, %dma_wait3A_586] : memref<10240x64xf32, #tpu.memory_space<vmem_shared>> -> memref<10240x64xf32, #tpu.memory_space<vmem_shared>>
        tpu.wait_indirect_dma semaphore(%run_scoped3A_575 : memref<!tpu.dma_semaphore, #tpu.memory_space<semaphore_mem>>) src(%arg14 : memref<128x64xf32, #tpu.memory_space<vmem>>) dst(%dma_wait3A_587 : memref<10240x64xf32, #tpu.memory_space<vmem_shared>>)
        tpu.yield
      }) : () -> ()
      %dma_wait3A_323 = arith.constant 0 : i32
      %dma_wait3A_324 = arith.constant 0 : i32
      %dma_wait3A_325 = arith.constant 0 : i32
      %dma_wait3A_326 = tpu.memref_slice %arg3[%dma_wait3A_323, %dma_wait3A_324, %dma_wait3A_325] : memref<2560x2x128xi32, #tpu.memory_space<hbm>> -> memref<1x2x128xi32, #tpu.memory_space<hbm>>
      %dma_wait3A_327 = tpu.memref_squeeze %dma_wait3A_326 : memref<1x2x128xi32, #tpu.memory_space<hbm>> -> memref<2x128xi32, #tpu.memory_space<hbm>>
      %dma_wait3A_328 = arith.constant 0 : i32
      %dma_wait3A_329 = arith.constant 0 : i32
      %dma_wait3A_330 = tpu.memref_slice %arg3[%dma_wait3A_323, %dma_wait3A_328, %dma_wait3A_329] : memref<2560x2x128xi32, #tpu.memory_space<hbm>> -> memref<1x2x128xi32, #tpu.memory_space<hbm>>
      %dma_wait3A_331 = tpu.memref_squeeze %dma_wait3A_330 : memref<1x2x128xi32, #tpu.memory_space<hbm>> -> memref<2x128xi32, #tpu.memory_space<hbm>>
      tpu.wait_dma2 semaphore(%arg28 : memref<!tpu.dma_semaphore, #tpu.memory_space<semaphore_mem>>) src(%dma_wait3A_331 : memref<2x128xi32, #tpu.memory_space<hbm>>) dst(%arg11 : memref<2x128xi32, #tpu.memory_space<vmem>>)
      %dma_start3A_332 = arith.constant 0 : i32
      %dma_start3A_333 = arith.constant 0 : i32
      %dma_start3A_334 = tpu.memref_slice %arg11[%dma_start3A_332, %dma_start3A_333] : memref<2x128xi32, #tpu.memory_space<vmem>> -> memref<1x128xi32, #tpu.memory_space<vmem>>
      %dma_start3A_335 = tpu.memref_squeeze %dma_start3A_334 : memref<1x128xi32, #tpu.memory_space<vmem>> -> memref<128xi32, #tpu.memory_space<vmem>>
      %dma_start3A_336 = arith.constant 0 : i32
      %dma_start3A_337 = arith.constant 0 : i32
      %dma_start3A_338 = tpu.memref_slice %arg2[%dma_start3A_336, %dma_start3A_337] : memref<10240x64xf32, #tpu.memory_space<hbm>> -> memref<10240x64xf32, #tpu.memory_space<hbm>>
      tpu.enqueue_indirect_dma source(%dma_start3A_338 : memref<10240x64xf32, #tpu.memory_space<hbm>>) target(%arg19 : memref<128x64xf32, #tpu.memory_space<vmem>>) offsets(%dma_start3A_335 : memref<128xi32, #tpu.memory_space<vmem>>) semaphore(%arg36 : memref<!tpu.dma_semaphore, #tpu.memory_space<semaphore_mem>>)
      %add3A_339 = arith.addi %mul3A_2, %mul3A_286 : i32
      %add3A_340 = arith.constant 1 : i32
      %add3A_341 = arith.addi %add3A_339, %add3A_340 : i32
      %add3A_342 = arith.constant 5 : i32
      %add3A_343 = arith.addi %add3A_341, %add3A_342 : i32
      %dma_start3A_344 = arith.constant 0 : i32
      %dma_start3A_345 = arith.constant 0 : i32
      %dma_start3A_346 = tpu.memref_slice %arg3[%add3A_343, %dma_start3A_344, %dma_start3A_345] : memref<2560x2x128xi32, #tpu.memory_space<hbm>> -> memref<1x2x128xi32, #tpu.memory_space<hbm>>
      %dma_start3A_347 = tpu.memref_squeeze %dma_start3A_346 : memref<1x2x128xi32, #tpu.memory_space<hbm>> -> memref<2x128xi32, #tpu.memory_space<hbm>>
      %dma_start3A_348 = arith.constant 0 : i32
      %dma_start3A_349 = arith.constant 0 : i32
      %dma_start3A_350 = tpu.memref_slice %arg3[%add3A_343, %dma_start3A_348, %dma_start3A_349] : memref<2560x2x128xi32, #tpu.memory_space<hbm>> -> memref<1x2x128xi32, #tpu.memory_space<hbm>>
      %dma_start3A_351 = tpu.memref_squeeze %dma_start3A_350 : memref<1x2x128xi32, #tpu.memory_space<hbm>> -> memref<2x128xi32, #tpu.memory_space<hbm>>
      tpu.enqueue_dma source(%dma_start3A_351 : memref<2x128xi32, #tpu.memory_space<hbm>>) target(%arg12 : memref<2x128xi32, #tpu.memory_space<vmem>>) target_semaphore(%arg29 : memref<!tpu.dma_semaphore, #tpu.memory_space<semaphore_mem>>)
      %dma_wait3A_352 = arith.constant 0 : i32
      %dma_wait3A_353 = arith.constant 0 : i32
      %dma_wait3A_354 = tpu.memref_slice %arg2[%dma_wait3A_352, %dma_wait3A_353] : memref<10240x64xf32, #tpu.memory_space<hbm>> -> memref<128x64xf32, #tpu.memory_space<hbm>>
      %dma_wait3A_355 = arith.constant 0 : i32
      %dma_wait3A_356 = arith.constant 0 : i32
      %dma_wait3A_357 = tpu.memref_slice %arg2[%dma_wait3A_355, %dma_wait3A_356] : memref<10240x64xf32, #tpu.memory_space<hbm>> -> memref<128x64xf32, #tpu.memory_space<hbm>>
      tpu.wait_dma2 semaphore(%arg32 : memref<!tpu.dma_semaphore, #tpu.memory_space<semaphore_mem>>) src(%dma_wait3A_357 : memref<128x64xf32, #tpu.memory_space<hbm>>) dst(%arg15 : memref<128x64xf32, #tpu.memory_space<vmem>>)
      %run_scoped3A_358 = arith.constant 1 : i32
      "tpu.region"() ({
        %run_scoped3A_575 = tpu.sem_alloc : memref<!tpu.dma_semaphore, #tpu.memory_space<semaphore_mem>>
        %dma_start3A_576 = arith.constant 0 : i32
        %dma_start3A_577 = tpu.memref_slice %arg7[%run_scoped3A_358, %dma_start3A_576] : memref<2x128xi32, #tpu.memory_space<vmem>> -> memref<1x128xi32, #tpu.memory_space<vmem>>
        %dma_start3A_578 = tpu.memref_squeeze %dma_start3A_577 : memref<1x128xi32, #tpu.memory_space<vmem>> -> memref<128xi32, #tpu.memory_space<vmem>>
        %dma_start3A_579 = arith.constant 0 : i32
        %dma_start3A_580 = arith.constant 0 : i32
        %dma_start3A_581 = tpu.memref_slice %arg22[%dma_start3A_579, %dma_start3A_580] : memref<10240x64xf32, #tpu.memory_space<vmem_shared>> -> memref<10240x64xf32, #tpu.memory_space<vmem_shared>>
        tpu.enqueue_indirect_dma source(%arg15 : memref<128x64xf32, #tpu.memory_space<vmem>>) target(%dma_start3A_581 : memref<10240x64xf32, #tpu.memory_space<vmem_shared>>) offsets(%dma_start3A_578 : memref<128xi32, #tpu.memory_space<vmem>>) semaphore(%run_scoped3A_575 : memref<!tpu.dma_semaphore, #tpu.memory_space<semaphore_mem>>) {add = true}
        %dma_wait3A_582 = arith.constant 0 : i32
        %dma_wait3A_583 = tpu.memref_slice %arg7[%run_scoped3A_358, %dma_wait3A_582] : memref<2x128xi32, #tpu.memory_space<vmem>> -> memref<1x128xi32, #tpu.memory_space<vmem>>
        %dma_wait3A_584 = tpu.memref_squeeze %dma_wait3A_583 : memref<1x128xi32, #tpu.memory_space<vmem>> -> memref<128xi32, #tpu.memory_space<vmem>>
        %dma_wait3A_585 = arith.constant 0 : i32
        %dma_wait3A_586 = arith.constant 0 : i32
        %dma_wait3A_587 = tpu.memref_slice %arg22[%dma_wait3A_585, %dma_wait3A_586] : memref<10240x64xf32, #tpu.memory_space<vmem_shared>> -> memref<10240x64xf32, #tpu.memory_space<vmem_shared>>
        tpu.wait_indirect_dma semaphore(%run_scoped3A_575 : memref<!tpu.dma_semaphore, #tpu.memory_space<semaphore_mem>>) src(%arg15 : memref<128x64xf32, #tpu.memory_space<vmem>>) dst(%dma_wait3A_587 : memref<10240x64xf32, #tpu.memory_space<vmem_shared>>)
        tpu.yield
      }) : () -> ()
      %dma_wait3A_359 = arith.constant 0 : i32
      %dma_wait3A_360 = arith.constant 0 : i32
      %dma_wait3A_361 = arith.constant 0 : i32
      %dma_wait3A_362 = tpu.memref_slice %arg3[%dma_wait3A_359, %dma_wait3A_360, %dma_wait3A_361] : memref<2560x2x128xi32, #tpu.memory_space<hbm>> -> memref<1x2x128xi32, #tpu.memory_space<hbm>>
      %dma_wait3A_363 = tpu.memref_squeeze %dma_wait3A_362 : memref<1x2x128xi32, #tpu.memory_space<hbm>> -> memref<2x128xi32, #tpu.memory_space<hbm>>
      %dma_wait3A_364 = arith.constant 0 : i32
      %dma_wait3A_365 = arith.constant 0 : i32
      %dma_wait3A_366 = tpu.memref_slice %arg3[%dma_wait3A_359, %dma_wait3A_364, %dma_wait3A_365] : memref<2560x2x128xi32, #tpu.memory_space<hbm>> -> memref<1x2x128xi32, #tpu.memory_space<hbm>>
      %dma_wait3A_367 = tpu.memref_squeeze %dma_wait3A_366 : memref<1x2x128xi32, #tpu.memory_space<hbm>> -> memref<2x128xi32, #tpu.memory_space<hbm>>
      tpu.wait_dma2 semaphore(%arg29 : memref<!tpu.dma_semaphore, #tpu.memory_space<semaphore_mem>>) src(%dma_wait3A_367 : memref<2x128xi32, #tpu.memory_space<hbm>>) dst(%arg12 : memref<2x128xi32, #tpu.memory_space<vmem>>)
      %dma_start3A_368 = arith.constant 0 : i32
      %dma_start3A_369 = arith.constant 0 : i32
      %dma_start3A_370 = tpu.memref_slice %arg12[%dma_start3A_368, %dma_start3A_369] : memref<2x128xi32, #tpu.memory_space<vmem>> -> memref<1x128xi32, #tpu.memory_space<vmem>>
      %dma_start3A_371 = tpu.memref_squeeze %dma_start3A_370 : memref<1x128xi32, #tpu.memory_space<vmem>> -> memref<128xi32, #tpu.memory_space<vmem>>
      %dma_start3A_372 = arith.constant 0 : i32
      %dma_start3A_373 = arith.constant 0 : i32
      %dma_start3A_374 = tpu.memref_slice %arg2[%dma_start3A_372, %dma_start3A_373] : memref<10240x64xf32, #tpu.memory_space<hbm>> -> memref<10240x64xf32, #tpu.memory_space<hbm>>
      tpu.enqueue_indirect_dma source(%dma_start3A_374 : memref<10240x64xf32, #tpu.memory_space<hbm>>) target(%arg20 : memref<128x64xf32, #tpu.memory_space<vmem>>) offsets(%dma_start3A_371 : memref<128xi32, #tpu.memory_space<vmem>>) semaphore(%arg37 : memref<!tpu.dma_semaphore, #tpu.memory_space<semaphore_mem>>)
      %add3A_375 = arith.addi %mul3A_2, %mul3A_286 : i32
      %add3A_376 = arith.constant 2 : i32
      %add3A_377 = arith.addi %add3A_375, %add3A_376 : i32
      %add3A_378 = arith.constant 5 : i32
      %add3A_379 = arith.addi %add3A_377, %add3A_378 : i32
      %dma_start3A_380 = arith.constant 0 : i32
      %dma_start3A_381 = arith.constant 0 : i32
      %dma_start3A_382 = tpu.memref_slice %arg3[%add3A_379, %dma_start3A_380, %dma_start3A_381] : memref<2560x2x128xi32, #tpu.memory_space<hbm>> -> memref<1x2x128xi32, #tpu.memory_space<hbm>>
      %dma_start3A_383 = tpu.memref_squeeze %dma_start3A_382 : memref<1x2x128xi32, #tpu.memory_space<hbm>> -> memref<2x128xi32, #tpu.memory_space<hbm>>
      %dma_start3A_384 = arith.constant 0 : i32
      %dma_start3A_385 = arith.constant 0 : i32
      %dma_start3A_386 = tpu.memref_slice %arg3[%add3A_379, %dma_start3A_384, %dma_start3A_385] : memref<2560x2x128xi32, #tpu.memory_space<hbm>> -> memref<1x2x128xi32, #tpu.memory_space<hbm>>
      %dma_start3A_387 = tpu.memref_squeeze %dma_start3A_386 : memref<1x2x128xi32, #tpu.memory_space<hbm>> -> memref<2x128xi32, #tpu.memory_space<hbm>>
      tpu.enqueue_dma source(%dma_start3A_387 : memref<2x128xi32, #tpu.memory_space<hbm>>) target(%arg13 : memref<2x128xi32, #tpu.memory_space<vmem>>) target_semaphore(%arg30 : memref<!tpu.dma_semaphore, #tpu.memory_space<semaphore_mem>>)
      %dma_wait3A_388 = arith.constant 0 : i32
      %dma_wait3A_389 = arith.constant 0 : i32
      %dma_wait3A_390 = tpu.memref_slice %arg2[%dma_wait3A_388, %dma_wait3A_389] : memref<10240x64xf32, #tpu.memory_space<hbm>> -> memref<128x64xf32, #tpu.memory_space<hbm>>
      %dma_wait3A_391 = arith.constant 0 : i32
      %dma_wait3A_392 = arith.constant 0 : i32
      %dma_wait3A_393 = tpu.memref_slice %arg2[%dma_wait3A_391, %dma_wait3A_392] : memref<10240x64xf32, #tpu.memory_space<hbm>> -> memref<128x64xf32, #tpu.memory_space<hbm>>
      tpu.wait_dma2 semaphore(%arg33 : memref<!tpu.dma_semaphore, #tpu.memory_space<semaphore_mem>>) src(%dma_wait3A_393 : memref<128x64xf32, #tpu.memory_space<hbm>>) dst(%arg16 : memref<128x64xf32, #tpu.memory_space<vmem>>)
      %run_scoped3A_394 = arith.constant 1 : i32
      "tpu.region"() ({
        %run_scoped3A_575 = tpu.sem_alloc : memref<!tpu.dma_semaphore, #tpu.memory_space<semaphore_mem>>
        %dma_start3A_576 = arith.constant 0 : i32
        %dma_start3A_577 = tpu.memref_slice %arg8[%run_scoped3A_394, %dma_start3A_576] : memref<2x128xi32, #tpu.memory_space<vmem>> -> memref<1x128xi32, #tpu.memory_space<vmem>>
        %dma_start3A_578 = tpu.memref_squeeze %dma_start3A_577 : memref<1x128xi32, #tpu.memory_space<vmem>> -> memref<128xi32, #tpu.memory_space<vmem>>
        %dma_start3A_579 = arith.constant 0 : i32
        %dma_start3A_580 = arith.constant 0 : i32
        %dma_start3A_581 = tpu.memref_slice %arg22[%dma_start3A_579, %dma_start3A_580] : memref<10240x64xf32, #tpu.memory_space<vmem_shared>> -> memref<10240x64xf32, #tpu.memory_space<vmem_shared>>
        tpu.enqueue_indirect_dma source(%arg16 : memref<128x64xf32, #tpu.memory_space<vmem>>) target(%dma_start3A_581 : memref<10240x64xf32, #tpu.memory_space<vmem_shared>>) offsets(%dma_start3A_578 : memref<128xi32, #tpu.memory_space<vmem>>) semaphore(%run_scoped3A_575 : memref<!tpu.dma_semaphore, #tpu.memory_space<semaphore_mem>>) {add = true}
        %dma_wait3A_582 = arith.constant 0 : i32
        %dma_wait3A_583 = tpu.memref_slice %arg8[%run_scoped3A_394, %dma_wait3A_582] : memref<2x128xi32, #tpu.memory_space<vmem>> -> memref<1x128xi32, #tpu.memory_space<vmem>>
        %dma_wait3A_584 = tpu.memref_squeeze %dma_wait3A_583 : memref<1x128xi32, #tpu.memory_space<vmem>> -> memref<128xi32, #tpu.memory_space<vmem>>
        %dma_wait3A_585 = arith.constant 0 : i32
        %dma_wait3A_586 = arith.constant 0 : i32
        %dma_wait3A_587 = tpu.memref_slice %arg22[%dma_wait3A_585, %dma_wait3A_586] : memref<10240x64xf32, #tpu.memory_space<vmem_shared>> -> memref<10240x64xf32, #tpu.memory_space<vmem_shared>>
        tpu.wait_indirect_dma semaphore(%run_scoped3A_575 : memref<!tpu.dma_semaphore, #tpu.memory_space<semaphore_mem>>) src(%arg16 : memref<128x64xf32, #tpu.memory_space<vmem>>) dst(%dma_wait3A_587 : memref<10240x64xf32, #tpu.memory_space<vmem_shared>>)
        tpu.yield
      }) : () -> ()
      %dma_wait3A_395 = arith.constant 0 : i32
      %dma_wait3A_396 = arith.constant 0 : i32
      %dma_wait3A_397 = arith.constant 0 : i32
      %dma_wait3A_398 = tpu.memref_slice %arg3[%dma_wait3A_395, %dma_wait3A_396, %dma_wait3A_397] : memref<2560x2x128xi32, #tpu.memory_space<hbm>> -> memref<1x2x128xi32, #tpu.memory_space<hbm>>
      %dma_wait3A_399 = tpu.memref_squeeze %dma_wait3A_398 : memref<1x2x128xi32, #tpu.memory_space<hbm>> -> memref<2x128xi32, #tpu.memory_space<hbm>>
      %dma_wait3A_400 = arith.constant 0 : i32
      %dma_wait3A_401 = arith.constant 0 : i32
      %dma_wait3A_402 = tpu.memref_slice %arg3[%dma_wait3A_395, %dma_wait3A_400, %dma_wait3A_401] : memref<2560x2x128xi32, #tpu.memory_space<hbm>> -> memref<1x2x128xi32, #tpu.memory_space<hbm>>
      %dma_wait3A_403 = tpu.memref_squeeze %dma_wait3A_402 : memref<1x2x128xi32, #tpu.memory_space<hbm>> -> memref<2x128xi32, #tpu.memory_space<hbm>>
      tpu.wait_dma2 semaphore(%arg30 : memref<!tpu.dma_semaphore, #tpu.memory_space<semaphore_mem>>) src(%dma_wait3A_403 : memref<2x128xi32, #tpu.memory_space<hbm>>) dst(%arg13 : memref<2x128xi32, #tpu.memory_space<vmem>>)
      %dma_start3A_404 = arith.constant 0 : i32
      %dma_start3A_405 = arith.constant 0 : i32
      %dma_start3A_406 = tpu.memref_slice %arg13[%dma_start3A_404, %dma_start3A_405] : memref<2x128xi32, #tpu.memory_space<vmem>> -> memref<1x128xi32, #tpu.memory_space<vmem>>
      %dma_start3A_407 = tpu.memref_squeeze %dma_start3A_406 : memref<1x128xi32, #tpu.memory_space<vmem>> -> memref<128xi32, #tpu.memory_space<vmem>>
      %dma_start3A_408 = arith.constant 0 : i32
      %dma_start3A_409 = arith.constant 0 : i32
      %dma_start3A_410 = tpu.memref_slice %arg2[%dma_start3A_408, %dma_start3A_409] : memref<10240x64xf32, #tpu.memory_space<hbm>> -> memref<10240x64xf32, #tpu.memory_space<hbm>>
      tpu.enqueue_indirect_dma source(%dma_start3A_410 : memref<10240x64xf32, #tpu.memory_space<hbm>>) target(%arg21 : memref<128x64xf32, #tpu.memory_space<vmem>>) offsets(%dma_start3A_407 : memref<128xi32, #tpu.memory_space<vmem>>) semaphore(%arg38 : memref<!tpu.dma_semaphore, #tpu.memory_space<semaphore_mem>>)
      %add3A_411 = arith.addi %mul3A_2, %mul3A_286 : i32
      %add3A_412 = arith.constant 3 : i32
      %add3A_413 = arith.addi %add3A_411, %add3A_412 : i32
      %add3A_414 = arith.constant 5 : i32
      %add3A_415 = arith.addi %add3A_413, %add3A_414 : i32
      %dma_start3A_416 = arith.constant 0 : i32
      %dma_start3A_417 = arith.constant 0 : i32
      %dma_start3A_418 = tpu.memref_slice %arg3[%add3A_415, %dma_start3A_416, %dma_start3A_417] : memref<2560x2x128xi32, #tpu.memory_space<hbm>> -> memref<1x2x128xi32, #tpu.memory_space<hbm>>
      %dma_start3A_419 = tpu.memref_squeeze %dma_start3A_418 : memref<1x2x128xi32, #tpu.memory_space<hbm>> -> memref<2x128xi32, #tpu.memory_space<hbm>>
      %dma_start3A_420 = arith.constant 0 : i32
      %dma_start3A_421 = arith.constant 0 : i32
      %dma_start3A_422 = tpu.memref_slice %arg3[%add3A_415, %dma_start3A_420, %dma_start3A_421] : memref<2560x2x128xi32, #tpu.memory_space<hbm>> -> memref<1x2x128xi32, #tpu.memory_space<hbm>>
      %dma_start3A_423 = tpu.memref_squeeze %dma_start3A_422 : memref<1x2x128xi32, #tpu.memory_space<hbm>> -> memref<2x128xi32, #tpu.memory_space<hbm>>
      tpu.enqueue_dma source(%dma_start3A_423 : memref<2x128xi32, #tpu.memory_space<hbm>>) target(%arg6 : memref<2x128xi32, #tpu.memory_space<vmem>>) target_semaphore(%arg23 : memref<!tpu.dma_semaphore, #tpu.memory_space<semaphore_mem>>)
      %dma_wait3A_424 = arith.constant 0 : i32
      %dma_wait3A_425 = arith.constant 0 : i32
      %dma_wait3A_426 = tpu.memref_slice %arg2[%dma_wait3A_424, %dma_wait3A_425] : memref<10240x64xf32, #tpu.memory_space<hbm>> -> memref<128x64xf32, #tpu.memory_space<hbm>>
      %dma_wait3A_427 = arith.constant 0 : i32
      %dma_wait3A_428 = arith.constant 0 : i32
      %dma_wait3A_429 = tpu.memref_slice %arg2[%dma_wait3A_427, %dma_wait3A_428] : memref<10240x64xf32, #tpu.memory_space<hbm>> -> memref<128x64xf32, #tpu.memory_space<hbm>>
      tpu.wait_dma2 semaphore(%arg34 : memref<!tpu.dma_semaphore, #tpu.memory_space<semaphore_mem>>) src(%dma_wait3A_429 : memref<128x64xf32, #tpu.memory_space<hbm>>) dst(%arg17 : memref<128x64xf32, #tpu.memory_space<vmem>>)
      %run_scoped3A_430 = arith.constant 1 : i32
      "tpu.region"() ({
        %run_scoped3A_575 = tpu.sem_alloc : memref<!tpu.dma_semaphore, #tpu.memory_space<semaphore_mem>>
        %dma_start3A_576 = arith.constant 0 : i32
        %dma_start3A_577 = tpu.memref_slice %arg9[%run_scoped3A_430, %dma_start3A_576] : memref<2x128xi32, #tpu.memory_space<vmem>> -> memref<1x128xi32, #tpu.memory_space<vmem>>
        %dma_start3A_578 = tpu.memref_squeeze %dma_start3A_577 : memref<1x128xi32, #tpu.memory_space<vmem>> -> memref<128xi32, #tpu.memory_space<vmem>>
        %dma_start3A_579 = arith.constant 0 : i32
        %dma_start3A_580 = arith.constant 0 : i32
        %dma_start3A_581 = tpu.memref_slice %arg22[%dma_start3A_579, %dma_start3A_580] : memref<10240x64xf32, #tpu.memory_space<vmem_shared>> -> memref<10240x64xf32, #tpu.memory_space<vmem_shared>>
        tpu.enqueue_indirect_dma source(%arg17 : memref<128x64xf32, #tpu.memory_space<vmem>>) target(%dma_start3A_581 : memref<10240x64xf32, #tpu.memory_space<vmem_shared>>) offsets(%dma_start3A_578 : memref<128xi32, #tpu.memory_space<vmem>>) semaphore(%run_scoped3A_575 : memref<!tpu.dma_semaphore, #tpu.memory_space<semaphore_mem>>) {add = true}
        %dma_wait3A_582 = arith.constant 0 : i32
        %dma_wait3A_583 = tpu.memref_slice %arg9[%run_scoped3A_430, %dma_wait3A_582] : memref<2x128xi32, #tpu.memory_space<vmem>> -> memref<1x128xi32, #tpu.memory_space<vmem>>
        %dma_wait3A_584 = tpu.memref_squeeze %dma_wait3A_583 : memref<1x128xi32, #tpu.memory_space<vmem>> -> memref<128xi32, #tpu.memory_space<vmem>>
        %dma_wait3A_585 = arith.constant 0 : i32
        %dma_wait3A_586 = arith.constant 0 : i32
        %dma_wait3A_587 = tpu.memref_slice %arg22[%dma_wait3A_585, %dma_wait3A_586] : memref<10240x64xf32, #tpu.memory_space<vmem_shared>> -> memref<10240x64xf32, #tpu.memory_space<vmem_shared>>
        tpu.wait_indirect_dma semaphore(%run_scoped3A_575 : memref<!tpu.dma_semaphore, #tpu.memory_space<semaphore_mem>>) src(%arg17 : memref<128x64xf32, #tpu.memory_space<vmem>>) dst(%dma_wait3A_587 : memref<10240x64xf32, #tpu.memory_space<vmem_shared>>)
        tpu.yield
      }) : () -> ()
      %dma_wait3A_431 = arith.constant 0 : i32
      %dma_wait3A_432 = arith.constant 0 : i32
      %dma_wait3A_433 = arith.constant 0 : i32
      %dma_wait3A_434 = tpu.memref_slice %arg3[%dma_wait3A_431, %dma_wait3A_432, %dma_wait3A_433] : memref<2560x2x128xi32, #tpu.memory_space<hbm>> -> memref<1x2x128xi32, #tpu.memory_space<hbm>>
      %dma_wait3A_435 = tpu.memref_squeeze %dma_wait3A_434 : memref<1x2x128xi32, #tpu.memory_space<hbm>> -> memref<2x128xi32, #tpu.memory_space<hbm>>
      %dma_wait3A_436 = arith.constant 0 : i32
      %dma_wait3A_437 = arith.constant 0 : i32
      %dma_wait3A_438 = tpu.memref_slice %arg3[%dma_wait3A_431, %dma_wait3A_436, %dma_wait3A_437] : memref<2560x2x128xi32, #tpu.memory_space<hbm>> -> memref<1x2x128xi32, #tpu.memory_space<hbm>>
      %dma_wait3A_439 = tpu.memref_squeeze %dma_wait3A_438 : memref<1x2x128xi32, #tpu.memory_space<hbm>> -> memref<2x128xi32, #tpu.memory_space<hbm>>
      tpu.wait_dma2 semaphore(%arg23 : memref<!tpu.dma_semaphore, #tpu.memory_space<semaphore_mem>>) src(%dma_wait3A_439 : memref<2x128xi32, #tpu.memory_space<hbm>>) dst(%arg6 : memref<2x128xi32, #tpu.memory_space<vmem>>)
      %dma_start3A_440 = arith.constant 0 : i32
      %dma_start3A_441 = arith.constant 0 : i32
      %dma_start3A_442 = tpu.memref_slice %arg6[%dma_start3A_440, %dma_start3A_441] : memref<2x128xi32, #tpu.memory_space<vmem>> -> memref<1x128xi32, #tpu.memory_space<vmem>>
      %dma_start3A_443 = tpu.memref_squeeze %dma_start3A_442 : memref<1x128xi32, #tpu.memory_space<vmem>> -> memref<128xi32, #tpu.memory_space<vmem>>
      %dma_start3A_444 = arith.constant 0 : i32
      %dma_start3A_445 = arith.constant 0 : i32
      %dma_start3A_446 = tpu.memref_slice %arg2[%dma_start3A_444, %dma_start3A_445] : memref<10240x64xf32, #tpu.memory_space<hbm>> -> memref<10240x64xf32, #tpu.memory_space<hbm>>
      tpu.enqueue_indirect_dma source(%dma_start3A_446 : memref<10240x64xf32, #tpu.memory_space<hbm>>) target(%arg14 : memref<128x64xf32, #tpu.memory_space<vmem>>) offsets(%dma_start3A_443 : memref<128xi32, #tpu.memory_space<vmem>>) semaphore(%arg31 : memref<!tpu.dma_semaphore, #tpu.memory_space<semaphore_mem>>)
      %add3A_447 = arith.addi %mul3A_2, %mul3A_286 : i32
      %add3A_448 = arith.constant 4 : i32
      %add3A_449 = arith.addi %add3A_447, %add3A_448 : i32
      %add3A_450 = arith.constant 5 : i32
      %add3A_451 = arith.addi %add3A_449, %add3A_450 : i32
      %dma_start3A_452 = arith.constant 0 : i32
      %dma_start3A_453 = arith.constant 0 : i32
      %dma_start3A_454 = tpu.memref_slice %arg3[%add3A_451, %dma_start3A_452, %dma_start3A_453] : memref<2560x2x128xi32, #tpu.memory_space<hbm>> -> memref<1x2x128xi32, #tpu.memory_space<hbm>>
      %dma_start3A_455 = tpu.memref_squeeze %dma_start3A_454 : memref<1x2x128xi32, #tpu.memory_space<hbm>> -> memref<2x128xi32, #tpu.memory_space<hbm>>
      %dma_start3A_456 = arith.constant 0 : i32
      %dma_start3A_457 = arith.constant 0 : i32
      %dma_start3A_458 = tpu.memref_slice %arg3[%add3A_451, %dma_start3A_456, %dma_start3A_457] : memref<2560x2x128xi32, #tpu.memory_space<hbm>> -> memref<1x2x128xi32, #tpu.memory_space<hbm>>
      %dma_start3A_459 = tpu.memref_squeeze %dma_start3A_458 : memref<1x2x128xi32, #tpu.memory_space<hbm>> -> memref<2x128xi32, #tpu.memory_space<hbm>>
      tpu.enqueue_dma source(%dma_start3A_459 : memref<2x128xi32, #tpu.memory_space<hbm>>) target(%arg7 : memref<2x128xi32, #tpu.memory_space<vmem>>) target_semaphore(%arg24 : memref<!tpu.dma_semaphore, #tpu.memory_space<semaphore_mem>>)
      %dma_wait3A_460 = arith.constant 0 : i32
      %dma_wait3A_461 = arith.constant 0 : i32
      %dma_wait3A_462 = tpu.memref_slice %arg2[%dma_wait3A_460, %dma_wait3A_461] : memref<10240x64xf32, #tpu.memory_space<hbm>> -> memref<128x64xf32, #tpu.memory_space<hbm>>
      %dma_wait3A_463 = arith.constant 0 : i32
      %dma_wait3A_464 = arith.constant 0 : i32
      %dma_wait3A_465 = tpu.memref_slice %arg2[%dma_wait3A_463, %dma_wait3A_464] : memref<10240x64xf32, #tpu.memory_space<hbm>> -> memref<128x64xf32, #tpu.memory_space<hbm>>
      tpu.wait_dma2 semaphore(%arg35 : memref<!tpu.dma_semaphore, #tpu.memory_space<semaphore_mem>>) src(%dma_wait3A_465 : memref<128x64xf32, #tpu.memory_space<hbm>>) dst(%arg18 : memref<128x64xf32, #tpu.memory_space<vmem>>)
      %run_scoped3A_466 = arith.constant 1 : i32
      "tpu.region"() ({
        %run_scoped3A_575 = tpu.sem_alloc : memref<!tpu.dma_semaphore, #tpu.memory_space<semaphore_mem>>
        %dma_start3A_576 = arith.constant 0 : i32
        %dma_start3A_577 = tpu.memref_slice %arg10[%run_scoped3A_466, %dma_start3A_576] : memref<2x128xi32, #tpu.memory_space<vmem>> -> memref<1x128xi32, #tpu.memory_space<vmem>>
        %dma_start3A_578 = tpu.memref_squeeze %dma_start3A_577 : memref<1x128xi32, #tpu.memory_space<vmem>> -> memref<128xi32, #tpu.memory_space<vmem>>
        %dma_start3A_579 = arith.constant 0 : i32
        %dma_start3A_580 = arith.constant 0 : i32
        %dma_start3A_581 = tpu.memref_slice %arg22[%dma_start3A_579, %dma_start3A_580] : memref<10240x64xf32, #tpu.memory_space<vmem_shared>> -> memref<10240x64xf32, #tpu.memory_space<vmem_shared>>
        tpu.enqueue_indirect_dma source(%arg18 : memref<128x64xf32, #tpu.memory_space<vmem>>) target(%dma_start3A_581 : memref<10240x64xf32, #tpu.memory_space<vmem_shared>>) offsets(%dma_start3A_578 : memref<128xi32, #tpu.memory_space<vmem>>) semaphore(%run_scoped3A_575 : memref<!tpu.dma_semaphore, #tpu.memory_space<semaphore_mem>>) {add = true}
        %dma_wait3A_582 = arith.constant 0 : i32
        %dma_wait3A_583 = tpu.memref_slice %arg10[%run_scoped3A_466, %dma_wait3A_582] : memref<2x128xi32, #tpu.memory_space<vmem>> -> memref<1x128xi32, #tpu.memory_space<vmem>>
        %dma_wait3A_584 = tpu.memref_squeeze %dma_wait3A_583 : memref<1x128xi32, #tpu.memory_space<vmem>> -> memref<128xi32, #tpu.memory_space<vmem>>
        %dma_wait3A_585 = arith.constant 0 : i32
        %dma_wait3A_586 = arith.constant 0 : i32
        %dma_wait3A_587 = tpu.memref_slice %arg22[%dma_wait3A_585, %dma_wait3A_586] : memref<10240x64xf32, #tpu.memory_space<vmem_shared>> -> memref<10240x64xf32, #tpu.memory_space<vmem_shared>>
        tpu.wait_indirect_dma semaphore(%run_scoped3A_575 : memref<!tpu.dma_semaphore, #tpu.memory_space<semaphore_mem>>) src(%arg18 : memref<128x64xf32, #tpu.memory_space<vmem>>) dst(%dma_wait3A_587 : memref<10240x64xf32, #tpu.memory_space<vmem_shared>>)
        tpu.yield
      }) : () -> ()
      %dma_wait3A_467 = arith.constant 0 : i32
      %dma_wait3A_468 = arith.constant 0 : i32
      %dma_wait3A_469 = arith.constant 0 : i32
      %dma_wait3A_470 = tpu.memref_slice %arg3[%dma_wait3A_467, %dma_wait3A_468, %dma_wait3A_469] : memref<2560x2x128xi32, #tpu.memory_space<hbm>> -> memref<1x2x128xi32, #tpu.memory_space<hbm>>
      %dma_wait3A_471 = tpu.memref_squeeze %dma_wait3A_470 : memref<1x2x128xi32, #tpu.memory_space<hbm>> -> memref<2x128xi32, #tpu.memory_space<hbm>>
      %dma_wait3A_472 = arith.constant 0 : i32
      %dma_wait3A_473 = arith.constant 0 : i32
      %dma_wait3A_474 = tpu.memref_slice %arg3[%dma_wait3A_467, %dma_wait3A_472, %dma_wait3A_473] : memref<2560x2x128xi32, #tpu.memory_space<hbm>> -> memref<1x2x128xi32, #tpu.memory_space<hbm>>
      %dma_wait3A_475 = tpu.memref_squeeze %dma_wait3A_474 : memref<1x2x128xi32, #tpu.memory_space<hbm>> -> memref<2x128xi32, #tpu.memory_space<hbm>>
      tpu.wait_dma2 semaphore(%arg24 : memref<!tpu.dma_semaphore, #tpu.memory_space<semaphore_mem>>) src(%dma_wait3A_475 : memref<2x128xi32, #tpu.memory_space<hbm>>) dst(%arg7 : memref<2x128xi32, #tpu.memory_space<vmem>>)
      %dma_start3A_476 = arith.constant 0 : i32
      %dma_start3A_477 = arith.constant 0 : i32
      %dma_start3A_478 = tpu.memref_slice %arg7[%dma_start3A_476, %dma_start3A_477] : memref<2x128xi32, #tpu.memory_space<vmem>> -> memref<1x128xi32, #tpu.memory_space<vmem>>
      %dma_start3A_479 = tpu.memref_squeeze %dma_start3A_478 : memref<1x128xi32, #tpu.memory_space<vmem>> -> memref<128xi32, #tpu.memory_space<vmem>>
      %dma_start3A_480 = arith.constant 0 : i32
      %dma_start3A_481 = arith.constant 0 : i32
      %dma_start3A_482 = tpu.memref_slice %arg2[%dma_start3A_480, %dma_start3A_481] : memref<10240x64xf32, #tpu.memory_space<hbm>> -> memref<10240x64xf32, #tpu.memory_space<hbm>>
      tpu.enqueue_indirect_dma source(%dma_start3A_482 : memref<10240x64xf32, #tpu.memory_space<hbm>>) target(%arg15 : memref<128x64xf32, #tpu.memory_space<vmem>>) offsets(%dma_start3A_479 : memref<128xi32, #tpu.memory_space<vmem>>) semaphore(%arg32 : memref<!tpu.dma_semaphore, #tpu.memory_space<semaphore_mem>>)
      %add3A_483 = arith.addi %mul3A_2, %mul3A_286 : i32
      %add3A_484 = arith.constant 5 : i32
      %add3A_485 = arith.addi %add3A_483, %add3A_484 : i32
      %add3A_486 = arith.constant 5 : i32
      %add3A_487 = arith.addi %add3A_485, %add3A_486 : i32
      %dma_start3A_488 = arith.constant 0 : i32
      %dma_start3A_489 = arith.constant 0 : i32
      %dma_start3A_490 = tpu.memref_slice %arg3[%add3A_487, %dma_start3A_488, %dma_start3A_489] : memref<2560x2x128xi32, #tpu.memory_space<hbm>> -> memref<1x2x128xi32, #tpu.memory_space<hbm>>
      %dma_start3A_491 = tpu.memref_squeeze %dma_start3A_490 : memref<1x2x128xi32, #tpu.memory_space<hbm>> -> memref<2x128xi32, #tpu.memory_space<hbm>>
      %dma_start3A_492 = arith.constant 0 : i32
      %dma_start3A_493 = arith.constant 0 : i32
      %dma_start3A_494 = tpu.memref_slice %arg3[%add3A_487, %dma_start3A_492, %dma_start3A_493] : memref<2560x2x128xi32, #tpu.memory_space<hbm>> -> memref<1x2x128xi32, #tpu.memory_space<hbm>>
      %dma_start3A_495 = tpu.memref_squeeze %dma_start3A_494 : memref<1x2x128xi32, #tpu.memory_space<hbm>> -> memref<2x128xi32, #tpu.memory_space<hbm>>
      tpu.enqueue_dma source(%dma_start3A_495 : memref<2x128xi32, #tpu.memory_space<hbm>>) target(%arg8 : memref<2x128xi32, #tpu.memory_space<vmem>>) target_semaphore(%arg25 : memref<!tpu.dma_semaphore, #tpu.memory_space<semaphore_mem>>)
      %dma_wait3A_496 = arith.constant 0 : i32
      %dma_wait3A_497 = arith.constant 0 : i32
      %dma_wait3A_498 = tpu.memref_slice %arg2[%dma_wait3A_496, %dma_wait3A_497] : memref<10240x64xf32, #tpu.memory_space<hbm>> -> memref<128x64xf32, #tpu.memory_space<hbm>>
      %dma_wait3A_499 = arith.constant 0 : i32
      %dma_wait3A_500 = arith.constant 0 : i32
      %dma_wait3A_501 = tpu.memref_slice %arg2[%dma_wait3A_499, %dma_wait3A_500] : memref<10240x64xf32, #tpu.memory_space<hbm>> -> memref<128x64xf32, #tpu.memory_space<hbm>>
      tpu.wait_dma2 semaphore(%arg36 : memref<!tpu.dma_semaphore, #tpu.memory_space<semaphore_mem>>) src(%dma_wait3A_501 : memref<128x64xf32, #tpu.memory_space<hbm>>) dst(%arg19 : memref<128x64xf32, #tpu.memory_space<vmem>>)
      %run_scoped3A_502 = arith.constant 1 : i32
      "tpu.region"() ({
        %run_scoped3A_575 = tpu.sem_alloc : memref<!tpu.dma_semaphore, #tpu.memory_space<semaphore_mem>>
        %dma_start3A_576 = arith.constant 0 : i32
        %dma_start3A_577 = tpu.memref_slice %arg11[%run_scoped3A_502, %dma_start3A_576] : memref<2x128xi32, #tpu.memory_space<vmem>> -> memref<1x128xi32, #tpu.memory_space<vmem>>
        %dma_start3A_578 = tpu.memref_squeeze %dma_start3A_577 : memref<1x128xi32, #tpu.memory_space<vmem>> -> memref<128xi32, #tpu.memory_space<vmem>>
        %dma_start3A_579 = arith.constant 0 : i32
        %dma_start3A_580 = arith.constant 0 : i32
        %dma_start3A_581 = tpu.memref_slice %arg22[%dma_start3A_579, %dma_start3A_580] : memref<10240x64xf32, #tpu.memory_space<vmem_shared>> -> memref<10240x64xf32, #tpu.memory_space<vmem_shared>>
        tpu.enqueue_indirect_dma source(%arg19 : memref<128x64xf32, #tpu.memory_space<vmem>>) target(%dma_start3A_581 : memref<10240x64xf32, #tpu.memory_space<vmem_shared>>) offsets(%dma_start3A_578 : memref<128xi32, #tpu.memory_space<vmem>>) semaphore(%run_scoped3A_575 : memref<!tpu.dma_semaphore, #tpu.memory_space<semaphore_mem>>) {add = true}
        %dma_wait3A_582 = arith.constant 0 : i32
        %dma_wait3A_583 = tpu.memref_slice %arg11[%run_scoped3A_502, %dma_wait3A_582] : memref<2x128xi32, #tpu.memory_space<vmem>> -> memref<1x128xi32, #tpu.memory_space<vmem>>
        %dma_wait3A_584 = tpu.memref_squeeze %dma_wait3A_583 : memref<1x128xi32, #tpu.memory_space<vmem>> -> memref<128xi32, #tpu.memory_space<vmem>>
        %dma_wait3A_585 = arith.constant 0 : i32
        %dma_wait3A_586 = arith.constant 0 : i32
        %dma_wait3A_587 = tpu.memref_slice %arg22[%dma_wait3A_585, %dma_wait3A_586] : memref<10240x64xf32, #tpu.memory_space<vmem_shared>> -> memref<10240x64xf32, #tpu.memory_space<vmem_shared>>
        tpu.wait_indirect_dma semaphore(%run_scoped3A_575 : memref<!tpu.dma_semaphore, #tpu.memory_space<semaphore_mem>>) src(%arg19 : memref<128x64xf32, #tpu.memory_space<vmem>>) dst(%dma_wait3A_587 : memref<10240x64xf32, #tpu.memory_space<vmem_shared>>)
        tpu.yield
      }) : () -> ()
      %dma_wait3A_503 = arith.constant 0 : i32
      %dma_wait3A_504 = arith.constant 0 : i32
      %dma_wait3A_505 = arith.constant 0 : i32
      %dma_wait3A_506 = tpu.memref_slice %arg3[%dma_wait3A_503, %dma_wait3A_504, %dma_wait3A_505] : memref<2560x2x128xi32, #tpu.memory_space<hbm>> -> memref<1x2x128xi32, #tpu.memory_space<hbm>>
      %dma_wait3A_507 = tpu.memref_squeeze %dma_wait3A_506 : memref<1x2x128xi32, #tpu.memory_space<hbm>> -> memref<2x128xi32, #tpu.memory_space<hbm>>
      %dma_wait3A_508 = arith.constant 0 : i32
      %dma_wait3A_509 = arith.constant 0 : i32
      %dma_wait3A_510 = tpu.memref_slice %arg3[%dma_wait3A_503, %dma_wait3A_508, %dma_wait3A_509] : memref<2560x2x128xi32, #tpu.memory_space<hbm>> -> memref<1x2x128xi32, #tpu.memory_space<hbm>>
      %dma_wait3A_511 = tpu.memref_squeeze %dma_wait3A_510 : memref<1x2x128xi32, #tpu.memory_space<hbm>> -> memref<2x128xi32, #tpu.memory_space<hbm>>
      tpu.wait_dma2 semaphore(%arg25 : memref<!tpu.dma_semaphore, #tpu.memory_space<semaphore_mem>>) src(%dma_wait3A_511 : memref<2x128xi32, #tpu.memory_space<hbm>>) dst(%arg8 : memref<2x128xi32, #tpu.memory_space<vmem>>)
      %dma_start3A_512 = arith.constant 0 : i32
      %dma_start3A_513 = arith.constant 0 : i32
      %dma_start3A_514 = tpu.memref_slice %arg8[%dma_start3A_512, %dma_start3A_513] : memref<2x128xi32, #tpu.memory_space<vmem>> -> memref<1x128xi32, #tpu.memory_space<vmem>>
      %dma_start3A_515 = tpu.memref_squeeze %dma_start3A_514 : memref<1x128xi32, #tpu.memory_space<vmem>> -> memref<128xi32, #tpu.memory_space<vmem>>
      %dma_start3A_516 = arith.constant 0 : i32
      %dma_start3A_517 = arith.constant 0 : i32
      %dma_start3A_518 = tpu.memref_slice %arg2[%dma_start3A_516, %dma_start3A_517] : memref<10240x64xf32, #tpu.memory_space<hbm>> -> memref<10240x64xf32, #tpu.memory_space<hbm>>
      tpu.enqueue_indirect_dma source(%dma_start3A_518 : memref<10240x64xf32, #tpu.memory_space<hbm>>) target(%arg16 : memref<128x64xf32, #tpu.memory_space<vmem>>) offsets(%dma_start3A_515 : memref<128xi32, #tpu.memory_space<vmem>>) semaphore(%arg33 : memref<!tpu.dma_semaphore, #tpu.memory_space<semaphore_mem>>)
      %add3A_519 = arith.addi %mul3A_2, %mul3A_286 : i32
      %add3A_520 = arith.constant 6 : i32
      %add3A_521 = arith.addi %add3A_519, %add3A_520 : i32
      %add3A_522 = arith.constant 5 : i32
      %add3A_523 = arith.addi %add3A_521, %add3A_522 : i32
      %dma_start3A_524 = arith.constant 0 : i32
      %dma_start3A_525 = arith.constant 0 : i32
      %dma_start3A_526 = tpu.memref_slice %arg3[%add3A_523, %dma_start3A_524, %dma_start3A_525] : memref<2560x2x128xi32, #tpu.memory_space<hbm>> -> memref<1x2x128xi32, #tpu.memory_space<hbm>>
      %dma_start3A_527 = tpu.memref_squeeze %dma_start3A_526 : memref<1x2x128xi32, #tpu.memory_space<hbm>> -> memref<2x128xi32, #tpu.memory_space<hbm>>
      %dma_start3A_528 = arith.constant 0 : i32
      %dma_start3A_529 = arith.constant 0 : i32
      %dma_start3A_530 = tpu.memref_slice %arg3[%add3A_523, %dma_start3A_528, %dma_start3A_529] : memref<2560x2x128xi32, #tpu.memory_space<hbm>> -> memref<1x2x128xi32, #tpu.memory_space<hbm>>
      %dma_start3A_531 = tpu.memref_squeeze %dma_start3A_530 : memref<1x2x128xi32, #tpu.memory_space<hbm>> -> memref<2x128xi32, #tpu.memory_space<hbm>>
      tpu.enqueue_dma source(%dma_start3A_531 : memref<2x128xi32, #tpu.memory_space<hbm>>) target(%arg9 : memref<2x128xi32, #tpu.memory_space<vmem>>) target_semaphore(%arg26 : memref<!tpu.dma_semaphore, #tpu.memory_space<semaphore_mem>>)
      %dma_wait3A_532 = arith.constant 0 : i32
      %dma_wait3A_533 = arith.constant 0 : i32
      %dma_wait3A_534 = tpu.memref_slice %arg2[%dma_wait3A_532, %dma_wait3A_533] : memref<10240x64xf32, #tpu.memory_space<hbm>> -> memref<128x64xf32, #tpu.memory_space<hbm>>
      %dma_wait3A_535 = arith.constant 0 : i32
      %dma_wait3A_536 = arith.constant 0 : i32
      %dma_wait3A_537 = tpu.memref_slice %arg2[%dma_wait3A_535, %dma_wait3A_536] : memref<10240x64xf32, #tpu.memory_space<hbm>> -> memref<128x64xf32, #tpu.memory_space<hbm>>
      tpu.wait_dma2 semaphore(%arg37 : memref<!tpu.dma_semaphore, #tpu.memory_space<semaphore_mem>>) src(%dma_wait3A_537 : memref<128x64xf32, #tpu.memory_space<hbm>>) dst(%arg20 : memref<128x64xf32, #tpu.memory_space<vmem>>)
      %run_scoped3A_538 = arith.constant 1 : i32
      "tpu.region"() ({
        %run_scoped3A_575 = tpu.sem_alloc : memref<!tpu.dma_semaphore, #tpu.memory_space<semaphore_mem>>
        %dma_start3A_576 = arith.constant 0 : i32
        %dma_start3A_577 = tpu.memref_slice %arg12[%run_scoped3A_538, %dma_start3A_576] : memref<2x128xi32, #tpu.memory_space<vmem>> -> memref<1x128xi32, #tpu.memory_space<vmem>>
        %dma_start3A_578 = tpu.memref_squeeze %dma_start3A_577 : memref<1x128xi32, #tpu.memory_space<vmem>> -> memref<128xi32, #tpu.memory_space<vmem>>
        %dma_start3A_579 = arith.constant 0 : i32
        %dma_start3A_580 = arith.constant 0 : i32
        %dma_start3A_581 = tpu.memref_slice %arg22[%dma_start3A_579, %dma_start3A_580] : memref<10240x64xf32, #tpu.memory_space<vmem_shared>> -> memref<10240x64xf32, #tpu.memory_space<vmem_shared>>
        tpu.enqueue_indirect_dma source(%arg20 : memref<128x64xf32, #tpu.memory_space<vmem>>) target(%dma_start3A_581 : memref<10240x64xf32, #tpu.memory_space<vmem_shared>>) offsets(%dma_start3A_578 : memref<128xi32, #tpu.memory_space<vmem>>) semaphore(%run_scoped3A_575 : memref<!tpu.dma_semaphore, #tpu.memory_space<semaphore_mem>>) {add = true}
        %dma_wait3A_582 = arith.constant 0 : i32
        %dma_wait3A_583 = tpu.memref_slice %arg12[%run_scoped3A_538, %dma_wait3A_582] : memref<2x128xi32, #tpu.memory_space<vmem>> -> memref<1x128xi32, #tpu.memory_space<vmem>>
        %dma_wait3A_584 = tpu.memref_squeeze %dma_wait3A_583 : memref<1x128xi32, #tpu.memory_space<vmem>> -> memref<128xi32, #tpu.memory_space<vmem>>
        %dma_wait3A_585 = arith.constant 0 : i32
        %dma_wait3A_586 = arith.constant 0 : i32
        %dma_wait3A_587 = tpu.memref_slice %arg22[%dma_wait3A_585, %dma_wait3A_586] : memref<10240x64xf32, #tpu.memory_space<vmem_shared>> -> memref<10240x64xf32, #tpu.memory_space<vmem_shared>>
        tpu.wait_indirect_dma semaphore(%run_scoped3A_575 : memref<!tpu.dma_semaphore, #tpu.memory_space<semaphore_mem>>) src(%arg20 : memref<128x64xf32, #tpu.memory_space<vmem>>) dst(%dma_wait3A_587 : memref<10240x64xf32, #tpu.memory_space<vmem_shared>>)
        tpu.yield
      }) : () -> ()
      %dma_wait3A_539 = arith.constant 0 : i32
      %dma_wait3A_540 = arith.constant 0 : i32
      %dma_wait3A_541 = arith.constant 0 : i32
      %dma_wait3A_542 = tpu.memref_slice %arg3[%dma_wait3A_539, %dma_wait3A_540, %dma_wait3A_541] : memref<2560x2x128xi32, #tpu.memory_space<hbm>> -> memref<1x2x128xi32, #tpu.memory_space<hbm>>
      %dma_wait3A_543 = tpu.memref_squeeze %dma_wait3A_542 : memref<1x2x128xi32, #tpu.memory_space<hbm>> -> memref<2x128xi32, #tpu.memory_space<hbm>>
      %dma_wait3A_544 = arith.constant 0 : i32
      %dma_wait3A_545 = arith.constant 0 : i32
      %dma_wait3A_546 = tpu.memref_slice %arg3[%dma_wait3A_539, %dma_wait3A_544, %dma_wait3A_545] : memref<2560x2x128xi32, #tpu.memory_space<hbm>> -> memref<1x2x128xi32, #tpu.memory_space<hbm>>
      %dma_wait3A_547 = tpu.memref_squeeze %dma_wait3A_546 : memref<1x2x128xi32, #tpu.memory_space<hbm>> -> memref<2x128xi32, #tpu.memory_space<hbm>>
      tpu.wait_dma2 semaphore(%arg26 : memref<!tpu.dma_semaphore, #tpu.memory_space<semaphore_mem>>) src(%dma_wait3A_547 : memref<2x128xi32, #tpu.memory_space<hbm>>) dst(%arg9 : memref<2x128xi32, #tpu.memory_space<vmem>>)
      %dma_start3A_548 = arith.constant 0 : i32
      %dma_start3A_549 = arith.constant 0 : i32
      %dma_start3A_550 = tpu.memref_slice %arg9[%dma_start3A_548, %dma_start3A_549] : memref<2x128xi32, #tpu.memory_space<vmem>> -> memref<1x128xi32, #tpu.memory_space<vmem>>
      %dma_start3A_551 = tpu.memref_squeeze %dma_start3A_550 : memref<1x128xi32, #tpu.memory_space<vmem>> -> memref<128xi32, #tpu.memory_space<vmem>>
      %dma_start3A_552 = arith.constant 0 : i32
      %dma_start3A_553 = arith.constant 0 : i32
      %dma_start3A_554 = tpu.memref_slice %arg2[%dma_start3A_552, %dma_start3A_553] : memref<10240x64xf32, #tpu.memory_space<hbm>> -> memref<10240x64xf32, #tpu.memory_space<hbm>>
      tpu.enqueue_indirect_dma source(%dma_start3A_554 : memref<10240x64xf32, #tpu.memory_space<hbm>>) target(%arg17 : memref<128x64xf32, #tpu.memory_space<vmem>>) offsets(%dma_start3A_551 : memref<128xi32, #tpu.memory_space<vmem>>) semaphore(%arg34 : memref<!tpu.dma_semaphore, #tpu.memory_space<semaphore_mem>>)
      %add3A_555 = arith.addi %mul3A_2, %mul3A_286 : i32
      %add3A_556 = arith.constant 7 : i32
      %add3A_557 = arith.addi %add3A_555, %add3A_556 : i32
      %add3A_558 = arith.constant 5 : i32
      %add3A_559 = arith.addi %add3A_557, %add3A_558 : i32
      %dma_start3A_560 = arith.constant 0 : i32
      %dma_start3A_561 = arith.constant 0 : i32
      %dma_start3A_562 = tpu.memref_slice %arg3[%add3A_559, %dma_start3A_560, %dma_start3A_561] : memref<2560x2x128xi32, #tpu.memory_space<hbm>> -> memref<1x2x128xi32, #tpu.memory_space<hbm>>
      %dma_start3A_563 = tpu.memref_squeeze %dma_start3A_562 : memref<1x2x128xi32, #tpu.memory_space<hbm>> -> memref<2x128xi32, #tpu.memory_space<hbm>>
      %dma_start3A_564 = arith.constant 0 : i32
      %dma_start3A_565 = arith.constant 0 : i32
      %dma_start3A_566 = tpu.memref_slice %arg3[%add3A_559, %dma_start3A_564, %dma_start3A_565] : memref<2560x2x128xi32, #tpu.memory_space<hbm>> -> memref<1x2x128xi32, #tpu.memory_space<hbm>>
      %dma_start3A_567 = tpu.memref_squeeze %dma_start3A_566 : memref<1x2x128xi32, #tpu.memory_space<hbm>> -> memref<2x128xi32, #tpu.memory_space<hbm>>
      tpu.enqueue_dma source(%dma_start3A_567 : memref<2x128xi32, #tpu.memory_space<hbm>>) target(%arg10 : memref<2x128xi32, #tpu.memory_space<vmem>>) target_semaphore(%arg27 : memref<!tpu.dma_semaphore, #tpu.memory_space<semaphore_mem>>)
      %dma_wait3A_568 = arith.constant 0 : i32
      %dma_wait3A_569 = arith.constant 0 : i32
      %dma_wait3A_570 = tpu.memref_slice %arg2[%dma_wait3A_568, %dma_wait3A_569] : memref<10240x64xf32, #tpu.memory_space<hbm>> -> memref<128x64xf32, #tpu.memory_space<hbm>>
      %dma_wait3A_571 = arith.constant 0 : i32
      %dma_wait3A_572 = arith.constant 0 : i32
      %dma_wait3A_573 = tpu.memref_slice %arg2[%dma_wait3A_571, %dma_wait3A_572] : memref<10240x64xf32, #tpu.memory_space<hbm>> -> memref<128x64xf32, #tpu.memory_space<hbm>>
      tpu.wait_dma2 semaphore(%arg38 : memref<!tpu.dma_semaphore, #tpu.memory_space<semaphore_mem>>) src(%dma_wait3A_573 : memref<128x64xf32, #tpu.memory_space<hbm>>) dst(%arg21 : memref<128x64xf32, #tpu.memory_space<vmem>>)
      %run_scoped3A_574 = arith.constant 1 : i32
      "tpu.region"() ({
        %run_scoped3A_575 = tpu.sem_alloc : memref<!tpu.dma_semaphore, #tpu.memory_space<semaphore_mem>>
        %dma_start3A_576 = arith.constant 0 : i32
        %dma_start3A_577 = tpu.memref_slice %arg13[%run_scoped3A_574, %dma_start3A_576] : memref<2x128xi32, #tpu.memory_space<vmem>> -> memref<1x128xi32, #tpu.memory_space<vmem>>
        %dma_start3A_578 = tpu.memref_squeeze %dma_start3A_577 : memref<1x128xi32, #tpu.memory_space<vmem>> -> memref<128xi32, #tpu.memory_space<vmem>>
        %dma_start3A_579 = arith.constant 0 : i32
        %dma_start3A_580 = arith.constant 0 : i32
        %dma_start3A_581 = tpu.memref_slice %arg22[%dma_start3A_579, %dma_start3A_580] : memref<10240x64xf32, #tpu.memory_space<vmem_shared>> -> memref<10240x64xf32, #tpu.memory_space<vmem_shared>>
        tpu.enqueue_indirect_dma source(%arg21 : memref<128x64xf32, #tpu.memory_space<vmem>>) target(%dma_start3A_581 : memref<10240x64xf32, #tpu.memory_space<vmem_shared>>) offsets(%dma_start3A_578 : memref<128xi32, #tpu.memory_space<vmem>>) semaphore(%run_scoped3A_575 : memref<!tpu.dma_semaphore, #tpu.memory_space<semaphore_mem>>) {add = true}
        %dma_wait3A_582 = arith.constant 0 : i32
        %dma_wait3A_583 = tpu.memref_slice %arg13[%run_scoped3A_574, %dma_wait3A_582] : memref<2x128xi32, #tpu.memory_space<vmem>> -> memref<1x128xi32, #tpu.memory_space<vmem>>
        %dma_wait3A_584 = tpu.memref_squeeze %dma_wait3A_583 : memref<1x128xi32, #tpu.memory_space<vmem>> -> memref<128xi32, #tpu.memory_space<vmem>>
        %dma_wait3A_585 = arith.constant 0 : i32
        %dma_wait3A_586 = arith.constant 0 : i32
        %dma_wait3A_587 = tpu.memref_slice %arg22[%dma_wait3A_585, %dma_wait3A_586] : memref<10240x64xf32, #tpu.memory_space<vmem_shared>> -> memref<10240x64xf32, #tpu.memory_space<vmem_shared>>
        tpu.wait_indirect_dma semaphore(%run_scoped3A_575 : memref<!tpu.dma_semaphore, #tpu.memory_space<semaphore_mem>>) src(%arg21 : memref<128x64xf32, #tpu.memory_space<vmem>>) dst(%dma_wait3A_587 : memref<10240x64xf32, #tpu.memory_space<vmem_shared>>)
        tpu.yield
      }) : () -> ()
    }
    %scan3A_127 = arith.constant 9 : i32
    %dma_wait3A_128 = arith.constant 0 : i32
    %dma_wait3A_129 = arith.constant 0 : i32
    %dma_wait3A_130 = arith.constant 0 : i32
    %dma_wait3A_131 = tpu.memref_slice %arg3[%dma_wait3A_128, %dma_wait3A_129, %dma_wait3A_130] : memref<2560x2x128xi32, #tpu.memory_space<hbm>> -> memref<1x2x128xi32, #tpu.memory_space<hbm>>
    %dma_wait3A_132 = tpu.memref_squeeze %dma_wait3A_131 : memref<1x2x128xi32, #tpu.memory_space<hbm>> -> memref<2x128xi32, #tpu.memory_space<hbm>>
    %dma_wait3A_133 = arith.constant 0 : i32
    %dma_wait3A_134 = arith.constant 0 : i32
    %dma_wait3A_135 = tpu.memref_slice %arg3[%dma_wait3A_128, %dma_wait3A_133, %dma_wait3A_134] : memref<2560x2x128xi32, #tpu.memory_space<hbm>> -> memref<1x2x128xi32, #tpu.memory_space<hbm>>
    %dma_wait3A_136 = tpu.memref_squeeze %dma_wait3A_135 : memref<1x2x128xi32, #tpu.memory_space<hbm>> -> memref<2x128xi32, #tpu.memory_space<hbm>>
    tpu.wait_dma2 semaphore(%arg27 : memref<!tpu.dma_semaphore, #tpu.memory_space<semaphore_mem>>) src(%dma_wait3A_136 : memref<2x128xi32, #tpu.memory_space<hbm>>) dst(%arg10 : memref<2x128xi32, #tpu.memory_space<vmem>>)
    %dma_start3A_137 = arith.constant 0 : i32
    %dma_start3A_138 = arith.constant 0 : i32
    %dma_start3A_139 = tpu.memref_slice %arg10[%dma_start3A_137, %dma_start3A_138] : memref<2x128xi32, #tpu.memory_space<vmem>> -> memref<1x128xi32, #tpu.memory_space<vmem>>
    %dma_start3A_140 = tpu.memref_squeeze %dma_start3A_139 : memref<1x128xi32, #tpu.memory_space<vmem>> -> memref<128xi32, #tpu.memory_space<vmem>>
    %dma_start3A_141 = arith.constant 0 : i32
    %dma_start3A_142 = arith.constant 0 : i32
    %dma_start3A_143 = tpu.memref_slice %arg2[%dma_start3A_141, %dma_start3A_142] : memref<10240x64xf32, #tpu.memory_space<hbm>> -> memref<10240x64xf32, #tpu.memory_space<hbm>>
    tpu.enqueue_indirect_dma source(%dma_start3A_143 : memref<10240x64xf32, #tpu.memory_space<hbm>>) target(%arg18 : memref<128x64xf32, #tpu.memory_space<vmem>>) offsets(%dma_start3A_140 : memref<128xi32, #tpu.memory_space<vmem>>) semaphore(%arg35 : memref<!tpu.dma_semaphore, #tpu.memory_space<semaphore_mem>>)
    %add3A_144 = arith.constant 72 : i32
    %add3A_145 = arith.addi %mul3A_2, %add3A_144 : i32
    %add3A_146 = arith.constant 5 : i32
    %add3A_147 = arith.addi %add3A_145, %add3A_146 : i32
    %dma_start3A_148 = arith.constant 0 : i32
    %dma_start3A_149 = arith.constant 0 : i32
    %dma_start3A_150 = tpu.memref_slice %arg3[%add3A_147, %dma_start3A_148, %dma_start3A_149] : memref<2560x2x128xi32, #tpu.memory_space<hbm>> -> memref<1x2x128xi32, #tpu.memory_space<hbm>>
    %dma_start3A_151 = tpu.memref_squeeze %dma_start3A_150 : memref<1x2x128xi32, #tpu.memory_space<hbm>> -> memref<2x128xi32, #tpu.memory_space<hbm>>
    %dma_start3A_152 = arith.constant 0 : i32
    %dma_start3A_153 = arith.constant 0 : i32
    %dma_start3A_154 = tpu.memref_slice %arg3[%add3A_147, %dma_start3A_152, %dma_start3A_153] : memref<2560x2x128xi32, #tpu.memory_space<hbm>> -> memref<1x2x128xi32, #tpu.memory_space<hbm>>
    %dma_start3A_155 = tpu.memref_squeeze %dma_start3A_154 : memref<1x2x128xi32, #tpu.memory_space<hbm>> -> memref<2x128xi32, #tpu.memory_space<hbm>>
    tpu.enqueue_dma source(%dma_start3A_155 : memref<2x128xi32, #tpu.memory_space<hbm>>) target(%arg11 : memref<2x128xi32, #tpu.memory_space<vmem>>) target_semaphore(%arg28 : memref<!tpu.dma_semaphore, #tpu.memory_space<semaphore_mem>>)
    %dma_wait3A_156 = arith.constant 0 : i32
    %dma_wait3A_157 = arith.constant 0 : i32
    %dma_wait3A_158 = tpu.memref_slice %arg2[%dma_wait3A_156, %dma_wait3A_157] : memref<10240x64xf32, #tpu.memory_space<hbm>> -> memref<128x64xf32, #tpu.memory_space<hbm>>
    %dma_wait3A_159 = arith.constant 0 : i32
    %dma_wait3A_160 = arith.constant 0 : i32
    %dma_wait3A_161 = tpu.memref_slice %arg2[%dma_wait3A_159, %dma_wait3A_160] : memref<10240x64xf32, #tpu.memory_space<hbm>> -> memref<128x64xf32, #tpu.memory_space<hbm>>
    tpu.wait_dma2 semaphore(%arg31 : memref<!tpu.dma_semaphore, #tpu.memory_space<semaphore_mem>>) src(%dma_wait3A_161 : memref<128x64xf32, #tpu.memory_space<hbm>>) dst(%arg14 : memref<128x64xf32, #tpu.memory_space<vmem>>)
    %run_scoped3A = arith.constant 1 : i32
    "tpu.region"() ({
      %run_scoped3A_284 = tpu.sem_alloc : memref<!tpu.dma_semaphore, #tpu.memory_space<semaphore_mem>>
      %dma_start3A_285 = arith.constant 0 : i32
      %dma_start3A_286 = tpu.memref_slice %arg6[%run_scoped3A, %dma_start3A_285] : memref<2x128xi32, #tpu.memory_space<vmem>> -> memref<1x128xi32, #tpu.memory_space<vmem>>
      %dma_start3A_287 = tpu.memref_squeeze %dma_start3A_286 : memref<1x128xi32, #tpu.memory_space<vmem>> -> memref<128xi32, #tpu.memory_space<vmem>>
      %dma_start3A_288 = arith.constant 0 : i32
      %dma_start3A_289 = arith.constant 0 : i32
      %dma_start3A_290 = tpu.memref_slice %arg22[%dma_start3A_288, %dma_start3A_289] : memref<10240x64xf32, #tpu.memory_space<vmem_shared>> -> memref<10240x64xf32, #tpu.memory_space<vmem_shared>>
      tpu.enqueue_indirect_dma source(%arg14 : memref<128x64xf32, #tpu.memory_space<vmem>>) target(%dma_start3A_290 : memref<10240x64xf32, #tpu.memory_space<vmem_shared>>) offsets(%dma_start3A_287 : memref<128xi32, #tpu.memory_space<vmem>>) semaphore(%run_scoped3A_284 : memref<!tpu.dma_semaphore, #tpu.memory_space<semaphore_mem>>) {add = true}
      %dma_wait3A_291 = arith.constant 0 : i32
      %dma_wait3A_292 = tpu.memref_slice %arg6[%run_scoped3A, %dma_wait3A_291] : memref<2x128xi32, #tpu.memory_space<vmem>> -> memref<1x128xi32, #tpu.memory_space<vmem>>
      %dma_wait3A_293 = tpu.memref_squeeze %dma_wait3A_292 : memref<1x128xi32, #tpu.memory_space<vmem>> -> memref<128xi32, #tpu.memory_space<vmem>>
      %dma_wait3A_294 = arith.constant 0 : i32
      %dma_wait3A_295 = arith.constant 0 : i32
      %dma_wait3A_296 = tpu.memref_slice %arg22[%dma_wait3A_294, %dma_wait3A_295] : memref<10240x64xf32, #tpu.memory_space<vmem_shared>> -> memref<10240x64xf32, #tpu.memory_space<vmem_shared>>
      tpu.wait_indirect_dma semaphore(%run_scoped3A_284 : memref<!tpu.dma_semaphore, #tpu.memory_space<semaphore_mem>>) src(%arg14 : memref<128x64xf32, #tpu.memory_space<vmem>>) dst(%dma_wait3A_296 : memref<10240x64xf32, #tpu.memory_space<vmem_shared>>)
      tpu.yield
    }) : () -> ()
    %dma_wait3A_162 = arith.constant 0 : i32
    %dma_wait3A_163 = arith.constant 0 : i32
    %dma_wait3A_164 = arith.constant 0 : i32
    %dma_wait3A_165 = tpu.memref_slice %arg3[%dma_wait3A_162, %dma_wait3A_163, %dma_wait3A_164] : memref<2560x2x128xi32, #tpu.memory_space<hbm>> -> memref<1x2x128xi32, #tpu.memory_space<hbm>>
    %dma_wait3A_166 = tpu.memref_squeeze %dma_wait3A_165 : memref<1x2x128xi32, #tpu.memory_space<hbm>> -> memref<2x128xi32, #tpu.memory_space<hbm>>
    %dma_wait3A_167 = arith.constant 0 : i32
    %dma_wait3A_168 = arith.constant 0 : i32
    %dma_wait3A_169 = tpu.memref_slice %arg3[%dma_wait3A_162, %dma_wait3A_167, %dma_wait3A_168] : memref<2560x2x128xi32, #tpu.memory_space<hbm>> -> memref<1x2x128xi32, #tpu.memory_space<hbm>>
    %dma_wait3A_170 = tpu.memref_squeeze %dma_wait3A_169 : memref<1x2x128xi32, #tpu.memory_space<hbm>> -> memref<2x128xi32, #tpu.memory_space<hbm>>
    tpu.wait_dma2 semaphore(%arg28 : memref<!tpu.dma_semaphore, #tpu.memory_space<semaphore_mem>>) src(%dma_wait3A_170 : memref<2x128xi32, #tpu.memory_space<hbm>>) dst(%arg11 : memref<2x128xi32, #tpu.memory_space<vmem>>)
    %dma_start3A_171 = arith.constant 0 : i32
    %dma_start3A_172 = arith.constant 0 : i32
    %dma_start3A_173 = tpu.memref_slice %arg11[%dma_start3A_171, %dma_start3A_172] : memref<2x128xi32, #tpu.memory_space<vmem>> -> memref<1x128xi32, #tpu.memory_space<vmem>>
    %dma_start3A_174 = tpu.memref_squeeze %dma_start3A_173 : memref<1x128xi32, #tpu.memory_space<vmem>> -> memref<128xi32, #tpu.memory_space<vmem>>
    %dma_start3A_175 = arith.constant 0 : i32
    %dma_start3A_176 = arith.constant 0 : i32
    %dma_start3A_177 = tpu.memref_slice %arg2[%dma_start3A_175, %dma_start3A_176] : memref<10240x64xf32, #tpu.memory_space<hbm>> -> memref<10240x64xf32, #tpu.memory_space<hbm>>
    tpu.enqueue_indirect_dma source(%dma_start3A_177 : memref<10240x64xf32, #tpu.memory_space<hbm>>) target(%arg19 : memref<128x64xf32, #tpu.memory_space<vmem>>) offsets(%dma_start3A_174 : memref<128xi32, #tpu.memory_space<vmem>>) semaphore(%arg36 : memref<!tpu.dma_semaphore, #tpu.memory_space<semaphore_mem>>)
    %add3A_178 = arith.constant 73 : i32
    %add3A_179 = arith.addi %mul3A_2, %add3A_178 : i32
    %add3A_180 = arith.constant 5 : i32
    %add3A_181 = arith.addi %add3A_179, %add3A_180 : i32
    %dma_start3A_182 = arith.constant 0 : i32
    %dma_start3A_183 = arith.constant 0 : i32
    %dma_start3A_184 = tpu.memref_slice %arg3[%add3A_181, %dma_start3A_182, %dma_start3A_183] : memref<2560x2x128xi32, #tpu.memory_space<hbm>> -> memref<1x2x128xi32, #tpu.memory_space<hbm>>
    %dma_start3A_185 = tpu.memref_squeeze %dma_start3A_184 : memref<1x2x128xi32, #tpu.memory_space<hbm>> -> memref<2x128xi32, #tpu.memory_space<hbm>>
    %dma_start3A_186 = arith.constant 0 : i32
    %dma_start3A_187 = arith.constant 0 : i32
    %dma_start3A_188 = tpu.memref_slice %arg3[%add3A_181, %dma_start3A_186, %dma_start3A_187] : memref<2560x2x128xi32, #tpu.memory_space<hbm>> -> memref<1x2x128xi32, #tpu.memory_space<hbm>>
    %dma_start3A_189 = tpu.memref_squeeze %dma_start3A_188 : memref<1x2x128xi32, #tpu.memory_space<hbm>> -> memref<2x128xi32, #tpu.memory_space<hbm>>
    tpu.enqueue_dma source(%dma_start3A_189 : memref<2x128xi32, #tpu.memory_space<hbm>>) target(%arg12 : memref<2x128xi32, #tpu.memory_space<vmem>>) target_semaphore(%arg29 : memref<!tpu.dma_semaphore, #tpu.memory_space<semaphore_mem>>)
    %dma_wait3A_190 = arith.constant 0 : i32
    %dma_wait3A_191 = arith.constant 0 : i32
    %dma_wait3A_192 = tpu.memref_slice %arg2[%dma_wait3A_190, %dma_wait3A_191] : memref<10240x64xf32, #tpu.memory_space<hbm>> -> memref<128x64xf32, #tpu.memory_space<hbm>>
    %dma_wait3A_193 = arith.constant 0 : i32
    %dma_wait3A_194 = arith.constant 0 : i32
    %dma_wait3A_195 = tpu.memref_slice %arg2[%dma_wait3A_193, %dma_wait3A_194] : memref<10240x64xf32, #tpu.memory_space<hbm>> -> memref<128x64xf32, #tpu.memory_space<hbm>>
    tpu.wait_dma2 semaphore(%arg32 : memref<!tpu.dma_semaphore, #tpu.memory_space<semaphore_mem>>) src(%dma_wait3A_195 : memref<128x64xf32, #tpu.memory_space<hbm>>) dst(%arg15 : memref<128x64xf32, #tpu.memory_space<vmem>>)
    %run_scoped3A_196 = arith.constant 1 : i32
    "tpu.region"() ({
      %run_scoped3A_284 = tpu.sem_alloc : memref<!tpu.dma_semaphore, #tpu.memory_space<semaphore_mem>>
      %dma_start3A_285 = arith.constant 0 : i32
      %dma_start3A_286 = tpu.memref_slice %arg7[%run_scoped3A_196, %dma_start3A_285] : memref<2x128xi32, #tpu.memory_space<vmem>> -> memref<1x128xi32, #tpu.memory_space<vmem>>
      %dma_start3A_287 = tpu.memref_squeeze %dma_start3A_286 : memref<1x128xi32, #tpu.memory_space<vmem>> -> memref<128xi32, #tpu.memory_space<vmem>>
      %dma_start3A_288 = arith.constant 0 : i32
      %dma_start3A_289 = arith.constant 0 : i32
      %dma_start3A_290 = tpu.memref_slice %arg22[%dma_start3A_288, %dma_start3A_289] : memref<10240x64xf32, #tpu.memory_space<vmem_shared>> -> memref<10240x64xf32, #tpu.memory_space<vmem_shared>>
      tpu.enqueue_indirect_dma source(%arg15 : memref<128x64xf32, #tpu.memory_space<vmem>>) target(%dma_start3A_290 : memref<10240x64xf32, #tpu.memory_space<vmem_shared>>) offsets(%dma_start3A_287 : memref<128xi32, #tpu.memory_space<vmem>>) semaphore(%run_scoped3A_284 : memref<!tpu.dma_semaphore, #tpu.memory_space<semaphore_mem>>) {add = true}
      %dma_wait3A_291 = arith.constant 0 : i32
      %dma_wait3A_292 = tpu.memref_slice %arg7[%run_scoped3A_196, %dma_wait3A_291] : memref<2x128xi32, #tpu.memory_space<vmem>> -> memref<1x128xi32, #tpu.memory_space<vmem>>
      %dma_wait3A_293 = tpu.memref_squeeze %dma_wait3A_292 : memref<1x128xi32, #tpu.memory_space<vmem>> -> memref<128xi32, #tpu.memory_space<vmem>>
      %dma_wait3A_294 = arith.constant 0 : i32
      %dma_wait3A_295 = arith.constant 0 : i32
      %dma_wait3A_296 = tpu.memref_slice %arg22[%dma_wait3A_294, %dma_wait3A_295] : memref<10240x64xf32, #tpu.memory_space<vmem_shared>> -> memref<10240x64xf32, #tpu.memory_space<vmem_shared>>
      tpu.wait_indirect_dma semaphore(%run_scoped3A_284 : memref<!tpu.dma_semaphore, #tpu.memory_space<semaphore_mem>>) src(%arg15 : memref<128x64xf32, #tpu.memory_space<vmem>>) dst(%dma_wait3A_296 : memref<10240x64xf32, #tpu.memory_space<vmem_shared>>)
      tpu.yield
    }) : () -> ()
    %dma_wait3A_197 = arith.constant 0 : i32
    %dma_wait3A_198 = arith.constant 0 : i32
    %dma_wait3A_199 = arith.constant 0 : i32
    %dma_wait3A_200 = tpu.memref_slice %arg3[%dma_wait3A_197, %dma_wait3A_198, %dma_wait3A_199] : memref<2560x2x128xi32, #tpu.memory_space<hbm>> -> memref<1x2x128xi32, #tpu.memory_space<hbm>>
    %dma_wait3A_201 = tpu.memref_squeeze %dma_wait3A_200 : memref<1x2x128xi32, #tpu.memory_space<hbm>> -> memref<2x128xi32, #tpu.memory_space<hbm>>
    %dma_wait3A_202 = arith.constant 0 : i32
    %dma_wait3A_203 = arith.constant 0 : i32
    %dma_wait3A_204 = tpu.memref_slice %arg3[%dma_wait3A_197, %dma_wait3A_202, %dma_wait3A_203] : memref<2560x2x128xi32, #tpu.memory_space<hbm>> -> memref<1x2x128xi32, #tpu.memory_space<hbm>>
    %dma_wait3A_205 = tpu.memref_squeeze %dma_wait3A_204 : memref<1x2x128xi32, #tpu.memory_space<hbm>> -> memref<2x128xi32, #tpu.memory_space<hbm>>
    tpu.wait_dma2 semaphore(%arg29 : memref<!tpu.dma_semaphore, #tpu.memory_space<semaphore_mem>>) src(%dma_wait3A_205 : memref<2x128xi32, #tpu.memory_space<hbm>>) dst(%arg12 : memref<2x128xi32, #tpu.memory_space<vmem>>)
    %dma_start3A_206 = arith.constant 0 : i32
    %dma_start3A_207 = arith.constant 0 : i32
    %dma_start3A_208 = tpu.memref_slice %arg12[%dma_start3A_206, %dma_start3A_207] : memref<2x128xi32, #tpu.memory_space<vmem>> -> memref<1x128xi32, #tpu.memory_space<vmem>>
    %dma_start3A_209 = tpu.memref_squeeze %dma_start3A_208 : memref<1x128xi32, #tpu.memory_space<vmem>> -> memref<128xi32, #tpu.memory_space<vmem>>
    %dma_start3A_210 = arith.constant 0 : i32
    %dma_start3A_211 = arith.constant 0 : i32
    %dma_start3A_212 = tpu.memref_slice %arg2[%dma_start3A_210, %dma_start3A_211] : memref<10240x64xf32, #tpu.memory_space<hbm>> -> memref<10240x64xf32, #tpu.memory_space<hbm>>
    tpu.enqueue_indirect_dma source(%dma_start3A_212 : memref<10240x64xf32, #tpu.memory_space<hbm>>) target(%arg20 : memref<128x64xf32, #tpu.memory_space<vmem>>) offsets(%dma_start3A_209 : memref<128xi32, #tpu.memory_space<vmem>>) semaphore(%arg37 : memref<!tpu.dma_semaphore, #tpu.memory_space<semaphore_mem>>)
    %add3A_213 = arith.constant 74 : i32
    %add3A_214 = arith.addi %mul3A_2, %add3A_213 : i32
    %add3A_215 = arith.constant 5 : i32
    %add3A_216 = arith.addi %add3A_214, %add3A_215 : i32
    %dma_start3A_217 = arith.constant 0 : i32
    %dma_start3A_218 = arith.constant 0 : i32
    %dma_start3A_219 = tpu.memref_slice %arg3[%add3A_216, %dma_start3A_217, %dma_start3A_218] : memref<2560x2x128xi32, #tpu.memory_space<hbm>> -> memref<1x2x128xi32, #tpu.memory_space<hbm>>
    %dma_start3A_220 = tpu.memref_squeeze %dma_start3A_219 : memref<1x2x128xi32, #tpu.memory_space<hbm>> -> memref<2x128xi32, #tpu.memory_space<hbm>>
    %dma_start3A_221 = arith.constant 0 : i32
    %dma_start3A_222 = arith.constant 0 : i32
    %dma_start3A_223 = tpu.memref_slice %arg3[%add3A_216, %dma_start3A_221, %dma_start3A_222] : memref<2560x2x128xi32, #tpu.memory_space<hbm>> -> memref<1x2x128xi32, #tpu.memory_space<hbm>>
    %dma_start3A_224 = tpu.memref_squeeze %dma_start3A_223 : memref<1x2x128xi32, #tpu.memory_space<hbm>> -> memref<2x128xi32, #tpu.memory_space<hbm>>
    tpu.enqueue_dma source(%dma_start3A_224 : memref<2x128xi32, #tpu.memory_space<hbm>>) target(%arg13 : memref<2x128xi32, #tpu.memory_space<vmem>>) target_semaphore(%arg30 : memref<!tpu.dma_semaphore, #tpu.memory_space<semaphore_mem>>)
    %dma_wait3A_225 = arith.constant 0 : i32
    %dma_wait3A_226 = arith.constant 0 : i32
    %dma_wait3A_227 = tpu.memref_slice %arg2[%dma_wait3A_225, %dma_wait3A_226] : memref<10240x64xf32, #tpu.memory_space<hbm>> -> memref<128x64xf32, #tpu.memory_space<hbm>>
    %dma_wait3A_228 = arith.constant 0 : i32
    %dma_wait3A_229 = arith.constant 0 : i32
    %dma_wait3A_230 = tpu.memref_slice %arg2[%dma_wait3A_228, %dma_wait3A_229] : memref<10240x64xf32, #tpu.memory_space<hbm>> -> memref<128x64xf32, #tpu.memory_space<hbm>>
    tpu.wait_dma2 semaphore(%arg33 : memref<!tpu.dma_semaphore, #tpu.memory_space<semaphore_mem>>) src(%dma_wait3A_230 : memref<128x64xf32, #tpu.memory_space<hbm>>) dst(%arg16 : memref<128x64xf32, #tpu.memory_space<vmem>>)
    %run_scoped3A_231 = arith.constant 1 : i32
    "tpu.region"() ({
      %run_scoped3A_284 = tpu.sem_alloc : memref<!tpu.dma_semaphore, #tpu.memory_space<semaphore_mem>>
      %dma_start3A_285 = arith.constant 0 : i32
      %dma_start3A_286 = tpu.memref_slice %arg8[%run_scoped3A_231, %dma_start3A_285] : memref<2x128xi32, #tpu.memory_space<vmem>> -> memref<1x128xi32, #tpu.memory_space<vmem>>
      %dma_start3A_287 = tpu.memref_squeeze %dma_start3A_286 : memref<1x128xi32, #tpu.memory_space<vmem>> -> memref<128xi32, #tpu.memory_space<vmem>>
      %dma_start3A_288 = arith.constant 0 : i32
      %dma_start3A_289 = arith.constant 0 : i32
      %dma_start3A_290 = tpu.memref_slice %arg22[%dma_start3A_288, %dma_start3A_289] : memref<10240x64xf32, #tpu.memory_space<vmem_shared>> -> memref<10240x64xf32, #tpu.memory_space<vmem_shared>>
      tpu.enqueue_indirect_dma source(%arg16 : memref<128x64xf32, #tpu.memory_space<vmem>>) target(%dma_start3A_290 : memref<10240x64xf32, #tpu.memory_space<vmem_shared>>) offsets(%dma_start3A_287 : memref<128xi32, #tpu.memory_space<vmem>>) semaphore(%run_scoped3A_284 : memref<!tpu.dma_semaphore, #tpu.memory_space<semaphore_mem>>) {add = true}
      %dma_wait3A_291 = arith.constant 0 : i32
      %dma_wait3A_292 = tpu.memref_slice %arg8[%run_scoped3A_231, %dma_wait3A_291] : memref<2x128xi32, #tpu.memory_space<vmem>> -> memref<1x128xi32, #tpu.memory_space<vmem>>
      %dma_wait3A_293 = tpu.memref_squeeze %dma_wait3A_292 : memref<1x128xi32, #tpu.memory_space<vmem>> -> memref<128xi32, #tpu.memory_space<vmem>>
      %dma_wait3A_294 = arith.constant 0 : i32
      %dma_wait3A_295 = arith.constant 0 : i32
      %dma_wait3A_296 = tpu.memref_slice %arg22[%dma_wait3A_294, %dma_wait3A_295] : memref<10240x64xf32, #tpu.memory_space<vmem_shared>> -> memref<10240x64xf32, #tpu.memory_space<vmem_shared>>
      tpu.wait_indirect_dma semaphore(%run_scoped3A_284 : memref<!tpu.dma_semaphore, #tpu.memory_space<semaphore_mem>>) src(%arg16 : memref<128x64xf32, #tpu.memory_space<vmem>>) dst(%dma_wait3A_296 : memref<10240x64xf32, #tpu.memory_space<vmem_shared>>)
      tpu.yield
    }) : () -> ()
    %dma_wait3A_232 = arith.constant 0 : i32
    %dma_wait3A_233 = arith.constant 0 : i32
    %dma_wait3A_234 = arith.constant 0 : i32
    %dma_wait3A_235 = tpu.memref_slice %arg3[%dma_wait3A_232, %dma_wait3A_233, %dma_wait3A_234] : memref<2560x2x128xi32, #tpu.memory_space<hbm>> -> memref<1x2x128xi32, #tpu.memory_space<hbm>>
    %dma_wait3A_236 = tpu.memref_squeeze %dma_wait3A_235 : memref<1x2x128xi32, #tpu.memory_space<hbm>> -> memref<2x128xi32, #tpu.memory_space<hbm>>
    %dma_wait3A_237 = arith.constant 0 : i32
    %dma_wait3A_238 = arith.constant 0 : i32
    %dma_wait3A_239 = tpu.memref_slice %arg3[%dma_wait3A_232, %dma_wait3A_237, %dma_wait3A_238] : memref<2560x2x128xi32, #tpu.memory_space<hbm>> -> memref<1x2x128xi32, #tpu.memory_space<hbm>>
    %dma_wait3A_240 = tpu.memref_squeeze %dma_wait3A_239 : memref<1x2x128xi32, #tpu.memory_space<hbm>> -> memref<2x128xi32, #tpu.memory_space<hbm>>
    tpu.wait_dma2 semaphore(%arg30 : memref<!tpu.dma_semaphore, #tpu.memory_space<semaphore_mem>>) src(%dma_wait3A_240 : memref<2x128xi32, #tpu.memory_space<hbm>>) dst(%arg13 : memref<2x128xi32, #tpu.memory_space<vmem>>)
    %dma_start3A_241 = arith.constant 0 : i32
    %dma_start3A_242 = arith.constant 0 : i32
    %dma_start3A_243 = tpu.memref_slice %arg13[%dma_start3A_241, %dma_start3A_242] : memref<2x128xi32, #tpu.memory_space<vmem>> -> memref<1x128xi32, #tpu.memory_space<vmem>>
    %dma_start3A_244 = tpu.memref_squeeze %dma_start3A_243 : memref<1x128xi32, #tpu.memory_space<vmem>> -> memref<128xi32, #tpu.memory_space<vmem>>
    %dma_start3A_245 = arith.constant 0 : i32
    %dma_start3A_246 = arith.constant 0 : i32
    %dma_start3A_247 = tpu.memref_slice %arg2[%dma_start3A_245, %dma_start3A_246] : memref<10240x64xf32, #tpu.memory_space<hbm>> -> memref<10240x64xf32, #tpu.memory_space<hbm>>
    tpu.enqueue_indirect_dma source(%dma_start3A_247 : memref<10240x64xf32, #tpu.memory_space<hbm>>) target(%arg21 : memref<128x64xf32, #tpu.memory_space<vmem>>) offsets(%dma_start3A_244 : memref<128xi32, #tpu.memory_space<vmem>>) semaphore(%arg38 : memref<!tpu.dma_semaphore, #tpu.memory_space<semaphore_mem>>)
    %dma_wait3A_248 = arith.constant 0 : i32
    %dma_wait3A_249 = arith.constant 0 : i32
    %dma_wait3A_250 = tpu.memref_slice %arg2[%dma_wait3A_248, %dma_wait3A_249] : memref<10240x64xf32, #tpu.memory_space<hbm>> -> memref<128x64xf32, #tpu.memory_space<hbm>>
    %dma_wait3A_251 = arith.constant 0 : i32
    %dma_wait3A_252 = arith.constant 0 : i32
    %dma_wait3A_253 = tpu.memref_slice %arg2[%dma_wait3A_251, %dma_wait3A_252] : memref<10240x64xf32, #tpu.memory_space<hbm>> -> memref<128x64xf32, #tpu.memory_space<hbm>>
    tpu.wait_dma2 semaphore(%arg34 : memref<!tpu.dma_semaphore, #tpu.memory_space<semaphore_mem>>) src(%dma_wait3A_253 : memref<128x64xf32, #tpu.memory_space<hbm>>) dst(%arg17 : memref<128x64xf32, #tpu.memory_space<vmem>>)
    %run_scoped3A_254 = arith.constant 1 : i32
    "tpu.region"() ({
      %run_scoped3A_284 = tpu.sem_alloc : memref<!tpu.dma_semaphore, #tpu.memory_space<semaphore_mem>>
      %dma_start3A_285 = arith.constant 0 : i32
      %dma_start3A_286 = tpu.memref_slice %arg9[%run_scoped3A_254, %dma_start3A_285] : memref<2x128xi32, #tpu.memory_space<vmem>> -> memref<1x128xi32, #tpu.memory_space<vmem>>
      %dma_start3A_287 = tpu.memref_squeeze %dma_start3A_286 : memref<1x128xi32, #tpu.memory_space<vmem>> -> memref<128xi32, #tpu.memory_space<vmem>>
      %dma_start3A_288 = arith.constant 0 : i32
      %dma_start3A_289 = arith.constant 0 : i32
      %dma_start3A_290 = tpu.memref_slice %arg22[%dma_start3A_288, %dma_start3A_289] : memref<10240x64xf32, #tpu.memory_space<vmem_shared>> -> memref<10240x64xf32, #tpu.memory_space<vmem_shared>>
      tpu.enqueue_indirect_dma source(%arg17 : memref<128x64xf32, #tpu.memory_space<vmem>>) target(%dma_start3A_290 : memref<10240x64xf32, #tpu.memory_space<vmem_shared>>) offsets(%dma_start3A_287 : memref<128xi32, #tpu.memory_space<vmem>>) semaphore(%run_scoped3A_284 : memref<!tpu.dma_semaphore, #tpu.memory_space<semaphore_mem>>) {add = true}
      %dma_wait3A_291 = arith.constant 0 : i32
      %dma_wait3A_292 = tpu.memref_slice %arg9[%run_scoped3A_254, %dma_wait3A_291] : memref<2x128xi32, #tpu.memory_space<vmem>> -> memref<1x128xi32, #tpu.memory_space<vmem>>
      %dma_wait3A_293 = tpu.memref_squeeze %dma_wait3A_292 : memref<1x128xi32, #tpu.memory_space<vmem>> -> memref<128xi32, #tpu.memory_space<vmem>>
      %dma_wait3A_294 = arith.constant 0 : i32
      %dma_wait3A_295 = arith.constant 0 : i32
      %dma_wait3A_296 = tpu.memref_slice %arg22[%dma_wait3A_294, %dma_wait3A_295] : memref<10240x64xf32, #tpu.memory_space<vmem_shared>> -> memref<10240x64xf32, #tpu.memory_space<vmem_shared>>
      tpu.wait_indirect_dma semaphore(%run_scoped3A_284 : memref<!tpu.dma_semaphore, #tpu.memory_space<semaphore_mem>>) src(%arg17 : memref<128x64xf32, #tpu.memory_space<vmem>>) dst(%dma_wait3A_296 : memref<10240x64xf32, #tpu.memory_space<vmem_shared>>)
      tpu.yield
    }) : () -> ()
    %dma_wait3A_255 = arith.constant 0 : i32
    %dma_wait3A_256 = arith.constant 0 : i32
    %dma_wait3A_257 = tpu.memref_slice %arg2[%dma_wait3A_255, %dma_wait3A_256] : memref<10240x64xf32, #tpu.memory_space<hbm>> -> memref<128x64xf32, #tpu.memory_space<hbm>>
    %dma_wait3A_258 = arith.constant 0 : i32
    %dma_wait3A_259 = arith.constant 0 : i32
    %dma_wait3A_260 = tpu.memref_slice %arg2[%dma_wait3A_258, %dma_wait3A_259] : memref<10240x64xf32, #tpu.memory_space<hbm>> -> memref<128x64xf32, #tpu.memory_space<hbm>>
    tpu.wait_dma2 semaphore(%arg35 : memref<!tpu.dma_semaphore, #tpu.memory_space<semaphore_mem>>) src(%dma_wait3A_260 : memref<128x64xf32, #tpu.memory_space<hbm>>) dst(%arg18 : memref<128x64xf32, #tpu.memory_space<vmem>>)
    %run_scoped3A_261 = arith.constant 1 : i32
    "tpu.region"() ({
      %run_scoped3A_284 = tpu.sem_alloc : memref<!tpu.dma_semaphore, #tpu.memory_space<semaphore_mem>>
      %dma_start3A_285 = arith.constant 0 : i32
      %dma_start3A_286 = tpu.memref_slice %arg10[%run_scoped3A_261, %dma_start3A_285] : memref<2x128xi32, #tpu.memory_space<vmem>> -> memref<1x128xi32, #tpu.memory_space<vmem>>
      %dma_start3A_287 = tpu.memref_squeeze %dma_start3A_286 : memref<1x128xi32, #tpu.memory_space<vmem>> -> memref<128xi32, #tpu.memory_space<vmem>>
      %dma_start3A_288 = arith.constant 0 : i32
      %dma_start3A_289 = arith.constant 0 : i32
      %dma_start3A_290 = tpu.memref_slice %arg22[%dma_start3A_288, %dma_start3A_289] : memref<10240x64xf32, #tpu.memory_space<vmem_shared>> -> memref<10240x64xf32, #tpu.memory_space<vmem_shared>>
      tpu.enqueue_indirect_dma source(%arg18 : memref<128x64xf32, #tpu.memory_space<vmem>>) target(%dma_start3A_290 : memref<10240x64xf32, #tpu.memory_space<vmem_shared>>) offsets(%dma_start3A_287 : memref<128xi32, #tpu.memory_space<vmem>>) semaphore(%run_scoped3A_284 : memref<!tpu.dma_semaphore, #tpu.memory_space<semaphore_mem>>) {add = true}
      %dma_wait3A_291 = arith.constant 0 : i32
      %dma_wait3A_292 = tpu.memref_slice %arg10[%run_scoped3A_261, %dma_wait3A_291] : memref<2x128xi32, #tpu.memory_space<vmem>> -> memref<1x128xi32, #tpu.memory_space<vmem>>
      %dma_wait3A_293 = tpu.memref_squeeze %dma_wait3A_292 : memref<1x128xi32, #tpu.memory_space<vmem>> -> memref<128xi32, #tpu.memory_space<vmem>>
      %dma_wait3A_294 = arith.constant 0 : i32
      %dma_wait3A_295 = arith.constant 0 : i32
      %dma_wait3A_296 = tpu.memref_slice %arg22[%dma_wait3A_294, %dma_wait3A_295] : memref<10240x64xf32, #tpu.memory_space<vmem_shared>> -> memref<10240x64xf32, #tpu.memory_space<vmem_shared>>
      tpu.wait_indirect_dma semaphore(%run_scoped3A_284 : memref<!tpu.dma_semaphore, #tpu.memory_space<semaphore_mem>>) src(%arg18 : memref<128x64xf32, #tpu.memory_space<vmem>>) dst(%dma_wait3A_296 : memref<10240x64xf32, #tpu.memory_space<vmem_shared>>)
      tpu.yield
    }) : () -> ()
    %dma_wait3A_262 = arith.constant 0 : i32
    %dma_wait3A_263 = arith.constant 0 : i32
    %dma_wait3A_264 = tpu.memref_slice %arg2[%dma_wait3A_262, %dma_wait3A_263] : memref<10240x64xf32, #tpu.memory_space<hbm>> -> memref<128x64xf32, #tpu.memory_space<hbm>>
    %dma_wait3A_265 = arith.constant 0 : i32
    %dma_wait3A_266 = arith.constant 0 : i32
    %dma_wait3A_267 = tpu.memref_slice %arg2[%dma_wait3A_265, %dma_wait3A_266] : memref<10240x64xf32, #tpu.memory_space<hbm>> -> memref<128x64xf32, #tpu.memory_space<hbm>>
    tpu.wait_dma2 semaphore(%arg36 : memref<!tpu.dma_semaphore, #tpu.memory_space<semaphore_mem>>) src(%dma_wait3A_267 : memref<128x64xf32, #tpu.memory_space<hbm>>) dst(%arg19 : memref<128x64xf32, #tpu.memory_space<vmem>>)
    %run_scoped3A_268 = arith.constant 1 : i32
    "tpu.region"() ({
      %run_scoped3A_284 = tpu.sem_alloc : memref<!tpu.dma_semaphore, #tpu.memory_space<semaphore_mem>>
      %dma_start3A_285 = arith.constant 0 : i32
      %dma_start3A_286 = tpu.memref_slice %arg11[%run_scoped3A_268, %dma_start3A_285] : memref<2x128xi32, #tpu.memory_space<vmem>> -> memref<1x128xi32, #tpu.memory_space<vmem>>
      %dma_start3A_287 = tpu.memref_squeeze %dma_start3A_286 : memref<1x128xi32, #tpu.memory_space<vmem>> -> memref<128xi32, #tpu.memory_space<vmem>>
      %dma_start3A_288 = arith.constant 0 : i32
      %dma_start3A_289 = arith.constant 0 : i32
      %dma_start3A_290 = tpu.memref_slice %arg22[%dma_start3A_288, %dma_start3A_289] : memref<10240x64xf32, #tpu.memory_space<vmem_shared>> -> memref<10240x64xf32, #tpu.memory_space<vmem_shared>>
      tpu.enqueue_indirect_dma source(%arg19 : memref<128x64xf32, #tpu.memory_space<vmem>>) target(%dma_start3A_290 : memref<10240x64xf32, #tpu.memory_space<vmem_shared>>) offsets(%dma_start3A_287 : memref<128xi32, #tpu.memory_space<vmem>>) semaphore(%run_scoped3A_284 : memref<!tpu.dma_semaphore, #tpu.memory_space<semaphore_mem>>) {add = true}
      %dma_wait3A_291 = arith.constant 0 : i32
      %dma_wait3A_292 = tpu.memref_slice %arg11[%run_scoped3A_268, %dma_wait3A_291] : memref<2x128xi32, #tpu.memory_space<vmem>> -> memref<1x128xi32, #tpu.memory_space<vmem>>
      %dma_wait3A_293 = tpu.memref_squeeze %dma_wait3A_292 : memref<1x128xi32, #tpu.memory_space<vmem>> -> memref<128xi32, #tpu.memory_space<vmem>>
      %dma_wait3A_294 = arith.constant 0 : i32
      %dma_wait3A_295 = arith.constant 0 : i32
      %dma_wait3A_296 = tpu.memref_slice %arg22[%dma_wait3A_294, %dma_wait3A_295] : memref<10240x64xf32, #tpu.memory_space<vmem_shared>> -> memref<10240x64xf32, #tpu.memory_space<vmem_shared>>
      tpu.wait_indirect_dma semaphore(%run_scoped3A_284 : memref<!tpu.dma_semaphore, #tpu.memory_space<semaphore_mem>>) src(%arg19 : memref<128x64xf32, #tpu.memory_space<vmem>>) dst(%dma_wait3A_296 : memref<10240x64xf32, #tpu.memory_space<vmem_shared>>)
      tpu.yield
    }) : () -> ()
    %dma_wait3A_269 = arith.constant 0 : i32
    %dma_wait3A_270 = arith.constant 0 : i32
    %dma_wait3A_271 = tpu.memref_slice %arg2[%dma_wait3A_269, %dma_wait3A_270] : memref<10240x64xf32, #tpu.memory_space<hbm>> -> memref<128x64xf32, #tpu.memory_space<hbm>>
    %dma_wait3A_272 = arith.constant 0 : i32
    %dma_wait3A_273 = arith.constant 0 : i32
    %dma_wait3A_274 = tpu.memref_slice %arg2[%dma_wait3A_272, %dma_wait3A_273] : memref<10240x64xf32, #tpu.memory_space<hbm>> -> memref<128x64xf32, #tpu.memory_space<hbm>>
    tpu.wait_dma2 semaphore(%arg37 : memref<!tpu.dma_semaphore, #tpu.memory_space<semaphore_mem>>) src(%dma_wait3A_274 : memref<128x64xf32, #tpu.memory_space<hbm>>) dst(%arg20 : memref<128x64xf32, #tpu.memory_space<vmem>>)
    %run_scoped3A_275 = arith.constant 1 : i32
    "tpu.region"() ({
      %run_scoped3A_284 = tpu.sem_alloc : memref<!tpu.dma_semaphore, #tpu.memory_space<semaphore_mem>>
      %dma_start3A_285 = arith.constant 0 : i32
      %dma_start3A_286 = tpu.memref_slice %arg12[%run_scoped3A_275, %dma_start3A_285] : memref<2x128xi32, #tpu.memory_space<vmem>> -> memref<1x128xi32, #tpu.memory_space<vmem>>
      %dma_start3A_287 = tpu.memref_squeeze %dma_start3A_286 : memref<1x128xi32, #tpu.memory_space<vmem>> -> memref<128xi32, #tpu.memory_space<vmem>>
      %dma_start3A_288 = arith.constant 0 : i32
      %dma_start3A_289 = arith.constant 0 : i32
      %dma_start3A_290 = tpu.memref_slice %arg22[%dma_start3A_288, %dma_start3A_289] : memref<10240x64xf32, #tpu.memory_space<vmem_shared>> -> memref<10240x64xf32, #tpu.memory_space<vmem_shared>>
      tpu.enqueue_indirect_dma source(%arg20 : memref<128x64xf32, #tpu.memory_space<vmem>>) target(%dma_start3A_290 : memref<10240x64xf32, #tpu.memory_space<vmem_shared>>) offsets(%dma_start3A_287 : memref<128xi32, #tpu.memory_space<vmem>>) semaphore(%run_scoped3A_284 : memref<!tpu.dma_semaphore, #tpu.memory_space<semaphore_mem>>) {add = true}
      %dma_wait3A_291 = arith.constant 0 : i32
      %dma_wait3A_292 = tpu.memref_slice %arg12[%run_scoped3A_275, %dma_wait3A_291] : memref<2x128xi32, #tpu.memory_space<vmem>> -> memref<1x128xi32, #tpu.memory_space<vmem>>
      %dma_wait3A_293 = tpu.memref_squeeze %dma_wait3A_292 : memref<1x128xi32, #tpu.memory_space<vmem>> -> memref<128xi32, #tpu.memory_space<vmem>>
      %dma_wait3A_294 = arith.constant 0 : i32
      %dma_wait3A_295 = arith.constant 0 : i32
      %dma_wait3A_296 = tpu.memref_slice %arg22[%dma_wait3A_294, %dma_wait3A_295] : memref<10240x64xf32, #tpu.memory_space<vmem_shared>> -> memref<10240x64xf32, #tpu.memory_space<vmem_shared>>
      tpu.wait_indirect_dma semaphore(%run_scoped3A_284 : memref<!tpu.dma_semaphore, #tpu.memory_space<semaphore_mem>>) src(%arg20 : memref<128x64xf32, #tpu.memory_space<vmem>>) dst(%dma_wait3A_296 : memref<10240x64xf32, #tpu.memory_space<vmem_shared>>)
      tpu.yield
    }) : () -> ()
    %dma_wait3A_276 = arith.constant 0 : i32
    %dma_wait3A_277 = arith.constant 0 : i32
    %dma_wait3A_278 = tpu.memref_slice %arg2[%dma_wait3A_276, %dma_wait3A_277] : memref<10240x64xf32, #tpu.memory_space<hbm>> -> memref<128x64xf32, #tpu.memory_space<hbm>>
    %dma_wait3A_279 = arith.constant 0 : i32
    %dma_wait3A_280 = arith.constant 0 : i32
    %dma_wait3A_281 = tpu.memref_slice %arg2[%dma_wait3A_279, %dma_wait3A_280] : memref<10240x64xf32, #tpu.memory_space<hbm>> -> memref<128x64xf32, #tpu.memory_space<hbm>>
    tpu.wait_dma2 semaphore(%arg38 : memref<!tpu.dma_semaphore, #tpu.memory_space<semaphore_mem>>) src(%dma_wait3A_281 : memref<128x64xf32, #tpu.memory_space<hbm>>) dst(%arg21 : memref<128x64xf32, #tpu.memory_space<vmem>>)
    %run_scoped3A_282 = arith.constant 1 : i32
    "tpu.region"() ({
      %run_scoped3A_284 = tpu.sem_alloc : memref<!tpu.dma_semaphore, #tpu.memory_space<semaphore_mem>>
      %dma_start3A_285 = arith.constant 0 : i32
      %dma_start3A_286 = tpu.memref_slice %arg13[%run_scoped3A_282, %dma_start3A_285] : memref<2x128xi32, #tpu.memory_space<vmem>> -> memref<1x128xi32, #tpu.memory_space<vmem>>
      %dma_start3A_287 = tpu.memref_squeeze %dma_start3A_286 : memref<1x128xi32, #tpu.memory_space<vmem>> -> memref<128xi32, #tpu.memory_space<vmem>>
      %dma_start3A_288 = arith.constant 0 : i32
      %dma_start3A_289 = arith.constant 0 : i32
      %dma_start3A_290 = tpu.memref_slice %arg22[%dma_start3A_288, %dma_start3A_289] : memref<10240x64xf32, #tpu.memory_space<vmem_shared>> -> memref<10240x64xf32, #tpu.memory_space<vmem_shared>>
      tpu.enqueue_indirect_dma source(%arg21 : memref<128x64xf32, #tpu.memory_space<vmem>>) target(%dma_start3A_290 : memref<10240x64xf32, #tpu.memory_space<vmem_shared>>) offsets(%dma_start3A_287 : memref<128xi32, #tpu.memory_space<vmem>>) semaphore(%run_scoped3A_284 : memref<!tpu.dma_semaphore, #tpu.memory_space<semaphore_mem>>) {add = true}
      %dma_wait3A_291 = arith.constant 0 : i32
      %dma_wait3A_292 = tpu.memref_slice %arg13[%run_scoped3A_282, %dma_wait3A_291] : memref<2x128xi32, #tpu.memory_space<vmem>> -> memref<1x128xi32, #tpu.memory_space<vmem>>
      %dma_wait3A_293 = tpu.memref_squeeze %dma_wait3A_292 : memref<1x128xi32, #tpu.memory_space<vmem>> -> memref<128xi32, #tpu.memory_space<vmem>>
      %dma_wait3A_294 = arith.constant 0 : i32
      %dma_wait3A_295 = arith.constant 0 : i32
      %dma_wait3A_296 = tpu.memref_slice %arg22[%dma_wait3A_294, %dma_wait3A_295] : memref<10240x64xf32, #tpu.memory_space<vmem_shared>> -> memref<10240x64xf32, #tpu.memory_space<vmem_shared>>
      tpu.wait_indirect_dma semaphore(%run_scoped3A_284 : memref<!tpu.dma_semaphore, #tpu.memory_space<semaphore_mem>>) src(%arg21 : memref<128x64xf32, #tpu.memory_space<vmem>>) dst(%dma_wait3A_296 : memref<10240x64xf32, #tpu.memory_space<vmem_shared>>)
      tpu.yield
    }) : () -> ()
    %barrier3A_283 = arith.constant 0 : index
    tpu.barrier barrier_id(%barrier3A_283)
    "tpu.region"() ({
      %run_scoped3A_284 = tpu.sem_alloc : memref<!tpu.dma_semaphore, #tpu.memory_space<semaphore_mem>>
      %dma_start3A_285 = arith.constant 0 : i32
      %dma_start3A_286 = tpu.memref_slice %arg5[%arg0, %mul3A_4, %dma_start3A_285] : memref<2x10240x64xf32, #tpu.memory_space<hbm>> -> memref<1x640x64xf32, #tpu.memory_space<hbm>>
      %dma_start3A_287 = tpu.memref_squeeze %dma_start3A_286 : memref<1x640x64xf32, #tpu.memory_space<hbm>> -> memref<640x64xf32, #tpu.memory_space<hbm>>
      %dma_start3A_288 = arith.constant 0 : i32
      %dma_start3A_289 = tpu.memref_slice %arg22[%mul3A_4, %dma_start3A_288] : memref<10240x64xf32, #tpu.memory_space<vmem_shared>> -> memref<640x64xf32, #tpu.memory_space<vmem_shared>>
      tpu.enqueue_dma source(%dma_start3A_289 : memref<640x64xf32, #tpu.memory_space<vmem_shared>>) target(%dma_start3A_287 : memref<640x64xf32, #tpu.memory_space<hbm>>) target_semaphore(%run_scoped3A_284 : memref<!tpu.dma_semaphore, #tpu.memory_space<semaphore_mem>>)
      %dma_wait3A_290 = arith.constant 0 : i32
      %dma_wait3A_291 = tpu.memref_slice %arg5[%arg0, %mul3A_4, %dma_wait3A_290] : memref<2x10240x64xf32, #tpu.memory_space<hbm>> -> memref<1x640x64xf32, #tpu.memory_space<hbm>>
      %dma_wait3A_292 = tpu.memref_squeeze %dma_wait3A_291 : memref<1x640x64xf32, #tpu.memory_space<hbm>> -> memref<640x64xf32, #tpu.memory_space<hbm>>
      %dma_wait3A_293 = arith.constant 0 : i32
      %dma_wait3A_294 = tpu.memref_slice %arg22[%mul3A_4, %dma_wait3A_293] : memref<10240x64xf32, #tpu.memory_space<vmem_shared>> -> memref<640x64xf32, #tpu.memory_space<vmem_shared>>
      tpu.wait_dma2 semaphore(%run_scoped3A_284 : memref<!tpu.dma_semaphore, #tpu.memory_space<semaphore_mem>>) src(%dma_wait3A_294 : memref<640x64xf32, #tpu.memory_space<vmem_shared>>) dst(%dma_wait3A_292 : memref<640x64xf32, #tpu.memory_space<hbm>>)
      tpu.yield
    }) : () -> ()
    return
  }
}

#map = affine_map<(d0, d1) -> (0, 0)>
#map1 = affine_map<(d0, d1) -> (0, 0, 0)>
module attributes {stable_mosaic.version = 14 : i64} {
  func.func @_edge_kernel(%arg0: i32, %arg1: i32, %arg2: memref<10240x64xf32, #tpu.memory_space<hbm>>, %arg3: memref<2560x2x128xi32, #tpu.memory_space<hbm>>, %arg4: memref<10240x64xf32, #tpu.memory_space<hbm>>, %arg5: memref<2x10240x64xf32, #tpu.memory_space<hbm>>, %arg6: memref<2x128xi32, #tpu.memory_space<vmem>>, %arg7: memref<2x128xi32, #tpu.memory_space<vmem>>, %arg8: memref<2x128xi32, #tpu.memory_space<vmem>>, %arg9: memref<2x128xi32, #tpu.memory_space<vmem>>, %arg10: memref<2x128xi32, #tpu.memory_space<vmem>>, %arg11: memref<2x128xi32, #tpu.memory_space<vmem>>, %arg12: memref<2x128xi32, #tpu.memory_space<vmem>>, %arg13: memref<2x128xi32, #tpu.memory_space<vmem>>, %arg14: memref<128x64xf32, #tpu.memory_space<vmem>>, %arg15: memref<128x64xf32, #tpu.memory_space<vmem>>, %arg16: memref<128x64xf32, #tpu.memory_space<vmem>>, %arg17: memref<128x64xf32, #tpu.memory_space<vmem>>, %arg18: memref<128x64xf32, #tpu.memory_space<vmem>>, %arg19: memref<128x64xf32, #tpu.memory_space<vmem>>, %arg20: memref<128x64xf32, #tpu.memory_space<vmem>>, %arg21: memref<128x64xf32, #tpu.memory_space<vmem>>, %arg22: memref<10240x64xf32, #tpu.memory_space<vmem_shared>>, %arg23: memref<!tpu.dma_semaphore, #tpu.memory_space<semaphore_mem>>, %arg24: memref<!tpu.dma_semaphore, #tpu.memory_space<semaphore_mem>>, %arg25: memref<!tpu.dma_semaphore, #tpu.memory_space<semaphore_mem>>, %arg26: memref<!tpu.dma_semaphore, #tpu.memory_space<semaphore_mem>>, %arg27: memref<!tpu.dma_semaphore, #tpu.memory_space<semaphore_mem>>, %arg28: memref<!tpu.dma_semaphore, #tpu.memory_space<semaphore_mem>>, %arg29: memref<!tpu.dma_semaphore, #tpu.memory_space<semaphore_mem>>, %arg30: memref<!tpu.dma_semaphore, #tpu.memory_space<semaphore_mem>>, %arg31: memref<!tpu.dma_semaphore, #tpu.memory_space<semaphore_mem>>, %arg32: memref<!tpu.dma_semaphore, #tpu.memory_space<semaphore_mem>>, %arg33: memref<!tpu.dma_semaphore, #tpu.memory_space<semaphore_mem>>, %arg34: memref<!tpu.dma_semaphore, #tpu.memory_space<semaphore_mem>>, %arg35: memref<!tpu.dma_semaphore, #tpu.memory_space<semaphore_mem>>, %arg36: memref<!tpu.dma_semaphore, #tpu.memory_space<semaphore_mem>>, %arg37: memref<!tpu.dma_semaphore, #tpu.memory_space<semaphore_mem>>, %arg38: memref<!tpu.dma_semaphore, #tpu.memory_space<semaphore_mem>>) attributes {dimension_semantics = [#tpu.dimension_semantics<core_parallel>, #tpu.dimension_semantics<subcore_parallel>], iteration_bounds = array<i64: 2, 16>, scalar_prefetch = 0 : i64, scratch_operands = 33 : i64, tpu.core_type = #tpu.core_type<sc_vector_subcore>, window_params = [{transform_indices = #map}, {transform_indices = #map1}, {transform_indices = #map}, {transform_indices = #map1}]} {
    %mul3A = arith.constant 16 : i32
    %mul3A_0 = arith.muli %arg0, %mul3A : i32
    %add3A = arith.addi %mul3A_0, %arg1 : i32
    %mul3A_1 = arith.constant 80 : i32
    %mul3A_2 = arith.muli %add3A, %mul3A_1 : i32
    %mul3A_3 = arith.constant 640 : i32
    %mul3A_4 = arith.muli %arg1, %mul3A_3 : i32
    %add3A_5 = arith.constant 0 : i32
    %add3A_6 = arith.addi %mul3A_2, %add3A_5 : i32
    %dma_start3A = arith.constant 0 : i32
    %dma_start3A_7 = arith.constant 0 : i32
    %dma_start3A_8 = tpu.memref_slice %arg3[%add3A_6, %dma_start3A, %dma_start3A_7] : memref<2560x2x128xi32, #tpu.memory_space<hbm>> -> memref<1x2x128xi32, #tpu.memory_space<hbm>>
    %dma_start3A_9 = tpu.memref_squeeze %dma_start3A_8 : memref<1x2x128xi32, #tpu.memory_space<hbm>> -> memref<2x128xi32, #tpu.memory_space<hbm>>
    %dma_start3A_10 = arith.constant 0 : i32
    %dma_start3A_11 = arith.constant 0 : i32
    %dma_start3A_12 = tpu.memref_slice %arg3[%add3A_6, %dma_start3A_10, %dma_start3A_11] : memref<2560x2x128xi32, #tpu.memory_space<hbm>> -> memref<1x2x128xi32, #tpu.memory_space<hbm>>
    %dma_start3A_13 = tpu.memref_squeeze %dma_start3A_12 : memref<1x2x128xi32, #tpu.memory_space<hbm>> -> memref<2x128xi32, #tpu.memory_space<hbm>>
    tpu.enqueue_dma source(%dma_start3A_13 : memref<2x128xi32, #tpu.memory_space<hbm>>) target(%arg6 : memref<2x128xi32, #tpu.memory_space<vmem>>) target_semaphore(%arg23 : memref<!tpu.dma_semaphore, #tpu.memory_space<semaphore_mem>>)
    %add3A_14 = arith.constant 1 : i32
    %add3A_15 = arith.addi %mul3A_2, %add3A_14 : i32
    %dma_start3A_16 = arith.constant 0 : i32
    %dma_start3A_17 = arith.constant 0 : i32
    %dma_start3A_18 = tpu.memref_slice %arg3[%add3A_15, %dma_start3A_16, %dma_start3A_17] : memref<2560x2x128xi32, #tpu.memory_space<hbm>> -> memref<1x2x128xi32, #tpu.memory_space<hbm>>
    %dma_start3A_19 = tpu.memref_squeeze %dma_start3A_18 : memref<1x2x128xi32, #tpu.memory_space<hbm>> -> memref<2x128xi32, #tpu.memory_space<hbm>>
    %dma_start3A_20 = arith.constant 0 : i32
    %dma_start3A_21 = arith.constant 0 : i32
    %dma_start3A_22 = tpu.memref_slice %arg3[%add3A_15, %dma_start3A_20, %dma_start3A_21] : memref<2560x2x128xi32, #tpu.memory_space<hbm>> -> memref<1x2x128xi32, #tpu.memory_space<hbm>>
    %dma_start3A_23 = tpu.memref_squeeze %dma_start3A_22 : memref<1x2x128xi32, #tpu.memory_space<hbm>> -> memref<2x128xi32, #tpu.memory_space<hbm>>
    tpu.enqueue_dma source(%dma_start3A_23 : memref<2x128xi32, #tpu.memory_space<hbm>>) target(%arg7 : memref<2x128xi32, #tpu.memory_space<vmem>>) target_semaphore(%arg24 : memref<!tpu.dma_semaphore, #tpu.memory_space<semaphore_mem>>)
    %add3A_24 = arith.constant 2 : i32
    %add3A_25 = arith.addi %mul3A_2, %add3A_24 : i32
    %dma_start3A_26 = arith.constant 0 : i32
    %dma_start3A_27 = arith.constant 0 : i32
    %dma_start3A_28 = tpu.memref_slice %arg3[%add3A_25, %dma_start3A_26, %dma_start3A_27] : memref<2560x2x128xi32, #tpu.memory_space<hbm>> -> memref<1x2x128xi32, #tpu.memory_space<hbm>>
    %dma_start3A_29 = tpu.memref_squeeze %dma_start3A_28 : memref<1x2x128xi32, #tpu.memory_space<hbm>> -> memref<2x128xi32, #tpu.memory_space<hbm>>
    %dma_start3A_30 = arith.constant 0 : i32
    %dma_start3A_31 = arith.constant 0 : i32
    %dma_start3A_32 = tpu.memref_slice %arg3[%add3A_25, %dma_start3A_30, %dma_start3A_31] : memref<2560x2x128xi32, #tpu.memory_space<hbm>> -> memref<1x2x128xi32, #tpu.memory_space<hbm>>
    %dma_start3A_33 = tpu.memref_squeeze %dma_start3A_32 : memref<1x2x128xi32, #tpu.memory_space<hbm>> -> memref<2x128xi32, #tpu.memory_space<hbm>>
    tpu.enqueue_dma source(%dma_start3A_33 : memref<2x128xi32, #tpu.memory_space<hbm>>) target(%arg8 : memref<2x128xi32, #tpu.memory_space<vmem>>) target_semaphore(%arg25 : memref<!tpu.dma_semaphore, #tpu.memory_space<semaphore_mem>>)
    %add3A_34 = arith.constant 3 : i32
    %add3A_35 = arith.addi %mul3A_2, %add3A_34 : i32
    %dma_start3A_36 = arith.constant 0 : i32
    %dma_start3A_37 = arith.constant 0 : i32
    %dma_start3A_38 = tpu.memref_slice %arg3[%add3A_35, %dma_start3A_36, %dma_start3A_37] : memref<2560x2x128xi32, #tpu.memory_space<hbm>> -> memref<1x2x128xi32, #tpu.memory_space<hbm>>
    %dma_start3A_39 = tpu.memref_squeeze %dma_start3A_38 : memref<1x2x128xi32, #tpu.memory_space<hbm>> -> memref<2x128xi32, #tpu.memory_space<hbm>>
    %dma_start3A_40 = arith.constant 0 : i32
    %dma_start3A_41 = arith.constant 0 : i32
    %dma_start3A_42 = tpu.memref_slice %arg3[%add3A_35, %dma_start3A_40, %dma_start3A_41] : memref<2560x2x128xi32, #tpu.memory_space<hbm>> -> memref<1x2x128xi32, #tpu.memory_space<hbm>>
    %dma_start3A_43 = tpu.memref_squeeze %dma_start3A_42 : memref<1x2x128xi32, #tpu.memory_space<hbm>> -> memref<2x128xi32, #tpu.memory_space<hbm>>
    tpu.enqueue_dma source(%dma_start3A_43 : memref<2x128xi32, #tpu.memory_space<hbm>>) target(%arg9 : memref<2x128xi32, #tpu.memory_space<vmem>>) target_semaphore(%arg26 : memref<!tpu.dma_semaphore, #tpu.memory_space<semaphore_mem>>)
    %add3A_44 = arith.constant 4 : i32
    %add3A_45 = arith.addi %mul3A_2, %add3A_44 : i32
    %dma_start3A_46 = arith.constant 0 : i32
    %dma_start3A_47 = arith.constant 0 : i32
    %dma_start3A_48 = tpu.memref_slice %arg3[%add3A_45, %dma_start3A_46, %dma_start3A_47] : memref<2560x2x128xi32, #tpu.memory_space<hbm>> -> memref<1x2x128xi32, #tpu.memory_space<hbm>>
    %dma_start3A_49 = tpu.memref_squeeze %dma_start3A_48 : memref<1x2x128xi32, #tpu.memory_space<hbm>> -> memref<2x128xi32, #tpu.memory_space<hbm>>
    %dma_start3A_50 = arith.constant 0 : i32
    %dma_start3A_51 = arith.constant 0 : i32
    %dma_start3A_52 = tpu.memref_slice %arg3[%add3A_45, %dma_start3A_50, %dma_start3A_51] : memref<2560x2x128xi32, #tpu.memory_space<hbm>> -> memref<1x2x128xi32, #tpu.memory_space<hbm>>
    %dma_start3A_53 = tpu.memref_squeeze %dma_start3A_52 : memref<1x2x128xi32, #tpu.memory_space<hbm>> -> memref<2x128xi32, #tpu.memory_space<hbm>>
    tpu.enqueue_dma source(%dma_start3A_53 : memref<2x128xi32, #tpu.memory_space<hbm>>) target(%arg10 : memref<2x128xi32, #tpu.memory_space<vmem>>) target_semaphore(%arg27 : memref<!tpu.dma_semaphore, #tpu.memory_space<semaphore_mem>>)
    %eq3A = arith.constant 0 : i32
    %eq3A_54 = arith.cmpi eq, %arg0, %eq3A : i32
    %convert_element_type3A = arith.extui %eq3A_54 : i1 to i32
    %cond3A = arith.constant 0 : i32
    %cond3A_55 = arith.cmpi ne, %convert_element_type3A, %cond3A : i32
    scf.if %cond3A_55 {
      "tpu.region"() ({
        %run_scoped3A_284 = tpu.sem_alloc : memref<!tpu.dma_semaphore, #tpu.memory_space<semaphore_mem>>
        %dma_start3A_285 = arith.constant 0 : i32
        %dma_start3A_286 = tpu.memref_slice %arg22[%mul3A_4, %dma_start3A_285] : memref<10240x64xf32, #tpu.memory_space<vmem_shared>> -> memref<640x64xf32, #tpu.memory_space<vmem_shared>>
        %dma_start3A_287 = arith.constant 0 : i32
        %dma_start3A_288 = tpu.memref_slice %arg2[%mul3A_4, %dma_start3A_287] : memref<10240x64xf32, #tpu.memory_space<hbm>> -> memref<640x64xf32, #tpu.memory_space<hbm>>
        tpu.enqueue_dma source(%dma_start3A_288 : memref<640x64xf32, #tpu.memory_space<hbm>>) target(%dma_start3A_286 : memref<640x64xf32, #tpu.memory_space<vmem_shared>>) target_semaphore(%run_scoped3A_284 : memref<!tpu.dma_semaphore, #tpu.memory_space<semaphore_mem>>)
        %dma_wait3A_289 = arith.constant 0 : i32
        %dma_wait3A_290 = tpu.memref_slice %arg22[%mul3A_4, %dma_wait3A_289] : memref<10240x64xf32, #tpu.memory_space<vmem_shared>> -> memref<640x64xf32, #tpu.memory_space<vmem_shared>>
        %dma_wait3A_291 = arith.constant 0 : i32
        %dma_wait3A_292 = tpu.memref_slice %arg2[%mul3A_4, %dma_wait3A_291] : memref<10240x64xf32, #tpu.memory_space<hbm>> -> memref<640x64xf32, #tpu.memory_space<hbm>>
        tpu.wait_dma2 semaphore(%run_scoped3A_284 : memref<!tpu.dma_semaphore, #tpu.memory_space<semaphore_mem>>) src(%dma_wait3A_292 : memref<640x64xf32, #tpu.memory_space<hbm>>) dst(%dma_wait3A_290 : memref<640x64xf32, #tpu.memory_space<vmem_shared>>)
        tpu.yield
      }) : () -> ()
    } else {
    }
    %ne3A = arith.constant 0 : i32
    %ne3A_56 = arith.cmpi ne, %arg0, %ne3A : i32
    %convert_element_type3A_57 = arith.extui %ne3A_56 : i1 to i32
    %cond3A_58 = arith.constant 0 : i32
    %cond3A_59 = arith.cmpi ne, %convert_element_type3A_57, %cond3A_58 : i32
    scf.if %cond3A_59 {
      "tpu.region"() ({
        %run_scoped3A_284 = tpu.sem_alloc : memref<!tpu.dma_semaphore, #tpu.memory_space<semaphore_mem>>
        %dma_start3A_285 = arith.constant 0 : i32
        %dma_start3A_286 = tpu.memref_slice %arg22[%mul3A_4, %dma_start3A_285] : memref<10240x64xf32, #tpu.memory_space<vmem_shared>> -> memref<640x64xf32, #tpu.memory_space<vmem_shared>>
        %dma_start3A_287 = arith.constant 0 : i32
        %dma_start3A_288 = tpu.memref_slice %arg4[%mul3A_4, %dma_start3A_287] : memref<10240x64xf32, #tpu.memory_space<hbm>> -> memref<640x64xf32, #tpu.memory_space<hbm>>
        tpu.enqueue_dma source(%dma_start3A_288 : memref<640x64xf32, #tpu.memory_space<hbm>>) target(%dma_start3A_286 : memref<640x64xf32, #tpu.memory_space<vmem_shared>>) target_semaphore(%run_scoped3A_284 : memref<!tpu.dma_semaphore, #tpu.memory_space<semaphore_mem>>)
        %dma_wait3A_289 = arith.constant 0 : i32
        %dma_wait3A_290 = tpu.memref_slice %arg22[%mul3A_4, %dma_wait3A_289] : memref<10240x64xf32, #tpu.memory_space<vmem_shared>> -> memref<640x64xf32, #tpu.memory_space<vmem_shared>>
        %dma_wait3A_291 = arith.constant 0 : i32
        %dma_wait3A_292 = tpu.memref_slice %arg4[%mul3A_4, %dma_wait3A_291] : memref<10240x64xf32, #tpu.memory_space<hbm>> -> memref<640x64xf32, #tpu.memory_space<hbm>>
        tpu.wait_dma2 semaphore(%run_scoped3A_284 : memref<!tpu.dma_semaphore, #tpu.memory_space<semaphore_mem>>) src(%dma_wait3A_292 : memref<640x64xf32, #tpu.memory_space<hbm>>) dst(%dma_wait3A_290 : memref<640x64xf32, #tpu.memory_space<vmem_shared>>)
        tpu.yield
      }) : () -> ()
    } else {
    }
    %dma_wait3A = arith.constant 0 : i32
    %dma_wait3A_60 = arith.constant 0 : i32
    %dma_wait3A_61 = arith.constant 0 : i32
    %dma_wait3A_62 = tpu.memref_slice %arg3[%dma_wait3A, %dma_wait3A_60, %dma_wait3A_61] : memref<2560x2x128xi32, #tpu.memory_space<hbm>> -> memref<1x2x128xi32, #tpu.memory_space<hbm>>
    %dma_wait3A_63 = tpu.memref_squeeze %dma_wait3A_62 : memref<1x2x128xi32, #tpu.memory_space<hbm>> -> memref<2x128xi32, #tpu.memory_space<hbm>>
    %dma_wait3A_64 = arith.constant 0 : i32
    %dma_wait3A_65 = arith.constant 0 : i32
    %dma_wait3A_66 = tpu.memref_slice %arg3[%dma_wait3A, %dma_wait3A_64, %dma_wait3A_65] : memref<2560x2x128xi32, #tpu.memory_space<hbm>> -> memref<1x2x128xi32, #tpu.memory_space<hbm>>
    %dma_wait3A_67 = tpu.memref_squeeze %dma_wait3A_66 : memref<1x2x128xi32, #tpu.memory_space<hbm>> -> memref<2x128xi32, #tpu.memory_space<hbm>>
    tpu.wait_dma2 semaphore(%arg23 : memref<!tpu.dma_semaphore, #tpu.memory_space<semaphore_mem>>) src(%dma_wait3A_67 : memref<2x128xi32, #tpu.memory_space<hbm>>) dst(%arg6 : memref<2x128xi32, #tpu.memory_space<vmem>>)
    %dma_start3A_68 = arith.constant 0 : i32
    %dma_start3A_69 = arith.constant 0 : i32
    %dma_start3A_70 = tpu.memref_slice %arg6[%dma_start3A_68, %dma_start3A_69] : memref<2x128xi32, #tpu.memory_space<vmem>> -> memref<1x128xi32, #tpu.memory_space<vmem>>
    %dma_start3A_71 = tpu.memref_squeeze %dma_start3A_70 : memref<1x128xi32, #tpu.memory_space<vmem>> -> memref<128xi32, #tpu.memory_space<vmem>>
    %dma_start3A_72 = arith.constant 0 : i32
    %dma_start3A_73 = arith.constant 0 : i32
    %dma_start3A_74 = tpu.memref_slice %arg2[%dma_start3A_72, %dma_start3A_73] : memref<10240x64xf32, #tpu.memory_space<hbm>> -> memref<10240x64xf32, #tpu.memory_space<hbm>>
    tpu.enqueue_indirect_dma source(%dma_start3A_74 : memref<10240x64xf32, #tpu.memory_space<hbm>>) target(%arg14 : memref<128x64xf32, #tpu.memory_space<vmem>>) offsets(%dma_start3A_71 : memref<128xi32, #tpu.memory_space<vmem>>) semaphore(%arg31 : memref<!tpu.dma_semaphore, #tpu.memory_space<semaphore_mem>>)
    %dma_wait3A_75 = arith.constant 0 : i32
    %dma_wait3A_76 = arith.constant 0 : i32
    %dma_wait3A_77 = arith.constant 0 : i32
    %dma_wait3A_78 = tpu.memref_slice %arg3[%dma_wait3A_75, %dma_wait3A_76, %dma_wait3A_77] : memref<2560x2x128xi32, #tpu.memory_space<hbm>> -> memref<1x2x128xi32, #tpu.memory_space<hbm>>
    %dma_wait3A_79 = tpu.memref_squeeze %dma_wait3A_78 : memref<1x2x128xi32, #tpu.memory_space<hbm>> -> memref<2x128xi32, #tpu.memory_space<hbm>>
    %dma_wait3A_80 = arith.constant 0 : i32
    %dma_wait3A_81 = arith.constant 0 : i32
    %dma_wait3A_82 = tpu.memref_slice %arg3[%dma_wait3A_75, %dma_wait3A_80, %dma_wait3A_81] : memref<2560x2x128xi32, #tpu.memory_space<hbm>> -> memref<1x2x128xi32, #tpu.memory_space<hbm>>
    %dma_wait3A_83 = tpu.memref_squeeze %dma_wait3A_82 : memref<1x2x128xi32, #tpu.memory_space<hbm>> -> memref<2x128xi32, #tpu.memory_space<hbm>>
    tpu.wait_dma2 semaphore(%arg24 : memref<!tpu.dma_semaphore, #tpu.memory_space<semaphore_mem>>) src(%dma_wait3A_83 : memref<2x128xi32, #tpu.memory_space<hbm>>) dst(%arg7 : memref<2x128xi32, #tpu.memory_space<vmem>>)
    %dma_start3A_84 = arith.constant 0 : i32
    %dma_start3A_85 = arith.constant 0 : i32
    %dma_start3A_86 = tpu.memref_slice %arg7[%dma_start3A_84, %dma_start3A_85] : memref<2x128xi32, #tpu.memory_space<vmem>> -> memref<1x128xi32, #tpu.memory_space<vmem>>
    %dma_start3A_87 = tpu.memref_squeeze %dma_start3A_86 : memref<1x128xi32, #tpu.memory_space<vmem>> -> memref<128xi32, #tpu.memory_space<vmem>>
    %dma_start3A_88 = arith.constant 0 : i32
    %dma_start3A_89 = arith.constant 0 : i32
    %dma_start3A_90 = tpu.memref_slice %arg2[%dma_start3A_88, %dma_start3A_89] : memref<10240x64xf32, #tpu.memory_space<hbm>> -> memref<10240x64xf32, #tpu.memory_space<hbm>>
    tpu.enqueue_indirect_dma source(%dma_start3A_90 : memref<10240x64xf32, #tpu.memory_space<hbm>>) target(%arg15 : memref<128x64xf32, #tpu.memory_space<vmem>>) offsets(%dma_start3A_87 : memref<128xi32, #tpu.memory_space<vmem>>) semaphore(%arg32 : memref<!tpu.dma_semaphore, #tpu.memory_space<semaphore_mem>>)
    %dma_wait3A_91 = arith.constant 0 : i32
    %dma_wait3A_92 = arith.constant 0 : i32
    %dma_wait3A_93 = arith.constant 0 : i32
    %dma_wait3A_94 = tpu.memref_slice %arg3[%dma_wait3A_91, %dma_wait3A_92, %dma_wait3A_93] : memref<2560x2x128xi32, #tpu.memory_space<hbm>> -> memref<1x2x128xi32, #tpu.memory_space<hbm>>
    %dma_wait3A_95 = tpu.memref_squeeze %dma_wait3A_94 : memref<1x2x128xi32, #tpu.memory_space<hbm>> -> memref<2x128xi32, #tpu.memory_space<hbm>>
    %dma_wait3A_96 = arith.constant 0 : i32
    %dma_wait3A_97 = arith.constant 0 : i32
    %dma_wait3A_98 = tpu.memref_slice %arg3[%dma_wait3A_91, %dma_wait3A_96, %dma_wait3A_97] : memref<2560x2x128xi32, #tpu.memory_space<hbm>> -> memref<1x2x128xi32, #tpu.memory_space<hbm>>
    %dma_wait3A_99 = tpu.memref_squeeze %dma_wait3A_98 : memref<1x2x128xi32, #tpu.memory_space<hbm>> -> memref<2x128xi32, #tpu.memory_space<hbm>>
    tpu.wait_dma2 semaphore(%arg25 : memref<!tpu.dma_semaphore, #tpu.memory_space<semaphore_mem>>) src(%dma_wait3A_99 : memref<2x128xi32, #tpu.memory_space<hbm>>) dst(%arg8 : memref<2x128xi32, #tpu.memory_space<vmem>>)
    %dma_start3A_100 = arith.constant 0 : i32
    %dma_start3A_101 = arith.constant 0 : i32
    %dma_start3A_102 = tpu.memref_slice %arg8[%dma_start3A_100, %dma_start3A_101] : memref<2x128xi32, #tpu.memory_space<vmem>> -> memref<1x128xi32, #tpu.memory_space<vmem>>
    %dma_start3A_103 = tpu.memref_squeeze %dma_start3A_102 : memref<1x128xi32, #tpu.memory_space<vmem>> -> memref<128xi32, #tpu.memory_space<vmem>>
    %dma_start3A_104 = arith.constant 0 : i32
    %dma_start3A_105 = arith.constant 0 : i32
    %dma_start3A_106 = tpu.memref_slice %arg2[%dma_start3A_104, %dma_start3A_105] : memref<10240x64xf32, #tpu.memory_space<hbm>> -> memref<10240x64xf32, #tpu.memory_space<hbm>>
    tpu.enqueue_indirect_dma source(%dma_start3A_106 : memref<10240x64xf32, #tpu.memory_space<hbm>>) target(%arg16 : memref<128x64xf32, #tpu.memory_space<vmem>>) offsets(%dma_start3A_103 : memref<128xi32, #tpu.memory_space<vmem>>) semaphore(%arg33 : memref<!tpu.dma_semaphore, #tpu.memory_space<semaphore_mem>>)
    %dma_wait3A_107 = arith.constant 0 : i32
    %dma_wait3A_108 = arith.constant 0 : i32
    %dma_wait3A_109 = arith.constant 0 : i32
    %dma_wait3A_110 = tpu.memref_slice %arg3[%dma_wait3A_107, %dma_wait3A_108, %dma_wait3A_109] : memref<2560x2x128xi32, #tpu.memory_space<hbm>> -> memref<1x2x128xi32, #tpu.memory_space<hbm>>
    %dma_wait3A_111 = tpu.memref_squeeze %dma_wait3A_110 : memref<1x2x128xi32, #tpu.memory_space<hbm>> -> memref<2x128xi32, #tpu.memory_space<hbm>>
    %dma_wait3A_112 = arith.constant 0 : i32
    %dma_wait3A_113 = arith.constant 0 : i32
    %dma_wait3A_114 = tpu.memref_slice %arg3[%dma_wait3A_107, %dma_wait3A_112, %dma_wait3A_113] : memref<2560x2x128xi32, #tpu.memory_space<hbm>> -> memref<1x2x128xi32, #tpu.memory_space<hbm>>
    %dma_wait3A_115 = tpu.memref_squeeze %dma_wait3A_114 : memref<1x2x128xi32, #tpu.memory_space<hbm>> -> memref<2x128xi32, #tpu.memory_space<hbm>>
    tpu.wait_dma2 semaphore(%arg26 : memref<!tpu.dma_semaphore, #tpu.memory_space<semaphore_mem>>) src(%dma_wait3A_115 : memref<2x128xi32, #tpu.memory_space<hbm>>) dst(%arg9 : memref<2x128xi32, #tpu.memory_space<vmem>>)
    %dma_start3A_116 = arith.constant 0 : i32
    %dma_start3A_117 = arith.constant 0 : i32
    %dma_start3A_118 = tpu.memref_slice %arg9[%dma_start3A_116, %dma_start3A_117] : memref<2x128xi32, #tpu.memory_space<vmem>> -> memref<1x128xi32, #tpu.memory_space<vmem>>
    %dma_start3A_119 = tpu.memref_squeeze %dma_start3A_118 : memref<1x128xi32, #tpu.memory_space<vmem>> -> memref<128xi32, #tpu.memory_space<vmem>>
    %dma_start3A_120 = arith.constant 0 : i32
    %dma_start3A_121 = arith.constant 0 : i32
    %dma_start3A_122 = tpu.memref_slice %arg2[%dma_start3A_120, %dma_start3A_121] : memref<10240x64xf32, #tpu.memory_space<hbm>> -> memref<10240x64xf32, #tpu.memory_space<hbm>>
    tpu.enqueue_indirect_dma source(%dma_start3A_122 : memref<10240x64xf32, #tpu.memory_space<hbm>>) target(%arg17 : memref<128x64xf32, #tpu.memory_space<vmem>>) offsets(%dma_start3A_119 : memref<128xi32, #tpu.memory_space<vmem>>) semaphore(%arg34 : memref<!tpu.dma_semaphore, #tpu.memory_space<semaphore_mem>>)
    %barrier3A = arith.constant 0 : index
    tpu.barrier barrier_id(%barrier3A)
    %scan3A = arith.constant 0 : i32
    %scan3A_123 = arith.constant 0 : i32
    %scan3A_124 = arith.constant 9 : i32
    %scan3A_125 = arith.addi %scan3A_123, %scan3A_124 : i32
    %scan3A_126 = arith.constant 1 : i32
    scf.for %scan3A_284 = %scan3A_123 to %scan3A_125 step %scan3A_126  : i32 {
      %mul3A_285 = arith.constant 8 : i32
      %mul3A_286 = arith.muli %scan3A_284, %mul3A_285 : i32
      %dma_wait3A_287 = arith.constant 0 : i32
      %dma_wait3A_288 = arith.constant 0 : i32
      %dma_wait3A_289 = arith.constant 0 : i32
      %dma_wait3A_290 = tpu.memref_slice %arg3[%dma_wait3A_287, %dma_wait3A_288, %dma_wait3A_289] : memref<2560x2x128xi32, #tpu.memory_space<hbm>> -> memref<1x2x128xi32, #tpu.memory_space<hbm>>
      %dma_wait3A_291 = tpu.memref_squeeze %dma_wait3A_290 : memref<1x2x128xi32, #tpu.memory_space<hbm>> -> memref<2x128xi32, #tpu.memory_space<hbm>>
      %dma_wait3A_292 = arith.constant 0 : i32
      %dma_wait3A_293 = arith.constant 0 : i32
      %dma_wait3A_294 = tpu.memref_slice %arg3[%dma_wait3A_287, %dma_wait3A_292, %dma_wait3A_293] : memref<2560x2x128xi32, #tpu.memory_space<hbm>> -> memref<1x2x128xi32, #tpu.memory_space<hbm>>
      %dma_wait3A_295 = tpu.memref_squeeze %dma_wait3A_294 : memref<1x2x128xi32, #tpu.memory_space<hbm>> -> memref<2x128xi32, #tpu.memory_space<hbm>>
      tpu.wait_dma2 semaphore(%arg27 : memref<!tpu.dma_semaphore, #tpu.memory_space<semaphore_mem>>) src(%dma_wait3A_295 : memref<2x128xi32, #tpu.memory_space<hbm>>) dst(%arg10 : memref<2x128xi32, #tpu.memory_space<vmem>>)
      %dma_start3A_296 = arith.constant 0 : i32
      %dma_start3A_297 = arith.constant 0 : i32
      %dma_start3A_298 = tpu.memref_slice %arg10[%dma_start3A_296, %dma_start3A_297] : memref<2x128xi32, #tpu.memory_space<vmem>> -> memref<1x128xi32, #tpu.memory_space<vmem>>
      %dma_start3A_299 = tpu.memref_squeeze %dma_start3A_298 : memref<1x128xi32, #tpu.memory_space<vmem>> -> memref<128xi32, #tpu.memory_space<vmem>>
      %dma_start3A_300 = arith.constant 0 : i32
      %dma_start3A_301 = arith.constant 0 : i32
      %dma_start3A_302 = tpu.memref_slice %arg2[%dma_start3A_300, %dma_start3A_301] : memref<10240x64xf32, #tpu.memory_space<hbm>> -> memref<10240x64xf32, #tpu.memory_space<hbm>>
      tpu.enqueue_indirect_dma source(%dma_start3A_302 : memref<10240x64xf32, #tpu.memory_space<hbm>>) target(%arg18 : memref<128x64xf32, #tpu.memory_space<vmem>>) offsets(%dma_start3A_299 : memref<128xi32, #tpu.memory_space<vmem>>) semaphore(%arg35 : memref<!tpu.dma_semaphore, #tpu.memory_space<semaphore_mem>>)
      %add3A_303 = arith.addi %mul3A_2, %mul3A_286 : i32
      %add3A_304 = arith.constant 0 : i32
      %add3A_305 = arith.addi %add3A_303, %add3A_304 : i32
      %add3A_306 = arith.constant 5 : i32
      %add3A_307 = arith.addi %add3A_305, %add3A_306 : i32
      %dma_start3A_308 = arith.constant 0 : i32
      %dma_start3A_309 = arith.constant 0 : i32
      %dma_start3A_310 = tpu.memref_slice %arg3[%add3A_307, %dma_start3A_308, %dma_start3A_309] : memref<2560x2x128xi32, #tpu.memory_space<hbm>> -> memref<1x2x128xi32, #tpu.memory_space<hbm>>
      %dma_start3A_311 = tpu.memref_squeeze %dma_start3A_310 : memref<1x2x128xi32, #tpu.memory_space<hbm>> -> memref<2x128xi32, #tpu.memory_space<hbm>>
      %dma_start3A_312 = arith.constant 0 : i32
      %dma_start3A_313 = arith.constant 0 : i32
      %dma_start3A_314 = tpu.memref_slice %arg3[%add3A_307, %dma_start3A_312, %dma_start3A_313] : memref<2560x2x128xi32, #tpu.memory_space<hbm>> -> memref<1x2x128xi32, #tpu.memory_space<hbm>>
      %dma_start3A_315 = tpu.memref_squeeze %dma_start3A_314 : memref<1x2x128xi32, #tpu.memory_space<hbm>> -> memref<2x128xi32, #tpu.memory_space<hbm>>
      tpu.enqueue_dma source(%dma_start3A_315 : memref<2x128xi32, #tpu.memory_space<hbm>>) target(%arg11 : memref<2x128xi32, #tpu.memory_space<vmem>>) target_semaphore(%arg28 : memref<!tpu.dma_semaphore, #tpu.memory_space<semaphore_mem>>)
      %dma_wait3A_316 = arith.constant 0 : i32
      %dma_wait3A_317 = arith.constant 0 : i32
      %dma_wait3A_318 = tpu.memref_slice %arg2[%dma_wait3A_316, %dma_wait3A_317] : memref<10240x64xf32, #tpu.memory_space<hbm>> -> memref<128x64xf32, #tpu.memory_space<hbm>>
      %dma_wait3A_319 = arith.constant 0 : i32
      %dma_wait3A_320 = arith.constant 0 : i32
      %dma_wait3A_321 = tpu.memref_slice %arg2[%dma_wait3A_319, %dma_wait3A_320] : memref<10240x64xf32, #tpu.memory_space<hbm>> -> memref<128x64xf32, #tpu.memory_space<hbm>>
      tpu.wait_dma2 semaphore(%arg31 : memref<!tpu.dma_semaphore, #tpu.memory_space<semaphore_mem>>) src(%dma_wait3A_321 : memref<128x64xf32, #tpu.memory_space<hbm>>) dst(%arg14 : memref<128x64xf32, #tpu.memory_space<vmem>>)
      %run_scoped3A_322 = arith.constant 1 : i32
      "tpu.region"() ({
        %run_scoped3A_575 = tpu.sem_alloc : memref<!tpu.dma_semaphore, #tpu.memory_space<semaphore_mem>>
        %dma_start3A_576 = arith.constant 0 : i32
        %dma_start3A_577 = tpu.memref_slice %arg6[%run_scoped3A_322, %dma_start3A_576] : memref<2x128xi32, #tpu.memory_space<vmem>> -> memref<1x128xi32, #tpu.memory_space<vmem>>
        %dma_start3A_578 = tpu.memref_squeeze %dma_start3A_577 : memref<1x128xi32, #tpu.memory_space<vmem>> -> memref<128xi32, #tpu.memory_space<vmem>>
        %dma_start3A_579 = arith.constant 0 : i32
        %dma_start3A_580 = arith.constant 0 : i32
        %dma_start3A_581 = tpu.memref_slice %arg22[%dma_start3A_579, %dma_start3A_580] : memref<10240x64xf32, #tpu.memory_space<vmem_shared>> -> memref<10240x64xf32, #tpu.memory_space<vmem_shared>>
        tpu.enqueue_indirect_dma source(%arg14 : memref<128x64xf32, #tpu.memory_space<vmem>>) target(%dma_start3A_581 : memref<10240x64xf32, #tpu.memory_space<vmem_shared>>) offsets(%dma_start3A_578 : memref<128xi32, #tpu.memory_space<vmem>>) semaphore(%run_scoped3A_575 : memref<!tpu.dma_semaphore, #tpu.memory_space<semaphore_mem>>) {add = true}
        %dma_wait3A_582 = arith.constant 0 : i32
        %dma_wait3A_583 = tpu.memref_slice %arg6[%run_scoped3A_322, %dma_wait3A_582] : memref<2x128xi32, #tpu.memory_space<vmem>> -> memref<1x128xi32, #tpu.memory_space<vmem>>
        %dma_wait3A_584 = tpu.memref_squeeze %dma_wait3A_583 : memref<1x128xi32, #tpu.memory_space<vmem>> -> memref<128xi32, #tpu.memory_space<vmem>>
        %dma_wait3A_585 = arith.constant 0 : i32
        %dma_wait3A_586 = arith.constant 0 : i32
        %dma_wait3A_587 = tpu.memref_slice %arg22[%dma_wait3A_585, %dma_wait3A_586] : memref<10240x64xf32, #tpu.memory_space<vmem_shared>> -> memref<10240x64xf32, #tpu.memory_space<vmem_shared>>
        tpu.wait_indirect_dma semaphore(%run_scoped3A_575 : memref<!tpu.dma_semaphore, #tpu.memory_space<semaphore_mem>>) src(%arg14 : memref<128x64xf32, #tpu.memory_space<vmem>>) dst(%dma_wait3A_587 : memref<10240x64xf32, #tpu.memory_space<vmem_shared>>)
        tpu.yield
      }) : () -> ()
      %dma_wait3A_323 = arith.constant 0 : i32
      %dma_wait3A_324 = arith.constant 0 : i32
      %dma_wait3A_325 = arith.constant 0 : i32
      %dma_wait3A_326 = tpu.memref_slice %arg3[%dma_wait3A_323, %dma_wait3A_324, %dma_wait3A_325] : memref<2560x2x128xi32, #tpu.memory_space<hbm>> -> memref<1x2x128xi32, #tpu.memory_space<hbm>>
      %dma_wait3A_327 = tpu.memref_squeeze %dma_wait3A_326 : memref<1x2x128xi32, #tpu.memory_space<hbm>> -> memref<2x128xi32, #tpu.memory_space<hbm>>
      %dma_wait3A_328 = arith.constant 0 : i32
      %dma_wait3A_329 = arith.constant 0 : i32
      %dma_wait3A_330 = tpu.memref_slice %arg3[%dma_wait3A_323, %dma_wait3A_328, %dma_wait3A_329] : memref<2560x2x128xi32, #tpu.memory_space<hbm>> -> memref<1x2x128xi32, #tpu.memory_space<hbm>>
      %dma_wait3A_331 = tpu.memref_squeeze %dma_wait3A_330 : memref<1x2x128xi32, #tpu.memory_space<hbm>> -> memref<2x128xi32, #tpu.memory_space<hbm>>
      tpu.wait_dma2 semaphore(%arg28 : memref<!tpu.dma_semaphore, #tpu.memory_space<semaphore_mem>>) src(%dma_wait3A_331 : memref<2x128xi32, #tpu.memory_space<hbm>>) dst(%arg11 : memref<2x128xi32, #tpu.memory_space<vmem>>)
      %dma_start3A_332 = arith.constant 0 : i32
      %dma_start3A_333 = arith.constant 0 : i32
      %dma_start3A_334 = tpu.memref_slice %arg11[%dma_start3A_332, %dma_start3A_333] : memref<2x128xi32, #tpu.memory_space<vmem>> -> memref<1x128xi32, #tpu.memory_space<vmem>>
      %dma_start3A_335 = tpu.memref_squeeze %dma_start3A_334 : memref<1x128xi32, #tpu.memory_space<vmem>> -> memref<128xi32, #tpu.memory_space<vmem>>
      %dma_start3A_336 = arith.constant 0 : i32
      %dma_start3A_337 = arith.constant 0 : i32
      %dma_start3A_338 = tpu.memref_slice %arg2[%dma_start3A_336, %dma_start3A_337] : memref<10240x64xf32, #tpu.memory_space<hbm>> -> memref<10240x64xf32, #tpu.memory_space<hbm>>
      tpu.enqueue_indirect_dma source(%dma_start3A_338 : memref<10240x64xf32, #tpu.memory_space<hbm>>) target(%arg19 : memref<128x64xf32, #tpu.memory_space<vmem>>) offsets(%dma_start3A_335 : memref<128xi32, #tpu.memory_space<vmem>>) semaphore(%arg36 : memref<!tpu.dma_semaphore, #tpu.memory_space<semaphore_mem>>)
      %add3A_339 = arith.addi %mul3A_2, %mul3A_286 : i32
      %add3A_340 = arith.constant 1 : i32
      %add3A_341 = arith.addi %add3A_339, %add3A_340 : i32
      %add3A_342 = arith.constant 5 : i32
      %add3A_343 = arith.addi %add3A_341, %add3A_342 : i32
      %dma_start3A_344 = arith.constant 0 : i32
      %dma_start3A_345 = arith.constant 0 : i32
      %dma_start3A_346 = tpu.memref_slice %arg3[%add3A_343, %dma_start3A_344, %dma_start3A_345] : memref<2560x2x128xi32, #tpu.memory_space<hbm>> -> memref<1x2x128xi32, #tpu.memory_space<hbm>>
      %dma_start3A_347 = tpu.memref_squeeze %dma_start3A_346 : memref<1x2x128xi32, #tpu.memory_space<hbm>> -> memref<2x128xi32, #tpu.memory_space<hbm>>
      %dma_start3A_348 = arith.constant 0 : i32
      %dma_start3A_349 = arith.constant 0 : i32
      %dma_start3A_350 = tpu.memref_slice %arg3[%add3A_343, %dma_start3A_348, %dma_start3A_349] : memref<2560x2x128xi32, #tpu.memory_space<hbm>> -> memref<1x2x128xi32, #tpu.memory_space<hbm>>
      %dma_start3A_351 = tpu.memref_squeeze %dma_start3A_350 : memref<1x2x128xi32, #tpu.memory_space<hbm>> -> memref<2x128xi32, #tpu.memory_space<hbm>>
      tpu.enqueue_dma source(%dma_start3A_351 : memref<2x128xi32, #tpu.memory_space<hbm>>) target(%arg12 : memref<2x128xi32, #tpu.memory_space<vmem>>) target_semaphore(%arg29 : memref<!tpu.dma_semaphore, #tpu.memory_space<semaphore_mem>>)
      %dma_wait3A_352 = arith.constant 0 : i32
      %dma_wait3A_353 = arith.constant 0 : i32
      %dma_wait3A_354 = tpu.memref_slice %arg2[%dma_wait3A_352, %dma_wait3A_353] : memref<10240x64xf32, #tpu.memory_space<hbm>> -> memref<128x64xf32, #tpu.memory_space<hbm>>
      %dma_wait3A_355 = arith.constant 0 : i32
      %dma_wait3A_356 = arith.constant 0 : i32
      %dma_wait3A_357 = tpu.memref_slice %arg2[%dma_wait3A_355, %dma_wait3A_356] : memref<10240x64xf32, #tpu.memory_space<hbm>> -> memref<128x64xf32, #tpu.memory_space<hbm>>
      tpu.wait_dma2 semaphore(%arg32 : memref<!tpu.dma_semaphore, #tpu.memory_space<semaphore_mem>>) src(%dma_wait3A_357 : memref<128x64xf32, #tpu.memory_space<hbm>>) dst(%arg15 : memref<128x64xf32, #tpu.memory_space<vmem>>)
      %run_scoped3A_358 = arith.constant 1 : i32
      "tpu.region"() ({
        %run_scoped3A_575 = tpu.sem_alloc : memref<!tpu.dma_semaphore, #tpu.memory_space<semaphore_mem>>
        %dma_start3A_576 = arith.constant 0 : i32
        %dma_start3A_577 = tpu.memref_slice %arg7[%run_scoped3A_358, %dma_start3A_576] : memref<2x128xi32, #tpu.memory_space<vmem>> -> memref<1x128xi32, #tpu.memory_space<vmem>>
        %dma_start3A_578 = tpu.memref_squeeze %dma_start3A_577 : memref<1x128xi32, #tpu.memory_space<vmem>> -> memref<128xi32, #tpu.memory_space<vmem>>
        %dma_start3A_579 = arith.constant 0 : i32
        %dma_start3A_580 = arith.constant 0 : i32
        %dma_start3A_581 = tpu.memref_slice %arg22[%dma_start3A_579, %dma_start3A_580] : memref<10240x64xf32, #tpu.memory_space<vmem_shared>> -> memref<10240x64xf32, #tpu.memory_space<vmem_shared>>
        tpu.enqueue_indirect_dma source(%arg15 : memref<128x64xf32, #tpu.memory_space<vmem>>) target(%dma_start3A_581 : memref<10240x64xf32, #tpu.memory_space<vmem_shared>>) offsets(%dma_start3A_578 : memref<128xi32, #tpu.memory_space<vmem>>) semaphore(%run_scoped3A_575 : memref<!tpu.dma_semaphore, #tpu.memory_space<semaphore_mem>>) {add = true}
        %dma_wait3A_582 = arith.constant 0 : i32
        %dma_wait3A_583 = tpu.memref_slice %arg7[%run_scoped3A_358, %dma_wait3A_582] : memref<2x128xi32, #tpu.memory_space<vmem>> -> memref<1x128xi32, #tpu.memory_space<vmem>>
        %dma_wait3A_584 = tpu.memref_squeeze %dma_wait3A_583 : memref<1x128xi32, #tpu.memory_space<vmem>> -> memref<128xi32, #tpu.memory_space<vmem>>
        %dma_wait3A_585 = arith.constant 0 : i32
        %dma_wait3A_586 = arith.constant 0 : i32
        %dma_wait3A_587 = tpu.memref_slice %arg22[%dma_wait3A_585, %dma_wait3A_586] : memref<10240x64xf32, #tpu.memory_space<vmem_shared>> -> memref<10240x64xf32, #tpu.memory_space<vmem_shared>>
        tpu.wait_indirect_dma semaphore(%run_scoped3A_575 : memref<!tpu.dma_semaphore, #tpu.memory_space<semaphore_mem>>) src(%arg15 : memref<128x64xf32, #tpu.memory_space<vmem>>) dst(%dma_wait3A_587 : memref<10240x64xf32, #tpu.memory_space<vmem_shared>>)
        tpu.yield
      }) : () -> ()
      %dma_wait3A_359 = arith.constant 0 : i32
      %dma_wait3A_360 = arith.constant 0 : i32
      %dma_wait3A_361 = arith.constant 0 : i32
      %dma_wait3A_362 = tpu.memref_slice %arg3[%dma_wait3A_359, %dma_wait3A_360, %dma_wait3A_361] : memref<2560x2x128xi32, #tpu.memory_space<hbm>> -> memref<1x2x128xi32, #tpu.memory_space<hbm>>
      %dma_wait3A_363 = tpu.memref_squeeze %dma_wait3A_362 : memref<1x2x128xi32, #tpu.memory_space<hbm>> -> memref<2x128xi32, #tpu.memory_space<hbm>>
      %dma_wait3A_364 = arith.constant 0 : i32
      %dma_wait3A_365 = arith.constant 0 : i32
      %dma_wait3A_366 = tpu.memref_slice %arg3[%dma_wait3A_359, %dma_wait3A_364, %dma_wait3A_365] : memref<2560x2x128xi32, #tpu.memory_space<hbm>> -> memref<1x2x128xi32, #tpu.memory_space<hbm>>
      %dma_wait3A_367 = tpu.memref_squeeze %dma_wait3A_366 : memref<1x2x128xi32, #tpu.memory_space<hbm>> -> memref<2x128xi32, #tpu.memory_space<hbm>>
      tpu.wait_dma2 semaphore(%arg29 : memref<!tpu.dma_semaphore, #tpu.memory_space<semaphore_mem>>) src(%dma_wait3A_367 : memref<2x128xi32, #tpu.memory_space<hbm>>) dst(%arg12 : memref<2x128xi32, #tpu.memory_space<vmem>>)
      %dma_start3A_368 = arith.constant 0 : i32
      %dma_start3A_369 = arith.constant 0 : i32
      %dma_start3A_370 = tpu.memref_slice %arg12[%dma_start3A_368, %dma_start3A_369] : memref<2x128xi32, #tpu.memory_space<vmem>> -> memref<1x128xi32, #tpu.memory_space<vmem>>
      %dma_start3A_371 = tpu.memref_squeeze %dma_start3A_370 : memref<1x128xi32, #tpu.memory_space<vmem>> -> memref<128xi32, #tpu.memory_space<vmem>>
      %dma_start3A_372 = arith.constant 0 : i32
      %dma_start3A_373 = arith.constant 0 : i32
      %dma_start3A_374 = tpu.memref_slice %arg2[%dma_start3A_372, %dma_start3A_373] : memref<10240x64xf32, #tpu.memory_space<hbm>> -> memref<10240x64xf32, #tpu.memory_space<hbm>>
      tpu.enqueue_indirect_dma source(%dma_start3A_374 : memref<10240x64xf32, #tpu.memory_space<hbm>>) target(%arg20 : memref<128x64xf32, #tpu.memory_space<vmem>>) offsets(%dma_start3A_371 : memref<128xi32, #tpu.memory_space<vmem>>) semaphore(%arg37 : memref<!tpu.dma_semaphore, #tpu.memory_space<semaphore_mem>>)
      %add3A_375 = arith.addi %mul3A_2, %mul3A_286 : i32
      %add3A_376 = arith.constant 2 : i32
      %add3A_377 = arith.addi %add3A_375, %add3A_376 : i32
      %add3A_378 = arith.constant 5 : i32
      %add3A_379 = arith.addi %add3A_377, %add3A_378 : i32
      %dma_start3A_380 = arith.constant 0 : i32
      %dma_start3A_381 = arith.constant 0 : i32
      %dma_start3A_382 = tpu.memref_slice %arg3[%add3A_379, %dma_start3A_380, %dma_start3A_381] : memref<2560x2x128xi32, #tpu.memory_space<hbm>> -> memref<1x2x128xi32, #tpu.memory_space<hbm>>
      %dma_start3A_383 = tpu.memref_squeeze %dma_start3A_382 : memref<1x2x128xi32, #tpu.memory_space<hbm>> -> memref<2x128xi32, #tpu.memory_space<hbm>>
      %dma_start3A_384 = arith.constant 0 : i32
      %dma_start3A_385 = arith.constant 0 : i32
      %dma_start3A_386 = tpu.memref_slice %arg3[%add3A_379, %dma_start3A_384, %dma_start3A_385] : memref<2560x2x128xi32, #tpu.memory_space<hbm>> -> memref<1x2x128xi32, #tpu.memory_space<hbm>>
      %dma_start3A_387 = tpu.memref_squeeze %dma_start3A_386 : memref<1x2x128xi32, #tpu.memory_space<hbm>> -> memref<2x128xi32, #tpu.memory_space<hbm>>
      tpu.enqueue_dma source(%dma_start3A_387 : memref<2x128xi32, #tpu.memory_space<hbm>>) target(%arg13 : memref<2x128xi32, #tpu.memory_space<vmem>>) target_semaphore(%arg30 : memref<!tpu.dma_semaphore, #tpu.memory_space<semaphore_mem>>)
      %dma_wait3A_388 = arith.constant 0 : i32
      %dma_wait3A_389 = arith.constant 0 : i32
      %dma_wait3A_390 = tpu.memref_slice %arg2[%dma_wait3A_388, %dma_wait3A_389] : memref<10240x64xf32, #tpu.memory_space<hbm>> -> memref<128x64xf32, #tpu.memory_space<hbm>>
      %dma_wait3A_391 = arith.constant 0 : i32
      %dma_wait3A_392 = arith.constant 0 : i32
      %dma_wait3A_393 = tpu.memref_slice %arg2[%dma_wait3A_391, %dma_wait3A_392] : memref<10240x64xf32, #tpu.memory_space<hbm>> -> memref<128x64xf32, #tpu.memory_space<hbm>>
      tpu.wait_dma2 semaphore(%arg33 : memref<!tpu.dma_semaphore, #tpu.memory_space<semaphore_mem>>) src(%dma_wait3A_393 : memref<128x64xf32, #tpu.memory_space<hbm>>) dst(%arg16 : memref<128x64xf32, #tpu.memory_space<vmem>>)
      %run_scoped3A_394 = arith.constant 1 : i32
      "tpu.region"() ({
        %run_scoped3A_575 = tpu.sem_alloc : memref<!tpu.dma_semaphore, #tpu.memory_space<semaphore_mem>>
        %dma_start3A_576 = arith.constant 0 : i32
        %dma_start3A_577 = tpu.memref_slice %arg8[%run_scoped3A_394, %dma_start3A_576] : memref<2x128xi32, #tpu.memory_space<vmem>> -> memref<1x128xi32, #tpu.memory_space<vmem>>
        %dma_start3A_578 = tpu.memref_squeeze %dma_start3A_577 : memref<1x128xi32, #tpu.memory_space<vmem>> -> memref<128xi32, #tpu.memory_space<vmem>>
        %dma_start3A_579 = arith.constant 0 : i32
        %dma_start3A_580 = arith.constant 0 : i32
        %dma_start3A_581 = tpu.memref_slice %arg22[%dma_start3A_579, %dma_start3A_580] : memref<10240x64xf32, #tpu.memory_space<vmem_shared>> -> memref<10240x64xf32, #tpu.memory_space<vmem_shared>>
        tpu.enqueue_indirect_dma source(%arg16 : memref<128x64xf32, #tpu.memory_space<vmem>>) target(%dma_start3A_581 : memref<10240x64xf32, #tpu.memory_space<vmem_shared>>) offsets(%dma_start3A_578 : memref<128xi32, #tpu.memory_space<vmem>>) semaphore(%run_scoped3A_575 : memref<!tpu.dma_semaphore, #tpu.memory_space<semaphore_mem>>) {add = true}
        %dma_wait3A_582 = arith.constant 0 : i32
        %dma_wait3A_583 = tpu.memref_slice %arg8[%run_scoped3A_394, %dma_wait3A_582] : memref<2x128xi32, #tpu.memory_space<vmem>> -> memref<1x128xi32, #tpu.memory_space<vmem>>
        %dma_wait3A_584 = tpu.memref_squeeze %dma_wait3A_583 : memref<1x128xi32, #tpu.memory_space<vmem>> -> memref<128xi32, #tpu.memory_space<vmem>>
        %dma_wait3A_585 = arith.constant 0 : i32
        %dma_wait3A_586 = arith.constant 0 : i32
        %dma_wait3A_587 = tpu.memref_slice %arg22[%dma_wait3A_585, %dma_wait3A_586] : memref<10240x64xf32, #tpu.memory_space<vmem_shared>> -> memref<10240x64xf32, #tpu.memory_space<vmem_shared>>
        tpu.wait_indirect_dma semaphore(%run_scoped3A_575 : memref<!tpu.dma_semaphore, #tpu.memory_space<semaphore_mem>>) src(%arg16 : memref<128x64xf32, #tpu.memory_space<vmem>>) dst(%dma_wait3A_587 : memref<10240x64xf32, #tpu.memory_space<vmem_shared>>)
        tpu.yield
      }) : () -> ()
      %dma_wait3A_395 = arith.constant 0 : i32
      %dma_wait3A_396 = arith.constant 0 : i32
      %dma_wait3A_397 = arith.constant 0 : i32
      %dma_wait3A_398 = tpu.memref_slice %arg3[%dma_wait3A_395, %dma_wait3A_396, %dma_wait3A_397] : memref<2560x2x128xi32, #tpu.memory_space<hbm>> -> memref<1x2x128xi32, #tpu.memory_space<hbm>>
      %dma_wait3A_399 = tpu.memref_squeeze %dma_wait3A_398 : memref<1x2x128xi32, #tpu.memory_space<hbm>> -> memref<2x128xi32, #tpu.memory_space<hbm>>
      %dma_wait3A_400 = arith.constant 0 : i32
      %dma_wait3A_401 = arith.constant 0 : i32
      %dma_wait3A_402 = tpu.memref_slice %arg3[%dma_wait3A_395, %dma_wait3A_400, %dma_wait3A_401] : memref<2560x2x128xi32, #tpu.memory_space<hbm>> -> memref<1x2x128xi32, #tpu.memory_space<hbm>>
      %dma_wait3A_403 = tpu.memref_squeeze %dma_wait3A_402 : memref<1x2x128xi32, #tpu.memory_space<hbm>> -> memref<2x128xi32, #tpu.memory_space<hbm>>
      tpu.wait_dma2 semaphore(%arg30 : memref<!tpu.dma_semaphore, #tpu.memory_space<semaphore_mem>>) src(%dma_wait3A_403 : memref<2x128xi32, #tpu.memory_space<hbm>>) dst(%arg13 : memref<2x128xi32, #tpu.memory_space<vmem>>)
      %dma_start3A_404 = arith.constant 0 : i32
      %dma_start3A_405 = arith.constant 0 : i32
      %dma_start3A_406 = tpu.memref_slice %arg13[%dma_start3A_404, %dma_start3A_405] : memref<2x128xi32, #tpu.memory_space<vmem>> -> memref<1x128xi32, #tpu.memory_space<vmem>>
      %dma_start3A_407 = tpu.memref_squeeze %dma_start3A_406 : memref<1x128xi32, #tpu.memory_space<vmem>> -> memref<128xi32, #tpu.memory_space<vmem>>
      %dma_start3A_408 = arith.constant 0 : i32
      %dma_start3A_409 = arith.constant 0 : i32
      %dma_start3A_410 = tpu.memref_slice %arg2[%dma_start3A_408, %dma_start3A_409] : memref<10240x64xf32, #tpu.memory_space<hbm>> -> memref<10240x64xf32, #tpu.memory_space<hbm>>
      tpu.enqueue_indirect_dma source(%dma_start3A_410 : memref<10240x64xf32, #tpu.memory_space<hbm>>) target(%arg21 : memref<128x64xf32, #tpu.memory_space<vmem>>) offsets(%dma_start3A_407 : memref<128xi32, #tpu.memory_space<vmem>>) semaphore(%arg38 : memref<!tpu.dma_semaphore, #tpu.memory_space<semaphore_mem>>)
      %add3A_411 = arith.addi %mul3A_2, %mul3A_286 : i32
      %add3A_412 = arith.constant 3 : i32
      %add3A_413 = arith.addi %add3A_411, %add3A_412 : i32
      %add3A_414 = arith.constant 5 : i32
      %add3A_415 = arith.addi %add3A_413, %add3A_414 : i32
      %dma_start3A_416 = arith.constant 0 : i32
      %dma_start3A_417 = arith.constant 0 : i32
      %dma_start3A_418 = tpu.memref_slice %arg3[%add3A_415, %dma_start3A_416, %dma_start3A_417] : memref<2560x2x128xi32, #tpu.memory_space<hbm>> -> memref<1x2x128xi32, #tpu.memory_space<hbm>>
      %dma_start3A_419 = tpu.memref_squeeze %dma_start3A_418 : memref<1x2x128xi32, #tpu.memory_space<hbm>> -> memref<2x128xi32, #tpu.memory_space<hbm>>
      %dma_start3A_420 = arith.constant 0 : i32
      %dma_start3A_421 = arith.constant 0 : i32
      %dma_start3A_422 = tpu.memref_slice %arg3[%add3A_415, %dma_start3A_420, %dma_start3A_421] : memref<2560x2x128xi32, #tpu.memory_space<hbm>> -> memref<1x2x128xi32, #tpu.memory_space<hbm>>
      %dma_start3A_423 = tpu.memref_squeeze %dma_start3A_422 : memref<1x2x128xi32, #tpu.memory_space<hbm>> -> memref<2x128xi32, #tpu.memory_space<hbm>>
      tpu.enqueue_dma source(%dma_start3A_423 : memref<2x128xi32, #tpu.memory_space<hbm>>) target(%arg6 : memref<2x128xi32, #tpu.memory_space<vmem>>) target_semaphore(%arg23 : memref<!tpu.dma_semaphore, #tpu.memory_space<semaphore_mem>>)
      %dma_wait3A_424 = arith.constant 0 : i32
      %dma_wait3A_425 = arith.constant 0 : i32
      %dma_wait3A_426 = tpu.memref_slice %arg2[%dma_wait3A_424, %dma_wait3A_425] : memref<10240x64xf32, #tpu.memory_space<hbm>> -> memref<128x64xf32, #tpu.memory_space<hbm>>
      %dma_wait3A_427 = arith.constant 0 : i32
      %dma_wait3A_428 = arith.constant 0 : i32
      %dma_wait3A_429 = tpu.memref_slice %arg2[%dma_wait3A_427, %dma_wait3A_428] : memref<10240x64xf32, #tpu.memory_space<hbm>> -> memref<128x64xf32, #tpu.memory_space<hbm>>
      tpu.wait_dma2 semaphore(%arg34 : memref<!tpu.dma_semaphore, #tpu.memory_space<semaphore_mem>>) src(%dma_wait3A_429 : memref<128x64xf32, #tpu.memory_space<hbm>>) dst(%arg17 : memref<128x64xf32, #tpu.memory_space<vmem>>)
      %run_scoped3A_430 = arith.constant 1 : i32
      "tpu.region"() ({
        %run_scoped3A_575 = tpu.sem_alloc : memref<!tpu.dma_semaphore, #tpu.memory_space<semaphore_mem>>
        %dma_start3A_576 = arith.constant 0 : i32
        %dma_start3A_577 = tpu.memref_slice %arg9[%run_scoped3A_430, %dma_start3A_576] : memref<2x128xi32, #tpu.memory_space<vmem>> -> memref<1x128xi32, #tpu.memory_space<vmem>>
        %dma_start3A_578 = tpu.memref_squeeze %dma_start3A_577 : memref<1x128xi32, #tpu.memory_space<vmem>> -> memref<128xi32, #tpu.memory_space<vmem>>
        %dma_start3A_579 = arith.constant 0 : i32
        %dma_start3A_580 = arith.constant 0 : i32
        %dma_start3A_581 = tpu.memref_slice %arg22[%dma_start3A_579, %dma_start3A_580] : memref<10240x64xf32, #tpu.memory_space<vmem_shared>> -> memref<10240x64xf32, #tpu.memory_space<vmem_shared>>
        tpu.enqueue_indirect_dma source(%arg17 : memref<128x64xf32, #tpu.memory_space<vmem>>) target(%dma_start3A_581 : memref<10240x64xf32, #tpu.memory_space<vmem_shared>>) offsets(%dma_start3A_578 : memref<128xi32, #tpu.memory_space<vmem>>) semaphore(%run_scoped3A_575 : memref<!tpu.dma_semaphore, #tpu.memory_space<semaphore_mem>>) {add = true}
        %dma_wait3A_582 = arith.constant 0 : i32
        %dma_wait3A_583 = tpu.memref_slice %arg9[%run_scoped3A_430, %dma_wait3A_582] : memref<2x128xi32, #tpu.memory_space<vmem>> -> memref<1x128xi32, #tpu.memory_space<vmem>>
        %dma_wait3A_584 = tpu.memref_squeeze %dma_wait3A_583 : memref<1x128xi32, #tpu.memory_space<vmem>> -> memref<128xi32, #tpu.memory_space<vmem>>
        %dma_wait3A_585 = arith.constant 0 : i32
        %dma_wait3A_586 = arith.constant 0 : i32
        %dma_wait3A_587 = tpu.memref_slice %arg22[%dma_wait3A_585, %dma_wait3A_586] : memref<10240x64xf32, #tpu.memory_space<vmem_shared>> -> memref<10240x64xf32, #tpu.memory_space<vmem_shared>>
        tpu.wait_indirect_dma semaphore(%run_scoped3A_575 : memref<!tpu.dma_semaphore, #tpu.memory_space<semaphore_mem>>) src(%arg17 : memref<128x64xf32, #tpu.memory_space<vmem>>) dst(%dma_wait3A_587 : memref<10240x64xf32, #tpu.memory_space<vmem_shared>>)
        tpu.yield
      }) : () -> ()
      %dma_wait3A_431 = arith.constant 0 : i32
      %dma_wait3A_432 = arith.constant 0 : i32
      %dma_wait3A_433 = arith.constant 0 : i32
      %dma_wait3A_434 = tpu.memref_slice %arg3[%dma_wait3A_431, %dma_wait3A_432, %dma_wait3A_433] : memref<2560x2x128xi32, #tpu.memory_space<hbm>> -> memref<1x2x128xi32, #tpu.memory_space<hbm>>
      %dma_wait3A_435 = tpu.memref_squeeze %dma_wait3A_434 : memref<1x2x128xi32, #tpu.memory_space<hbm>> -> memref<2x128xi32, #tpu.memory_space<hbm>>
      %dma_wait3A_436 = arith.constant 0 : i32
      %dma_wait3A_437 = arith.constant 0 : i32
      %dma_wait3A_438 = tpu.memref_slice %arg3[%dma_wait3A_431, %dma_wait3A_436, %dma_wait3A_437] : memref<2560x2x128xi32, #tpu.memory_space<hbm>> -> memref<1x2x128xi32, #tpu.memory_space<hbm>>
      %dma_wait3A_439 = tpu.memref_squeeze %dma_wait3A_438 : memref<1x2x128xi32, #tpu.memory_space<hbm>> -> memref<2x128xi32, #tpu.memory_space<hbm>>
      tpu.wait_dma2 semaphore(%arg23 : memref<!tpu.dma_semaphore, #tpu.memory_space<semaphore_mem>>) src(%dma_wait3A_439 : memref<2x128xi32, #tpu.memory_space<hbm>>) dst(%arg6 : memref<2x128xi32, #tpu.memory_space<vmem>>)
      %dma_start3A_440 = arith.constant 0 : i32
      %dma_start3A_441 = arith.constant 0 : i32
      %dma_start3A_442 = tpu.memref_slice %arg6[%dma_start3A_440, %dma_start3A_441] : memref<2x128xi32, #tpu.memory_space<vmem>> -> memref<1x128xi32, #tpu.memory_space<vmem>>
      %dma_start3A_443 = tpu.memref_squeeze %dma_start3A_442 : memref<1x128xi32, #tpu.memory_space<vmem>> -> memref<128xi32, #tpu.memory_space<vmem>>
      %dma_start3A_444 = arith.constant 0 : i32
      %dma_start3A_445 = arith.constant 0 : i32
      %dma_start3A_446 = tpu.memref_slice %arg2[%dma_start3A_444, %dma_start3A_445] : memref<10240x64xf32, #tpu.memory_space<hbm>> -> memref<10240x64xf32, #tpu.memory_space<hbm>>
      tpu.enqueue_indirect_dma source(%dma_start3A_446 : memref<10240x64xf32, #tpu.memory_space<hbm>>) target(%arg14 : memref<128x64xf32, #tpu.memory_space<vmem>>) offsets(%dma_start3A_443 : memref<128xi32, #tpu.memory_space<vmem>>) semaphore(%arg31 : memref<!tpu.dma_semaphore, #tpu.memory_space<semaphore_mem>>)
      %add3A_447 = arith.addi %mul3A_2, %mul3A_286 : i32
      %add3A_448 = arith.constant 4 : i32
      %add3A_449 = arith.addi %add3A_447, %add3A_448 : i32
      %add3A_450 = arith.constant 5 : i32
      %add3A_451 = arith.addi %add3A_449, %add3A_450 : i32
      %dma_start3A_452 = arith.constant 0 : i32
      %dma_start3A_453 = arith.constant 0 : i32
      %dma_start3A_454 = tpu.memref_slice %arg3[%add3A_451, %dma_start3A_452, %dma_start3A_453] : memref<2560x2x128xi32, #tpu.memory_space<hbm>> -> memref<1x2x128xi32, #tpu.memory_space<hbm>>
      %dma_start3A_455 = tpu.memref_squeeze %dma_start3A_454 : memref<1x2x128xi32, #tpu.memory_space<hbm>> -> memref<2x128xi32, #tpu.memory_space<hbm>>
      %dma_start3A_456 = arith.constant 0 : i32
      %dma_start3A_457 = arith.constant 0 : i32
      %dma_start3A_458 = tpu.memref_slice %arg3[%add3A_451, %dma_start3A_456, %dma_start3A_457] : memref<2560x2x128xi32, #tpu.memory_space<hbm>> -> memref<1x2x128xi32, #tpu.memory_space<hbm>>
      %dma_start3A_459 = tpu.memref_squeeze %dma_start3A_458 : memref<1x2x128xi32, #tpu.memory_space<hbm>> -> memref<2x128xi32, #tpu.memory_space<hbm>>
      tpu.enqueue_dma source(%dma_start3A_459 : memref<2x128xi32, #tpu.memory_space<hbm>>) target(%arg7 : memref<2x128xi32, #tpu.memory_space<vmem>>) target_semaphore(%arg24 : memref<!tpu.dma_semaphore, #tpu.memory_space<semaphore_mem>>)
      %dma_wait3A_460 = arith.constant 0 : i32
      %dma_wait3A_461 = arith.constant 0 : i32
      %dma_wait3A_462 = tpu.memref_slice %arg2[%dma_wait3A_460, %dma_wait3A_461] : memref<10240x64xf32, #tpu.memory_space<hbm>> -> memref<128x64xf32, #tpu.memory_space<hbm>>
      %dma_wait3A_463 = arith.constant 0 : i32
      %dma_wait3A_464 = arith.constant 0 : i32
      %dma_wait3A_465 = tpu.memref_slice %arg2[%dma_wait3A_463, %dma_wait3A_464] : memref<10240x64xf32, #tpu.memory_space<hbm>> -> memref<128x64xf32, #tpu.memory_space<hbm>>
      tpu.wait_dma2 semaphore(%arg35 : memref<!tpu.dma_semaphore, #tpu.memory_space<semaphore_mem>>) src(%dma_wait3A_465 : memref<128x64xf32, #tpu.memory_space<hbm>>) dst(%arg18 : memref<128x64xf32, #tpu.memory_space<vmem>>)
      %run_scoped3A_466 = arith.constant 1 : i32
      "tpu.region"() ({
        %run_scoped3A_575 = tpu.sem_alloc : memref<!tpu.dma_semaphore, #tpu.memory_space<semaphore_mem>>
        %dma_start3A_576 = arith.constant 0 : i32
        %dma_start3A_577 = tpu.memref_slice %arg10[%run_scoped3A_466, %dma_start3A_576] : memref<2x128xi32, #tpu.memory_space<vmem>> -> memref<1x128xi32, #tpu.memory_space<vmem>>
        %dma_start3A_578 = tpu.memref_squeeze %dma_start3A_577 : memref<1x128xi32, #tpu.memory_space<vmem>> -> memref<128xi32, #tpu.memory_space<vmem>>
        %dma_start3A_579 = arith.constant 0 : i32
        %dma_start3A_580 = arith.constant 0 : i32
        %dma_start3A_581 = tpu.memref_slice %arg22[%dma_start3A_579, %dma_start3A_580] : memref<10240x64xf32, #tpu.memory_space<vmem_shared>> -> memref<10240x64xf32, #tpu.memory_space<vmem_shared>>
        tpu.enqueue_indirect_dma source(%arg18 : memref<128x64xf32, #tpu.memory_space<vmem>>) target(%dma_start3A_581 : memref<10240x64xf32, #tpu.memory_space<vmem_shared>>) offsets(%dma_start3A_578 : memref<128xi32, #tpu.memory_space<vmem>>) semaphore(%run_scoped3A_575 : memref<!tpu.dma_semaphore, #tpu.memory_space<semaphore_mem>>) {add = true}
        %dma_wait3A_582 = arith.constant 0 : i32
        %dma_wait3A_583 = tpu.memref_slice %arg10[%run_scoped3A_466, %dma_wait3A_582] : memref<2x128xi32, #tpu.memory_space<vmem>> -> memref<1x128xi32, #tpu.memory_space<vmem>>
        %dma_wait3A_584 = tpu.memref_squeeze %dma_wait3A_583 : memref<1x128xi32, #tpu.memory_space<vmem>> -> memref<128xi32, #tpu.memory_space<vmem>>
        %dma_wait3A_585 = arith.constant 0 : i32
        %dma_wait3A_586 = arith.constant 0 : i32
        %dma_wait3A_587 = tpu.memref_slice %arg22[%dma_wait3A_585, %dma_wait3A_586] : memref<10240x64xf32, #tpu.memory_space<vmem_shared>> -> memref<10240x64xf32, #tpu.memory_space<vmem_shared>>
        tpu.wait_indirect_dma semaphore(%run_scoped3A_575 : memref<!tpu.dma_semaphore, #tpu.memory_space<semaphore_mem>>) src(%arg18 : memref<128x64xf32, #tpu.memory_space<vmem>>) dst(%dma_wait3A_587 : memref<10240x64xf32, #tpu.memory_space<vmem_shared>>)
        tpu.yield
      }) : () -> ()
      %dma_wait3A_467 = arith.constant 0 : i32
      %dma_wait3A_468 = arith.constant 0 : i32
      %dma_wait3A_469 = arith.constant 0 : i32
      %dma_wait3A_470 = tpu.memref_slice %arg3[%dma_wait3A_467, %dma_wait3A_468, %dma_wait3A_469] : memref<2560x2x128xi32, #tpu.memory_space<hbm>> -> memref<1x2x128xi32, #tpu.memory_space<hbm>>
      %dma_wait3A_471 = tpu.memref_squeeze %dma_wait3A_470 : memref<1x2x128xi32, #tpu.memory_space<hbm>> -> memref<2x128xi32, #tpu.memory_space<hbm>>
      %dma_wait3A_472 = arith.constant 0 : i32
      %dma_wait3A_473 = arith.constant 0 : i32
      %dma_wait3A_474 = tpu.memref_slice %arg3[%dma_wait3A_467, %dma_wait3A_472, %dma_wait3A_473] : memref<2560x2x128xi32, #tpu.memory_space<hbm>> -> memref<1x2x128xi32, #tpu.memory_space<hbm>>
      %dma_wait3A_475 = tpu.memref_squeeze %dma_wait3A_474 : memref<1x2x128xi32, #tpu.memory_space<hbm>> -> memref<2x128xi32, #tpu.memory_space<hbm>>
      tpu.wait_dma2 semaphore(%arg24 : memref<!tpu.dma_semaphore, #tpu.memory_space<semaphore_mem>>) src(%dma_wait3A_475 : memref<2x128xi32, #tpu.memory_space<hbm>>) dst(%arg7 : memref<2x128xi32, #tpu.memory_space<vmem>>)
      %dma_start3A_476 = arith.constant 0 : i32
      %dma_start3A_477 = arith.constant 0 : i32
      %dma_start3A_478 = tpu.memref_slice %arg7[%dma_start3A_476, %dma_start3A_477] : memref<2x128xi32, #tpu.memory_space<vmem>> -> memref<1x128xi32, #tpu.memory_space<vmem>>
      %dma_start3A_479 = tpu.memref_squeeze %dma_start3A_478 : memref<1x128xi32, #tpu.memory_space<vmem>> -> memref<128xi32, #tpu.memory_space<vmem>>
      %dma_start3A_480 = arith.constant 0 : i32
      %dma_start3A_481 = arith.constant 0 : i32
      %dma_start3A_482 = tpu.memref_slice %arg2[%dma_start3A_480, %dma_start3A_481] : memref<10240x64xf32, #tpu.memory_space<hbm>> -> memref<10240x64xf32, #tpu.memory_space<hbm>>
      tpu.enqueue_indirect_dma source(%dma_start3A_482 : memref<10240x64xf32, #tpu.memory_space<hbm>>) target(%arg15 : memref<128x64xf32, #tpu.memory_space<vmem>>) offsets(%dma_start3A_479 : memref<128xi32, #tpu.memory_space<vmem>>) semaphore(%arg32 : memref<!tpu.dma_semaphore, #tpu.memory_space<semaphore_mem>>)
      %add3A_483 = arith.addi %mul3A_2, %mul3A_286 : i32
      %add3A_484 = arith.constant 5 : i32
      %add3A_485 = arith.addi %add3A_483, %add3A_484 : i32
      %add3A_486 = arith.constant 5 : i32
      %add3A_487 = arith.addi %add3A_485, %add3A_486 : i32
      %dma_start3A_488 = arith.constant 0 : i32
      %dma_start3A_489 = arith.constant 0 : i32
      %dma_start3A_490 = tpu.memref_slice %arg3[%add3A_487, %dma_start3A_488, %dma_start3A_489] : memref<2560x2x128xi32, #tpu.memory_space<hbm>> -> memref<1x2x128xi32, #tpu.memory_space<hbm>>
      %dma_start3A_491 = tpu.memref_squeeze %dma_start3A_490 : memref<1x2x128xi32, #tpu.memory_space<hbm>> -> memref<2x128xi32, #tpu.memory_space<hbm>>
      %dma_start3A_492 = arith.constant 0 : i32
      %dma_start3A_493 = arith.constant 0 : i32
      %dma_start3A_494 = tpu.memref_slice %arg3[%add3A_487, %dma_start3A_492, %dma_start3A_493] : memref<2560x2x128xi32, #tpu.memory_space<hbm>> -> memref<1x2x128xi32, #tpu.memory_space<hbm>>
      %dma_start3A_495 = tpu.memref_squeeze %dma_start3A_494 : memref<1x2x128xi32, #tpu.memory_space<hbm>> -> memref<2x128xi32, #tpu.memory_space<hbm>>
      tpu.enqueue_dma source(%dma_start3A_495 : memref<2x128xi32, #tpu.memory_space<hbm>>) target(%arg8 : memref<2x128xi32, #tpu.memory_space<vmem>>) target_semaphore(%arg25 : memref<!tpu.dma_semaphore, #tpu.memory_space<semaphore_mem>>)
      %dma_wait3A_496 = arith.constant 0 : i32
      %dma_wait3A_497 = arith.constant 0 : i32
      %dma_wait3A_498 = tpu.memref_slice %arg2[%dma_wait3A_496, %dma_wait3A_497] : memref<10240x64xf32, #tpu.memory_space<hbm>> -> memref<128x64xf32, #tpu.memory_space<hbm>>
      %dma_wait3A_499 = arith.constant 0 : i32
      %dma_wait3A_500 = arith.constant 0 : i32
      %dma_wait3A_501 = tpu.memref_slice %arg2[%dma_wait3A_499, %dma_wait3A_500] : memref<10240x64xf32, #tpu.memory_space<hbm>> -> memref<128x64xf32, #tpu.memory_space<hbm>>
      tpu.wait_dma2 semaphore(%arg36 : memref<!tpu.dma_semaphore, #tpu.memory_space<semaphore_mem>>) src(%dma_wait3A_501 : memref<128x64xf32, #tpu.memory_space<hbm>>) dst(%arg19 : memref<128x64xf32, #tpu.memory_space<vmem>>)
      %run_scoped3A_502 = arith.constant 1 : i32
      "tpu.region"() ({
        %run_scoped3A_575 = tpu.sem_alloc : memref<!tpu.dma_semaphore, #tpu.memory_space<semaphore_mem>>
        %dma_start3A_576 = arith.constant 0 : i32
        %dma_start3A_577 = tpu.memref_slice %arg11[%run_scoped3A_502, %dma_start3A_576] : memref<2x128xi32, #tpu.memory_space<vmem>> -> memref<1x128xi32, #tpu.memory_space<vmem>>
        %dma_start3A_578 = tpu.memref_squeeze %dma_start3A_577 : memref<1x128xi32, #tpu.memory_space<vmem>> -> memref<128xi32, #tpu.memory_space<vmem>>
        %dma_start3A_579 = arith.constant 0 : i32
        %dma_start3A_580 = arith.constant 0 : i32
        %dma_start3A_581 = tpu.memref_slice %arg22[%dma_start3A_579, %dma_start3A_580] : memref<10240x64xf32, #tpu.memory_space<vmem_shared>> -> memref<10240x64xf32, #tpu.memory_space<vmem_shared>>
        tpu.enqueue_indirect_dma source(%arg19 : memref<128x64xf32, #tpu.memory_space<vmem>>) target(%dma_start3A_581 : memref<10240x64xf32, #tpu.memory_space<vmem_shared>>) offsets(%dma_start3A_578 : memref<128xi32, #tpu.memory_space<vmem>>) semaphore(%run_scoped3A_575 : memref<!tpu.dma_semaphore, #tpu.memory_space<semaphore_mem>>) {add = true}
        %dma_wait3A_582 = arith.constant 0 : i32
        %dma_wait3A_583 = tpu.memref_slice %arg11[%run_scoped3A_502, %dma_wait3A_582] : memref<2x128xi32, #tpu.memory_space<vmem>> -> memref<1x128xi32, #tpu.memory_space<vmem>>
        %dma_wait3A_584 = tpu.memref_squeeze %dma_wait3A_583 : memref<1x128xi32, #tpu.memory_space<vmem>> -> memref<128xi32, #tpu.memory_space<vmem>>
        %dma_wait3A_585 = arith.constant 0 : i32
        %dma_wait3A_586 = arith.constant 0 : i32
        %dma_wait3A_587 = tpu.memref_slice %arg22[%dma_wait3A_585, %dma_wait3A_586] : memref<10240x64xf32, #tpu.memory_space<vmem_shared>> -> memref<10240x64xf32, #tpu.memory_space<vmem_shared>>
        tpu.wait_indirect_dma semaphore(%run_scoped3A_575 : memref<!tpu.dma_semaphore, #tpu.memory_space<semaphore_mem>>) src(%arg19 : memref<128x64xf32, #tpu.memory_space<vmem>>) dst(%dma_wait3A_587 : memref<10240x64xf32, #tpu.memory_space<vmem_shared>>)
        tpu.yield
      }) : () -> ()
      %dma_wait3A_503 = arith.constant 0 : i32
      %dma_wait3A_504 = arith.constant 0 : i32
      %dma_wait3A_505 = arith.constant 0 : i32
      %dma_wait3A_506 = tpu.memref_slice %arg3[%dma_wait3A_503, %dma_wait3A_504, %dma_wait3A_505] : memref<2560x2x128xi32, #tpu.memory_space<hbm>> -> memref<1x2x128xi32, #tpu.memory_space<hbm>>
      %dma_wait3A_507 = tpu.memref_squeeze %dma_wait3A_506 : memref<1x2x128xi32, #tpu.memory_space<hbm>> -> memref<2x128xi32, #tpu.memory_space<hbm>>
      %dma_wait3A_508 = arith.constant 0 : i32
      %dma_wait3A_509 = arith.constant 0 : i32
      %dma_wait3A_510 = tpu.memref_slice %arg3[%dma_wait3A_503, %dma_wait3A_508, %dma_wait3A_509] : memref<2560x2x128xi32, #tpu.memory_space<hbm>> -> memref<1x2x128xi32, #tpu.memory_space<hbm>>
      %dma_wait3A_511 = tpu.memref_squeeze %dma_wait3A_510 : memref<1x2x128xi32, #tpu.memory_space<hbm>> -> memref<2x128xi32, #tpu.memory_space<hbm>>
      tpu.wait_dma2 semaphore(%arg25 : memref<!tpu.dma_semaphore, #tpu.memory_space<semaphore_mem>>) src(%dma_wait3A_511 : memref<2x128xi32, #tpu.memory_space<hbm>>) dst(%arg8 : memref<2x128xi32, #tpu.memory_space<vmem>>)
      %dma_start3A_512 = arith.constant 0 : i32
      %dma_start3A_513 = arith.constant 0 : i32
      %dma_start3A_514 = tpu.memref_slice %arg8[%dma_start3A_512, %dma_start3A_513] : memref<2x128xi32, #tpu.memory_space<vmem>> -> memref<1x128xi32, #tpu.memory_space<vmem>>
      %dma_start3A_515 = tpu.memref_squeeze %dma_start3A_514 : memref<1x128xi32, #tpu.memory_space<vmem>> -> memref<128xi32, #tpu.memory_space<vmem>>
      %dma_start3A_516 = arith.constant 0 : i32
      %dma_start3A_517 = arith.constant 0 : i32
      %dma_start3A_518 = tpu.memref_slice %arg2[%dma_start3A_516, %dma_start3A_517] : memref<10240x64xf32, #tpu.memory_space<hbm>> -> memref<10240x64xf32, #tpu.memory_space<hbm>>
      tpu.enqueue_indirect_dma source(%dma_start3A_518 : memref<10240x64xf32, #tpu.memory_space<hbm>>) target(%arg16 : memref<128x64xf32, #tpu.memory_space<vmem>>) offsets(%dma_start3A_515 : memref<128xi32, #tpu.memory_space<vmem>>) semaphore(%arg33 : memref<!tpu.dma_semaphore, #tpu.memory_space<semaphore_mem>>)
      %add3A_519 = arith.addi %mul3A_2, %mul3A_286 : i32
      %add3A_520 = arith.constant 6 : i32
      %add3A_521 = arith.addi %add3A_519, %add3A_520 : i32
      %add3A_522 = arith.constant 5 : i32
      %add3A_523 = arith.addi %add3A_521, %add3A_522 : i32
      %dma_start3A_524 = arith.constant 0 : i32
      %dma_start3A_525 = arith.constant 0 : i32
      %dma_start3A_526 = tpu.memref_slice %arg3[%add3A_523, %dma_start3A_524, %dma_start3A_525] : memref<2560x2x128xi32, #tpu.memory_space<hbm>> -> memref<1x2x128xi32, #tpu.memory_space<hbm>>
      %dma_start3A_527 = tpu.memref_squeeze %dma_start3A_526 : memref<1x2x128xi32, #tpu.memory_space<hbm>> -> memref<2x128xi32, #tpu.memory_space<hbm>>
      %dma_start3A_528 = arith.constant 0 : i32
      %dma_start3A_529 = arith.constant 0 : i32
      %dma_start3A_530 = tpu.memref_slice %arg3[%add3A_523, %dma_start3A_528, %dma_start3A_529] : memref<2560x2x128xi32, #tpu.memory_space<hbm>> -> memref<1x2x128xi32, #tpu.memory_space<hbm>>
      %dma_start3A_531 = tpu.memref_squeeze %dma_start3A_530 : memref<1x2x128xi32, #tpu.memory_space<hbm>> -> memref<2x128xi32, #tpu.memory_space<hbm>>
      tpu.enqueue_dma source(%dma_start3A_531 : memref<2x128xi32, #tpu.memory_space<hbm>>) target(%arg9 : memref<2x128xi32, #tpu.memory_space<vmem>>) target_semaphore(%arg26 : memref<!tpu.dma_semaphore, #tpu.memory_space<semaphore_mem>>)
      %dma_wait3A_532 = arith.constant 0 : i32
      %dma_wait3A_533 = arith.constant 0 : i32
      %dma_wait3A_534 = tpu.memref_slice %arg2[%dma_wait3A_532, %dma_wait3A_533] : memref<10240x64xf32, #tpu.memory_space<hbm>> -> memref<128x64xf32, #tpu.memory_space<hbm>>
      %dma_wait3A_535 = arith.constant 0 : i32
      %dma_wait3A_536 = arith.constant 0 : i32
      %dma_wait3A_537 = tpu.memref_slice %arg2[%dma_wait3A_535, %dma_wait3A_536] : memref<10240x64xf32, #tpu.memory_space<hbm>> -> memref<128x64xf32, #tpu.memory_space<hbm>>
      tpu.wait_dma2 semaphore(%arg37 : memref<!tpu.dma_semaphore, #tpu.memory_space<semaphore_mem>>) src(%dma_wait3A_537 : memref<128x64xf32, #tpu.memory_space<hbm>>) dst(%arg20 : memref<128x64xf32, #tpu.memory_space<vmem>>)
      %run_scoped3A_538 = arith.constant 1 : i32
      "tpu.region"() ({
        %run_scoped3A_575 = tpu.sem_alloc : memref<!tpu.dma_semaphore, #tpu.memory_space<semaphore_mem>>
        %dma_start3A_576 = arith.constant 0 : i32
        %dma_start3A_577 = tpu.memref_slice %arg12[%run_scoped3A_538, %dma_start3A_576] : memref<2x128xi32, #tpu.memory_space<vmem>> -> memref<1x128xi32, #tpu.memory_space<vmem>>
        %dma_start3A_578 = tpu.memref_squeeze %dma_start3A_577 : memref<1x128xi32, #tpu.memory_space<vmem>> -> memref<128xi32, #tpu.memory_space<vmem>>
        %dma_start3A_579 = arith.constant 0 : i32
        %dma_start3A_580 = arith.constant 0 : i32
        %dma_start3A_581 = tpu.memref_slice %arg22[%dma_start3A_579, %dma_start3A_580] : memref<10240x64xf32, #tpu.memory_space<vmem_shared>> -> memref<10240x64xf32, #tpu.memory_space<vmem_shared>>
        tpu.enqueue_indirect_dma source(%arg20 : memref<128x64xf32, #tpu.memory_space<vmem>>) target(%dma_start3A_581 : memref<10240x64xf32, #tpu.memory_space<vmem_shared>>) offsets(%dma_start3A_578 : memref<128xi32, #tpu.memory_space<vmem>>) semaphore(%run_scoped3A_575 : memref<!tpu.dma_semaphore, #tpu.memory_space<semaphore_mem>>) {add = true}
        %dma_wait3A_582 = arith.constant 0 : i32
        %dma_wait3A_583 = tpu.memref_slice %arg12[%run_scoped3A_538, %dma_wait3A_582] : memref<2x128xi32, #tpu.memory_space<vmem>> -> memref<1x128xi32, #tpu.memory_space<vmem>>
        %dma_wait3A_584 = tpu.memref_squeeze %dma_wait3A_583 : memref<1x128xi32, #tpu.memory_space<vmem>> -> memref<128xi32, #tpu.memory_space<vmem>>
        %dma_wait3A_585 = arith.constant 0 : i32
        %dma_wait3A_586 = arith.constant 0 : i32
        %dma_wait3A_587 = tpu.memref_slice %arg22[%dma_wait3A_585, %dma_wait3A_586] : memref<10240x64xf32, #tpu.memory_space<vmem_shared>> -> memref<10240x64xf32, #tpu.memory_space<vmem_shared>>
        tpu.wait_indirect_dma semaphore(%run_scoped3A_575 : memref<!tpu.dma_semaphore, #tpu.memory_space<semaphore_mem>>) src(%arg20 : memref<128x64xf32, #tpu.memory_space<vmem>>) dst(%dma_wait3A_587 : memref<10240x64xf32, #tpu.memory_space<vmem_shared>>)
        tpu.yield
      }) : () -> ()
      %dma_wait3A_539 = arith.constant 0 : i32
      %dma_wait3A_540 = arith.constant 0 : i32
      %dma_wait3A_541 = arith.constant 0 : i32
      %dma_wait3A_542 = tpu.memref_slice %arg3[%dma_wait3A_539, %dma_wait3A_540, %dma_wait3A_541] : memref<2560x2x128xi32, #tpu.memory_space<hbm>> -> memref<1x2x128xi32, #tpu.memory_space<hbm>>
      %dma_wait3A_543 = tpu.memref_squeeze %dma_wait3A_542 : memref<1x2x128xi32, #tpu.memory_space<hbm>> -> memref<2x128xi32, #tpu.memory_space<hbm>>
      %dma_wait3A_544 = arith.constant 0 : i32
      %dma_wait3A_545 = arith.constant 0 : i32
      %dma_wait3A_546 = tpu.memref_slice %arg3[%dma_wait3A_539, %dma_wait3A_544, %dma_wait3A_545] : memref<2560x2x128xi32, #tpu.memory_space<hbm>> -> memref<1x2x128xi32, #tpu.memory_space<hbm>>
      %dma_wait3A_547 = tpu.memref_squeeze %dma_wait3A_546 : memref<1x2x128xi32, #tpu.memory_space<hbm>> -> memref<2x128xi32, #tpu.memory_space<hbm>>
      tpu.wait_dma2 semaphore(%arg26 : memref<!tpu.dma_semaphore, #tpu.memory_space<semaphore_mem>>) src(%dma_wait3A_547 : memref<2x128xi32, #tpu.memory_space<hbm>>) dst(%arg9 : memref<2x128xi32, #tpu.memory_space<vmem>>)
      %dma_start3A_548 = arith.constant 0 : i32
      %dma_start3A_549 = arith.constant 0 : i32
      %dma_start3A_550 = tpu.memref_slice %arg9[%dma_start3A_548, %dma_start3A_549] : memref<2x128xi32, #tpu.memory_space<vmem>> -> memref<1x128xi32, #tpu.memory_space<vmem>>
      %dma_start3A_551 = tpu.memref_squeeze %dma_start3A_550 : memref<1x128xi32, #tpu.memory_space<vmem>> -> memref<128xi32, #tpu.memory_space<vmem>>
      %dma_start3A_552 = arith.constant 0 : i32
      %dma_start3A_553 = arith.constant 0 : i32
      %dma_start3A_554 = tpu.memref_slice %arg2[%dma_start3A_552, %dma_start3A_553] : memref<10240x64xf32, #tpu.memory_space<hbm>> -> memref<10240x64xf32, #tpu.memory_space<hbm>>
      tpu.enqueue_indirect_dma source(%dma_start3A_554 : memref<10240x64xf32, #tpu.memory_space<hbm>>) target(%arg17 : memref<128x64xf32, #tpu.memory_space<vmem>>) offsets(%dma_start3A_551 : memref<128xi32, #tpu.memory_space<vmem>>) semaphore(%arg34 : memref<!tpu.dma_semaphore, #tpu.memory_space<semaphore_mem>>)
      %add3A_555 = arith.addi %mul3A_2, %mul3A_286 : i32
      %add3A_556 = arith.constant 7 : i32
      %add3A_557 = arith.addi %add3A_555, %add3A_556 : i32
      %add3A_558 = arith.constant 5 : i32
      %add3A_559 = arith.addi %add3A_557, %add3A_558 : i32
      %dma_start3A_560 = arith.constant 0 : i32
      %dma_start3A_561 = arith.constant 0 : i32
      %dma_start3A_562 = tpu.memref_slice %arg3[%add3A_559, %dma_start3A_560, %dma_start3A_561] : memref<2560x2x128xi32, #tpu.memory_space<hbm>> -> memref<1x2x128xi32, #tpu.memory_space<hbm>>
      %dma_start3A_563 = tpu.memref_squeeze %dma_start3A_562 : memref<1x2x128xi32, #tpu.memory_space<hbm>> -> memref<2x128xi32, #tpu.memory_space<hbm>>
      %dma_start3A_564 = arith.constant 0 : i32
      %dma_start3A_565 = arith.constant 0 : i32
      %dma_start3A_566 = tpu.memref_slice %arg3[%add3A_559, %dma_start3A_564, %dma_start3A_565] : memref<2560x2x128xi32, #tpu.memory_space<hbm>> -> memref<1x2x128xi32, #tpu.memory_space<hbm>>
      %dma_start3A_567 = tpu.memref_squeeze %dma_start3A_566 : memref<1x2x128xi32, #tpu.memory_space<hbm>> -> memref<2x128xi32, #tpu.memory_space<hbm>>
      tpu.enqueue_dma source(%dma_start3A_567 : memref<2x128xi32, #tpu.memory_space<hbm>>) target(%arg10 : memref<2x128xi32, #tpu.memory_space<vmem>>) target_semaphore(%arg27 : memref<!tpu.dma_semaphore, #tpu.memory_space<semaphore_mem>>)
      %dma_wait3A_568 = arith.constant 0 : i32
      %dma_wait3A_569 = arith.constant 0 : i32
      %dma_wait3A_570 = tpu.memref_slice %arg2[%dma_wait3A_568, %dma_wait3A_569] : memref<10240x64xf32, #tpu.memory_space<hbm>> -> memref<128x64xf32, #tpu.memory_space<hbm>>
      %dma_wait3A_571 = arith.constant 0 : i32
      %dma_wait3A_572 = arith.constant 0 : i32
      %dma_wait3A_573 = tpu.memref_slice %arg2[%dma_wait3A_571, %dma_wait3A_572] : memref<10240x64xf32, #tpu.memory_space<hbm>> -> memref<128x64xf32, #tpu.memory_space<hbm>>
      tpu.wait_dma2 semaphore(%arg38 : memref<!tpu.dma_semaphore, #tpu.memory_space<semaphore_mem>>) src(%dma_wait3A_573 : memref<128x64xf32, #tpu.memory_space<hbm>>) dst(%arg21 : memref<128x64xf32, #tpu.memory_space<vmem>>)
      %run_scoped3A_574 = arith.constant 1 : i32
      "tpu.region"() ({
        %run_scoped3A_575 = tpu.sem_alloc : memref<!tpu.dma_semaphore, #tpu.memory_space<semaphore_mem>>
        %dma_start3A_576 = arith.constant 0 : i32
        %dma_start3A_577 = tpu.memref_slice %arg13[%run_scoped3A_574, %dma_start3A_576] : memref<2x128xi32, #tpu.memory_space<vmem>> -> memref<1x128xi32, #tpu.memory_space<vmem>>
        %dma_start3A_578 = tpu.memref_squeeze %dma_start3A_577 : memref<1x128xi32, #tpu.memory_space<vmem>> -> memref<128xi32, #tpu.memory_space<vmem>>
        %dma_start3A_579 = arith.constant 0 : i32
        %dma_start3A_580 = arith.constant 0 : i32
        %dma_start3A_581 = tpu.memref_slice %arg22[%dma_start3A_579, %dma_start3A_580] : memref<10240x64xf32, #tpu.memory_space<vmem_shared>> -> memref<10240x64xf32, #tpu.memory_space<vmem_shared>>
        tpu.enqueue_indirect_dma source(%arg21 : memref<128x64xf32, #tpu.memory_space<vmem>>) target(%dma_start3A_581 : memref<10240x64xf32, #tpu.memory_space<vmem_shared>>) offsets(%dma_start3A_578 : memref<128xi32, #tpu.memory_space<vmem>>) semaphore(%run_scoped3A_575 : memref<!tpu.dma_semaphore, #tpu.memory_space<semaphore_mem>>) {add = true}
        %dma_wait3A_582 = arith.constant 0 : i32
        %dma_wait3A_583 = tpu.memref_slice %arg13[%run_scoped3A_574, %dma_wait3A_582] : memref<2x128xi32, #tpu.memory_space<vmem>> -> memref<1x128xi32, #tpu.memory_space<vmem>>
        %dma_wait3A_584 = tpu.memref_squeeze %dma_wait3A_583 : memref<1x128xi32, #tpu.memory_space<vmem>> -> memref<128xi32, #tpu.memory_space<vmem>>
        %dma_wait3A_585 = arith.constant 0 : i32
        %dma_wait3A_586 = arith.constant 0 : i32
        %dma_wait3A_587 = tpu.memref_slice %arg22[%dma_wait3A_585, %dma_wait3A_586] : memref<10240x64xf32, #tpu.memory_space<vmem_shared>> -> memref<10240x64xf32, #tpu.memory_space<vmem_shared>>
        tpu.wait_indirect_dma semaphore(%run_scoped3A_575 : memref<!tpu.dma_semaphore, #tpu.memory_space<semaphore_mem>>) src(%arg21 : memref<128x64xf32, #tpu.memory_space<vmem>>) dst(%dma_wait3A_587 : memref<10240x64xf32, #tpu.memory_space<vmem_shared>>)
        tpu.yield
      }) : () -> ()
    }
    %scan3A_127 = arith.constant 9 : i32
    %dma_wait3A_128 = arith.constant 0 : i32
    %dma_wait3A_129 = arith.constant 0 : i32
    %dma_wait3A_130 = arith.constant 0 : i32
    %dma_wait3A_131 = tpu.memref_slice %arg3[%dma_wait3A_128, %dma_wait3A_129, %dma_wait3A_130] : memref<2560x2x128xi32, #tpu.memory_space<hbm>> -> memref<1x2x128xi32, #tpu.memory_space<hbm>>
    %dma_wait3A_132 = tpu.memref_squeeze %dma_wait3A_131 : memref<1x2x128xi32, #tpu.memory_space<hbm>> -> memref<2x128xi32, #tpu.memory_space<hbm>>
    %dma_wait3A_133 = arith.constant 0 : i32
    %dma_wait3A_134 = arith.constant 0 : i32
    %dma_wait3A_135 = tpu.memref_slice %arg3[%dma_wait3A_128, %dma_wait3A_133, %dma_wait3A_134] : memref<2560x2x128xi32, #tpu.memory_space<hbm>> -> memref<1x2x128xi32, #tpu.memory_space<hbm>>
    %dma_wait3A_136 = tpu.memref_squeeze %dma_wait3A_135 : memref<1x2x128xi32, #tpu.memory_space<hbm>> -> memref<2x128xi32, #tpu.memory_space<hbm>>
    tpu.wait_dma2 semaphore(%arg27 : memref<!tpu.dma_semaphore, #tpu.memory_space<semaphore_mem>>) src(%dma_wait3A_136 : memref<2x128xi32, #tpu.memory_space<hbm>>) dst(%arg10 : memref<2x128xi32, #tpu.memory_space<vmem>>)
    %dma_start3A_137 = arith.constant 0 : i32
    %dma_start3A_138 = arith.constant 0 : i32
    %dma_start3A_139 = tpu.memref_slice %arg10[%dma_start3A_137, %dma_start3A_138] : memref<2x128xi32, #tpu.memory_space<vmem>> -> memref<1x128xi32, #tpu.memory_space<vmem>>
    %dma_start3A_140 = tpu.memref_squeeze %dma_start3A_139 : memref<1x128xi32, #tpu.memory_space<vmem>> -> memref<128xi32, #tpu.memory_space<vmem>>
    %dma_start3A_141 = arith.constant 0 : i32
    %dma_start3A_142 = arith.constant 0 : i32
    %dma_start3A_143 = tpu.memref_slice %arg2[%dma_start3A_141, %dma_start3A_142] : memref<10240x64xf32, #tpu.memory_space<hbm>> -> memref<10240x64xf32, #tpu.memory_space<hbm>>
    tpu.enqueue_indirect_dma source(%dma_start3A_143 : memref<10240x64xf32, #tpu.memory_space<hbm>>) target(%arg18 : memref<128x64xf32, #tpu.memory_space<vmem>>) offsets(%dma_start3A_140 : memref<128xi32, #tpu.memory_space<vmem>>) semaphore(%arg35 : memref<!tpu.dma_semaphore, #tpu.memory_space<semaphore_mem>>)
    %add3A_144 = arith.constant 72 : i32
    %add3A_145 = arith.addi %mul3A_2, %add3A_144 : i32
    %add3A_146 = arith.constant 5 : i32
    %add3A_147 = arith.addi %add3A_145, %add3A_146 : i32
    %dma_start3A_148 = arith.constant 0 : i32
    %dma_start3A_149 = arith.constant 0 : i32
    %dma_start3A_150 = tpu.memref_slice %arg3[%add3A_147, %dma_start3A_148, %dma_start3A_149] : memref<2560x2x128xi32, #tpu.memory_space<hbm>> -> memref<1x2x128xi32, #tpu.memory_space<hbm>>
    %dma_start3A_151 = tpu.memref_squeeze %dma_start3A_150 : memref<1x2x128xi32, #tpu.memory_space<hbm>> -> memref<2x128xi32, #tpu.memory_space<hbm>>
    %dma_start3A_152 = arith.constant 0 : i32
    %dma_start3A_153 = arith.constant 0 : i32
    %dma_start3A_154 = tpu.memref_slice %arg3[%add3A_147, %dma_start3A_152, %dma_start3A_153] : memref<2560x2x128xi32, #tpu.memory_space<hbm>> -> memref<1x2x128xi32, #tpu.memory_space<hbm>>
    %dma_start3A_155 = tpu.memref_squeeze %dma_start3A_154 : memref<1x2x128xi32, #tpu.memory_space<hbm>> -> memref<2x128xi32, #tpu.memory_space<hbm>>
    tpu.enqueue_dma source(%dma_start3A_155 : memref<2x128xi32, #tpu.memory_space<hbm>>) target(%arg11 : memref<2x128xi32, #tpu.memory_space<vmem>>) target_semaphore(%arg28 : memref<!tpu.dma_semaphore, #tpu.memory_space<semaphore_mem>>)
    %dma_wait3A_156 = arith.constant 0 : i32
    %dma_wait3A_157 = arith.constant 0 : i32
    %dma_wait3A_158 = tpu.memref_slice %arg2[%dma_wait3A_156, %dma_wait3A_157] : memref<10240x64xf32, #tpu.memory_space<hbm>> -> memref<128x64xf32, #tpu.memory_space<hbm>>
    %dma_wait3A_159 = arith.constant 0 : i32
    %dma_wait3A_160 = arith.constant 0 : i32
    %dma_wait3A_161 = tpu.memref_slice %arg2[%dma_wait3A_159, %dma_wait3A_160] : memref<10240x64xf32, #tpu.memory_space<hbm>> -> memref<128x64xf32, #tpu.memory_space<hbm>>
    tpu.wait_dma2 semaphore(%arg31 : memref<!tpu.dma_semaphore, #tpu.memory_space<semaphore_mem>>) src(%dma_wait3A_161 : memref<128x64xf32, #tpu.memory_space<hbm>>) dst(%arg14 : memref<128x64xf32, #tpu.memory_space<vmem>>)
    %run_scoped3A = arith.constant 1 : i32
    "tpu.region"() ({
      %run_scoped3A_284 = tpu.sem_alloc : memref<!tpu.dma_semaphore, #tpu.memory_space<semaphore_mem>>
      %dma_start3A_285 = arith.constant 0 : i32
      %dma_start3A_286 = tpu.memref_slice %arg6[%run_scoped3A, %dma_start3A_285] : memref<2x128xi32, #tpu.memory_space<vmem>> -> memref<1x128xi32, #tpu.memory_space<vmem>>
      %dma_start3A_287 = tpu.memref_squeeze %dma_start3A_286 : memref<1x128xi32, #tpu.memory_space<vmem>> -> memref<128xi32, #tpu.memory_space<vmem>>
      %dma_start3A_288 = arith.constant 0 : i32
      %dma_start3A_289 = arith.constant 0 : i32
      %dma_start3A_290 = tpu.memref_slice %arg22[%dma_start3A_288, %dma_start3A_289] : memref<10240x64xf32, #tpu.memory_space<vmem_shared>> -> memref<10240x64xf32, #tpu.memory_space<vmem_shared>>
      tpu.enqueue_indirect_dma source(%arg14 : memref<128x64xf32, #tpu.memory_space<vmem>>) target(%dma_start3A_290 : memref<10240x64xf32, #tpu.memory_space<vmem_shared>>) offsets(%dma_start3A_287 : memref<128xi32, #tpu.memory_space<vmem>>) semaphore(%run_scoped3A_284 : memref<!tpu.dma_semaphore, #tpu.memory_space<semaphore_mem>>) {add = true}
      %dma_wait3A_291 = arith.constant 0 : i32
      %dma_wait3A_292 = tpu.memref_slice %arg6[%run_scoped3A, %dma_wait3A_291] : memref<2x128xi32, #tpu.memory_space<vmem>> -> memref<1x128xi32, #tpu.memory_space<vmem>>
      %dma_wait3A_293 = tpu.memref_squeeze %dma_wait3A_292 : memref<1x128xi32, #tpu.memory_space<vmem>> -> memref<128xi32, #tpu.memory_space<vmem>>
      %dma_wait3A_294 = arith.constant 0 : i32
      %dma_wait3A_295 = arith.constant 0 : i32
      %dma_wait3A_296 = tpu.memref_slice %arg22[%dma_wait3A_294, %dma_wait3A_295] : memref<10240x64xf32, #tpu.memory_space<vmem_shared>> -> memref<10240x64xf32, #tpu.memory_space<vmem_shared>>
      tpu.wait_indirect_dma semaphore(%run_scoped3A_284 : memref<!tpu.dma_semaphore, #tpu.memory_space<semaphore_mem>>) src(%arg14 : memref<128x64xf32, #tpu.memory_space<vmem>>) dst(%dma_wait3A_296 : memref<10240x64xf32, #tpu.memory_space<vmem_shared>>)
      tpu.yield
    }) : () -> ()
    %dma_wait3A_162 = arith.constant 0 : i32
    %dma_wait3A_163 = arith.constant 0 : i32
    %dma_wait3A_164 = arith.constant 0 : i32
    %dma_wait3A_165 = tpu.memref_slice %arg3[%dma_wait3A_162, %dma_wait3A_163, %dma_wait3A_164] : memref<2560x2x128xi32, #tpu.memory_space<hbm>> -> memref<1x2x128xi32, #tpu.memory_space<hbm>>
    %dma_wait3A_166 = tpu.memref_squeeze %dma_wait3A_165 : memref<1x2x128xi32, #tpu.memory_space<hbm>> -> memref<2x128xi32, #tpu.memory_space<hbm>>
    %dma_wait3A_167 = arith.constant 0 : i32
    %dma_wait3A_168 = arith.constant 0 : i32
    %dma_wait3A_169 = tpu.memref_slice %arg3[%dma_wait3A_162, %dma_wait3A_167, %dma_wait3A_168] : memref<2560x2x128xi32, #tpu.memory_space<hbm>> -> memref<1x2x128xi32, #tpu.memory_space<hbm>>
    %dma_wait3A_170 = tpu.memref_squeeze %dma_wait3A_169 : memref<1x2x128xi32, #tpu.memory_space<hbm>> -> memref<2x128xi32, #tpu.memory_space<hbm>>
    tpu.wait_dma2 semaphore(%arg28 : memref<!tpu.dma_semaphore, #tpu.memory_space<semaphore_mem>>) src(%dma_wait3A_170 : memref<2x128xi32, #tpu.memory_space<hbm>>) dst(%arg11 : memref<2x128xi32, #tpu.memory_space<vmem>>)
    %dma_start3A_171 = arith.constant 0 : i32
    %dma_start3A_172 = arith.constant 0 : i32
    %dma_start3A_173 = tpu.memref_slice %arg11[%dma_start3A_171, %dma_start3A_172] : memref<2x128xi32, #tpu.memory_space<vmem>> -> memref<1x128xi32, #tpu.memory_space<vmem>>
    %dma_start3A_174 = tpu.memref_squeeze %dma_start3A_173 : memref<1x128xi32, #tpu.memory_space<vmem>> -> memref<128xi32, #tpu.memory_space<vmem>>
    %dma_start3A_175 = arith.constant 0 : i32
    %dma_start3A_176 = arith.constant 0 : i32
    %dma_start3A_177 = tpu.memref_slice %arg2[%dma_start3A_175, %dma_start3A_176] : memref<10240x64xf32, #tpu.memory_space<hbm>> -> memref<10240x64xf32, #tpu.memory_space<hbm>>
    tpu.enqueue_indirect_dma source(%dma_start3A_177 : memref<10240x64xf32, #tpu.memory_space<hbm>>) target(%arg19 : memref<128x64xf32, #tpu.memory_space<vmem>>) offsets(%dma_start3A_174 : memref<128xi32, #tpu.memory_space<vmem>>) semaphore(%arg36 : memref<!tpu.dma_semaphore, #tpu.memory_space<semaphore_mem>>)
    %add3A_178 = arith.constant 73 : i32
    %add3A_179 = arith.addi %mul3A_2, %add3A_178 : i32
    %add3A_180 = arith.constant 5 : i32
    %add3A_181 = arith.addi %add3A_179, %add3A_180 : i32
    %dma_start3A_182 = arith.constant 0 : i32
    %dma_start3A_183 = arith.constant 0 : i32
    %dma_start3A_184 = tpu.memref_slice %arg3[%add3A_181, %dma_start3A_182, %dma_start3A_183] : memref<2560x2x128xi32, #tpu.memory_space<hbm>> -> memref<1x2x128xi32, #tpu.memory_space<hbm>>
    %dma_start3A_185 = tpu.memref_squeeze %dma_start3A_184 : memref<1x2x128xi32, #tpu.memory_space<hbm>> -> memref<2x128xi32, #tpu.memory_space<hbm>>
    %dma_start3A_186 = arith.constant 0 : i32
    %dma_start3A_187 = arith.constant 0 : i32
    %dma_start3A_188 = tpu.memref_slice %arg3[%add3A_181, %dma_start3A_186, %dma_start3A_187] : memref<2560x2x128xi32, #tpu.memory_space<hbm>> -> memref<1x2x128xi32, #tpu.memory_space<hbm>>
    %dma_start3A_189 = tpu.memref_squeeze %dma_start3A_188 : memref<1x2x128xi32, #tpu.memory_space<hbm>> -> memref<2x128xi32, #tpu.memory_space<hbm>>
    tpu.enqueue_dma source(%dma_start3A_189 : memref<2x128xi32, #tpu.memory_space<hbm>>) target(%arg12 : memref<2x128xi32, #tpu.memory_space<vmem>>) target_semaphore(%arg29 : memref<!tpu.dma_semaphore, #tpu.memory_space<semaphore_mem>>)
    %dma_wait3A_190 = arith.constant 0 : i32
    %dma_wait3A_191 = arith.constant 0 : i32
    %dma_wait3A_192 = tpu.memref_slice %arg2[%dma_wait3A_190, %dma_wait3A_191] : memref<10240x64xf32, #tpu.memory_space<hbm>> -> memref<128x64xf32, #tpu.memory_space<hbm>>
    %dma_wait3A_193 = arith.constant 0 : i32
    %dma_wait3A_194 = arith.constant 0 : i32
    %dma_wait3A_195 = tpu.memref_slice %arg2[%dma_wait3A_193, %dma_wait3A_194] : memref<10240x64xf32, #tpu.memory_space<hbm>> -> memref<128x64xf32, #tpu.memory_space<hbm>>
    tpu.wait_dma2 semaphore(%arg32 : memref<!tpu.dma_semaphore, #tpu.memory_space<semaphore_mem>>) src(%dma_wait3A_195 : memref<128x64xf32, #tpu.memory_space<hbm>>) dst(%arg15 : memref<128x64xf32, #tpu.memory_space<vmem>>)
    %run_scoped3A_196 = arith.constant 1 : i32
    "tpu.region"() ({
      %run_scoped3A_284 = tpu.sem_alloc : memref<!tpu.dma_semaphore, #tpu.memory_space<semaphore_mem>>
      %dma_start3A_285 = arith.constant 0 : i32
      %dma_start3A_286 = tpu.memref_slice %arg7[%run_scoped3A_196, %dma_start3A_285] : memref<2x128xi32, #tpu.memory_space<vmem>> -> memref<1x128xi32, #tpu.memory_space<vmem>>
      %dma_start3A_287 = tpu.memref_squeeze %dma_start3A_286 : memref<1x128xi32, #tpu.memory_space<vmem>> -> memref<128xi32, #tpu.memory_space<vmem>>
      %dma_start3A_288 = arith.constant 0 : i32
      %dma_start3A_289 = arith.constant 0 : i32
      %dma_start3A_290 = tpu.memref_slice %arg22[%dma_start3A_288, %dma_start3A_289] : memref<10240x64xf32, #tpu.memory_space<vmem_shared>> -> memref<10240x64xf32, #tpu.memory_space<vmem_shared>>
      tpu.enqueue_indirect_dma source(%arg15 : memref<128x64xf32, #tpu.memory_space<vmem>>) target(%dma_start3A_290 : memref<10240x64xf32, #tpu.memory_space<vmem_shared>>) offsets(%dma_start3A_287 : memref<128xi32, #tpu.memory_space<vmem>>) semaphore(%run_scoped3A_284 : memref<!tpu.dma_semaphore, #tpu.memory_space<semaphore_mem>>) {add = true}
      %dma_wait3A_291 = arith.constant 0 : i32
      %dma_wait3A_292 = tpu.memref_slice %arg7[%run_scoped3A_196, %dma_wait3A_291] : memref<2x128xi32, #tpu.memory_space<vmem>> -> memref<1x128xi32, #tpu.memory_space<vmem>>
      %dma_wait3A_293 = tpu.memref_squeeze %dma_wait3A_292 : memref<1x128xi32, #tpu.memory_space<vmem>> -> memref<128xi32, #tpu.memory_space<vmem>>
      %dma_wait3A_294 = arith.constant 0 : i32
      %dma_wait3A_295 = arith.constant 0 : i32
      %dma_wait3A_296 = tpu.memref_slice %arg22[%dma_wait3A_294, %dma_wait3A_295] : memref<10240x64xf32, #tpu.memory_space<vmem_shared>> -> memref<10240x64xf32, #tpu.memory_space<vmem_shared>>
      tpu.wait_indirect_dma semaphore(%run_scoped3A_284 : memref<!tpu.dma_semaphore, #tpu.memory_space<semaphore_mem>>) src(%arg15 : memref<128x64xf32, #tpu.memory_space<vmem>>) dst(%dma_wait3A_296 : memref<10240x64xf32, #tpu.memory_space<vmem_shared>>)
      tpu.yield
    }) : () -> ()
    %dma_wait3A_197 = arith.constant 0 : i32
    %dma_wait3A_198 = arith.constant 0 : i32
    %dma_wait3A_199 = arith.constant 0 : i32
    %dma_wait3A_200 = tpu.memref_slice %arg3[%dma_wait3A_197, %dma_wait3A_198, %dma_wait3A_199] : memref<2560x2x128xi32, #tpu.memory_space<hbm>> -> memref<1x2x128xi32, #tpu.memory_space<hbm>>
    %dma_wait3A_201 = tpu.memref_squeeze %dma_wait3A_200 : memref<1x2x128xi32, #tpu.memory_space<hbm>> -> memref<2x128xi32, #tpu.memory_space<hbm>>
    %dma_wait3A_202 = arith.constant 0 : i32
    %dma_wait3A_203 = arith.constant 0 : i32
    %dma_wait3A_204 = tpu.memref_slice %arg3[%dma_wait3A_197, %dma_wait3A_202, %dma_wait3A_203] : memref<2560x2x128xi32, #tpu.memory_space<hbm>> -> memref<1x2x128xi32, #tpu.memory_space<hbm>>
    %dma_wait3A_205 = tpu.memref_squeeze %dma_wait3A_204 : memref<1x2x128xi32, #tpu.memory_space<hbm>> -> memref<2x128xi32, #tpu.memory_space<hbm>>
    tpu.wait_dma2 semaphore(%arg29 : memref<!tpu.dma_semaphore, #tpu.memory_space<semaphore_mem>>) src(%dma_wait3A_205 : memref<2x128xi32, #tpu.memory_space<hbm>>) dst(%arg12 : memref<2x128xi32, #tpu.memory_space<vmem>>)
    %dma_start3A_206 = arith.constant 0 : i32
    %dma_start3A_207 = arith.constant 0 : i32
    %dma_start3A_208 = tpu.memref_slice %arg12[%dma_start3A_206, %dma_start3A_207] : memref<2x128xi32, #tpu.memory_space<vmem>> -> memref<1x128xi32, #tpu.memory_space<vmem>>
    %dma_start3A_209 = tpu.memref_squeeze %dma_start3A_208 : memref<1x128xi32, #tpu.memory_space<vmem>> -> memref<128xi32, #tpu.memory_space<vmem>>
    %dma_start3A_210 = arith.constant 0 : i32
    %dma_start3A_211 = arith.constant 0 : i32
    %dma_start3A_212 = tpu.memref_slice %arg2[%dma_start3A_210, %dma_start3A_211] : memref<10240x64xf32, #tpu.memory_space<hbm>> -> memref<10240x64xf32, #tpu.memory_space<hbm>>
    tpu.enqueue_indirect_dma source(%dma_start3A_212 : memref<10240x64xf32, #tpu.memory_space<hbm>>) target(%arg20 : memref<128x64xf32, #tpu.memory_space<vmem>>) offsets(%dma_start3A_209 : memref<128xi32, #tpu.memory_space<vmem>>) semaphore(%arg37 : memref<!tpu.dma_semaphore, #tpu.memory_space<semaphore_mem>>)
    %add3A_213 = arith.constant 74 : i32
    %add3A_214 = arith.addi %mul3A_2, %add3A_213 : i32
    %add3A_215 = arith.constant 5 : i32
    %add3A_216 = arith.addi %add3A_214, %add3A_215 : i32
    %dma_start3A_217 = arith.constant 0 : i32
    %dma_start3A_218 = arith.constant 0 : i32
    %dma_start3A_219 = tpu.memref_slice %arg3[%add3A_216, %dma_start3A_217, %dma_start3A_218] : memref<2560x2x128xi32, #tpu.memory_space<hbm>> -> memref<1x2x128xi32, #tpu.memory_space<hbm>>
    %dma_start3A_220 = tpu.memref_squeeze %dma_start3A_219 : memref<1x2x128xi32, #tpu.memory_space<hbm>> -> memref<2x128xi32, #tpu.memory_space<hbm>>
    %dma_start3A_221 = arith.constant 0 : i32
    %dma_start3A_222 = arith.constant 0 : i32
    %dma_start3A_223 = tpu.memref_slice %arg3[%add3A_216, %dma_start3A_221, %dma_start3A_222] : memref<2560x2x128xi32, #tpu.memory_space<hbm>> -> memref<1x2x128xi32, #tpu.memory_space<hbm>>
    %dma_start3A_224 = tpu.memref_squeeze %dma_start3A_223 : memref<1x2x128xi32, #tpu.memory_space<hbm>> -> memref<2x128xi32, #tpu.memory_space<hbm>>
    tpu.enqueue_dma source(%dma_start3A_224 : memref<2x128xi32, #tpu.memory_space<hbm>>) target(%arg13 : memref<2x128xi32, #tpu.memory_space<vmem>>) target_semaphore(%arg30 : memref<!tpu.dma_semaphore, #tpu.memory_space<semaphore_mem>>)
    %dma_wait3A_225 = arith.constant 0 : i32
    %dma_wait3A_226 = arith.constant 0 : i32
    %dma_wait3A_227 = tpu.memref_slice %arg2[%dma_wait3A_225, %dma_wait3A_226] : memref<10240x64xf32, #tpu.memory_space<hbm>> -> memref<128x64xf32, #tpu.memory_space<hbm>>
    %dma_wait3A_228 = arith.constant 0 : i32
    %dma_wait3A_229 = arith.constant 0 : i32
    %dma_wait3A_230 = tpu.memref_slice %arg2[%dma_wait3A_228, %dma_wait3A_229] : memref<10240x64xf32, #tpu.memory_space<hbm>> -> memref<128x64xf32, #tpu.memory_space<hbm>>
    tpu.wait_dma2 semaphore(%arg33 : memref<!tpu.dma_semaphore, #tpu.memory_space<semaphore_mem>>) src(%dma_wait3A_230 : memref<128x64xf32, #tpu.memory_space<hbm>>) dst(%arg16 : memref<128x64xf32, #tpu.memory_space<vmem>>)
    %run_scoped3A_231 = arith.constant 1 : i32
    "tpu.region"() ({
      %run_scoped3A_284 = tpu.sem_alloc : memref<!tpu.dma_semaphore, #tpu.memory_space<semaphore_mem>>
      %dma_start3A_285 = arith.constant 0 : i32
      %dma_start3A_286 = tpu.memref_slice %arg8[%run_scoped3A_231, %dma_start3A_285] : memref<2x128xi32, #tpu.memory_space<vmem>> -> memref<1x128xi32, #tpu.memory_space<vmem>>
      %dma_start3A_287 = tpu.memref_squeeze %dma_start3A_286 : memref<1x128xi32, #tpu.memory_space<vmem>> -> memref<128xi32, #tpu.memory_space<vmem>>
      %dma_start3A_288 = arith.constant 0 : i32
      %dma_start3A_289 = arith.constant 0 : i32
      %dma_start3A_290 = tpu.memref_slice %arg22[%dma_start3A_288, %dma_start3A_289] : memref<10240x64xf32, #tpu.memory_space<vmem_shared>> -> memref<10240x64xf32, #tpu.memory_space<vmem_shared>>
      tpu.enqueue_indirect_dma source(%arg16 : memref<128x64xf32, #tpu.memory_space<vmem>>) target(%dma_start3A_290 : memref<10240x64xf32, #tpu.memory_space<vmem_shared>>) offsets(%dma_start3A_287 : memref<128xi32, #tpu.memory_space<vmem>>) semaphore(%run_scoped3A_284 : memref<!tpu.dma_semaphore, #tpu.memory_space<semaphore_mem>>) {add = true}
      %dma_wait3A_291 = arith.constant 0 : i32
      %dma_wait3A_292 = tpu.memref_slice %arg8[%run_scoped3A_231, %dma_wait3A_291] : memref<2x128xi32, #tpu.memory_space<vmem>> -> memref<1x128xi32, #tpu.memory_space<vmem>>
      %dma_wait3A_293 = tpu.memref_squeeze %dma_wait3A_292 : memref<1x128xi32, #tpu.memory_space<vmem>> -> memref<128xi32, #tpu.memory_space<vmem>>
      %dma_wait3A_294 = arith.constant 0 : i32
      %dma_wait3A_295 = arith.constant 0 : i32
      %dma_wait3A_296 = tpu.memref_slice %arg22[%dma_wait3A_294, %dma_wait3A_295] : memref<10240x64xf32, #tpu.memory_space<vmem_shared>> -> memref<10240x64xf32, #tpu.memory_space<vmem_shared>>
      tpu.wait_indirect_dma semaphore(%run_scoped3A_284 : memref<!tpu.dma_semaphore, #tpu.memory_space<semaphore_mem>>) src(%arg16 : memref<128x64xf32, #tpu.memory_space<vmem>>) dst(%dma_wait3A_296 : memref<10240x64xf32, #tpu.memory_space<vmem_shared>>)
      tpu.yield
    }) : () -> ()
    %dma_wait3A_232 = arith.constant 0 : i32
    %dma_wait3A_233 = arith.constant 0 : i32
    %dma_wait3A_234 = arith.constant 0 : i32
    %dma_wait3A_235 = tpu.memref_slice %arg3[%dma_wait3A_232, %dma_wait3A_233, %dma_wait3A_234] : memref<2560x2x128xi32, #tpu.memory_space<hbm>> -> memref<1x2x128xi32, #tpu.memory_space<hbm>>
    %dma_wait3A_236 = tpu.memref_squeeze %dma_wait3A_235 : memref<1x2x128xi32, #tpu.memory_space<hbm>> -> memref<2x128xi32, #tpu.memory_space<hbm>>
    %dma_wait3A_237 = arith.constant 0 : i32
    %dma_wait3A_238 = arith.constant 0 : i32
    %dma_wait3A_239 = tpu.memref_slice %arg3[%dma_wait3A_232, %dma_wait3A_237, %dma_wait3A_238] : memref<2560x2x128xi32, #tpu.memory_space<hbm>> -> memref<1x2x128xi32, #tpu.memory_space<hbm>>
    %dma_wait3A_240 = tpu.memref_squeeze %dma_wait3A_239 : memref<1x2x128xi32, #tpu.memory_space<hbm>> -> memref<2x128xi32, #tpu.memory_space<hbm>>
    tpu.wait_dma2 semaphore(%arg30 : memref<!tpu.dma_semaphore, #tpu.memory_space<semaphore_mem>>) src(%dma_wait3A_240 : memref<2x128xi32, #tpu.memory_space<hbm>>) dst(%arg13 : memref<2x128xi32, #tpu.memory_space<vmem>>)
    %dma_start3A_241 = arith.constant 0 : i32
    %dma_start3A_242 = arith.constant 0 : i32
    %dma_start3A_243 = tpu.memref_slice %arg13[%dma_start3A_241, %dma_start3A_242] : memref<2x128xi32, #tpu.memory_space<vmem>> -> memref<1x128xi32, #tpu.memory_space<vmem>>
    %dma_start3A_244 = tpu.memref_squeeze %dma_start3A_243 : memref<1x128xi32, #tpu.memory_space<vmem>> -> memref<128xi32, #tpu.memory_space<vmem>>
    %dma_start3A_245 = arith.constant 0 : i32
    %dma_start3A_246 = arith.constant 0 : i32
    %dma_start3A_247 = tpu.memref_slice %arg2[%dma_start3A_245, %dma_start3A_246] : memref<10240x64xf32, #tpu.memory_space<hbm>> -> memref<10240x64xf32, #tpu.memory_space<hbm>>
    tpu.enqueue_indirect_dma source(%dma_start3A_247 : memref<10240x64xf32, #tpu.memory_space<hbm>>) target(%arg21 : memref<128x64xf32, #tpu.memory_space<vmem>>) offsets(%dma_start3A_244 : memref<128xi32, #tpu.memory_space<vmem>>) semaphore(%arg38 : memref<!tpu.dma_semaphore, #tpu.memory_space<semaphore_mem>>)
    %dma_wait3A_248 = arith.constant 0 : i32
    %dma_wait3A_249 = arith.constant 0 : i32
    %dma_wait3A_250 = tpu.memref_slice %arg2[%dma_wait3A_248, %dma_wait3A_249] : memref<10240x64xf32, #tpu.memory_space<hbm>> -> memref<128x64xf32, #tpu.memory_space<hbm>>
    %dma_wait3A_251 = arith.constant 0 : i32
    %dma_wait3A_252 = arith.constant 0 : i32
    %dma_wait3A_253 = tpu.memref_slice %arg2[%dma_wait3A_251, %dma_wait3A_252] : memref<10240x64xf32, #tpu.memory_space<hbm>> -> memref<128x64xf32, #tpu.memory_space<hbm>>
    tpu.wait_dma2 semaphore(%arg34 : memref<!tpu.dma_semaphore, #tpu.memory_space<semaphore_mem>>) src(%dma_wait3A_253 : memref<128x64xf32, #tpu.memory_space<hbm>>) dst(%arg17 : memref<128x64xf32, #tpu.memory_space<vmem>>)
    %run_scoped3A_254 = arith.constant 1 : i32
    "tpu.region"() ({
      %run_scoped3A_284 = tpu.sem_alloc : memref<!tpu.dma_semaphore, #tpu.memory_space<semaphore_mem>>
      %dma_start3A_285 = arith.constant 0 : i32
      %dma_start3A_286 = tpu.memref_slice %arg9[%run_scoped3A_254, %dma_start3A_285] : memref<2x128xi32, #tpu.memory_space<vmem>> -> memref<1x128xi32, #tpu.memory_space<vmem>>
      %dma_start3A_287 = tpu.memref_squeeze %dma_start3A_286 : memref<1x128xi32, #tpu.memory_space<vmem>> -> memref<128xi32, #tpu.memory_space<vmem>>
      %dma_start3A_288 = arith.constant 0 : i32
      %dma_start3A_289 = arith.constant 0 : i32
      %dma_start3A_290 = tpu.memref_slice %arg22[%dma_start3A_288, %dma_start3A_289] : memref<10240x64xf32, #tpu.memory_space<vmem_shared>> -> memref<10240x64xf32, #tpu.memory_space<vmem_shared>>
      tpu.enqueue_indirect_dma source(%arg17 : memref<128x64xf32, #tpu.memory_space<vmem>>) target(%dma_start3A_290 : memref<10240x64xf32, #tpu.memory_space<vmem_shared>>) offsets(%dma_start3A_287 : memref<128xi32, #tpu.memory_space<vmem>>) semaphore(%run_scoped3A_284 : memref<!tpu.dma_semaphore, #tpu.memory_space<semaphore_mem>>) {add = true}
      %dma_wait3A_291 = arith.constant 0 : i32
      %dma_wait3A_292 = tpu.memref_slice %arg9[%run_scoped3A_254, %dma_wait3A_291] : memref<2x128xi32, #tpu.memory_space<vmem>> -> memref<1x128xi32, #tpu.memory_space<vmem>>
      %dma_wait3A_293 = tpu.memref_squeeze %dma_wait3A_292 : memref<1x128xi32, #tpu.memory_space<vmem>> -> memref<128xi32, #tpu.memory_space<vmem>>
      %dma_wait3A_294 = arith.constant 0 : i32
      %dma_wait3A_295 = arith.constant 0 : i32
      %dma_wait3A_296 = tpu.memref_slice %arg22[%dma_wait3A_294, %dma_wait3A_295] : memref<10240x64xf32, #tpu.memory_space<vmem_shared>> -> memref<10240x64xf32, #tpu.memory_space<vmem_shared>>
      tpu.wait_indirect_dma semaphore(%run_scoped3A_284 : memref<!tpu.dma_semaphore, #tpu.memory_space<semaphore_mem>>) src(%arg17 : memref<128x64xf32, #tpu.memory_space<vmem>>) dst(%dma_wait3A_296 : memref<10240x64xf32, #tpu.memory_space<vmem_shared>>)
      tpu.yield
    }) : () -> ()
    %dma_wait3A_255 = arith.constant 0 : i32
    %dma_wait3A_256 = arith.constant 0 : i32
    %dma_wait3A_257 = tpu.memref_slice %arg2[%dma_wait3A_255, %dma_wait3A_256] : memref<10240x64xf32, #tpu.memory_space<hbm>> -> memref<128x64xf32, #tpu.memory_space<hbm>>
    %dma_wait3A_258 = arith.constant 0 : i32
    %dma_wait3A_259 = arith.constant 0 : i32
    %dma_wait3A_260 = tpu.memref_slice %arg2[%dma_wait3A_258, %dma_wait3A_259] : memref<10240x64xf32, #tpu.memory_space<hbm>> -> memref<128x64xf32, #tpu.memory_space<hbm>>
    tpu.wait_dma2 semaphore(%arg35 : memref<!tpu.dma_semaphore, #tpu.memory_space<semaphore_mem>>) src(%dma_wait3A_260 : memref<128x64xf32, #tpu.memory_space<hbm>>) dst(%arg18 : memref<128x64xf32, #tpu.memory_space<vmem>>)
    %run_scoped3A_261 = arith.constant 1 : i32
    "tpu.region"() ({
      %run_scoped3A_284 = tpu.sem_alloc : memref<!tpu.dma_semaphore, #tpu.memory_space<semaphore_mem>>
      %dma_start3A_285 = arith.constant 0 : i32
      %dma_start3A_286 = tpu.memref_slice %arg10[%run_scoped3A_261, %dma_start3A_285] : memref<2x128xi32, #tpu.memory_space<vmem>> -> memref<1x128xi32, #tpu.memory_space<vmem>>
      %dma_start3A_287 = tpu.memref_squeeze %dma_start3A_286 : memref<1x128xi32, #tpu.memory_space<vmem>> -> memref<128xi32, #tpu.memory_space<vmem>>
      %dma_start3A_288 = arith.constant 0 : i32
      %dma_start3A_289 = arith.constant 0 : i32
      %dma_start3A_290 = tpu.memref_slice %arg22[%dma_start3A_288, %dma_start3A_289] : memref<10240x64xf32, #tpu.memory_space<vmem_shared>> -> memref<10240x64xf32, #tpu.memory_space<vmem_shared>>
      tpu.enqueue_indirect_dma source(%arg18 : memref<128x64xf32, #tpu.memory_space<vmem>>) target(%dma_start3A_290 : memref<10240x64xf32, #tpu.memory_space<vmem_shared>>) offsets(%dma_start3A_287 : memref<128xi32, #tpu.memory_space<vmem>>) semaphore(%run_scoped3A_284 : memref<!tpu.dma_semaphore, #tpu.memory_space<semaphore_mem>>) {add = true}
      %dma_wait3A_291 = arith.constant 0 : i32
      %dma_wait3A_292 = tpu.memref_slice %arg10[%run_scoped3A_261, %dma_wait3A_291] : memref<2x128xi32, #tpu.memory_space<vmem>> -> memref<1x128xi32, #tpu.memory_space<vmem>>
      %dma_wait3A_293 = tpu.memref_squeeze %dma_wait3A_292 : memref<1x128xi32, #tpu.memory_space<vmem>> -> memref<128xi32, #tpu.memory_space<vmem>>
      %dma_wait3A_294 = arith.constant 0 : i32
      %dma_wait3A_295 = arith.constant 0 : i32
      %dma_wait3A_296 = tpu.memref_slice %arg22[%dma_wait3A_294, %dma_wait3A_295] : memref<10240x64xf32, #tpu.memory_space<vmem_shared>> -> memref<10240x64xf32, #tpu.memory_space<vmem_shared>>
      tpu.wait_indirect_dma semaphore(%run_scoped3A_284 : memref<!tpu.dma_semaphore, #tpu.memory_space<semaphore_mem>>) src(%arg18 : memref<128x64xf32, #tpu.memory_space<vmem>>) dst(%dma_wait3A_296 : memref<10240x64xf32, #tpu.memory_space<vmem_shared>>)
      tpu.yield
    }) : () -> ()
    %dma_wait3A_262 = arith.constant 0 : i32
    %dma_wait3A_263 = arith.constant 0 : i32
    %dma_wait3A_264 = tpu.memref_slice %arg2[%dma_wait3A_262, %dma_wait3A_263] : memref<10240x64xf32, #tpu.memory_space<hbm>> -> memref<128x64xf32, #tpu.memory_space<hbm>>
    %dma_wait3A_265 = arith.constant 0 : i32
    %dma_wait3A_266 = arith.constant 0 : i32
    %dma_wait3A_267 = tpu.memref_slice %arg2[%dma_wait3A_265, %dma_wait3A_266] : memref<10240x64xf32, #tpu.memory_space<hbm>> -> memref<128x64xf32, #tpu.memory_space<hbm>>
    tpu.wait_dma2 semaphore(%arg36 : memref<!tpu.dma_semaphore, #tpu.memory_space<semaphore_mem>>) src(%dma_wait3A_267 : memref<128x64xf32, #tpu.memory_space<hbm>>) dst(%arg19 : memref<128x64xf32, #tpu.memory_space<vmem>>)
    %run_scoped3A_268 = arith.constant 1 : i32
    "tpu.region"() ({
      %run_scoped3A_284 = tpu.sem_alloc : memref<!tpu.dma_semaphore, #tpu.memory_space<semaphore_mem>>
      %dma_start3A_285 = arith.constant 0 : i32
      %dma_start3A_286 = tpu.memref_slice %arg11[%run_scoped3A_268, %dma_start3A_285] : memref<2x128xi32, #tpu.memory_space<vmem>> -> memref<1x128xi32, #tpu.memory_space<vmem>>
      %dma_start3A_287 = tpu.memref_squeeze %dma_start3A_286 : memref<1x128xi32, #tpu.memory_space<vmem>> -> memref<128xi32, #tpu.memory_space<vmem>>
      %dma_start3A_288 = arith.constant 0 : i32
      %dma_start3A_289 = arith.constant 0 : i32
      %dma_start3A_290 = tpu.memref_slice %arg22[%dma_start3A_288, %dma_start3A_289] : memref<10240x64xf32, #tpu.memory_space<vmem_shared>> -> memref<10240x64xf32, #tpu.memory_space<vmem_shared>>
      tpu.enqueue_indirect_dma source(%arg19 : memref<128x64xf32, #tpu.memory_space<vmem>>) target(%dma_start3A_290 : memref<10240x64xf32, #tpu.memory_space<vmem_shared>>) offsets(%dma_start3A_287 : memref<128xi32, #tpu.memory_space<vmem>>) semaphore(%run_scoped3A_284 : memref<!tpu.dma_semaphore, #tpu.memory_space<semaphore_mem>>) {add = true}
      %dma_wait3A_291 = arith.constant 0 : i32
      %dma_wait3A_292 = tpu.memref_slice %arg11[%run_scoped3A_268, %dma_wait3A_291] : memref<2x128xi32, #tpu.memory_space<vmem>> -> memref<1x128xi32, #tpu.memory_space<vmem>>
      %dma_wait3A_293 = tpu.memref_squeeze %dma_wait3A_292 : memref<1x128xi32, #tpu.memory_space<vmem>> -> memref<128xi32, #tpu.memory_space<vmem>>
      %dma_wait3A_294 = arith.constant 0 : i32
      %dma_wait3A_295 = arith.constant 0 : i32
      %dma_wait3A_296 = tpu.memref_slice %arg22[%dma_wait3A_294, %dma_wait3A_295] : memref<10240x64xf32, #tpu.memory_space<vmem_shared>> -> memref<10240x64xf32, #tpu.memory_space<vmem_shared>>
      tpu.wait_indirect_dma semaphore(%run_scoped3A_284 : memref<!tpu.dma_semaphore, #tpu.memory_space<semaphore_mem>>) src(%arg19 : memref<128x64xf32, #tpu.memory_space<vmem>>) dst(%dma_wait3A_296 : memref<10240x64xf32, #tpu.memory_space<vmem_shared>>)
      tpu.yield
    }) : () -> ()
    %dma_wait3A_269 = arith.constant 0 : i32
    %dma_wait3A_270 = arith.constant 0 : i32
    %dma_wait3A_271 = tpu.memref_slice %arg2[%dma_wait3A_269, %dma_wait3A_270] : memref<10240x64xf32, #tpu.memory_space<hbm>> -> memref<128x64xf32, #tpu.memory_space<hbm>>
    %dma_wait3A_272 = arith.constant 0 : i32
    %dma_wait3A_273 = arith.constant 0 : i32
    %dma_wait3A_274 = tpu.memref_slice %arg2[%dma_wait3A_272, %dma_wait3A_273] : memref<10240x64xf32, #tpu.memory_space<hbm>> -> memref<128x64xf32, #tpu.memory_space<hbm>>
    tpu.wait_dma2 semaphore(%arg37 : memref<!tpu.dma_semaphore, #tpu.memory_space<semaphore_mem>>) src(%dma_wait3A_274 : memref<128x64xf32, #tpu.memory_space<hbm>>) dst(%arg20 : memref<128x64xf32, #tpu.memory_space<vmem>>)
    %run_scoped3A_275 = arith.constant 1 : i32
    "tpu.region"() ({
      %run_scoped3A_284 = tpu.sem_alloc : memref<!tpu.dma_semaphore, #tpu.memory_space<semaphore_mem>>
      %dma_start3A_285 = arith.constant 0 : i32
      %dma_start3A_286 = tpu.memref_slice %arg12[%run_scoped3A_275, %dma_start3A_285] : memref<2x128xi32, #tpu.memory_space<vmem>> -> memref<1x128xi32, #tpu.memory_space<vmem>>
      %dma_start3A_287 = tpu.memref_squeeze %dma_start3A_286 : memref<1x128xi32, #tpu.memory_space<vmem>> -> memref<128xi32, #tpu.memory_space<vmem>>
      %dma_start3A_288 = arith.constant 0 : i32
      %dma_start3A_289 = arith.constant 0 : i32
      %dma_start3A_290 = tpu.memref_slice %arg22[%dma_start3A_288, %dma_start3A_289] : memref<10240x64xf32, #tpu.memory_space<vmem_shared>> -> memref<10240x64xf32, #tpu.memory_space<vmem_shared>>
      tpu.enqueue_indirect_dma source(%arg20 : memref<128x64xf32, #tpu.memory_space<vmem>>) target(%dma_start3A_290 : memref<10240x64xf32, #tpu.memory_space<vmem_shared>>) offsets(%dma_start3A_287 : memref<128xi32, #tpu.memory_space<vmem>>) semaphore(%run_scoped3A_284 : memref<!tpu.dma_semaphore, #tpu.memory_space<semaphore_mem>>) {add = true}
      %dma_wait3A_291 = arith.constant 0 : i32
      %dma_wait3A_292 = tpu.memref_slice %arg12[%run_scoped3A_275, %dma_wait3A_291] : memref<2x128xi32, #tpu.memory_space<vmem>> -> memref<1x128xi32, #tpu.memory_space<vmem>>
      %dma_wait3A_293 = tpu.memref_squeeze %dma_wait3A_292 : memref<1x128xi32, #tpu.memory_space<vmem>> -> memref<128xi32, #tpu.memory_space<vmem>>
      %dma_wait3A_294 = arith.constant 0 : i32
      %dma_wait3A_295 = arith.constant 0 : i32
      %dma_wait3A_296 = tpu.memref_slice %arg22[%dma_wait3A_294, %dma_wait3A_295] : memref<10240x64xf32, #tpu.memory_space<vmem_shared>> -> memref<10240x64xf32, #tpu.memory_space<vmem_shared>>
      tpu.wait_indirect_dma semaphore(%run_scoped3A_284 : memref<!tpu.dma_semaphore, #tpu.memory_space<semaphore_mem>>) src(%arg20 : memref<128x64xf32, #tpu.memory_space<vmem>>) dst(%dma_wait3A_296 : memref<10240x64xf32, #tpu.memory_space<vmem_shared>>)
      tpu.yield
    }) : () -> ()
    %dma_wait3A_276 = arith.constant 0 : i32
    %dma_wait3A_277 = arith.constant 0 : i32
    %dma_wait3A_278 = tpu.memref_slice %arg2[%dma_wait3A_276, %dma_wait3A_277] : memref<10240x64xf32, #tpu.memory_space<hbm>> -> memref<128x64xf32, #tpu.memory_space<hbm>>
    %dma_wait3A_279 = arith.constant 0 : i32
    %dma_wait3A_280 = arith.constant 0 : i32
    %dma_wait3A_281 = tpu.memref_slice %arg2[%dma_wait3A_279, %dma_wait3A_280] : memref<10240x64xf32, #tpu.memory_space<hbm>> -> memref<128x64xf32, #tpu.memory_space<hbm>>
    tpu.wait_dma2 semaphore(%arg38 : memref<!tpu.dma_semaphore, #tpu.memory_space<semaphore_mem>>) src(%dma_wait3A_281 : memref<128x64xf32, #tpu.memory_space<hbm>>) dst(%arg21 : memref<128x64xf32, #tpu.memory_space<vmem>>)
    %run_scoped3A_282 = arith.constant 1 : i32
    "tpu.region"() ({
      %run_scoped3A_284 = tpu.sem_alloc : memref<!tpu.dma_semaphore, #tpu.memory_space<semaphore_mem>>
      %dma_start3A_285 = arith.constant 0 : i32
      %dma_start3A_286 = tpu.memref_slice %arg13[%run_scoped3A_282, %dma_start3A_285] : memref<2x128xi32, #tpu.memory_space<vmem>> -> memref<1x128xi32, #tpu.memory_space<vmem>>
      %dma_start3A_287 = tpu.memref_squeeze %dma_start3A_286 : memref<1x128xi32, #tpu.memory_space<vmem>> -> memref<128xi32, #tpu.memory_space<vmem>>
      %dma_start3A_288 = arith.constant 0 : i32
      %dma_start3A_289 = arith.constant 0 : i32
      %dma_start3A_290 = tpu.memref_slice %arg22[%dma_start3A_288, %dma_start3A_289] : memref<10240x64xf32, #tpu.memory_space<vmem_shared>> -> memref<10240x64xf32, #tpu.memory_space<vmem_shared>>
      tpu.enqueue_indirect_dma source(%arg21 : memref<128x64xf32, #tpu.memory_space<vmem>>) target(%dma_start3A_290 : memref<10240x64xf32, #tpu.memory_space<vmem_shared>>) offsets(%dma_start3A_287 : memref<128xi32, #tpu.memory_space<vmem>>) semaphore(%run_scoped3A_284 : memref<!tpu.dma_semaphore, #tpu.memory_space<semaphore_mem>>) {add = true}
      %dma_wait3A_291 = arith.constant 0 : i32
      %dma_wait3A_292 = tpu.memref_slice %arg13[%run_scoped3A_282, %dma_wait3A_291] : memref<2x128xi32, #tpu.memory_space<vmem>> -> memref<1x128xi32, #tpu.memory_space<vmem>>
      %dma_wait3A_293 = tpu.memref_squeeze %dma_wait3A_292 : memref<1x128xi32, #tpu.memory_space<vmem>> -> memref<128xi32, #tpu.memory_space<vmem>>
      %dma_wait3A_294 = arith.constant 0 : i32
      %dma_wait3A_295 = arith.constant 0 : i32
      %dma_wait3A_296 = tpu.memref_slice %arg22[%dma_wait3A_294, %dma_wait3A_295] : memref<10240x64xf32, #tpu.memory_space<vmem_shared>> -> memref<10240x64xf32, #tpu.memory_space<vmem_shared>>
      tpu.wait_indirect_dma semaphore(%run_scoped3A_284 : memref<!tpu.dma_semaphore, #tpu.memory_space<semaphore_mem>>) src(%arg21 : memref<128x64xf32, #tpu.memory_space<vmem>>) dst(%dma_wait3A_296 : memref<10240x64xf32, #tpu.memory_space<vmem_shared>>)
      tpu.yield
    }) : () -> ()
    %barrier3A_283 = arith.constant 0 : index
    tpu.barrier barrier_id(%barrier3A_283)
    "tpu.region"() ({
      %run_scoped3A_284 = tpu.sem_alloc : memref<!tpu.dma_semaphore, #tpu.memory_space<semaphore_mem>>
      %dma_start3A_285 = arith.constant 0 : i32
      %dma_start3A_286 = tpu.memref_slice %arg5[%arg0, %mul3A_4, %dma_start3A_285] : memref<2x10240x64xf32, #tpu.memory_space<hbm>> -> memref<1x640x64xf32, #tpu.memory_space<hbm>>
      %dma_start3A_287 = tpu.memref_squeeze %dma_start3A_286 : memref<1x640x64xf32, #tpu.memory_space<hbm>> -> memref<640x64xf32, #tpu.memory_space<hbm>>
      %dma_start3A_288 = arith.constant 0 : i32
      %dma_start3A_289 = tpu.memref_slice %arg22[%mul3A_4, %dma_start3A_288] : memref<10240x64xf32, #tpu.memory_space<vmem_shared>> -> memref<640x64xf32, #tpu.memory_space<vmem_shared>>
      tpu.enqueue_dma source(%dma_start3A_289 : memref<640x64xf32, #tpu.memory_space<vmem_shared>>) target(%dma_start3A_287 : memref<640x64xf32, #tpu.memory_space<hbm>>) target_semaphore(%run_scoped3A_284 : memref<!tpu.dma_semaphore, #tpu.memory_space<semaphore_mem>>)
      %dma_wait3A_290 = arith.constant 0 : i32
      %dma_wait3A_291 = tpu.memref_slice %arg5[%arg0, %mul3A_4, %dma_wait3A_290] : memref<2x10240x64xf32, #tpu.memory_space<hbm>> -> memref<1x640x64xf32, #tpu.memory_space<hbm>>
      %dma_wait3A_292 = tpu.memref_squeeze %dma_wait3A_291 : memref<1x640x64xf32, #tpu.memory_space<hbm>> -> memref<640x64xf32, #tpu.memory_space<hbm>>
      %dma_wait3A_293 = arith.constant 0 : i32
      %dma_wait3A_294 = tpu.memref_slice %arg22[%mul3A_4, %dma_wait3A_293] : memref<10240x64xf32, #tpu.memory_space<vmem_shared>> -> memref<640x64xf32, #tpu.memory_space<vmem_shared>>
      tpu.wait_dma2 semaphore(%run_scoped3A_284 : memref<!tpu.dma_semaphore, #tpu.memory_space<semaphore_mem>>) src(%dma_wait3A_294 : memref<640x64xf32, #tpu.memory_space<vmem_shared>>) dst(%dma_wait3A_292 : memref<640x64xf32, #tpu.memory_space<hbm>>)
      tpu.yield
    }) : () -> ()
    return
  }
}

module attributes {stable_mosaic.version = 14 : i64} {
  func.func @_tc_first_body(%arg0: i32, %arg1: memref<1024x128xf32, #tpu.memory_space<vmem>>, %arg2: memref<128x64xf32, #tpu.memory_space<vmem>>, %arg3: memref<2x1024xf32, #tpu.memory_space<vmem>>, %arg4: memref<1024x64xf32, #tpu.memory_space<vmem>>) attributes {dimension_semantics = [#tpu.dimension_semantics<arbitrary>], iteration_bounds = array<i64: 10>, scalar_prefetch = 0 : i64, scratch_operands = 0 : i64, tpu.core_type = #tpu.core_type<tc>, window_params = [{transform_indices = @transform_0, window_bounds = array<i64: 1024, 128>}, {pipeline_mode = #tpu.pipeline_mode<synchronous>, transform_indices = @transform_1, window_bounds = array<i64: 128, 64>}, {transform_indices = @transform_2, window_bounds = array<i64: 2, 1024>}, {transform_indices = @transform_3, window_bounds = array<i64: 1024, 64>}]} {
    %get3A = arith.constant 0 : index
    %get3A_0 = arith.constant 0 : index
    %get3A_1 = vector.load %arg3[%get3A, %get3A_0] : memref<2x1024xf32, #tpu.memory_space<vmem>>, vector<1x1024xf32>
    %get3A_2 = vector.shape_cast %get3A_1 : vector<1x1024xf32> to vector<1024xf32>
    %get3A_3 = arith.constant 1 : index
    %get3A_4 = arith.constant 0 : index
    %get3A_5 = vector.load %arg3[%get3A_3, %get3A_4] : memref<2x1024xf32, #tpu.memory_space<vmem>>, vector<1x1024xf32>
    %get3A_6 = vector.shape_cast %get3A_5 : vector<1x1024xf32> to vector<1024xf32>
    %add3A = arith.addf %get3A_2, %get3A_6 : vector<1024xf32>
    %add3A_7 = arith.constant 1.000000e+00 : f32
    %add3A_8 = vector.broadcast %add3A_7 : f32 to vector<1024xf32>
    %add3A_9 = arith.addf %add3A, %add3A_8 : vector<1024xf32>
    %rsqrt3A = math.rsqrt %add3A_9 : vector<1024xf32>
    %get3A_10 = arith.constant 0 : index
    %get3A_11 = arith.constant 0 : index
    %get3A_12 = vector.load %arg1[%get3A_10, %get3A_11] : memref<1024x128xf32, #tpu.memory_space<vmem>>, vector<1024x128xf32>
    %get3A_13 = arith.constant 0 : index
    %get3A_14 = arith.constant 0 : index
    %get3A_15 = vector.load %arg2[%get3A_13, %get3A_14] : memref<128x64xf32, #tpu.memory_space<vmem>>, vector<128x64xf32>
    %dot_general3A = arith.constant dense<0.000000e+00> : vector<1024x64xf32>
    %dot_general3A_16 = tpu.matmul %get3A_12, %get3A_15, %dot_general3A {dimension_numbers = #tpu.dot_dimension_numbers<[1], [0], [0], [1], [0, 0, 1, 1], [], []>, transpose_lhs_hint = false} : vector<1024x128xf32>, vector<128x64xf32>, vector<1024x64xf32> -> vector<1024x64xf32>
    %broadcast_in_dim3A = vector.shape_cast %rsqrt3A : vector<1024xf32> to vector<1024x1xf32>
    %mul3A = vector.broadcast %broadcast_in_dim3A : vector<1024x1xf32> to vector<1024x64xf32>
    %mul3A_17 = arith.mulf %dot_general3A_16, %mul3A : vector<1024x64xf32>
    %swap3A = arith.constant 0 : index
    %swap3A_18 = arith.constant 0 : index
    %swap3A_19 = vector.load %arg4[%swap3A, %swap3A_18] : memref<1024x64xf32, #tpu.memory_space<vmem>>, vector<1024x64xf32>
    tpu.vector_store %arg4[%swap3A, %swap3A_18], %mul3A_17 {strides = array<i32>} : memref<1024x64xf32, #tpu.memory_space<vmem>>, vector<1024x64xf32>,
    return
  }
  func.func @transform_0(%arg0: i32) -> (i32, i32) {
    %c0_i32 = arith.constant 0 : i32
    %c0_i32_0 = arith.constant 0 : i32
    return %arg0, %c0_i32 : i32, i32
  }
  func.func @transform_1(%arg0: i32) -> (i32, i32) {
    %c0_i32 = arith.constant 0 : i32
    %c0_i32_0 = arith.constant 0 : i32
    %c0_i32_1 = arith.constant 0 : i32
    return %c0_i32, %c0_i32_0 : i32, i32
  }
  func.func @transform_2(%arg0: i32) -> (i32, i32) {
    %c0_i32 = arith.constant 0 : i32
    %c0_i32_0 = arith.constant 0 : i32
    return %c0_i32, %arg0 : i32, i32
  }
  func.func @transform_3(%arg0: i32) -> (i32, i32) {
    %c0_i32 = arith.constant 0 : i32
    %c0_i32_0 = arith.constant 0 : i32
    return %arg0, %c0_i32 : i32, i32
  }
}

module attributes {stable_mosaic.version = 14 : i64} {
  func.func @_tc_mid_body(%arg0: i32, %arg1: memref<2x1024x64xf32, #tpu.memory_space<vmem>>, %arg2: memref<2x1024xf32, #tpu.memory_space<vmem>>, %arg3: memref<1x64xf32, #tpu.memory_space<vmem>>, %arg4: memref<64x64xf32, #tpu.memory_space<vmem>>, %arg5: memref<1024x64xf32, #tpu.memory_space<vmem>>) attributes {dimension_semantics = [#tpu.dimension_semantics<arbitrary>], iteration_bounds = array<i64: 10>, scalar_prefetch = 0 : i64, scratch_operands = 0 : i64, tpu.core_type = #tpu.core_type<tc>, window_params = [{transform_indices = @transform_0, window_bounds = array<i64: 2, 1024, 64>}, {transform_indices = @transform_1, window_bounds = array<i64: 2, 1024>}, {pipeline_mode = #tpu.pipeline_mode<synchronous>, transform_indices = @transform_2, window_bounds = array<i64: 1, 64>}, {pipeline_mode = #tpu.pipeline_mode<synchronous>, transform_indices = @transform_3, window_bounds = array<i64: 64, 64>}, {transform_indices = @transform_4, window_bounds = array<i64: 1024, 64>}]} {
    %get3A = arith.constant 0 : index
    %get3A_0 = arith.constant 0 : index
    %get3A_1 = vector.load %arg2[%get3A, %get3A_0] : memref<2x1024xf32, #tpu.memory_space<vmem>>, vector<1x1024xf32>
    %get3A_2 = vector.shape_cast %get3A_1 : vector<1x1024xf32> to vector<1024xf32>
    %get3A_3 = arith.constant 1 : index
    %get3A_4 = arith.constant 0 : index
    %get3A_5 = vector.load %arg2[%get3A_3, %get3A_4] : memref<2x1024xf32, #tpu.memory_space<vmem>>, vector<1x1024xf32>
    %get3A_6 = vector.shape_cast %get3A_5 : vector<1x1024xf32> to vector<1024xf32>
    %add3A = arith.addf %get3A_2, %get3A_6 : vector<1024xf32>
    %add3A_7 = arith.constant 1.000000e+00 : f32
    %add3A_8 = vector.broadcast %add3A_7 : f32 to vector<1024xf32>
    %add3A_9 = arith.addf %add3A, %add3A_8 : vector<1024xf32>
    %rsqrt3A = math.rsqrt %add3A_9 : vector<1024xf32>
    %get3A_10 = arith.constant 0 : index
    %get3A_11 = arith.constant 0 : index
    %get3A_12 = arith.constant 0 : index
    %get3A_13 = vector.load %arg1[%get3A_10, %get3A_11, %get3A_12] : memref<2x1024x64xf32, #tpu.memory_space<vmem>>, vector<1x1024x64xf32>
    %get3A_14 = vector.shape_cast %get3A_13 : vector<1x1024x64xf32> to vector<1024x64xf32>
    %get3A_15 = arith.constant 1 : index
    %get3A_16 = arith.constant 0 : index
    %get3A_17 = arith.constant 0 : index
    %get3A_18 = vector.load %arg1[%get3A_15, %get3A_16, %get3A_17] : memref<2x1024x64xf32, #tpu.memory_space<vmem>>, vector<1x1024x64xf32>
    %get3A_19 = vector.shape_cast %get3A_18 : vector<1x1024x64xf32> to vector<1024x64xf32>
    %add3A_20 = arith.addf %get3A_14, %get3A_19 : vector<1024x64xf32>
    %broadcast_in_dim3A = vector.shape_cast %rsqrt3A : vector<1024xf32> to vector<1024x1xf32>
    %mul3A = vector.broadcast %broadcast_in_dim3A : vector<1024x1xf32> to vector<1024x64xf32>
    %mul3A_21 = arith.mulf %add3A_20, %mul3A : vector<1024x64xf32>
    %get3A_22 = arith.constant 0 : index
    %get3A_23 = arith.constant 0 : index
    %get3A_24 = vector.load %arg3[%get3A_22, %get3A_23] : memref<1x64xf32, #tpu.memory_space<vmem>>, vector<1x64xf32>
    %get3A_25 = vector.shape_cast %get3A_24 : vector<1x64xf32> to vector<64xf32>
    %broadcast_in_dim3A_26 = vector.shape_cast %get3A_25 : vector<64xf32> to vector<1x64xf32>
    %add3A_27 = vector.broadcast %broadcast_in_dim3A_26 : vector<1x64xf32> to vector<1024x64xf32>
    %add3A_28 = arith.addf %mul3A_21, %add3A_27 : vector<1024x64xf32>
    %max3A = arith.constant 0.000000e+00 : f32
    %max3A_29 = vector.broadcast %max3A : f32 to vector<1024x64xf32>
    %max3A_30 = arith.maximumf %add3A_28, %max3A_29 : vector<1024x64xf32>
    %get3A_31 = arith.constant 0 : index
    %get3A_32 = arith.constant 0 : index
    %get3A_33 = vector.load %arg4[%get3A_31, %get3A_32] : memref<64x64xf32, #tpu.memory_space<vmem>>, vector<64x64xf32>
    %dot_general3A = arith.constant dense<0.000000e+00> : vector<1024x64xf32>
    %dot_general3A_34 = tpu.matmul %max3A_30, %get3A_33, %dot_general3A {dimension_numbers = #tpu.dot_dimension_numbers<[1], [0], [0], [1], [0, 0, 1, 1], [], []>, transpose_lhs_hint = false} : vector<1024x64xf32>, vector<64x64xf32>, vector<1024x64xf32> -> vector<1024x64xf32>
    %broadcast_in_dim3A_35 = vector.shape_cast %rsqrt3A : vector<1024xf32> to vector<1024x1xf32>
    %mul3A_36 = vector.broadcast %broadcast_in_dim3A_35 : vector<1024x1xf32> to vector<1024x64xf32>
    %mul3A_37 = arith.mulf %dot_general3A_34, %mul3A_36 : vector<1024x64xf32>
    %swap3A = arith.constant 0 : index
    %swap3A_38 = arith.constant 0 : index
    %swap3A_39 = vector.load %arg5[%swap3A, %swap3A_38] : memref<1024x64xf32, #tpu.memory_space<vmem>>, vector<1024x64xf32>
    tpu.vector_store %arg5[%swap3A, %swap3A_38], %mul3A_37 {strides = array<i32>} : memref<1024x64xf32, #tpu.memory_space<vmem>>, vector<1024x64xf32>,
    return
  }
  func.func @transform_0(%arg0: i32) -> (i32, i32, i32) {
    %c0_i32 = arith.constant 0 : i32
    %c0_i32_0 = arith.constant 0 : i32
    %c0_i32_1 = arith.constant 0 : i32
    return %c0_i32, %arg0, %c0_i32_0 : i32, i32, i32
  }
  func.func @transform_1(%arg0: i32) -> (i32, i32) {
    %c0_i32 = arith.constant 0 : i32
    %c0_i32_0 = arith.constant 0 : i32
    return %c0_i32, %arg0 : i32, i32
  }
  func.func @transform_2(%arg0: i32) -> (i32, i32) {
    %c0_i32 = arith.constant 0 : i32
    %c0_i32_0 = arith.constant 0 : i32
    %c0_i32_1 = arith.constant 0 : i32
    return %c0_i32, %c0_i32_0 : i32, i32
  }
  func.func @transform_3(%arg0: i32) -> (i32, i32) {
    %c0_i32 = arith.constant 0 : i32
    %c0_i32_0 = arith.constant 0 : i32
    %c0_i32_1 = arith.constant 0 : i32
    return %c0_i32, %c0_i32_0 : i32, i32
  }
  func.func @transform_4(%arg0: i32) -> (i32, i32) {
    %c0_i32 = arith.constant 0 : i32
    %c0_i32_0 = arith.constant 0 : i32
    return %arg0, %c0_i32 : i32, i32
  }
}

module attributes {stable_mosaic.version = 14 : i64} {
  func.func @_tc_head_body(%arg0: i32, %arg1: memref<2x1024x64xf32, #tpu.memory_space<vmem>>, %arg2: memref<2x1024xf32, #tpu.memory_space<vmem>>, %arg3: memref<1x64xf32, #tpu.memory_space<vmem>>, %arg4: memref<64x3xf32, #tpu.memory_space<vmem>>, %arg5: memref<1x3xf32, #tpu.memory_space<vmem>>, %arg6: memref<1024x2xf32, #tpu.memory_space<vmem>>, %arg7: memref<1024x1xf32, #tpu.memory_space<vmem>>) attributes {dimension_semantics = [#tpu.dimension_semantics<arbitrary>], iteration_bounds = array<i64: 10>, scalar_prefetch = 0 : i64, scratch_operands = 0 : i64, tpu.core_type = #tpu.core_type<tc>, window_params = [{transform_indices = @transform_0, window_bounds = array<i64: 2, 1024, 64>}, {transform_indices = @transform_1, window_bounds = array<i64: 2, 1024>}, {pipeline_mode = #tpu.pipeline_mode<synchronous>, transform_indices = @transform_2, window_bounds = array<i64: 1, 64>}, {pipeline_mode = #tpu.pipeline_mode<synchronous>, transform_indices = @transform_3, window_bounds = array<i64: 64, 3>}, {pipeline_mode = #tpu.pipeline_mode<synchronous>, transform_indices = @transform_4, window_bounds = array<i64: 1, 3>}, {transform_indices = @transform_5, window_bounds = array<i64: 1024, 2>}, {transform_indices = @transform_6, window_bounds = array<i64: 1024, 1>}]} {
    %get3A = arith.constant 0 : index
    %get3A_0 = arith.constant 0 : index
    %get3A_1 = vector.load %arg2[%get3A, %get3A_0] : memref<2x1024xf32, #tpu.memory_space<vmem>>, vector<1x1024xf32>
    %get3A_2 = vector.shape_cast %get3A_1 : vector<1x1024xf32> to vector<1024xf32>
    %get3A_3 = arith.constant 1 : index
    %get3A_4 = arith.constant 0 : index
    %get3A_5 = vector.load %arg2[%get3A_3, %get3A_4] : memref<2x1024xf32, #tpu.memory_space<vmem>>, vector<1x1024xf32>
    %get3A_6 = vector.shape_cast %get3A_5 : vector<1x1024xf32> to vector<1024xf32>
    %add3A = arith.addf %get3A_2, %get3A_6 : vector<1024xf32>
    %add3A_7 = arith.constant 1.000000e+00 : f32
    %add3A_8 = vector.broadcast %add3A_7 : f32 to vector<1024xf32>
    %add3A_9 = arith.addf %add3A, %add3A_8 : vector<1024xf32>
    %rsqrt3A = math.rsqrt %add3A_9 : vector<1024xf32>
    %get3A_10 = arith.constant 0 : index
    %get3A_11 = arith.constant 0 : index
    %get3A_12 = arith.constant 0 : index
    %get3A_13 = vector.load %arg1[%get3A_10, %get3A_11, %get3A_12] : memref<2x1024x64xf32, #tpu.memory_space<vmem>>, vector<1x1024x64xf32>
    %get3A_14 = vector.shape_cast %get3A_13 : vector<1x1024x64xf32> to vector<1024x64xf32>
    %get3A_15 = arith.constant 1 : index
    %get3A_16 = arith.constant 0 : index
    %get3A_17 = arith.constant 0 : index
    %get3A_18 = vector.load %arg1[%get3A_15, %get3A_16, %get3A_17] : memref<2x1024x64xf32, #tpu.memory_space<vmem>>, vector<1x1024x64xf32>
    %get3A_19 = vector.shape_cast %get3A_18 : vector<1x1024x64xf32> to vector<1024x64xf32>
    %add3A_20 = arith.addf %get3A_14, %get3A_19 : vector<1024x64xf32>
    %broadcast_in_dim3A = vector.shape_cast %rsqrt3A : vector<1024xf32> to vector<1024x1xf32>
    %mul3A = vector.broadcast %broadcast_in_dim3A : vector<1024x1xf32> to vector<1024x64xf32>
    %mul3A_21 = arith.mulf %add3A_20, %mul3A : vector<1024x64xf32>
    %get3A_22 = arith.constant 0 : index
    %get3A_23 = arith.constant 0 : index
    %get3A_24 = vector.load %arg3[%get3A_22, %get3A_23] : memref<1x64xf32, #tpu.memory_space<vmem>>, vector<1x64xf32>
    %get3A_25 = vector.shape_cast %get3A_24 : vector<1x64xf32> to vector<64xf32>
    %broadcast_in_dim3A_26 = vector.shape_cast %get3A_25 : vector<64xf32> to vector<1x64xf32>
    %add3A_27 = vector.broadcast %broadcast_in_dim3A_26 : vector<1x64xf32> to vector<1024x64xf32>
    %add3A_28 = arith.addf %mul3A_21, %add3A_27 : vector<1024x64xf32>
    %max3A = arith.constant 0.000000e+00 : f32
    %max3A_29 = vector.broadcast %max3A : f32 to vector<1024x64xf32>
    %max3A_30 = arith.maximumf %add3A_28, %max3A_29 : vector<1024x64xf32>
    %get3A_31 = arith.constant 0 : index
    %get3A_32 = arith.constant 0 : index
    %get3A_33 = vector.load %arg4[%get3A_31, %get3A_32] : memref<64x3xf32, #tpu.memory_space<vmem>>, vector<64x3xf32>
    %dot_general3A = arith.constant dense<0.000000e+00> : vector<1024x3xf32>
    %dot_general3A_34 = tpu.matmul %max3A_30, %get3A_33, %dot_general3A {dimension_numbers = #tpu.dot_dimension_numbers<[1], [0], [0], [1], [0, 0, 1, 1], [], []>, transpose_lhs_hint = false} : vector<1024x64xf32>, vector<64x3xf32>, vector<1024x3xf32> -> vector<1024x3xf32>
    %get3A_35 = arith.constant 0 : index
    %get3A_36 = arith.constant 0 : index
    %get3A_37 = vector.load %arg5[%get3A_35, %get3A_36] : memref<1x3xf32, #tpu.memory_space<vmem>>, vector<1x3xf32>
    %get3A_38 = vector.shape_cast %get3A_37 : vector<1x3xf32> to vector<3xf32>
    %broadcast_in_dim3A_39 = vector.shape_cast %get3A_38 : vector<3xf32> to vector<1x3xf32>
    %add3A_40 = vector.broadcast %broadcast_in_dim3A_39 : vector<1x3xf32> to vector<1024x3xf32>
    %add3A_41 = arith.addf %dot_general3A_34, %add3A_40 : vector<1024x3xf32>
    %slice3A = vector.extract_strided_slice %add3A_41 {offsets = [0, 0], sizes = [1024, 2], strides = [1, 1]} : vector<1024x3xf32> to vector<1024x2xf32>
    %swap3A = arith.constant 0 : index
    %swap3A_42 = arith.constant 0 : index
    %swap3A_43 = vector.load %arg6[%swap3A, %swap3A_42] : memref<1024x2xf32, #tpu.memory_space<vmem>>, vector<1024x2xf32>
    tpu.vector_store %arg6[%swap3A, %swap3A_42], %slice3A {strides = array<i32>} : memref<1024x2xf32, #tpu.memory_space<vmem>>, vector<1024x2xf32>,
    %slice3A_44 = vector.extract_strided_slice %add3A_41 {offsets = [0, 2], sizes = [1024, 1], strides = [1, 1]} : vector<1024x3xf32> to vector<1024x1xf32>
    %custom_jvp_call3A = arith.constant 0.000000e+00 : f32
    %max3A_45 = vector.broadcast %custom_jvp_call3A : f32 to vector<1024x1xf32>
    %max3A_46 = arith.maximumf %slice3A_44, %max3A_45 : vector<1024x1xf32>
    %sub3A = vector.broadcast %custom_jvp_call3A : f32 to vector<1024x1xf32>
    %sub3A_47 = arith.subf %slice3A_44, %sub3A : vector<1024x1xf32>
    %ne3A = arith.cmpf one, %sub3A_47, %sub3A_47 : vector<1024x1xf32>
    %add3A_48 = vector.broadcast %custom_jvp_call3A : f32 to vector<1024x1xf32>
    %add3A_49 = arith.addf %slice3A_44, %add3A_48 : vector<1024x1xf32>
    %abs3A = math.absf %sub3A_47 : vector<1024x1xf32>
    %neg3A = arith.constant 0.000000e+00 : f32
    %neg3A_50 = vector.broadcast %neg3A : f32 to vector<1024x1xf32>
    %neg3A_51 = arith.subf %neg3A_50, %abs3A : vector<1024x1xf32>
    %exp3A = math.exp %neg3A_51 : vector<1024x1xf32>
    %log1p3A = math.log1p %exp3A : vector<1024x1xf32>
    %add3A_52 = arith.addf %max3A_46, %log1p3A : vector<1024x1xf32>
    %select_n3A = arith.select %ne3A, %add3A_49, %add3A_52 : vector<1024x1xi1>, vector<1024x1xf32>
    %swap3A_53 = arith.constant 0 : index
    %swap3A_54 = arith.constant 0 : index
    %swap3A_55 = vector.load %arg7[%swap3A_53, %swap3A_54] : memref<1024x1xf32, #tpu.memory_space<vmem>>, vector<1024x1xf32>
    tpu.vector_store %arg7[%swap3A_53, %swap3A_54], %select_n3A {strides = array<i32>} : memref<1024x1xf32, #tpu.memory_space<vmem>>, vector<1024x1xf32>,
    return
  }
  func.func @transform_0(%arg0: i32) -> (i32, i32, i32) {
    %c0_i32 = arith.constant 0 : i32
    %c0_i32_0 = arith.constant 0 : i32
    %c0_i32_1 = arith.constant 0 : i32
    return %c0_i32, %arg0, %c0_i32_0 : i32, i32, i32
  }
  func.func @transform_1(%arg0: i32) -> (i32, i32) {
    %c0_i32 = arith.constant 0 : i32
    %c0_i32_0 = arith.constant 0 : i32
    return %c0_i32, %arg0 : i32, i32
  }
  func.func @transform_2(%arg0: i32) -> (i32, i32) {
    %c0_i32 = arith.constant 0 : i32
    %c0_i32_0 = arith.constant 0 : i32
    %c0_i32_1 = arith.constant 0 : i32
    return %c0_i32, %c0_i32_0 : i32, i32
  }
  func.func @transform_3(%arg0: i32) -> (i32, i32) {
    %c0_i32 = arith.constant 0 : i32
    %c0_i32_0 = arith.constant 0 : i32
    %c0_i32_1 = arith.constant 0 : i32
    return %c0_i32, %c0_i32_0 : i32, i32
  }
  func.func @transform_4(%arg0: i32) -> (i32, i32) {
    %c0_i32 = arith.constant 0 : i32
    %c0_i32_0 = arith.constant 0 : i32
    %c0_i32_1 = arith.constant 0 : i32
    return %c0_i32, %c0_i32_0 : i32, i32
  }
  func.func @transform_5(%arg0: i32) -> (i32, i32) {
    %c0_i32 = arith.constant 0 : i32
    %c0_i32_0 = arith.constant 0 : i32
    return %arg0, %c0_i32 : i32, i32
  }
  func.func @transform_6(%arg0: i32) -> (i32, i32) {
    %c0_i32 = arith.constant 0 : i32
    %c0_i32_0 = arith.constant 0 : i32
    return %arg0, %c0_i32 : i32, i32
  }
}

</mosaic_0001>

<sc_bundles>
// kernel: kernel.10.cloned.1.call-start
scs
__scs_entry_jumppad:
0x0: {  	(pc) =	sbr.rel $0x88, $3  }
0x1: {  	(tag) =	ssettag $0x0;
	lr =	simm.s32 $0x1  }
0x2: {  	[smem:$0x3F95] =	sst lr;
	_ =	strace $0xD0000000  }
0x3: {  	_ = 	snop  }
0x4: {  	_ = 	snop  }
0x5: {  	_ = 	snop  }
0x6: {  	_ = 	snop  }
0x7: {  	_ = 	snop  }
__scs_overlays_trampoline_lowered:
0x8: {  	[smem:$0x3FA4] =	sst s0  }
0x9: {  	[smem:$0x3FA5] =	sst s1  }
0xa: {  	[smem:$0x3FA6] =	sst s2  }
0xb: {  	[smem:$0x3FA7] =	sst s3  }
0xc: {  	[smem:$0x3FA8] =	sst s4  }
0xd: {  	[smem:$0x3FA9] =	sst s5  }
0xe: {  	[smem:$0x3FAA] =	sst s6  }
0xf: {  	[smem:$0x3FAB] =	sst s7  }
0x10: {  	[smem:$0x3FAC] =	sst s8  }
0x11: {  	[smem:$0x3FAD] =	sst s9;
	s0 =	simm.s32 @!p0 $0x0  }
0x12: {  	s1 =	sld [smem:$0x3F93];
	s0 =	simm.s32 @p0 $0x1  }
0x13: {  	[smem:$0x3FAE] =	sst s0;
	s0 =	simm.s32 @!p1 $0x0  }
0x14: {  	s2 =	sld [smem:$0x3F92];
	s0 =	simm.s32 @p1 $0x1  }
0x15: {  	[smem:$0x3FAF] =	sst s0;
	s0 =	simm.s32 @!p2 $0x0  }
0x16: {  	s3 =	sld [smem:$0x3FDB];
	s0 =	simm.s32 @p2 $0x1  }
0x17: {  	s4 =	simm.s32 $0x1BF5;
	[smem:$0x3FB1] =	sst s0  }
0x18: {  	s0 =	sld [smem:$0x3F94];
	_ =	swait.ge [sflag:s4], $0x0  }
0x19: {  	s7 =	sld [smem:$0x3F95]  }
0x1a: {  	s8 =	sadd.s32 $0xFFFFE003, lr  }
0x1b: {  	s9 =	sadd.s32 $0xFFFFFEF7, lr;
	s5 =	simm.s32 $0xFFFFFFFF;
	p2 =	slt.u32 s8, $0xFFFFF086  }
0x1c: {  	p1 =	slt.u32 s9, $0xF7A;
	s5 =	simm.s32 @!p2 $0x0  }
0x1d: {  	s5 =	simm.s32 @p1 $0x1;
	p0 =	seq.s32 s7, s2  }
0x1e: {  	s7 =	smul.u32 @!p0 $0xF7A, s2;
	p2 =	seq.s32 @!p0 s5, $0x0  }
0x1f: {  	s9 =	smul.u32 $0xF7A, s1;
	s8 =	simm.s32 @!p0 $0x1BF5;
	p2 =	por !p2, p0  }
0x20: {  	[sflag:s8] =	ssyncset.s32 @!p0 $0xFFFFF086;
	s6 =	sadd.s32 @!p0 s3, s7;
	s7 =	simm.s32 @!p0 $0x108  }
0x21: {  	s3 =	sadd.s32 s3, s9;
	s6 =	sadd.s32 @!p0 $0x88, s6;
	s7 =	simm.s32 @p2 $0x1082  }
0x22: {  	[simem:s7], [sflag:s8] =	dma.local @!p0 [hbm:s6], $0xF7A  }
0x23: {  	s9 =	sor.u32 $0xD0000000, s2;
	s6 =	simm.s32 $0x108;
	_ =	swait.ge @!p0 [sflag:s8], $0x0  }
0x24: {  	s3 =	sadd.s32 $0x88, s3;
	s6 =	simm.s32 @!p1 $0x1082;
	[sflag:s4] =	ssyncset.s32 $0xFFFFF086  }
0x25: {  	[simem:s6], [sflag:s4] =	dma.local [hbm:s3], $0xF7A  }
0x26: {  	[smem:$0x3F95] =	sst s1;
	(tag) =	ssettag s2;
	_ =	strace s9  }
0x27: {  	s1 =	sld [smem:$0x3FA5]  }
0x28: {  	s2 =	sld [smem:$0x3FA6]  }
0x29: {  	s4 =	sld [smem:$0x3FA8]  }
0x2a: {  	p0 =	seq.s32 s5, $0x0;
	s5 =	sld [smem:$0x3FA9]  }
0x2b: {  	s6 =	sld [smem:$0x3FAA]  }
0x2c: {  	s7 =	sld [smem:$0x3FAB]  }
0x2d: {  	s3 =	simm.s32 $0x108;
	s8 =	sld [smem:$0x3FAC]  }
0x2e: {  	s3 =	simm.s32 @!p0 $0x1082;
	s9 =	sld [smem:$0x3FAD]  }
0x2f: {  	lr =	sadd.s32 s0, s3;
	s0 =	sld [smem:$0x3FA4]  }
0x30: {  	s3 =	sld [smem:$0x3FA7]  }
0x31: {  	[smem:$0x3FB0] =	sst s10  }
0x32: {  	s10 =	sld [smem:$0x3FAE];
	_ =	sdelay $0x3  }
0x33: {  	p0 =	seq.s32 s10, $0x1;
	s10 =	sld [smem:$0x3FB0];
	_ =	sdelay $0x3  }
0x34: {  	[smem:$0x3FB0] =	sst s10  }
0x35: {  	s10 =	sld [smem:$0x3FAF];
	_ =	sdelay $0x3  }
0x36: {  	p1 =	seq.s32 s10, $0x1;
	s10 =	sld [smem:$0x3FB0];
	_ =	sdelay $0x3  }
0x37: {  	[smem:$0x3FB0] =	sst s10  }
0x38: {  	s10 =	sld [smem:$0x3FB1]  }
0x39: {  	_ = 	snop;
	(pc) =	sbr.ind lr, $3  }
0x3a: {  	_ = 	snop  }
0x3b: {  	_ = 	snop  }
0x3c: {  	p2 =	seq.s32 s10, $0x1;
	s10 =	sld [smem:$0x3FB0]  }
0x3d: {  	_ =	shalt  }
0x3e: {  	_ =	shalt  }
0x3f: {  	_ =	shalt  }
0x40: {  	_ =	shalt  }
0x41: {  	_ =	shalt  }
0x42: {  	_ =	shalt  }
0x43: {  	_ =	shalt  }
0x44: {  	_ =	shalt  }
0x45: {  	_ =	shalt  }
0x46: {  	_ =	shalt  }
0x47: {  	_ =	shalt  }
0x48: {  	_ =	shalt  }
0x49: {  	_ =	shalt  }
0x4a: {  	_ =	shalt  }
0x4b: {  	_ =	shalt  }
0x4c: {  	_ =	shalt  }
0x4d: {  	_ =	shalt  }
0x4e: {  	_ =	shalt  }
0x4f: {  	_ =	shalt  }
0x50: {  	_ =	shalt  }
0x51: {  	_ =	shalt  }
0x52: {  	_ =	shalt  }
0x53: {  	_ =	shalt  }
0x54: {  	_ =	shalt  }
0x55: {  	_ =	shalt  }
0x56: {  	_ =	shalt  }
0x57: {  	_ =	shalt  }
0x58: {  	_ =	shalt  }
0x59: {  	_ =	shalt  }
0x5a: {  	_ =	shalt  }
0x5b: {  	_ =	shalt  }
0x5c: {  	_ =	shalt  }
0x5d: {  	_ =	shalt  }
0x5e: {  	_ =	shalt  }
0x5f: {  	_ =	shalt  }
0x60: {  	_ =	shalt  }
0x61: {  	_ =	shalt  }
0x62: {  	_ =	shalt  }
0x63: {  	_ =	shalt  }
0x64: {  	_ =	shalt  }
0x65: {  	_ =	shalt  }
0x66: {  	_ =	shalt  }
0x67: {  	_ =	shalt  }
0x68: {  	_ =	shalt  }
0x69: {  	_ =	shalt  }
0x6a: {  	_ =	shalt  }
0x6b: {  	_ =	shalt  }
0x6c: {  	_ =	shalt  }
0x6d: {  	_ =	shalt  }
0x6e: {  	_ =	shalt  }
0x6f: {  	_ =	shalt  }
0x70: {  	_ =	shalt  }
0x71: {  	_ =	shalt  }
0x72: {  	_ =	shalt  }
0x73: {  	_ =	shalt  }
0x74: {  	_ =	shalt  }
0x75: {  	_ =	shalt  }
0x76: {  	_ =	shalt  }
0x77: {  	_ =	shalt  }
0x78: {  	_ =	shalt  }
0x79: {  	_ =	shalt  }
0x7a: {  	_ =	shalt  }
0x7b: {  	_ =	shalt  }
0x7c: {  	_ =	shalt  }
0x7d: {  	_ =	shalt  }
0x7e: {  	_ =	shalt  }
0x7f: {  	_ =	shalt  }
0x80: {  	_ =	shalt  }
0x81: {  	_ =	shalt  }
0x82: {  	_ =	shalt  }
0x83: {  	_ =	shalt  }
0x84: {  	_ =	shalt  }
0x85: {  	_ =	shalt  }
0x86: {  	_ =	shalt  }
0x87: {  	_ =	shalt  }
.Lfunc_end0:
.L_simem_size_0:
called_computation_lowered:
.L_overlay_start_0:
0x88: {  	s2 =	sld [smem:$0x3FD9]  }
0x89: {  	s3 =	sld [smem:$0x3FFE];
	_ =	sdelay $0x1  }
0x8a: {  	s1 =	srdreg.scid  }
0x8b: {  	s0 =	sand.u32 $0x1, s1  }
0x8c: {  	s16 =	sshll.u32 s0, $0xA;
	s2 =	sadd.s32 s3, s2  }
0x8d: {  	s2 =	sadd.s32 s2, s16  }
0x8e: {  	[smem:$0x3FBC] =	sst s2  }
0x8f: {  	_ = 	snop  }
0x90: {  	(tm) =	ssettm $0x1  }
0x91: {  	s17 =	sld [smem:$0x3FFB];
	_ =	sdelay $0x3  }
0x92: {  	_ =	strace s17  }
0x93: {  	s2 =	sld [smem:$0x3FFC];
	_ =	sdelay $0x3  }
0x94: {  	_ =	strace s2  }
0x95: {  	s2 =	sld [smem:$0x3FFD];
	_ =	sdelay $0x3  }
0x96: {  	_ =	strace s2  }
0x97: {  	_ =	strace $0x8FFFFFFF  }
0x98: {  	s18 =	sld [smem:$0x3FDB];
	_ =	sdelay $0x1  }
0x99: {  	s19 =	simm.s32 $_scs_section_size  }
0x9a: {  	s4 =	simm.s32 $_size__tile_overlayer_lowered;
	s5 =	simm.s32 $_tile_overlayer_lowered  }
0x9b: {  	s22 =	simm.s32 $0x1BFF;
	s21 =	sshll.u32 s5, $0x1;
	s2 =	sadd.s32 s19, s18  }
0x9c: {  	s6 =	simm.s32 $0x0;
	s20 =	sshll.u32 s4, $0x1;
	s4 =	sadd.s32 s21, s2  }
0x9d: {  	[timem:s6], [sflag:s22] =	dma.local [hbm:s4], s20  }
0x9e: {  	_ =	swait.ge [sflag:s22], s20  }
0x9f: {  	s3 =	ssub.s32 $0x0, s20;
	[sflag:s22] =	ssyncset.done $0x0  }
0xa0: {  	[sflag:s22] =	ssyncadd.s32 s3;
	_ =	sdelay $0x1  }
0xa1: {  	s23 =	simm.s32 $0x1B8B  }
0xa2: {  	_ =	swait.ge [sflag:s23], $0x1  }
0xa3: {  	[sflag:s23] =	ssyncset.done $0x0  }
0xa4: {  	s25 =	simm.s32 $0x1B8E;
	s24 =	sld [smem:$0x3FFE];
	[sflag:s23] =	ssyncadd.s32 $0xFFFFFFFF  }
0xa5: {  	s26 =	simm.s32 $execute0_lowered;
	[smem:$0x3FD2] =	sst s25  }
0xa6: {  	s4 =	sshll.u32 s26, $0x1;
	_ =	strace $0x80000046;
	[dreg:$0x1] =	wrdreg $0xFFFFFFFF  }
0xa7: {  	s28 =	simm.s32 $_size_execute0_lowered;
	s2 =	sadd.s32 s2, s4;
	[dreg:$0x0] =	wrdreg $0x0  }
0xa8: {  	s4 =	sshll.u32 s28, $0x1;
	[dreg:$0x2] =	wrdreg s2  }
0xa9: {  	[dreg:$0x3] =	wrdreg s4  }
0xaa: {  	[dreg:$0x4] =	wrdreg $0xC0  }
0xab: {  	_ =	task [dreg:s6], $0x5FFFF  }
0xac: {  	[dreg:$0x1] =	wrdreg $0xFFFFFFFF  }
0xad: {  	[dreg:$0x0] =	wrdreg $0x60  }
0xae: {  	[dreg:$0x2] =	wrdreg s24  }
0xaf: {  	[dreg:$0x3] =	wrdreg $0x77100  }
0xb0: {  	[dreg:$0x4] =	wrdreg $0x9  }
0xb1: {  	_ =	task.clear_ibuf [dreg:s6], $0x5FFFF;
	_ =	strace $0x90000046  }
0xb2: {  	s29 =	simm.s32 $0x9;
	_ =	strace $0x80000048  }
0xb3: {  	_ =	swait.ge [sflag:s29], $0x1  }
0xb4: {  	[sflag:s29] =	ssyncadd.s32 $0xFFFFFFFF  }
0xb5: {  	_ =	strace $0x90000048  }
0xb6: {  	_ =	sfence  }
0xb7: {  	s30 =	sld [smem:$0x0];
	_ =	sdelay $0x2  }
0xb8: {  	s31 =	sshll.u32 s1, $0xD;
	s1 =	sshrl.u32 s1, $0x2  }
0xb9: {  	s3 =	sand.u32 $0x4000, s31;
	s1 =	sadd.s32 s1, s30  }
0xba: {  	s0 =	sor.u32 s3, s0;
	s1 =	sshll.u32 s1, $0x11  }
0xbb: {  	s0 =	sor.u32 s1, s0  }
0xbc: {  	s0 =	sadd.s32 $0x8F2B, s0  }
0xbd: {  	[sflag:s0] =	ssyncadd.remote.s32 $0x1  }
0xbe: {  	_ =	sfence.sel $0xFFFF  }
0xbf: {  	[dreg:$0x0] =	wrdreg $0xFFFFFFFF;
	(pc) =	sbr.abs _section_cstart, $3  }
0xc0: {  	[dreg:$0x1] =	wrdreg $0xFFFFFFFF  }
0xc1: {  	_ =	task.clear_ibuf [dreg:s6], $0x2FFFF;
	_ =	strace $0x9FFFFFFF  }
0xc2: {  	(tm) =	ssettm $0x7FFFFFFF  }
0xc3: {  	_ =	shalt  }
tec
execute0_lowered:
.L_overlay_start_1:
0x0: {  	(tag) =	ssettag $0x1  }
0x1: {  	s3 =	rddreg [dreg:$0x0];
	s0 =	srdreg.scid  }
0x2: {  	s5 =	rddreg [dreg:$0x1];
	s1 =	stileid.u32  }
0x3: {  	s2 =	simm.s32 $0x0;
	s11 =	simm.s32 $0x2800;
	s12 =	simm.s32 $0x4F10  }
0x4: {  	s4 =	sand.u32 $0x1, s0;
	s0 =	rddreg [dreg:$0x2];
	s7 =	smul.u32 $0x280, s1  }
0x5: {  	s13 =	simm.s32 $0x0;
	[smem:$0x7FF] =	sst s2;
	s9 =	smul.u32 $0xA000, s1  }
0x6: {  	s6 =	sshll.u32 s4, $0x4;
	s8 =	smul.u32 $0x2800, s4;
	s4 =	ssub.s32 $0x2, s4  }
0x7: {  	_ =	strace $0x80000047;
	s6 =	sor.u32 s1, s6;
	s31 =	sshrl.u32 s4, $0x1  }
0x8: {  	s9 =	sshrl.u32 s9, $0x2;
	s6 =	smul.u32 $0x4E2, s6;
	s8 =	sadd.s32 s7, s8  }
0x9: {  	s10 =	ssub.s32 s4, s31;
	s4 =	sadd.s32 s9, s5;
	s5 =	sadd.s32 s7, s5  }
0xa: {  	s9 =	simm.s32 $0x2710;
	s8 =	sshrl.u32 s8, $0x3;
	s7 =	smax.u32 s10, $0x1  }
0xb: {  	s10 =	simm.s32 $0x280;
	s6 =	sadd.s32 s6, s3;
	s8 =	sadd.s32 s8, s3  }
0xc: {  	v0 =	vimm.f32 $0.0e+00;
	v1 =	vimm.f32 $1.000000000e+00;
	s3 =	sadd.s32 $0x2200, s6;
	s6 =	sadd.s32 $0xC000, s8;
	s8 =	simm.s32 $0x1  }
.LBB2_1:
0xd: {  	[tilespmem:s2], [sflag:$0x1] =	stream.linear.gather [hbm4b:s3+s2], $0x2710, $0x38;
	[tilespmem:$0x9F10] =	vst v63  }
0xe: {  	_ =	swait.ge [sflag:s8], $0x2710  }
0xf: {  	[sflag:s8] =	ssyncset.done $0x0  }
0x10: {  	s14 =	simm.s32 $0x0;
	[sflag:s8] =	ssyncadd.s32 $0xFFFFD8F0  }
.LBB2_2:
0x11: {  	p0 =	sne.s32 s14, $0x9FC0  }
.Ltmp0:
0x12: {  	_ = 	snop;
	(pc) =	sbr.rel @p0 .LBB2_2-.Ltmp0, $3  }
0x13: {  	_ =	sdelay $0x1  }
0x14: {  	s15 =	sshra.s32 s14, $0x2  }
0x15: {  	s14 =	sadd.s32 $0x40, s14;
	[tilespmem:s15+$0x2710] =	vst v0  }
0x16: {  	s15 =	simm.s32 $0x0;
	s14 =	simm.s32 $0x40  }
.LBB2_4:
0x17: {  	p0 =	sne.s32 s14, $0x9C00;
	v2 =	vld [tilespmem:s15+$0x0];
	_ =	sdelay $0x3  }
.Ltmp1:
0x18: {  	(pc) =	sbr.rel @p0 .LBB2_4-.Ltmp1, $2  }
0x19: {  	_ =	sdelay $0x2  }
0x1a: {  	s15 =	sshra.s32 s14, $0x2;
	s14 =	sadd.s32 $0x40, s14;
	[tilespmem:v2+s9+$0x0] =	vst.idx.add.f32.msk $0xffff, v1  }
0x1b: {  	v2 =	vld [tilespmem:s15+$0x0];
	_ =	sdelay $0x7  }
0x1c: {  	[tilespmem:v2+s9+$0x0] =	vst.idx.add.f32.msk $0xffff, v1  }
0x1d: {  	[spmem:s4] =	stream.linear.scatter [tilespmem:s9], [sflag:$0x1], $0x2800, $0x38;
	[tilespmem:$0x9F10] =	vst v63  }
0x1e: {  	_ =	swait.ge [sflag:s8], $0x2800  }
0x1f: {  	[sflag:s8] =	ssyncset.done $0x0  }
0x20: {  	[sflag:s8] =	ssyncadd.s32 $0xFFFFD800  }
0x21: {  	[bflag:$0x0] =	sbarrier.arrive $0xFFFF  }
0x22: {  	[tilespmem:s12], [sflag:$0x1] =	stream.strided.gather [spmem:s5], $0x2800, s11, s10, $0x38;
	[tilespmem:$0x9F10] =	vst v63  }
0x23: {  	_ =	swait.ge [sflag:s8], $0x2800  }
0x24: {  	[sflag:s8] =	ssyncset.done $0x0  }
0x25: {  	s15 =	simm.s32 $0x0;
	[sflag:s8] =	ssyncadd.s32 $0xFFFFD800  }
0x26: {  	v2 =	vld [tilespmem:s15+$0x4F10]  }
0x27: {  	v3 =	vld [tilespmem:s15+$0x5190];
	_ =	sdelay $0x1  }
0x28: {  	v4 =	vld [tilespmem:s15+$0x5410];
	_ =	sdelay $0x1  }
0x29: {  	v5 =	vld [tilespmem:s15+$0x5690]  }
0x2a: {  	v2 =	vadd.f32 v3, v2  }
0x2b: {  	v3 =	vld [tilespmem:s15+$0x5910]  }
0x2c: {  	v2 =	vadd.f32 v4, v2  }
0x2d: {  	v4 =	vld [tilespmem:s15+$0x5B90]  }
0x2e: {  	v2 =	vadd.f32 v5, v2  }
0x2f: {  	v5 =	vld [tilespmem:s15+$0x5E10]  }
0x30: {  	v2 =	vadd.f32 v3, v2  }
0x31: {  	v3 =	vld [tilespmem:s15+$0x6090]  }
0x32: {  	s14 =	simm.s32 $0x10;
	v6 =	vld [tilespmem:s15+$0x6310];
	v2 =	vadd.f32 v4, v2  }
0x33: {  	v7 =	vld [tilespmem:s14+$0x4F10]  }
0x34: {  	v4 =	vld [tilespmem:s15+$0x6590];
	v2 =	vadd.f32 v5, v2  }
0x35: {  	v5 =	vld [tilespmem:s14+$0x5190]  }
0x36: {  	v8 =	vld [tilespmem:s14+$0x5410];
	v2 =	vadd.f32 v3, v2  }
0x37: {  	v3 =	vld [tilespmem:s15+$0x6810]  }
0x38: {  	v9 =	vld [tilespmem:s14+$0x5690];
	v2 =	vadd.f32 v6, v2  }
0x39: {  	v6 =	vld [tilespmem:s15+$0x6A90]  }
0x3a: {  	v5 =	vadd.f32 v5, v7;
	v7 =	vld [tilespmem:s14+$0x5910];
	v2 =	vadd.f32 v4, v2  }
0x3b: {  	v4 =	vld [tilespmem:s15+$0x6D10]  }
0x3c: {  	v5 =	vadd.f32 v8, v5;
	v8 =	vld [tilespmem:s14+$0x5B90];
	v2 =	vadd.f32 v3, v2  }
0x3d: {  	v3 =	vld [tilespmem:s15+$0x6F90]  }
0x3e: {  	v10 =	vld [tilespmem:s14+$0x5E10];
	v5 =	vadd.f32 v9, v5;
	v2 =	vadd.f32 v6, v2  }
0x3f: {  	v9 =	vld [tilespmem:s15+$0x7210]  }
0x40: {  	v6 =	vadd.f32 v7, v5;
	v5 =	vld [tilespmem:s14+$0x6090];
	v7 =	vadd.f32 v4, v2  }
0x41: {  	v4 =	vld [tilespmem:s15+$0x7490]  }
0x42: {  	v2 =	vld [tilespmem:s14+$0x6590];
	v8 =	vadd.f32 v8, v6;
	v11 =	vadd.f32 v3, v7  }
0x43: {  	s16 =	simm.s32 $0x20;
	v6 =	vld [tilespmem:s14+$0x6310]  }
0x44: {  	s17 =	simm.s32 $0xC0;
	v3 =	vld [tilespmem:s16+$0x4F10];
	v7 =	vadd.f32 v10, v8;
	v8 =	vadd.f32 v9, v11  }
.LBB2_6:
0x45: {  	p0 =	sne.s32 s17, $0x9C0;
	v9 =	vld [tilespmem:s16+$0x5190]  }
0x46: {  	v5 =	vadd.f32 v5, v7;
	v7 =	vld [tilespmem:s14+$0x6810];
	v4 =	vadd.f32 v4, v8  }
0x47: {  	v8 =	vld [tilespmem:s16+$0x5410]  }
0x48: {  	v5 =	vadd.f32 v6, v5;
	v6 =	vld [tilespmem:s14+$0x6A90];
	[tilespmem:s15+$0x2710] =	vst v4;
	s15 =	smov.u32 s14;
	s14 =	smov.u32 s16  }
0x49: {  	v4 =	vld [tilespmem:s14+$0x5690]  }
0x4a: {  	v3 =	vadd.f32 v9, v3;
	v2 =	vadd.f32 v2, v5;
	v5 =	vld [tilespmem:s15+$0x6D10]  }
0x4b: {  	v9 =	vld [tilespmem:s14+$0x5910]  }
0x4c: {  	v3 =	vadd.f32 v8, v3;
	v2 =	vadd.f32 v7, v2;
	v7 =	vld [tilespmem:s15+$0x6F90]  }
0x4d: {  	v8 =	vld [tilespmem:s14+$0x5B90]  }
0x4e: {  	v3 =	vadd.f32 v4, v3;
	v2 =	vadd.f32 v6, v2;
	v10 =	vld [tilespmem:s15+$0x7210]  }
0x4f: {  	v11 =	vld [tilespmem:s14+$0x5E10]  }
.Ltmp2:
0x50: {  	v3 =	vadd.f32 v9, v3;
	v6 =	vadd.f32 v5, v2;
	v4 =	vld [tilespmem:s15+$0x7490];
	(pc) =	sbr.rel @p0 .LBB2_6-.Ltmp2, $4  }
0x51: {  	v5 =	vld [tilespmem:s14+$0x6090]  }
0x52: {  	v8 =	vadd.f32 v8, v3;
	v2 =	vld [tilespmem:s14+$0x6590];
	v9 =	vadd.f32 v7, v6  }
0x53: {  	s16 =	sshra.s32 s17, $0x2;
	v6 =	vld [tilespmem:s14+$0x6310]  }
0x54: {  	s17 =	sadd.s32 $0x40, s17;
	v3 =	vld [tilespmem:s16+$0x4F10];
	v7 =	vadd.f32 v11, v8;
	v8 =	vadd.f32 v10, v9  }
0x55: {  	v9 =	vld [tilespmem:s16+$0x5190]  }
0x56: {  	v10 =	vld [tilespmem:s14+$0x6810];
	v4 =	vadd.f32 v4, v8  }
0x57: {  	v49 =	vld [tilespmem:s16+$0x5410]  }
0x58: {  	v11 =	vld [tilespmem:s14+$0x6A90];
	v5 =	vadd.f32 v5, v7;
	[tilespmem:s15+$0x2710] =	vst v4  }
0x59: {  	v4 =	vld [tilespmem:s16+$0x5690]  }
0x5a: {  	v5 =	vadd.f32 v6, v5;
	v3 =	vadd.f32 v9, v3  }
0x5b: {  	v50 =	vld [tilespmem:s16+$0x5910]  }
0x5c: {  	v51 =	vld [tilespmem:s14+$0x6D10];
	v2 =	vadd.f32 v2, v5;
	v3 =	vadd.f32 v49, v3  }
0x5d: {  	v52 =	vld [tilespmem:s16+$0x5B90]  }
0x5e: {  	v53 =	vld [tilespmem:s14+$0x6F90];
	v2 =	vadd.f32 v10, v2;
	v3 =	vadd.f32 v4, v3  }
0x5f: {  	v54 =	vld [tilespmem:s16+$0x5E10]  }
0x60: {  	v55 =	vld [tilespmem:s14+$0x7210];
	v2 =	vadd.f32 v11, v2;
	v3 =	vadd.f32 v50, v3  }
0x61: {  	v56 =	vld [tilespmem:s16+$0x6090]  }
0x62: {  	v57 =	vld [tilespmem:s14+$0x7490];
	v2 =	vadd.f32 v51, v2;
	v3 =	vadd.f32 v52, v3  }
0x63: {  	v58 =	vld [tilespmem:s16+$0x6310]  }
0x64: {  	v2 =	vadd.f32 v53, v2;
	v3 =	vadd.f32 v54, v3  }
0x65: {  	v59 =	vld [tilespmem:s16+$0x6590]  }
0x66: {  	v2 =	vadd.f32 v55, v2;
	v3 =	vadd.f32 v56, v3  }
0x67: {  	v60 =	vld [tilespmem:s16+$0x6810]  }
0x68: {  	v2 =	vadd.f32 v57, v2;
	v3 =	vadd.f32 v58, v3  }
0x69: {  	v61 =	vld [tilespmem:s16+$0x6A90]  }
0x6a: {  	[tilespmem:s14+$0x2710] =	vst v2;
	v2 =	vadd.f32 v59, v3  }
0x6b: {  	v3 =	vld [tilespmem:s16+$0x6D10]  }
0x6c: {  	v2 =	vadd.f32 v60, v2  }
0x6d: {  	v62 =	vld [tilespmem:s16+$0x6F90]  }
0x6e: {  	v2 =	vadd.f32 v61, v2  }
0x6f: {  	v63 =	vld [tilespmem:s16+$0x7210]  }
0x70: {  	v2 =	vadd.f32 v3, v2  }
0x71: {  	v3 =	vld [tilespmem:s16+$0x7490]  }
0x72: {  	v2 =	vadd.f32 v62, v2;
	_ =	sdelay $0x1  }
0x73: {  	v2 =	vadd.f32 v63, v2;
	_ =	sdelay $0x1  }
0x74: {  	s13 =	sadd.s32 $0x1, s13;
	v2 =	vadd.f32 v3, v2  }
0x75: {  	p0 =	sne.s32 s13, s7  }
.Ltmp3:
0x76: {  	[tilespmem:s16+$0x2710] =	vst v2;
	(pc) =	sbr.rel @p0 .LBB2_1-.Ltmp3, $4  }
0x77: {  	[hbm4b:s6+s2] =	stream.linear.scatter [tilespmem:s9], [sflag:$0x1], $0x280, $0x38;
	[tilespmem:$0x9F10] =	vst v63  }
0x78: {  	_ =	swait.ge [sflag:s8], $0x280  }
0x79: {  	[sflag:s8] =	ssyncset.done $0x0  }
0x7a: {  	[sflag:s8] =	ssyncadd.s32 $0xFFFFFD80  }
0x7b: {  	_ =	sfence.sel $0x180000  }
0x7c: {  	[bflag:$0x0] =	sbarrier.arrive $0xFFFF  }
0x7d: {  	p0 =	sne.s32 s1, $0x0;
	_ =	strace $0x90000047  }
0x7e: {  	s0 =	sadd.s32 @!p0 $0x100000, s0;
	[bflag:$0x2] =	sbarrier.arrive $0xFFFF  }
0x7f: {  	[sflag:s0] =	ssyncadd.tile.s32 @!p0 $0x1;
	_ =	shalt  }
.Lfunc_end2:
_tile_overlayer_lowered:
.L_overlay_start_2:
0x80: {  	(tag) =	ssettag $0x2  }
0x81: {  	s0 =	rddreg [dreg:$0x0];
	s2 =	stileid.u32  }
0x82: {  	s1 =	rddreg [dreg:$0x1];
	p0 =	sne.s32 s2, $0x0  }
0x83: {  	s3 =	rddreg [dreg:$0x2];
	[bflag:$0x3] =	sbarrier.arrive $0xFFFF;
	s2 =	simm.s32 @!p0 $0x1C01  }
0x84: {  	[timem:s3], [sflag:s2] =	dma.local @!p0 [hbm:s0], s1  }
0x85: {  	s0 =	simm.s32 @!p0 $0x1  }
0x86: {  	_ =	swait.ge @!p0 [sflag:s0], s1  }
0x87: {  	s1 =	ssub.s32 @!p0 $0x0, s1;
	[sflag:s0] =	ssyncset.done @!p0 $0x0  }
0x88: {  	[sflag:s0] =	ssyncadd.s32 @!p0 s1  }
0x89: {  	[bflag:$0x3] =	sbarrier.arrive $0xFFFF  }
0x8a: {  	_ =	shalt  }

// kernel: kernel.13.cloned.1.call-start
scs
__scs_entry_jumppad:
0x0: {  	(pc) =	sbr.rel $0x88, $3  }
0x1: {  	(tag) =	ssettag $0x0;
	lr =	simm.s32 $0x1  }
0x2: {  	[smem:$0x3F95] =	sst lr;
	_ =	strace $0xD0000000  }
0x3: {  	_ = 	snop  }
0x4: {  	_ = 	snop  }
0x5: {  	_ = 	snop  }
0x6: {  	_ = 	snop  }
0x7: {  	_ = 	snop  }
__scs_overlays_trampoline_lowered:
0x8: {  	[smem:$0x3FA4] =	sst s0  }
0x9: {  	[smem:$0x3FA5] =	sst s1  }
0xa: {  	[smem:$0x3FA6] =	sst s2  }
0xb: {  	[smem:$0x3FA7] =	sst s3  }
0xc: {  	[smem:$0x3FA8] =	sst s4  }
0xd: {  	[smem:$0x3FA9] =	sst s5  }
0xe: {  	[smem:$0x3FAA] =	sst s6  }
0xf: {  	[smem:$0x3FAB] =	sst s7  }
0x10: {  	[smem:$0x3FAC] =	sst s8  }
0x11: {  	[smem:$0x3FAD] =	sst s9;
	s0 =	simm.s32 @!p0 $0x0  }
0x12: {  	s1 =	sld [smem:$0x3F93];
	s0 =	simm.s32 @p0 $0x1  }
0x13: {  	[smem:$0x3FAE] =	sst s0;
	s0 =	simm.s32 @!p1 $0x0  }
0x14: {  	s2 =	sld [smem:$0x3F92];
	s0 =	simm.s32 @p1 $0x1  }
0x15: {  	[smem:$0x3FAF] =	sst s0;
	s0 =	simm.s32 @!p2 $0x0  }
0x16: {  	s3 =	sld [smem:$0x3FDB];
	s0 =	simm.s32 @p2 $0x1  }
0x17: {  	s4 =	simm.s32 $0x1BF5;
	[smem:$0x3FB1] =	sst s0  }
0x18: {  	s0 =	sld [smem:$0x3F94];
	_ =	swait.ge [sflag:s4], $0x0  }
0x19: {  	s7 =	sld [smem:$0x3F95]  }
0x1a: {  	s8 =	sadd.s32 $0xFFFFE003, lr  }
0x1b: {  	s9 =	sadd.s32 $0xFFFFFEF7, lr;
	s5 =	simm.s32 $0xFFFFFFFF;
	p2 =	slt.u32 s8, $0xFFFFF086  }
0x1c: {  	p1 =	slt.u32 s9, $0xF7A;
	s5 =	simm.s32 @!p2 $0x0  }
0x1d: {  	s5 =	simm.s32 @p1 $0x1;
	p0 =	seq.s32 s7, s2  }
0x1e: {  	s7 =	smul.u32 @!p0 $0xF7A, s2;
	p2 =	seq.s32 @!p0 s5, $0x0  }
0x1f: {  	s9 =	smul.u32 $0xF7A, s1;
	s8 =	simm.s32 @!p0 $0x1BF5;
	p2 =	por !p2, p0  }
0x20: {  	[sflag:s8] =	ssyncset.s32 @!p0 $0xFFFFF086;
	s6 =	sadd.s32 @!p0 s3, s7;
	s7 =	simm.s32 @!p0 $0x108  }
0x21: {  	s3 =	sadd.s32 s3, s9;
	s6 =	sadd.s32 @!p0 $0x88, s6;
	s7 =	simm.s32 @p2 $0x1082  }
0x22: {  	[simem:s7], [sflag:s8] =	dma.local @!p0 [hbm:s6], $0xF7A  }
0x23: {  	s9 =	sor.u32 $0xD0000000, s2;
	s6 =	simm.s32 $0x108;
	_ =	swait.ge @!p0 [sflag:s8], $0x0  }
0x24: {  	s3 =	sadd.s32 $0x88, s3;
	s6 =	simm.s32 @!p1 $0x1082;
	[sflag:s4] =	ssyncset.s32 $0xFFFFF086  }
0x25: {  	[simem:s6], [sflag:s4] =	dma.local [hbm:s3], $0xF7A  }
0x26: {  	[smem:$0x3F95] =	sst s1;
	(tag) =	ssettag s2;
	_ =	strace s9  }
0x27: {  	s1 =	sld [smem:$0x3FA5]  }
0x28: {  	s2 =	sld [smem:$0x3FA6]  }
0x29: {  	s4 =	sld [smem:$0x3FA8]  }
0x2a: {  	p0 =	seq.s32 s5, $0x0;
	s5 =	sld [smem:$0x3FA9]  }
0x2b: {  	s6 =	sld [smem:$0x3FAA]  }
0x2c: {  	s7 =	sld [smem:$0x3FAB]  }
0x2d: {  	s3 =	simm.s32 $0x108;
	s8 =	sld [smem:$0x3FAC]  }
0x2e: {  	s3 =	simm.s32 @!p0 $0x1082;
	s9 =	sld [smem:$0x3FAD]  }
0x2f: {  	lr =	sadd.s32 s0, s3;
	s0 =	sld [smem:$0x3FA4]  }
0x30: {  	s3 =	sld [smem:$0x3FA7]  }
0x31: {  	[smem:$0x3FB0] =	sst s10  }
0x32: {  	s10 =	sld [smem:$0x3FAE];
	_ =	sdelay $0x3  }
0x33: {  	p0 =	seq.s32 s10, $0x1;
	s10 =	sld [smem:$0x3FB0];
	_ =	sdelay $0x3  }
0x34: {  	[smem:$0x3FB0] =	sst s10  }
0x35: {  	s10 =	sld [smem:$0x3FAF];
	_ =	sdelay $0x3  }
0x36: {  	p1 =	seq.s32 s10, $0x1;
	s10 =	sld [smem:$0x3FB0];
	_ =	sdelay $0x3  }
0x37: {  	[smem:$0x3FB0] =	sst s10  }
0x38: {  	s10 =	sld [smem:$0x3FB1]  }
0x39: {  	_ = 	snop;
	(pc) =	sbr.ind lr, $3  }
0x3a: {  	_ = 	snop  }
0x3b: {  	_ = 	snop  }
0x3c: {  	p2 =	seq.s32 s10, $0x1;
	s10 =	sld [smem:$0x3FB0]  }
0x3d: {  	_ =	shalt  }
0x3e: {  	_ =	shalt  }
0x3f: {  	_ =	shalt  }
0x40: {  	_ =	shalt  }
0x41: {  	_ =	shalt  }
0x42: {  	_ =	shalt  }
0x43: {  	_ =	shalt  }
0x44: {  	_ =	shalt  }
0x45: {  	_ =	shalt  }
0x46: {  	_ =	shalt  }
0x47: {  	_ =	shalt  }
0x48: {  	_ =	shalt  }
0x49: {  	_ =	shalt  }
0x4a: {  	_ =	shalt  }
0x4b: {  	_ =	shalt  }
0x4c: {  	_ =	shalt  }
0x4d: {  	_ =	shalt  }
0x4e: {  	_ =	shalt  }
0x4f: {  	_ =	shalt  }
0x50: {  	_ =	shalt  }
0x51: {  	_ =	shalt  }
0x52: {  	_ =	shalt  }
0x53: {  	_ =	shalt  }
0x54: {  	_ =	shalt  }
0x55: {  	_ =	shalt  }
0x56: {  	_ =	shalt  }
0x57: {  	_ =	shalt  }
0x58: {  	_ =	shalt  }
0x59: {  	_ =	shalt  }
0x5a: {  	_ =	shalt  }
0x5b: {  	_ =	shalt  }
0x5c: {  	_ =	shalt  }
0x5d: {  	_ =	shalt  }
0x5e: {  	_ =	shalt  }
0x5f: {  	_ =	shalt  }
0x60: {  	_ =	shalt  }
0x61: {  	_ =	shalt  }
0x62: {  	_ =	shalt  }
0x63: {  	_ =	shalt  }
0x64: {  	_ =	shalt  }
0x65: {  	_ =	shalt  }
0x66: {  	_ =	shalt  }
0x67: {  	_ =	shalt  }
0x68: {  	_ =	shalt  }
0x69: {  	_ =	shalt  }
0x6a: {  	_ =	shalt  }
0x6b: {  	_ =	shalt  }
0x6c: {  	_ =	shalt  }
0x6d: {  	_ =	shalt  }
0x6e: {  	_ =	shalt  }
0x6f: {  	_ =	shalt  }
0x70: {  	_ =	shalt  }
0x71: {  	_ =	shalt  }
0x72: {  	_ =	shalt  }
0x73: {  	_ =	shalt  }
0x74: {  	_ =	shalt  }
0x75: {  	_ =	shalt  }
0x76: {  	_ =	shalt  }
0x77: {  	_ =	shalt  }
0x78: {  	_ =	shalt  }
0x79: {  	_ =	shalt  }
0x7a: {  	_ =	shalt  }
0x7b: {  	_ =	shalt  }
0x7c: {  	_ =	shalt  }
0x7d: {  	_ =	shalt  }
0x7e: {  	_ =	shalt  }
0x7f: {  	_ =	shalt  }
0x80: {  	_ =	shalt  }
0x81: {  	_ =	shalt  }
0x82: {  	_ =	shalt  }
0x83: {  	_ =	shalt  }
0x84: {  	_ =	shalt  }
0x85: {  	_ =	shalt  }
0x86: {  	_ =	shalt  }
0x87: {  	_ =	shalt  }
.Lfunc_end0:
.L_simem_size_0:
called_computation.1_lowered:
.L_overlay_start_0:
0x88: {  	s2 =	sld [smem:$0x3FD9]  }
0x89: {  	s3 =	sld [smem:$0x3FFE];
	_ =	sdelay $0x1  }
0x8a: {  	s1 =	srdreg.scid  }
0x8b: {  	s0 =	sand.u32 $0x1, s1  }
0x8c: {  	s16 =	sshll.u32 s0, $0xA;
	s2 =	sadd.s32 s3, s2  }
0x8d: {  	s2 =	sadd.s32 s2, s16  }
0x8e: {  	[smem:$0x3FBC] =	sst s2  }
0x8f: {  	_ = 	snop  }
0x90: {  	(tm) =	ssettm $0x1  }
0x91: {  	s17 =	sld [smem:$0x3FFB];
	_ =	sdelay $0x3  }
0x92: {  	_ =	strace s17  }
0x93: {  	s2 =	sld [smem:$0x3FFC];
	_ =	sdelay $0x3  }
0x94: {  	_ =	strace s2  }
0x95: {  	s2 =	sld [smem:$0x3FFD];
	_ =	sdelay $0x3  }
0x96: {  	_ =	strace s2  }
0x97: {  	_ =	strace $0x8FFFFFFF  }
0x98: {  	s18 =	sld [smem:$0x3FDB];
	_ =	sdelay $0x1  }
0x99: {  	s19 =	simm.s32 $_scs_section_size  }
0x9a: {  	s4 =	simm.s32 $_size__tile_overlayer_lowered;
	s5 =	simm.s32 $_tile_overlayer_lowered  }
0x9b: {  	s22 =	simm.s32 $0x1BFF;
	s21 =	sshll.u32 s5, $0x1;
	s2 =	sadd.s32 s19, s18  }
0x9c: {  	s6 =	simm.s32 $0x0;
	s20 =	sshll.u32 s4, $0x1;
	s4 =	sadd.s32 s21, s2  }
0x9d: {  	[timem:s6], [sflag:s22] =	dma.local [hbm:s4], s20  }
0x9e: {  	_ =	swait.ge [sflag:s22], s20  }
0x9f: {  	s3 =	ssub.s32 $0x0, s20;
	[sflag:s22] =	ssyncset.done $0x0  }
0xa0: {  	[sflag:s22] =	ssyncadd.s32 s3;
	_ =	sdelay $0x1  }
0xa1: {  	s23 =	simm.s32 $0x1B8B  }
0xa2: {  	_ =	swait.ge [sflag:s23], $0x1  }
0xa3: {  	[sflag:s23] =	ssyncset.done $0x0  }
0xa4: {  	s25 =	simm.s32 $0x1B8E;
	s24 =	sld [smem:$0x3FFE];
	[sflag:s23] =	ssyncadd.s32 $0xFFFFFFFF  }
0xa5: {  	s26 =	simm.s32 $execute0_lowered;
	[smem:$0x3FD2] =	sst s25  }
0xa6: {  	s4 =	sshll.u32 s26, $0x1;
	_ =	strace $0x80000049;
	[dreg:$0x1] =	wrdreg $0xFFFFFFFF  }
0xa7: {  	s28 =	simm.s32 $_size_execute0_lowered;
	s2 =	sadd.s32 s2, s4;
	[dreg:$0x0] =	wrdreg $0x0  }
0xa8: {  	s4 =	sshll.u32 s28, $0x1;
	[dreg:$0x2] =	wrdreg s2  }
0xa9: {  	[dreg:$0x3] =	wrdreg s4  }
0xaa: {  	[dreg:$0x4] =	wrdreg $0xC0  }
0xab: {  	_ =	task [dreg:s6], $0x5FFFF  }
0xac: {  	[dreg:$0x1] =	wrdreg $0xFFFFFFFF  }
0xad: {  	[dreg:$0x0] =	wrdreg $0x60  }
0xae: {  	[dreg:$0x2] =	wrdreg s24  }
0xaf: {  	[dreg:$0x3] =	wrdreg $0x108000  }
0xb0: {  	[dreg:$0x4] =	wrdreg $0x9  }
0xb1: {  	_ =	task.clear_ibuf [dreg:s6], $0x5FFFF;
	_ =	strace $0x90000049  }
0xb2: {  	s29 =	simm.s32 $0x9;
	_ =	strace $0x8000004B  }
0xb3: {  	_ =	swait.ge [sflag:s29], $0x1  }
0xb4: {  	[sflag:s29] =	ssyncadd.s32 $0xFFFFFFFF  }
0xb5: {  	_ =	strace $0x9000004B  }
0xb6: {  	_ =	sfence  }
0xb7: {  	s30 =	sld [smem:$0x0];
	_ =	sdelay $0x2  }
0xb8: {  	s31 =	sshll.u32 s1, $0xD;
	s1 =	sshrl.u32 s1, $0x2  }
0xb9: {  	s3 =	sand.u32 $0x4000, s31;
	s1 =	sadd.s32 s1, s30  }
0xba: {  	s0 =	sor.u32 s3, s0;
	s1 =	sshll.u32 s1, $0x11  }
0xbb: {  	s0 =	sor.u32 s1, s0  }
0xbc: {  	s0 =	sadd.s32 $0x8F2B, s0  }
0xbd: {  	[sflag:s0] =	ssyncadd.remote.s32 $0x1  }
0xbe: {  	_ =	sfence.sel $0xFFFF  }
0xbf: {  	[dreg:$0x0] =	wrdreg $0xFFFFFFFF;
	(pc) =	sbr.abs _section_cstart, $3  }
0xc0: {  	[dreg:$0x1] =	wrdreg $0xFFFFFFFF  }
0xc1: {  	_ =	task.clear_ibuf [dreg:s6], $0x2FFFF;
	_ =	strace $0x9FFFFFFF  }
0xc2: {  	(tm) =	ssettm $0x7FFFFFFF  }
0xc3: {  	_ =	shalt  }
tec
execute0_lowered:
.L_overlay_start_1:
0x0: {  	(tag) =	ssettag $0x1  }
0x1: {  	s0 =	rddreg [dreg:$0x0]  }
0x2: {  	s2 =	rddreg [dreg:$0x1];
	s1 =	srdreg.scid  }
0x3: {  	s12 =	stileid.u32;
	s3 =	simm.s32 $0x0;
	s29 =	simm.s32 $0x3  }
0x4: {  	s16 =	simm.s32 $0xB;
	s13 =	simm.s32 $0x8;
	s1 =	sand.u32 $0x1, s1  }
0x5: {  	s5 =	smul.u32 $0xA000, s12;
	[smem:$0x7FF] =	sst s3;
	s4 =	sadd.s32 $0x20A00, s0  }
0x6: {  	s8 =	sadd.s32 $0xCA00, s0;
	s10 =	sadd.s32 $0x34A00, s0;
	s24 =	smul.u32 $0xA00, s12  }
0x7: {  	s31 =	sshll.u32 s12, $0x6;
	s6 =	smul.u32 $0xA0000, s1;
	_ =	strace $0x8000004A  }
0x8: {  	s7 =	sshll.u32 s1, $0x4;
	s17 =	ssub.s32 $0x2, s1;
	p0 =	seq.s32 s1, $0x0  }
0x9: {  	s1 =	smul.u32 $0xA000, s1;
	s28 =	sor.u32 $0x1C11, s31;
	s7 =	sor.u32 s12, s7  }
0xa: {  	s11 =	sshrl.u32 s17, $0x1;
	s21 =	sadd.s32 s5, s2;
	s10 =	smov.u32 @p0 s4  }
0xb: {  	[dreg:$0xf] =	wrdreg s28;
	s6 =	sadd.s32 s5, s6;
	s9 =	smul.u32 $0xA00, s7  }
0xc: {  	s7 =	smul.u32 $0x5000, s7;
	s5 =	sshrl.u32 s5, $0x3;
	s26 =	sadd.s32 s1, s8  }
0xd: {  	s30 =	sshrl.u32 s21, $0x3;
	s1 =	simm.s32 $0x4;
	s6 =	sshrl.u32 s6, $0x3  }
0xe: {  	s5 =	sadd.s32 s10, s5;
	s10 =	simm.s32 $0x300;
	[dreg:$0x10] =	wrdreg s30  }
0xf: {  	s0 =	sadd.s32 s6, s0;
	s9 =	sadd.s32 s8, s9;
	[dreg:$0xe] =	wrdreg s5  }
0x10: {  	s6 =	ssub.s32 s17, s11;
	s18 =	sadd.s32 $0x20, s9;
	[dreg:$0x4] =	wrdreg s9  }
0x11: {  	s7 =	sshrl.u32 s7, $0x3;
	s19 =	sadd.s32 $0x40, s9;
	[dreg:$0x5] =	wrdreg s18  }
0x12: {  	s17 =	simm.s32 $0xC;
	s20 =	sadd.s32 $0x60, s9;
	[dreg:$0x6] =	wrdreg s19  }
0x13: {  	s5 =	simm.s32 $0x0;
	s9 =	sadd.s32 $0x80, s9;
	[dreg:$0x7] =	wrdreg s20  }
0x14: {  	s7 =	sadd.s32 s8, s7;
	s0 =	sadd.s32 $0x48A00, s0;
	[dreg:$0x8] =	wrdreg s9  }
0x15: {  	s25 =	smax.u32 s6, $0x1;
	s6 =	simm.s32 $0x100;
	[dreg:$0xc] =	wrdreg s0  }
0x16: {  	s22 =	sadd.s32 $0x9A0, s7;
	s23 =	sadd.s32 $0x9C0, s7;
	[dreg:$0xd] =	wrdreg s25  }
0x17: {  	s7 =	sadd.s32 $0x9E0, s7;
	s0 =	sadd.s32 s24, s26;
	[dreg:$0x9] =	wrdreg s22  }
0x18: {  	s24 =	simm.s32 $0x80;
	s26 =	simm.s32 $0x2;
	[dreg:$0xa] =	wrdreg s23  }
0x19: {  	s18 =	simm.s32 $0xD;
	s19 =	simm.s32 $0xE;
	[dreg:$0xb] =	wrdreg s7  }
0x1a: {  	s20 =	simm.s32 $0xF;
	s25 =	simm.s32 $0x10;
	[dreg:$0x3] =	wrdreg s0  }
0x1b: {  	s7 =	simm.s32 $0x200;
	s22 =	simm.s32 $0x11;
	s23 =	simm.s32 $0x1  }
.LBB2_1:
0x1c: {  	[dreg:$0x11] =	wrdreg s5  }
0x1d: {  	s0 =	rddreg [dreg:$0x4]  }
0x1e: {  	s14 =	rddreg [dreg:$0x5]  }
0x1f: {  	[tilespmem:s3], [sflag:$0x1] =	stream.linear.gather [hbm4b:s0+s3], $0x100, $0x38;
	[tilespmem:$0x1A800] =	vst v63  }
0x20: {  	s15 =	rddreg [dreg:$0x6]  }
0x21: {  	[tilespmem:s6], [sflag:$0x2] =	stream.linear.gather [hbm4b:s14+s3], $0x100, $0x38;
	[tilespmem:$0x1A800] =	vst v63  }
0x22: {  	s21 =	rddreg [dreg:$0x7]  }
0x23: {  	[tilespmem:s7], [sflag:$0x3] =	stream.linear.gather [hbm4b:s15+s3], $0x100, $0x38;
	[tilespmem:$0x1A800] =	vst v63  }
0x24: {  	s5 =	rddreg [dreg:$0x8]  }
0x25: {  	[tilespmem:s10], [sflag:$0x4] =	stream.linear.gather [hbm4b:s21+s3], $0x100, $0x38;
	[tilespmem:$0x1A800] =	vst v63  }
0x26: {  	s11 =	simm.s32 $0x400;
	s8 =	rddreg [dreg:$0xe]  }
0x27: {  	[tilespmem:s11], [sflag:$0x5] =	stream.linear.gather [hbm4b:s5+s3], $0x100, $0x38;
	[tilespmem:$0x1A800] =	vst v63  }
0x28: {  	[spmem:s30], [sflag:s28] =	dma.local [hbm:s8], $0x1400  }
0x29: {  	_ =	swait.ge [sflag:s22], $0x1400  }
0x2a: {  	[sflag:s22] =	ssyncset.done $0x0  }
0x2b: {  	[sflag:s22] =	ssyncadd.s32 $0xFFFFEC00  }
0x2c: {  	_ =	swait.ge [sflag:s23], $0x100  }
0x2d: {  	[sflag:s23] =	ssyncset.done $0x0  }
0x2e: {  	s5 =	simm.s32 $0x800;
	[sflag:s23] =	ssyncadd.s32 $0xFFFFFF00  }
0x2f: {  	[tilespmem:s5], [sflag:$0x9] =	stream.indirect.gather [hbm4b:s4+s24], $0x40, s3, s24, $0xb8;
	[tilespmem:$0x1A800] =	vst v63  }
0x30: {  	_ =	swait.ge [sflag:s26], $0x100  }
0x31: {  	[sflag:s26] =	ssyncset.done $0x0  }
0x32: {  	s15 =	simm.s32 $0x2800;
	[sflag:s26] =	ssyncadd.s32 $0xFFFFFF00  }
0x33: {  	[tilespmem:s15], [sflag:$0xA] =	stream.indirect.gather [hbm4b:s4+s24], $0x40, s6, s24, $0xb8;
	[tilespmem:$0x1A800] =	vst v63  }
0x34: {  	_ =	swait.ge [sflag:s29], $0x100  }
0x35: {  	[sflag:s29] =	ssyncset.done $0x0  }
0x36: {  	s6 =	simm.s32 $0x4800;
	[sflag:s29] =	ssyncadd.s32 $0xFFFFFF00  }
0x37: {  	[tilespmem:s6], [sflag:$0xB] =	stream.indirect.gather [hbm4b:s4+s24], $0x40, s7, s24, $0xb8;
	[tilespmem:$0x1A800] =	vst v63  }
0x38: {  	_ =	swait.ge [sflag:s1], $0x100  }
0x39: {  	[sflag:s1] =	ssyncset.done $0x0  }
0x3a: {  	s21 =	simm.s32 $0x6800;
	[sflag:s1] =	ssyncadd.s32 $0xFFFFFF00  }
0x3b: {  	[tilespmem:s21], [sflag:$0xC] =	stream.indirect.gather [hbm4b:s4+s24], $0x40, s10, s24, $0xb8;
	[tilespmem:$0x1A800] =	vst v63  }
0x3c: {  	s9 =	simm.s32 $0x5;
	[bflag:$0x0] =	sbarrier.arrive $0xFFFF  }
0x3d: {  	_ =	swait.ge [sflag:s9], $0x100  }
0x3e: {  	[sflag:s9] =	ssyncset.done $0x0;
	s28 =	rddreg [dreg:$0x3]  }
0x3f: {  	s7 =	simm.s32 $0x8800;
	[sflag:s9] =	ssyncadd.s32 $0xFFFFFF00;
	s28 =	sadd.s32 $0x0, s28  }
0x40: {  	[tilespmem:s7], [sflag:$0xD] =	stream.indirect.gather [hbm4b:s4+s24], $0x40, s11, s24, $0xb8;
	[tilespmem:$0x1A800] =	vst v63  }
0x41: {  	s12 =	simm.s32 $0x500;
	s8 =	simm.s32 $0x9;
	s10 =	sadd.s32 $0xA0, s28  }
0x42: {  	[tilespmem:s12], [sflag:$0x6] =	stream.linear.gather [hbm4b:s10+s3], $0x100, $0x38;
	[tilespmem:$0x1A800] =	vst v63  }
0x43: {  	_ =	swait.ge [sflag:s8], $0x2000  }
0x44: {  	[sflag:s8] =	ssyncset.done $0x0  }
0x45: {  	[sflag:s8] =	ssyncadd.s32 $0xFFFFE000  }
0x46: {  	[spmem:s2] =	stream.indirect.scatter.add.f32 [tilespmem:s5], [sflag:$0x11], $0x40, s24, s24, $0xb8;
	[tilespmem:$0x1A800] =	vst v63  }
0x47: {  	_ =	swait.ge [sflag:s22], $0x2000  }
0x48: {  	[sflag:s22] =	ssyncset.done $0x0  }
0x49: {  	s30 =	simm.s32 $0x6;
	[sflag:s22] =	ssyncadd.s32 $0xFFFFE000  }
0x4a: {  	_ =	swait.ge [sflag:s30], $0x100  }
0x4b: {  	[sflag:s30] =	ssyncset.done $0x0  }
0x4c: {  	s8 =	simm.s32 $0xA800;
	[sflag:s30] =	ssyncadd.s32 $0xFFFFFF00  }
0x4d: {  	[tilespmem:s8], [sflag:$0xE] =	stream.indirect.gather [hbm4b:s4+s24], $0x40, s12, s24, $0xb8;
	[tilespmem:$0x1A800] =	vst v63  }
0x4e: {  	s9 =	sadd.s32 $0xC0, s28;
	s10 =	simm.s32 $0x600  }
0x4f: {  	[tilespmem:s10], [sflag:$0x7] =	stream.linear.gather [hbm4b:s9+s3], $0x100, $0x38;
	[tilespmem:$0x1A800] =	vst v63  }
0x50: {  	s9 =	simm.s32 $0xA  }
0x51: {  	_ =	swait.ge [sflag:s9], $0x2000  }
0x52: {  	[sflag:s9] =	ssyncset.done $0x0  }
0x53: {  	s12 =	simm.s32 $0x180;
	[sflag:s9] =	ssyncadd.s32 $0xFFFFE000  }
0x54: {  	[spmem:s2] =	stream.indirect.scatter.add.f32 [tilespmem:s15], [sflag:$0x11], $0x40, s12, s24, $0xb8;
	[tilespmem:$0x1A800] =	vst v63  }
0x55: {  	_ =	swait.ge [sflag:s22], $0x2000  }
0x56: {  	[sflag:s22] =	ssyncset.done $0x0  }
0x57: {  	s30 =	simm.s32 $0x7;
	[sflag:s22] =	ssyncadd.s32 $0xFFFFE000  }
0x58: {  	_ =	swait.ge [sflag:s30], $0x100  }
0x59: {  	[sflag:s30] =	ssyncset.done $0x0  }
0x5a: {  	s9 =	simm.s32 $0xC800;
	[sflag:s30] =	ssyncadd.s32 $0xFFFFFF00  }
0x5b: {  	[tilespmem:s9], [sflag:$0xF] =	stream.indirect.gather [hbm4b:s4+s24], $0x40, s10, s24, $0xb8;
	[tilespmem:$0x1A800] =	vst v63  }
0x5c: {  	s12 =	sadd.s32 $0xE0, s28;
	s10 =	simm.s32 $0x700  }
0x5d: {  	[tilespmem:s10], [sflag:$0x8] =	stream.linear.gather [hbm4b:s12+s3], $0x100, $0x38;
	[tilespmem:$0x1A800] =	vst v63  }
0x5e: {  	_ =	swait.ge [sflag:s16], $0x2000  }
0x5f: {  	[sflag:s16] =	ssyncset.done $0x0  }
0x60: {  	s12 =	simm.s32 $0x280;
	[sflag:s16] =	ssyncadd.s32 $0xFFFFE000  }
0x61: {  	[spmem:s2] =	stream.indirect.scatter.add.f32 [tilespmem:s6], [sflag:$0x11], $0x40, s12, s24, $0xb8;
	[tilespmem:$0x1A800] =	vst v63  }
0x62: {  	_ =	swait.ge [sflag:s22], $0x2000  }
0x63: {  	[sflag:s22] =	ssyncset.done $0x0  }
0x64: {  	[sflag:s22] =	ssyncadd.s32 $0xFFFFE000  }
0x65: {  	_ =	swait.ge [sflag:s13], $0x100  }
0x66: {  	[sflag:s13] =	ssyncset.done $0x0  }
0x67: {  	s12 =	simm.s32 $0xE800;
	[sflag:s13] =	ssyncadd.s32 $0xFFFFFF00  }
0x68: {  	[tilespmem:s12], [sflag:$0x10] =	stream.indirect.gather [hbm4b:s4+s24], $0x40, s10, s24, $0xb8;
	[tilespmem:$0x1A800] =	vst v63  }
0x69: {  	s10 =	sadd.s32 $0x100, s28  }
0x6a: {  	[tilespmem:s3], [sflag:$0x1] =	stream.linear.gather [hbm4b:s10+s3], $0x100, $0x38;
	[tilespmem:$0x1A800] =	vst v63  }
0x6b: {  	_ =	swait.ge [sflag:s17], $0x2000  }
0x6c: {  	[sflag:s17] =	ssyncset.done $0x0  }
0x6d: {  	s30 =	simm.s32 $0x380;
	[sflag:s17] =	ssyncadd.s32 $0xFFFFE000  }
0x6e: {  	[spmem:s2] =	stream.indirect.scatter.add.f32 [tilespmem:s21], [sflag:$0x11], $0x40, s30, s24, $0xb8;
	[tilespmem:$0x1A800] =	vst v63  }
0x6f: {  	_ =	swait.ge [sflag:s22], $0x2000  }
0x70: {  	[sflag:s22] =	ssyncset.done $0x0  }
0x71: {  	[sflag:s22] =	ssyncadd.s32 $0xFFFFE000  }
0x72: {  	_ =	swait.ge [sflag:s23], $0x100  }
0x73: {  	[sflag:s23] =	ssyncset.done $0x0  }
0x74: {  	[sflag:s23] =	ssyncadd.s32 $0xFFFFFF00  }
0x75: {  	[tilespmem:s5], [sflag:$0x9] =	stream.indirect.gather [hbm4b:s4+s24], $0x40, s3, s24, $0xb8;
	[tilespmem:$0x1A800] =	vst v63  }
0x76: {  	s31 =	simm.s32 $0x100;
	s23 =	sadd.s32 $0x120, s28  }
0x77: {  	[tilespmem:s31], [sflag:$0x2] =	stream.linear.gather [hbm4b:s23+s3], $0x100, $0x38;
	[tilespmem:$0x1A800] =	vst v63  }
0x78: {  	_ =	swait.ge [sflag:s18], $0x2000  }
0x79: {  	[sflag:s18] =	ssyncset.done $0x0  }
0x7a: {  	s30 =	simm.s32 $0x480;
	[sflag:s18] =	ssyncadd.s32 $0xFFFFE000  }
0x7b: {  	[spmem:s2] =	stream.indirect.scatter.add.f32 [tilespmem:s7], [sflag:$0x11], $0x40, s30, s24, $0xb8;
	[tilespmem:$0x1A800] =	vst v63  }
0x7c: {  	_ =	swait.ge [sflag:s22], $0x2000  }
0x7d: {  	[sflag:s22] =	ssyncset.done $0x0  }
0x7e: {  	[sflag:s22] =	ssyncadd.s32 $0xFFFFE000  }
0x7f: {  	_ =	swait.ge [sflag:s26], $0x100  }
0x80: {  	[sflag:s26] =	ssyncset.done $0x0  }
0x81: {  	[sflag:s26] =	ssyncadd.s32 $0xFFFFFF00  }
0x82: {  	[tilespmem:s15], [sflag:$0xA] =	stream.indirect.gather [hbm4b:s4+s24], $0x40, s31, s24, $0xb8;
	[tilespmem:$0x1A800] =	vst v63  }
0x83: {  	s14 =	simm.s32 $0x200;
	s7 =	sadd.s32 $0x140, s28  }
0x84: {  	[tilespmem:s14], [sflag:$0x3] =	stream.linear.gather [hbm4b:s7+s3], $0x100, $0x38;
	[tilespmem:$0x1A800] =	vst v63  }
0x85: {  	_ =	swait.ge [sflag:s19], $0x2000  }
0x86: {  	[sflag:s19] =	ssyncset.done $0x0  }
0x87: {  	s10 =	simm.s32 $0x580;
	[sflag:s19] =	ssyncadd.s32 $0xFFFFE000  }
0x88: {  	[spmem:s2] =	stream.indirect.scatter.add.f32 [tilespmem:s8], [sflag:$0x11], $0x40, s10, s24, $0xb8;
	[tilespmem:$0x1A800] =	vst v63  }
0x89: {  	_ =	swait.ge [sflag:s22], $0x2000  }
0x8a: {  	[sflag:s22] =	ssyncset.done $0x0  }
0x8b: {  	[sflag:s22] =	ssyncadd.s32 $0xFFFFE000  }
0x8c: {  	_ =	swait.ge [sflag:s29], $0x100  }
0x8d: {  	[sflag:s29] =	ssyncset.done $0x0  }
0x8e: {  	[sflag:s29] =	ssyncadd.s32 $0xFFFFFF00  }
0x8f: {  	[tilespmem:s6], [sflag:$0xB] =	stream.indirect.gather [hbm4b:s4+s24], $0x40, s14, s24, $0xb8;
	[tilespmem:$0x1A800] =	vst v63  }
0x90: {  	s0 =	simm.s32 $0x300;
	s15 =	sadd.s32 $0x160, s28  }
0x91: {  	[tilespmem:s0], [sflag:$0x4] =	stream.linear.gather [hbm4b:s15+s3], $0x100, $0x38;
	[tilespmem:$0x1A800] =	vst v63  }
0x92: {  	_ =	swait.ge [sflag:s20], $0x2000  }
0x93: {  	[sflag:s20] =	ssyncset.done $0x0  }
0x94: {  	s26 =	simm.s32 $0x680;
	[sflag:s20] =	ssyncadd.s32 $0xFFFFE000  }
0x95: {  	[spmem:s2] =	stream.indirect.scatter.add.f32 [tilespmem:s9], [sflag:$0x11], $0x40, s26, s24, $0xb8;
	[tilespmem:$0x1A800] =	vst v63  }
0x96: {  	_ =	swait.ge [sflag:s22], $0x2000  }
0x97: {  	[sflag:s22] =	ssyncset.done $0x0  }
0x98: {  	[sflag:s22] =	ssyncadd.s32 $0xFFFFE000  }
0x99: {  	_ =	swait.ge [sflag:s1], $0x100  }
0x9a: {  	[sflag:s1] =	ssyncset.done $0x0  }
0x9b: {  	s23 =	simm.s32 $0x300;
	[sflag:s1] =	ssyncadd.s32 $0xFFFFFF00  }
0x9c: {  	[tilespmem:s21], [sflag:$0xC] =	stream.indirect.gather [hbm4b:s4+s24], $0x40, s23, s24, $0xb8;
	[tilespmem:$0x1A800] =	vst v63  }
0x9d: {  	s28 =	sadd.s32 $0x180, s28  }
0x9e: {  	[tilespmem:s11], [sflag:$0x5] =	stream.linear.gather [hbm4b:s28+s3], $0x100, $0x38;
	[tilespmem:$0x1A800] =	vst v63  }
0x9f: {  	_ =	swait.ge [sflag:s25], $0x2000  }
0xa0: {  	s30 =	simm.s32 $0x780;
	s31 =	simm.s32 $0x3;
	[sflag:s25] =	ssyncset.done $0x0  }
0xa1: {  	s29 =	simm.s32 $0x2;
	s26 =	simm.s32 $0x1;
	[sflag:s25] =	ssyncadd.s32 $0xFFFFE000  }
0xa2: {  	[spmem:s2] =	stream.indirect.scatter.add.f32 [tilespmem:s12], [sflag:$0x11], $0x40, s30, s24, $0xb8;
	[tilespmem:$0x1A800] =	vst v63  }
0xa3: {  	s1 =	simm.s32 $0x4;
	s28 =	simm.s32 $0x100;
	_ =	swait.ge [sflag:s22], $0x2000  }
.LBB2_2:
0xa4: {  	[sflag:s22] =	ssyncset.done $0x0  }
0xa5: {  	s5 =	simm.s32 $0x5;
	[sflag:s22] =	ssyncadd.s32 $0xFFFFE000  }
0xa6: {  	s30 =	smov.u32 s28;
	_ =	swait.ge [sflag:s5], $0x100  }
0xa7: {  	s11 =	simm.s32 $0x400;
	[sflag:s5] =	ssyncset.done $0x0;
	s0 =	rddreg [dreg:$0x3]  }
0xa8: {  	s23 =	simm.s32 $0x8800;
	[sflag:s5] =	ssyncadd.s32 $0xFFFFFF00;
	s30 =	sadd.s32 s30, s0  }
0xa9: {  	[tilespmem:s23], [sflag:$0xD] =	stream.indirect.gather [hbm4b:s4+s24], $0x40, s11, s24, $0xb8;
	[tilespmem:$0x1A800] =	vst v63  }
0xaa: {  	s6 =	simm.s32 $0x500;
	s14 =	simm.s32 $0x9;
	s0 =	sadd.s32 $0xA0, s30  }
0xab: {  	[tilespmem:s6], [sflag:$0x6] =	stream.linear.gather [hbm4b:s0+s3], $0x100, $0x38;
	[tilespmem:$0x1A800] =	vst v63  }
0xac: {  	_ =	swait.ge [sflag:s14], $0x2000  }
0xad: {  	[sflag:s14] =	ssyncset.done $0x0  }
0xae: {  	s5 =	simm.s32 $0x800;
	[sflag:s14] =	ssyncadd.s32 $0xFFFFE000  }
0xaf: {  	[spmem:s2] =	stream.indirect.scatter.add.f32 [tilespmem:s5], [sflag:$0x11], $0x40, s24, s24, $0xb8;
	[tilespmem:$0x1A800] =	vst v63  }
0xb0: {  	_ =	swait.ge [sflag:s22], $0x2000  }
0xb1: {  	[sflag:s22] =	ssyncset.done $0x0  }
0xb2: {  	s15 =	simm.s32 $0x6;
	[sflag:s22] =	ssyncadd.s32 $0xFFFFE000  }
0xb3: {  	_ =	swait.ge [sflag:s15], $0x100  }
0xb4: {  	[sflag:s15] =	ssyncset.done $0x0  }
0xb5: {  	s8 =	simm.s32 $0xA800;
	[sflag:s15] =	ssyncadd.s32 $0xFFFFFF00  }
0xb6: {  	[tilespmem:s8], [sflag:$0xE] =	stream.indirect.gather [hbm4b:s4+s24], $0x40, s6, s24, $0xb8;
	[tilespmem:$0x1A800] =	vst v63  }
0xb7: {  	s7 =	simm.s32 $0x600;
	s9 =	simm.s32 $0xA;
	s21 =	sadd.s32 $0xC0, s30  }
0xb8: {  	[tilespmem:s7], [sflag:$0x7] =	stream.linear.gather [hbm4b:s21+s3], $0x100, $0x38;
	[tilespmem:$0x1A800] =	vst v63  }
0xb9: {  	_ =	swait.ge [sflag:s9], $0x2000  }
0xba: {  	[sflag:s9] =	ssyncset.done $0x0  }
0xbb: {  	s12 =	simm.s32 $0x180;
	s21 =	simm.s32 $0x2800;
	[sflag:s9] =	ssyncadd.s32 $0xFFFFE000  }
0xbc: {  	[spmem:s2] =	stream.indirect.scatter.add.f32 [tilespmem:s21], [sflag:$0x11], $0x40, s12, s24, $0xb8;
	[tilespmem:$0x1A800] =	vst v63  }
0xbd: {  	_ =	swait.ge [sflag:s22], $0x2000  }
0xbe: {  	[sflag:s22] =	ssyncset.done $0x0  }
0xbf: {  	s14 =	simm.s32 $0x7;
	[sflag:s22] =	ssyncadd.s32 $0xFFFFE000  }
0xc0: {  	_ =	swait.ge [sflag:s14], $0x100  }
0xc1: {  	[sflag:s14] =	ssyncset.done $0x0  }
0xc2: {  	s9 =	simm.s32 $0xC800;
	[sflag:s14] =	ssyncadd.s32 $0xFFFFFF00  }
0xc3: {  	[tilespmem:s9], [sflag:$0xF] =	stream.indirect.gather [hbm4b:s4+s24], $0x40, s7, s24, $0xb8;
	[tilespmem:$0x1A800] =	vst v63  }
0xc4: {  	s15 =	sadd.s32 $0xE0, s30;
	s7 =	simm.s32 $0x700  }
0xc5: {  	[tilespmem:s7], [sflag:$0x8] =	stream.linear.gather [hbm4b:s15+s3], $0x100, $0x38;
	[tilespmem:$0x1A800] =	vst v63  }
0xc6: {  	_ =	swait.ge [sflag:s16], $0x2000  }
0xc7: {  	[sflag:s16] =	ssyncset.done $0x0  }
0xc8: {  	s6 =	simm.s32 $0x4800;
	s12 =	simm.s32 $0x280;
	[sflag:s16] =	ssyncadd.s32 $0xFFFFE000  }
0xc9: {  	[spmem:s2] =	stream.indirect.scatter.add.f32 [tilespmem:s6], [sflag:$0x11], $0x40, s12, s24, $0xb8;
	[tilespmem:$0x1A800] =	vst v63  }
0xca: {  	_ =	swait.ge [sflag:s22], $0x2000  }
0xcb: {  	[sflag:s22] =	ssyncset.done $0x0  }
0xcc: {  	[sflag:s22] =	ssyncadd.s32 $0xFFFFE000  }
0xcd: {  	_ =	swait.ge [sflag:s13], $0x100  }
0xce: {  	[sflag:s13] =	ssyncset.done $0x0  }
0xcf: {  	s12 =	simm.s32 $0xE800;
	[sflag:s13] =	ssyncadd.s32 $0xFFFFFF00  }
0xd0: {  	[tilespmem:s12], [sflag:$0x10] =	stream.indirect.gather [hbm4b:s4+s24], $0x40, s7, s24, $0xb8;
	[tilespmem:$0x1A800] =	vst v63  }
0xd1: {  	s14 =	sadd.s32 $0x100, s30  }
0xd2: {  	[tilespmem:s3], [sflag:$0x1] =	stream.linear.gather [hbm4b:s14+s3], $0x100, $0x38;
	[tilespmem:$0x1A800] =	vst v63  }
0xd3: {  	_ =	swait.ge [sflag:s17], $0x2000  }
0xd4: {  	[sflag:s17] =	ssyncset.done $0x0  }
0xd5: {  	s15 =	simm.s32 $0x380;
	s7 =	simm.s32 $0x6800;
	[sflag:s17] =	ssyncadd.s32 $0xFFFFE000  }
0xd6: {  	[spmem:s2] =	stream.indirect.scatter.add.f32 [tilespmem:s7], [sflag:$0x11], $0x40, s15, s24, $0xb8;
	[tilespmem:$0x1A800] =	vst v63  }
0xd7: {  	_ =	swait.ge [sflag:s22], $0x2000  }
0xd8: {  	[sflag:s22] =	ssyncset.done $0x0  }
0xd9: {  	[sflag:s22] =	ssyncadd.s32 $0xFFFFE000  }
0xda: {  	_ =	swait.ge [sflag:s26], $0x100  }
0xdb: {  	[sflag:s26] =	ssyncset.done $0x0  }
0xdc: {  	[sflag:s26] =	ssyncadd.s32 $0xFFFFFF00  }
0xdd: {  	[tilespmem:s5], [sflag:$0x9] =	stream.indirect.gather [hbm4b:s4+s24], $0x40, s3, s24, $0xb8;
	[tilespmem:$0x1A800] =	vst v63  }
0xde: {  	s0 =	sadd.s32 $0x120, s30;
	s14 =	simm.s32 $0x100  }
0xdf: {  	[tilespmem:s14], [sflag:$0x2] =	stream.linear.gather [hbm4b:s0+s3], $0x100, $0x38;
	[tilespmem:$0x1A800] =	vst v63  }
0xe0: {  	_ =	swait.ge [sflag:s18], $0x2000  }
0xe1: {  	[sflag:s18] =	ssyncset.done $0x0  }
0xe2: {  	s5 =	simm.s32 $0x480;
	[sflag:s18] =	ssyncadd.s32 $0xFFFFE000  }
0xe3: {  	[spmem:s2] =	stream.indirect.scatter.add.f32 [tilespmem:s23], [sflag:$0x11], $0x40, s5, s24, $0xb8;
	[tilespmem:$0x1A800] =	vst v63  }
0xe4: {  	_ =	swait.ge [sflag:s22], $0x2000  }
0xe5: {  	[sflag:s22] =	ssyncset.done $0x0  }
0xe6: {  	[sflag:s22] =	ssyncadd.s32 $0xFFFFE000  }
0xe7: {  	_ =	swait.ge [sflag:s29], $0x100  }
0xe8: {  	[sflag:s29] =	ssyncset.done $0x0  }
0xe9: {  	[sflag:s29] =	ssyncadd.s32 $0xFFFFFF00  }
0xea: {  	[tilespmem:s21], [sflag:$0xA] =	stream.indirect.gather [hbm4b:s4+s24], $0x40, s14, s24, $0xb8;
	[tilespmem:$0x1A800] =	vst v63  }
0xeb: {  	s23 =	sadd.s32 $0x140, s30;
	s14 =	simm.s32 $0x200  }
0xec: {  	[tilespmem:s14], [sflag:$0x3] =	stream.linear.gather [hbm4b:s23+s3], $0x100, $0x38;
	[tilespmem:$0x1A800] =	vst v63  }
0xed: {  	_ =	swait.ge [sflag:s19], $0x2000  }
0xee: {  	[sflag:s19] =	ssyncset.done $0x0  }
0xef: {  	s23 =	simm.s32 $0x580;
	[sflag:s19] =	ssyncadd.s32 $0xFFFFE000  }
0xf0: {  	[spmem:s2] =	stream.indirect.scatter.add.f32 [tilespmem:s8], [sflag:$0x11], $0x40, s23, s24, $0xb8;
	[tilespmem:$0x1A800] =	vst v63  }
0xf1: {  	_ =	swait.ge [sflag:s22], $0x2000  }
0xf2: {  	[sflag:s22] =	ssyncset.done $0x0  }
0xf3: {  	[sflag:s22] =	ssyncadd.s32 $0xFFFFE000  }
0xf4: {  	_ =	swait.ge [sflag:s31], $0x100  }
0xf5: {  	[sflag:s31] =	ssyncset.done $0x0  }
0xf6: {  	[sflag:s31] =	ssyncadd.s32 $0xFFFFFF00  }
0xf7: {  	[tilespmem:s6], [sflag:$0xB] =	stream.indirect.gather [hbm4b:s4+s24], $0x40, s14, s24, $0xb8;
	[tilespmem:$0x1A800] =	vst v63  }
0xf8: {  	s10 =	simm.s32 $0x300;
	s8 =	sadd.s32 $0x160, s30  }
0xf9: {  	[tilespmem:s10], [sflag:$0x4] =	stream.linear.gather [hbm4b:s8+s3], $0x100, $0x38;
	[tilespmem:$0x1A800] =	vst v63  }
0xfa: {  	_ =	swait.ge [sflag:s20], $0x2000  }
0xfb: {  	[sflag:s20] =	ssyncset.done $0x0  }
0xfc: {  	s10 =	simm.s32 $0x680;
	[sflag:s20] =	ssyncadd.s32 $0xFFFFE000  }
0xfd: {  	[spmem:s2] =	stream.indirect.scatter.add.f32 [tilespmem:s9], [sflag:$0x11], $0x40, s10, s24, $0xb8;
	[tilespmem:$0x1A800] =	vst v63  }
0xfe: {  	_ =	swait.ge [sflag:s22], $0x2000  }
0xff: {  	[sflag:s22] =	ssyncset.done $0x0  }
0x100: {  	[sflag:s22] =	ssyncadd.s32 $0xFFFFE000  }
0x101: {  	_ =	swait.ge [sflag:s1], $0x100  }
0x102: {  	[sflag:s1] =	ssyncset.done $0x0  }
0x103: {  	s10 =	simm.s32 $0x300;
	[sflag:s1] =	ssyncadd.s32 $0xFFFFFF00  }
0x104: {  	[tilespmem:s7], [sflag:$0xC] =	stream.indirect.gather [hbm4b:s4+s24], $0x40, s10, s24, $0xb8;
	[tilespmem:$0x1A800] =	vst v63  }
0x105: {  	p0 =	sne.s32 s28, $0x800;
	s14 =	sadd.s32 $0x180, s30  }
0x106: {  	[tilespmem:s11], [sflag:$0x5] =	stream.linear.gather [hbm4b:s14+s3], $0x100, $0x38;
	[tilespmem:$0x1A800] =	vst v63  }
.Ltmp0:
0x107: {  	s28 =	sadd.s32 $0x100, s28;
	_ =	swait.ge [sflag:s25], $0x2000;
	(pc) =	sbr.rel @p0 .LBB2_2-.Ltmp0, $4  }
0x108: {  	s15 =	simm.s32 $0x800;
	s5 =	simm.s32 $0x2800;
	[sflag:s25] =	ssyncset.done $0x0  }
0x109: {  	s21 =	simm.s32 $0x4800;
	s23 =	simm.s32 $0x780;
	[sflag:s25] =	ssyncadd.s32 $0xFFFFE000  }
0x10a: {  	[spmem:s2] =	stream.indirect.scatter.add.f32 [tilespmem:s12], [sflag:$0x11], $0x40, s23, s24, $0xb8;
	[tilespmem:$0x1A800] =	vst v63  }
0x10b: {  	s6 =	simm.s32 $0x6800;
	s30 =	simm.s32 $0x400;
	_ =	swait.ge [sflag:s22], $0x2000  }
0x10c: {  	[sflag:s22] =	ssyncset.done $0x0  }
0x10d: {  	s0 =	simm.s32 $0x5;
	[sflag:s22] =	ssyncadd.s32 $0xFFFFE000  }
0x10e: {  	_ =	swait.ge [sflag:s0], $0x100  }
0x10f: {  	[sflag:s0] =	ssyncset.done $0x0  }
0x110: {  	s7 =	simm.s32 $0x8800;
	[sflag:s0] =	ssyncadd.s32 $0xFFFFFF00  }
0x111: {  	[tilespmem:s7], [sflag:$0xD] =	stream.indirect.gather [hbm4b:s4+s24], $0x40, s30, s24, $0xb8;
	[tilespmem:$0x1A800] =	vst v63  }
0x112: {  	s1 =	simm.s32 $0x500;
	s31 =	simm.s32 $0x9;
	s26 =	rddreg [dreg:$0x9]  }
0x113: {  	[tilespmem:s1], [sflag:$0x6] =	stream.linear.gather [hbm4b:s26+s3], $0x100, $0x38;
	[tilespmem:$0x1A800] =	vst v63  }
0x114: {  	_ =	swait.ge [sflag:s31], $0x2000  }
0x115: {  	[sflag:s31] =	ssyncset.done $0x0  }
0x116: {  	[sflag:s31] =	ssyncadd.s32 $0xFFFFE000  }
0x117: {  	[spmem:s2] =	stream.indirect.scatter.add.f32 [tilespmem:s15], [sflag:$0x11], $0x40, s24, s24, $0xb8;
	[tilespmem:$0x1A800] =	vst v63  }
0x118: {  	_ =	swait.ge [sflag:s22], $0x2000  }
0x119: {  	[sflag:s22] =	ssyncset.done $0x0  }
0x11a: {  	s8 =	simm.s32 $0x6;
	[sflag:s22] =	ssyncadd.s32 $0xFFFFE000  }
0x11b: {  	_ =	swait.ge [sflag:s8], $0x100  }
0x11c: {  	[sflag:s8] =	ssyncset.done $0x0  }
0x11d: {  	[sflag:s8] =	ssyncadd.s32 $0xFFFFFF00;
	s8 =	simm.s32 $0xA800  }
0x11e: {  	[tilespmem:s8], [sflag:$0xE] =	stream.indirect.gather [hbm4b:s4+s24], $0x40, s1, s24, $0xb8;
	[tilespmem:$0x1A800] =	vst v63  }
0x11f: {  	s11 =	simm.s32 $0x600;
	s12 =	simm.s32 $0xA;
	s9 =	rddreg [dreg:$0xa]  }
0x120: {  	[tilespmem:s11], [sflag:$0x7] =	stream.linear.gather [hbm4b:s9+s3], $0x100, $0x38;
	[tilespmem:$0x1A800] =	vst v63  }
0x121: {  	_ =	swait.ge [sflag:s12], $0x2000  }
0x122: {  	[sflag:s12] =	ssyncset.done $0x0  }
0x123: {  	s14 =	simm.s32 $0x180;
	[sflag:s12] =	ssyncadd.s32 $0xFFFFE000  }
0x124: {  	[spmem:s2] =	stream.indirect.scatter.add.f32 [tilespmem:s5], [sflag:$0x11], $0x40, s14, s24, $0xb8;
	[tilespmem:$0x1A800] =	vst v63  }
0x125: {  	_ =	swait.ge [sflag:s22], $0x2000  }
0x126: {  	[sflag:s22] =	ssyncset.done $0x0  }
0x127: {  	s15 =	simm.s32 $0x7;
	[sflag:s22] =	ssyncadd.s32 $0xFFFFE000  }
0x128: {  	_ =	swait.ge [sflag:s15], $0x100  }
0x129: {  	[sflag:s15] =	ssyncset.done $0x0  }
0x12a: {  	s5 =	simm.s32 $0xC800;
	[sflag:s15] =	ssyncadd.s32 $0xFFFFFF00  }
0x12b: {  	[tilespmem:s5], [sflag:$0xF] =	stream.indirect.gather [hbm4b:s4+s24], $0x40, s11, s24, $0xb8;
	[tilespmem:$0x1A800] =	vst v63  }
0x12c: {  	s26 =	simm.s32 $0x700;
	s23 =	rddreg [dreg:$0xb]  }
0x12d: {  	[tilespmem:s26], [sflag:$0x8] =	stream.linear.gather [hbm4b:s23+s3], $0x100, $0x38;
	[tilespmem:$0x1A800] =	vst v63  }
0x12e: {  	_ =	swait.ge [sflag:s16], $0x2000  }
0x12f: {  	[sflag:s16] =	ssyncset.done $0x0  }
0x130: {  	s31 =	simm.s32 $0x280;
	[sflag:s16] =	ssyncadd.s32 $0xFFFFE000  }
0x131: {  	[spmem:s2] =	stream.indirect.scatter.add.f32 [tilespmem:s21], [sflag:$0x11], $0x40, s31, s24, $0xb8;
	[tilespmem:$0x1A800] =	vst v63  }
0x132: {  	_ =	swait.ge [sflag:s22], $0x2000  }
0x133: {  	[sflag:s22] =	ssyncset.done $0x0  }
0x134: {  	[sflag:s22] =	ssyncadd.s32 $0xFFFFE000  }
0x135: {  	_ =	swait.ge [sflag:s13], $0x100  }
0x136: {  	[sflag:s13] =	ssyncset.done $0x0  }
0x137: {  	s9 =	simm.s32 $0xE800;
	[sflag:s13] =	ssyncadd.s32 $0xFFFFFF00  }
0x138: {  	[tilespmem:s9], [sflag:$0x10] =	stream.indirect.gather [hbm4b:s4+s24], $0x40, s26, s24, $0xb8;
	[tilespmem:$0x1A800] =	vst v63  }
0x139: {  	_ =	swait.ge [sflag:s17], $0x2000  }
0x13a: {  	[sflag:s17] =	ssyncset.done $0x0  }
0x13b: {  	s11 =	simm.s32 $0x380;
	[sflag:s17] =	ssyncadd.s32 $0xFFFFE000  }
0x13c: {  	[spmem:s2] =	stream.indirect.scatter.add.f32 [tilespmem:s6], [sflag:$0x11], $0x40, s11, s24, $0xb8;
	[tilespmem:$0x1A800] =	vst v63  }
0x13d: {  	_ =	swait.ge [sflag:s22], $0x2000  }
0x13e: {  	[sflag:s22] =	ssyncset.done $0x0  }
0x13f: {  	[sflag:s22] =	ssyncadd.s32 $0xFFFFE000  }
0x140: {  	_ =	swait.ge [sflag:s18], $0x2000  }
0x141: {  	[sflag:s18] =	ssyncset.done $0x0  }
0x142: {  	s12 =	simm.s32 $0x480;
	[sflag:s18] =	ssyncadd.s32 $0xFFFFE000  }
0x143: {  	[spmem:s2] =	stream.indirect.scatter.add.f32 [tilespmem:s7], [sflag:$0x11], $0x40, s12, s24, $0xb8;
	[tilespmem:$0x1A800] =	vst v63  }
0x144: {  	_ =	swait.ge [sflag:s22], $0x2000  }
0x145: {  	[sflag:s22] =	ssyncset.done $0x0  }
0x146: {  	[sflag:s22] =	ssyncadd.s32 $0xFFFFE000  }
0x147: {  	_ =	swait.ge [sflag:s19], $0x2000  }
0x148: {  	[sflag:s19] =	ssyncset.done $0x0  }
0x149: {  	s14 =	simm.s32 $0x580;
	[sflag:s19] =	ssyncadd.s32 $0xFFFFE000  }
0x14a: {  	[spmem:s2] =	stream.indirect.scatter.add.f32 [tilespmem:s8], [sflag:$0x11], $0x40, s14, s24, $0xb8;
	[tilespmem:$0x1A800] =	vst v63  }
0x14b: {  	_ =	swait.ge [sflag:s22], $0x2000  }
0x14c: {  	[sflag:s22] =	ssyncset.done $0x0  }
0x14d: {  	[sflag:s22] =	ssyncadd.s32 $0xFFFFE000  }
0x14e: {  	_ =	swait.ge [sflag:s20], $0x2000  }
0x14f: {  	[sflag:s20] =	ssyncset.done $0x0  }
0x150: {  	s15 =	simm.s32 $0x680;
	[sflag:s20] =	ssyncadd.s32 $0xFFFFE000  }
0x151: {  	[spmem:s2] =	stream.indirect.scatter.add.f32 [tilespmem:s5], [sflag:$0x11], $0x40, s15, s24, $0xb8;
	[tilespmem:$0x1A800] =	vst v63  }
0x152: {  	_ =	swait.ge [sflag:s22], $0x2000  }
0x153: {  	[sflag:s22] =	ssyncset.done $0x0  }
0x154: {  	[sflag:s22] =	ssyncadd.s32 $0xFFFFE000  }
0x155: {  	_ =	swait.ge [sflag:s25], $0x2000  }
0x156: {  	[sflag:s25] =	ssyncset.done $0x0  }
0x157: {  	s21 =	simm.s32 $0x780;
	[sflag:s25] =	ssyncadd.s32 $0xFFFFE000  }
0x158: {  	[spmem:s2] =	stream.indirect.scatter.add.f32 [tilespmem:s9], [sflag:$0x11], $0x40, s21, s24, $0xb8;
	[tilespmem:$0x1A800] =	vst v63  }
0x159: {  	_ =	swait.ge [sflag:s22], $0x2000  }
0x15a: {  	[sflag:s22] =	ssyncset.done $0x0  }
0x15b: {  	[sflag:s22] =	ssyncadd.s32 $0xFFFFE000  }
0x15c: {  	[bflag:$0x0] =	sbarrier.arrive $0xFFFF  }
0x15d: {  	s23 =	rddreg [dreg:$0xc]  }
0x15e: {  	s28 =	rddreg [dreg:$0xf]  }
0x15f: {  	s30 =	rddreg [dreg:$0x10]  }
0x160: {  	[hbm:s23], [sflag:s28] =	dma.local [spmem:s30], $0x1400  }
0x161: {  	_ =	swait.ge [sflag:s22], $0x1400  }
0x162: {  	s26 =	rddreg [dreg:$0x11]  }
0x163: {  	s31 =	rddreg [dreg:$0xd];
	s5 =	sadd.s32 $0x1, s26  }
0x164: {  	p0 =	sne.s32 s5, s31  }
.Ltmp1:
0x165: {  	_ = 	snop;
	(pc) =	sbr.rel @p0 .LBB2_1-.Ltmp1, $4  }
0x166: {  	_ = 	snop  }
0x167: {  	s29 =	simm.s32 $0x3;
	s1 =	simm.s32 $0x4  }
0x168: {  	s6 =	simm.s32 $0x100;
	s7 =	simm.s32 $0x200;
	[sflag:s22] =	ssyncset.done $0x0  }
0x169: {  	s23 =	simm.s32 $0x1;
	[sflag:s22] =	ssyncadd.s32 $0xFFFFEC00;
	s26 =	simm.s32 $0x2  }
0x16a: {  	_ =	sfence.sel $0x180000  }
0x16b: {  	[bflag:$0x0] =	sbarrier.arrive $0xFFFF  }
0x16c: {  	_ =	strace $0x9000004A  }
0x16d: {  	s0 =	stileid.u32;
	[bflag:$0x2] =	sbarrier.arrive $0xFFFF  }
0x16e: {  	p0 =	sne.s32 s0, $0x0;
	s0 =	rddreg [dreg:$0x2]  }
0x16f: {  	s0 =	sadd.s32 @!p0 $0x100000, s0  }
0x170: {  	[sflag:s0] =	ssyncadd.tile.s32 @!p0 $0x1;
	_ =	shalt  }
.Lfunc_end2:
_tile_overlayer_lowered:
.L_overlay_start_2:
0x171: {  	(tag) =	ssettag $0x2  }
0x172: {  	s0 =	rddreg [dreg:$0x0];
	s2 =	stileid.u32  }
0x173: {  	s1 =	rddreg [dreg:$0x1];
	p0 =	sne.s32 s2, $0x0  }
0x174: {  	s3 =	rddreg [dreg:$0x2];
	[bflag:$0x3] =	sbarrier.arrive $0xFFFF;
	s2 =	simm.s32 @!p0 $0x1C11  }
0x175: {  	[timem:s3], [sflag:s2] =	dma.local @!p0 [hbm:s0], s1  }
0x176: {  	s0 =	simm.s32 @!p0 $0x11  }
0x177: {  	_ =	swait.ge @!p0 [sflag:s0], s1  }
0x178: {  	s1 =	ssub.s32 @!p0 $0x0, s1;
	[sflag:s0] =	ssyncset.done @!p0 $0x0  }
0x179: {  	[sflag:s0] =	ssyncadd.s32 @!p0 s1  }
0x17a: {  	[bflag:$0x3] =	sbarrier.arrive $0xFFFF  }
0x17b: {  	_ =	shalt  }

// kernel: kernel.16.cloned.1.call-start
scs
__scs_entry_jumppad:
0x0: {  	(pc) =	sbr.rel $0x88, $3  }
0x1: {  	(tag) =	ssettag $0x0;
	lr =	simm.s32 $0x1  }
0x2: {  	[smem:$0x3F95] =	sst lr;
	_ =	strace $0xD0000000  }
0x3: {  	_ = 	snop  }
0x4: {  	_ = 	snop  }
0x5: {  	_ = 	snop  }
0x6: {  	_ = 	snop  }
0x7: {  	_ = 	snop  }
__scs_overlays_trampoline_lowered:
0x8: {  	[smem:$0x3FA4] =	sst s0  }
0x9: {  	[smem:$0x3FA5] =	sst s1  }
0xa: {  	[smem:$0x3FA6] =	sst s2  }
0xb: {  	[smem:$0x3FA7] =	sst s3  }
0xc: {  	[smem:$0x3FA8] =	sst s4  }
0xd: {  	[smem:$0x3FA9] =	sst s5  }
0xe: {  	[smem:$0x3FAA] =	sst s6  }
0xf: {  	[smem:$0x3FAB] =	sst s7  }
0x10: {  	[smem:$0x3FAC] =	sst s8  }
0x11: {  	[smem:$0x3FAD] =	sst s9;
	s0 =	simm.s32 @!p0 $0x0  }
0x12: {  	s1 =	sld [smem:$0x3F93];
	s0 =	simm.s32 @p0 $0x1  }
0x13: {  	[smem:$0x3FAE] =	sst s0;
	s0 =	simm.s32 @!p1 $0x0  }
0x14: {  	s2 =	sld [smem:$0x3F92];
	s0 =	simm.s32 @p1 $0x1  }
0x15: {  	[smem:$0x3FAF] =	sst s0;
	s0 =	simm.s32 @!p2 $0x0  }
0x16: {  	s3 =	sld [smem:$0x3FDB];
	s0 =	simm.s32 @p2 $0x1  }
0x17: {  	s4 =	simm.s32 $0x1BF5;
	[smem:$0x3FB1] =	sst s0  }
0x18: {  	s0 =	sld [smem:$0x3F94];
	_ =	swait.ge [sflag:s4], $0x0  }
0x19: {  	s7 =	sld [smem:$0x3F95]  }
0x1a: {  	s8 =	sadd.s32 $0xFFFFE003, lr  }
0x1b: {  	s9 =	sadd.s32 $0xFFFFFEF7, lr;
	s5 =	simm.s32 $0xFFFFFFFF;
	p2 =	slt.u32 s8, $0xFFFFF086  }
0x1c: {  	p1 =	slt.u32 s9, $0xF7A;
	s5 =	simm.s32 @!p2 $0x0  }
0x1d: {  	s5 =	simm.s32 @p1 $0x1;
	p0 =	seq.s32 s7, s2  }
0x1e: {  	s7 =	smul.u32 @!p0 $0xF7A, s2;
	p2 =	seq.s32 @!p0 s5, $0x0  }
0x1f: {  	s9 =	smul.u32 $0xF7A, s1;
	s8 =	simm.s32 @!p0 $0x1BF5;
	p2 =	por !p2, p0  }
0x20: {  	[sflag:s8] =	ssyncset.s32 @!p0 $0xFFFFF086;
	s6 =	sadd.s32 @!p0 s3, s7;
	s7 =	simm.s32 @!p0 $0x108  }
0x21: {  	s3 =	sadd.s32 s3, s9;
	s6 =	sadd.s32 @!p0 $0x88, s6;
	s7 =	simm.s32 @p2 $0x1082  }
0x22: {  	[simem:s7], [sflag:s8] =	dma.local @!p0 [hbm:s6], $0xF7A  }
0x23: {  	s9 =	sor.u32 $0xD0000000, s2;
	s6 =	simm.s32 $0x108;
	_ =	swait.ge @!p0 [sflag:s8], $0x0  }
0x24: {  	s3 =	sadd.s32 $0x88, s3;
	s6 =	simm.s32 @!p1 $0x1082;
	[sflag:s4] =	ssyncset.s32 $0xFFFFF086  }
0x25: {  	[simem:s6], [sflag:s4] =	dma.local [hbm:s3], $0xF7A  }
0x26: {  	[smem:$0x3F95] =	sst s1;
	(tag) =	ssettag s2;
	_ =	strace s9  }
0x27: {  	s1 =	sld [smem:$0x3FA5]  }
0x28: {  	s2 =	sld [smem:$0x3FA6]  }
0x29: {  	s4 =	sld [smem:$0x3FA8]  }
0x2a: {  	p0 =	seq.s32 s5, $0x0;
	s5 =	sld [smem:$0x3FA9]  }
0x2b: {  	s6 =	sld [smem:$0x3FAA]  }
0x2c: {  	s7 =	sld [smem:$0x3FAB]  }
0x2d: {  	s3 =	simm.s32 $0x108;
	s8 =	sld [smem:$0x3FAC]  }
0x2e: {  	s3 =	simm.s32 @!p0 $0x1082;
	s9 =	sld [smem:$0x3FAD]  }
0x2f: {  	lr =	sadd.s32 s0, s3;
	s0 =	sld [smem:$0x3FA4]  }
0x30: {  	s3 =	sld [smem:$0x3FA7]  }
0x31: {  	[smem:$0x3FB0] =	sst s10  }
0x32: {  	s10 =	sld [smem:$0x3FAE];
	_ =	sdelay $0x3  }
0x33: {  	p0 =	seq.s32 s10, $0x1;
	s10 =	sld [smem:$0x3FB0];
	_ =	sdelay $0x3  }
0x34: {  	[smem:$0x3FB0] =	sst s10  }
0x35: {  	s10 =	sld [smem:$0x3FAF];
	_ =	sdelay $0x3  }
0x36: {  	p1 =	seq.s32 s10, $0x1;
	s10 =	sld [smem:$0x3FB0];
	_ =	sdelay $0x3  }
0x37: {  	[smem:$0x3FB0] =	sst s10  }
0x38: {  	s10 =	sld [smem:$0x3FB1]  }
0x39: {  	_ = 	snop;
	(pc) =	sbr.ind lr, $3  }
0x3a: {  	_ = 	snop  }
0x3b: {  	_ = 	snop  }
0x3c: {  	p2 =	seq.s32 s10, $0x1;
	s10 =	sld [smem:$0x3FB0]  }
0x3d: {  	_ =	shalt  }
0x3e: {  	_ =	shalt  }
0x3f: {  	_ =	shalt  }
0x40: {  	_ =	shalt  }
0x41: {  	_ =	shalt  }
0x42: {  	_ =	shalt  }
0x43: {  	_ =	shalt  }
0x44: {  	_ =	shalt  }
0x45: {  	_ =	shalt  }
0x46: {  	_ =	shalt  }
0x47: {  	_ =	shalt  }
0x48: {  	_ =	shalt  }
0x49: {  	_ =	shalt  }
0x4a: {  	_ =	shalt  }
0x4b: {  	_ =	shalt  }
0x4c: {  	_ =	shalt  }
0x4d: {  	_ =	shalt  }
0x4e: {  	_ =	shalt  }
0x4f: {  	_ =	shalt  }
0x50: {  	_ =	shalt  }
0x51: {  	_ =	shalt  }
0x52: {  	_ =	shalt  }
0x53: {  	_ =	shalt  }
0x54: {  	_ =	shalt  }
0x55: {  	_ =	shalt  }
0x56: {  	_ =	shalt  }
0x57: {  	_ =	shalt  }
0x58: {  	_ =	shalt  }
0x59: {  	_ =	shalt  }
0x5a: {  	_ =	shalt  }
0x5b: {  	_ =	shalt  }
0x5c: {  	_ =	shalt  }
0x5d: {  	_ =	shalt  }
0x5e: {  	_ =	shalt  }
0x5f: {  	_ =	shalt  }
0x60: {  	_ =	shalt  }
0x61: {  	_ =	shalt  }
0x62: {  	_ =	shalt  }
0x63: {  	_ =	shalt  }
0x64: {  	_ =	shalt  }
0x65: {  	_ =	shalt  }
0x66: {  	_ =	shalt  }
0x67: {  	_ =	shalt  }
0x68: {  	_ =	shalt  }
0x69: {  	_ =	shalt  }
0x6a: {  	_ =	shalt  }
0x6b: {  	_ =	shalt  }
0x6c: {  	_ =	shalt  }
0x6d: {  	_ =	shalt  }
0x6e: {  	_ =	shalt  }
0x6f: {  	_ =	shalt  }
0x70: {  	_ =	shalt  }
0x71: {  	_ =	shalt  }
0x72: {  	_ =	shalt  }
0x73: {  	_ =	shalt  }
0x74: {  	_ =	shalt  }
0x75: {  	_ =	shalt  }
0x76: {  	_ =	shalt  }
0x77: {  	_ =	shalt  }
0x78: {  	_ =	shalt  }
0x79: {  	_ =	shalt  }
0x7a: {  	_ =	shalt  }
0x7b: {  	_ =	shalt  }
0x7c: {  	_ =	shalt  }
0x7d: {  	_ =	shalt  }
0x7e: {  	_ =	shalt  }
0x7f: {  	_ =	shalt  }
0x80: {  	_ =	shalt  }
0x81: {  	_ =	shalt  }
0x82: {  	_ =	shalt  }
0x83: {  	_ =	shalt  }
0x84: {  	_ =	shalt  }
0x85: {  	_ =	shalt  }
0x86: {  	_ =	shalt  }
0x87: {  	_ =	shalt  }
.Lfunc_end0:
.L_simem_size_0:
called_computation.2_lowered:
.L_overlay_start_0:
0x88: {  	s2 =	sld [smem:$0x3FD9]  }
0x89: {  	s3 =	sld [smem:$0x3FFE];
	_ =	sdelay $0x1  }
0x8a: {  	s1 =	srdreg.scid  }
0x8b: {  	s0 =	sand.u32 $0x1, s1  }
0x8c: {  	s16 =	sshll.u32 s0, $0xA;
	s2 =	sadd.s32 s3, s2  }
0x8d: {  	s2 =	sadd.s32 s2, s16  }
0x8e: {  	[smem:$0x3FBC] =	sst s2  }
0x8f: {  	_ = 	snop  }
0x90: {  	(tm) =	ssettm $0x1  }
0x91: {  	s17 =	sld [smem:$0x3FFB];
	_ =	sdelay $0x3  }
0x92: {  	_ =	strace s17  }
0x93: {  	s2 =	sld [smem:$0x3FFC];
	_ =	sdelay $0x3  }
0x94: {  	_ =	strace s2  }
0x95: {  	s2 =	sld [smem:$0x3FFD];
	_ =	sdelay $0x3  }
0x96: {  	_ =	strace s2  }
0x97: {  	_ =	strace $0x8FFFFFFF  }
0x98: {  	s18 =	sld [smem:$0x3FDB];
	_ =	sdelay $0x1  }
0x99: {  	s19 =	simm.s32 $_scs_section_size  }
0x9a: {  	s4 =	simm.s32 $_size__tile_overlayer_lowered;
	s5 =	simm.s32 $_tile_overlayer_lowered  }
0x9b: {  	s22 =	simm.s32 $0x1BFF;
	s21 =	sshll.u32 s5, $0x1;
	s2 =	sadd.s32 s19, s18  }
0x9c: {  	s6 =	simm.s32 $0x0;
	s20 =	sshll.u32 s4, $0x1;
	s4 =	sadd.s32 s21, s2  }
0x9d: {  	[timem:s6], [sflag:s22] =	dma.local [hbm:s4], s20  }
0x9e: {  	_ =	swait.ge [sflag:s22], s20  }
0x9f: {  	s3 =	ssub.s32 $0x0, s20;
	[sflag:s22] =	ssyncset.done $0x0  }
0xa0: {  	[sflag:s22] =	ssyncadd.s32 s3;
	_ =	sdelay $0x1  }
0xa1: {  	s23 =	simm.s32 $0x1B8B  }
0xa2: {  	_ =	swait.ge [sflag:s23], $0x1  }
0xa3: {  	[sflag:s23] =	ssyncset.done $0x0  }
0xa4: {  	s25 =	simm.s32 $0x1B8E;
	s24 =	sld [smem:$0x3FFE];
	[sflag:s23] =	ssyncadd.s32 $0xFFFFFFFF  }
0xa5: {  	s26 =	simm.s32 $execute0_lowered;
	[smem:$0x3FD2] =	sst s25  }
0xa6: {  	s4 =	sshll.u32 s26, $0x1;
	_ =	strace $0x8000004C;
	[dreg:$0x1] =	wrdreg $0xFFFFFFFF  }
0xa7: {  	s28 =	simm.s32 $_size_execute0_lowered;
	s2 =	sadd.s32 s2, s4;
	[dreg:$0x0] =	wrdreg $0x0  }
0xa8: {  	s4 =	sshll.u32 s28, $0x1;
	[dreg:$0x2] =	wrdreg s2  }
0xa9: {  	[dreg:$0x3] =	wrdreg s4  }
0xaa: {  	[dreg:$0x4] =	wrdreg $0xC0  }
0xab: {  	_ =	task [dreg:s6], $0x5FFFF  }
0xac: {  	[dreg:$0x1] =	wrdreg $0xFFFFFFFF  }
0xad: {  	[dreg:$0x0] =	wrdreg $0x60  }
0xae: {  	[dreg:$0x2] =	wrdreg s24  }
0xaf: {  	[dreg:$0x3] =	wrdreg $0x108000  }
0xb0: {  	[dreg:$0x4] =	wrdreg $0x9  }
0xb1: {  	_ =	task.clear_ibuf [dreg:s6], $0x5FFFF;
	_ =	strace $0x9000004C  }
0xb2: {  	s29 =	simm.s32 $0x9;
	_ =	strace $0x8000004E  }
0xb3: {  	_ =	swait.ge [sflag:s29], $0x1  }
0xb4: {  	[sflag:s29] =	ssyncadd.s32 $0xFFFFFFFF  }
0xb5: {  	_ =	strace $0x9000004E  }
0xb6: {  	_ =	sfence  }
0xb7: {  	s30 =	sld [smem:$0x0];
	_ =	sdelay $0x2  }
0xb8: {  	s31 =	sshll.u32 s1, $0xD;
	s1 =	sshrl.u32 s1, $0x2  }
0xb9: {  	s3 =	sand.u32 $0x4000, s31;
	s1 =	sadd.s32 s1, s30  }
0xba: {  	s0 =	sor.u32 s3, s0;
	s1 =	sshll.u32 s1, $0x11  }
0xbb: {  	s0 =	sor.u32 s1, s0  }
0xbc: {  	s0 =	sadd.s32 $0x8F2B, s0  }
0xbd: {  	[sflag:s0] =	ssyncadd.remote.s32 $0x1  }
0xbe: {  	_ =	sfence.sel $0xFFFF  }
0xbf: {  	[dreg:$0x0] =	wrdreg $0xFFFFFFFF;
	(pc) =	sbr.abs _section_cstart, $3  }
0xc0: {  	[dreg:$0x1] =	wrdreg $0xFFFFFFFF  }
0xc1: {  	_ =	task.clear_ibuf [dreg:s6], $0x2FFFF;
	_ =	strace $0x9FFFFFFF  }
0xc2: {  	(tm) =	ssettm $0x7FFFFFFF  }
0xc3: {  	_ =	shalt  }
tec
execute0_lowered:
.L_overlay_start_1:
0x0: {  	(tag) =	ssettag $0x1  }
0x1: {  	s0 =	rddreg [dreg:$0x0]  }
0x2: {  	s2 =	rddreg [dreg:$0x1];
	s1 =	srdreg.scid  }
0x3: {  	s12 =	stileid.u32;
	s3 =	simm.s32 $0x0;
	s29 =	simm.s32 $0x3  }
0x4: {  	s16 =	simm.s32 $0xB;
	s13 =	simm.s32 $0x8;
	s1 =	sand.u32 $0x1, s1  }
0x5: {  	s5 =	smul.u32 $0xA000, s12;
	[smem:$0x7FF] =	sst s3;
	s4 =	sadd.s32 $0x20A00, s0  }
0x6: {  	s8 =	sadd.s32 $0xCA00, s0;
	s10 =	sadd.s32 $0x34A00, s0;
	s24 =	smul.u32 $0xA00, s12  }
0x7: {  	s31 =	sshll.u32 s12, $0x6;
	s6 =	smul.u32 $0xA0000, s1;
	_ =	strace $0x8000004D  }
0x8: {  	s7 =	sshll.u32 s1, $0x4;
	s17 =	ssub.s32 $0x2, s1;
	p0 =	seq.s32 s1, $0x0  }
0x9: {  	s1 =	smul.u32 $0xA000, s1;
	s28 =	sor.u32 $0x1C11, s31;
	s7 =	sor.u32 s12, s7  }
0xa: {  	s11 =	sshrl.u32 s17, $0x1;
	s21 =	sadd.s32 s5, s2;
	s10 =	smov.u32 @p0 s4  }
0xb: {  	[dreg:$0xf] =	wrdreg s28;
	s6 =	sadd.s32 s5, s6;
	s9 =	smul.u32 $0xA00, s7  }
0xc: {  	s7 =	smul.u32 $0x5000, s7;
	s5 =	sshrl.u32 s5, $0x3;
	s26 =	sadd.s32 s1, s8  }
0xd: {  	s30 =	sshrl.u32 s21, $0x3;
	s1 =	simm.s32 $0x4;
	s6 =	sshrl.u32 s6, $0x3  }
0xe: {  	s5 =	sadd.s32 s10, s5;
	s10 =	simm.s32 $0x300;
	[dreg:$0x10] =	wrdreg s30  }
0xf: {  	s0 =	sadd.s32 s6, s0;
	s9 =	sadd.s32 s8, s9;
	[dreg:$0xe] =	wrdreg s5  }
0x10: {  	s6 =	ssub.s32 s17, s11;
	s18 =	sadd.s32 $0x20, s9;
	[dreg:$0x4] =	wrdreg s9  }
0x11: {  	s7 =	sshrl.u32 s7, $0x3;
	s19 =	sadd.s32 $0x40, s9;
	[dreg:$0x5] =	wrdreg s18  }
0x12: {  	s17 =	simm.s32 $0xC;
	s20 =	sadd.s32 $0x60, s9;
	[dreg:$0x6] =	wrdreg s19  }
0x13: {  	s5 =	simm.s32 $0x0;
	s9 =	sadd.s32 $0x80, s9;
	[dreg:$0x7] =	wrdreg s20  }
0x14: {  	s7 =	sadd.s32 s8, s7;
	s0 =	sadd.s32 $0x48A00, s0;
	[dreg:$0x8] =	wrdreg s9  }
0x15: {  	s25 =	smax.u32 s6, $0x1;
	s6 =	simm.s32 $0x100;
	[dreg:$0xc] =	wrdreg s0  }
0x16: {  	s22 =	sadd.s32 $0x9A0, s7;
	s23 =	sadd.s32 $0x9C0, s7;
	[dreg:$0xd] =	wrdreg s25  }
0x17: {  	s7 =	sadd.s32 $0x9E0, s7;
	s0 =	sadd.s32 s24, s26;
	[dreg:$0x9] =	wrdreg s22  }
0x18: {  	s24 =	simm.s32 $0x80;
	s26 =	simm.s32 $0x2;
	[dreg:$0xa] =	wrdreg s23  }
0x19: {  	s18 =	simm.s32 $0xD;
	s19 =	simm.s32 $0xE;
	[dreg:$0xb] =	wrdreg s7  }
0x1a: {  	s20 =	simm.s32 $0xF;
	s25 =	simm.s32 $0x10;
	[dreg:$0x3] =	wrdreg s0  }
0x1b: {  	s7 =	simm.s32 $0x200;
	s22 =	simm.s32 $0x11;
	s23 =	simm.s32 $0x1  }
.LBB2_1:
0x1c: {  	[dreg:$0x11] =	wrdreg s5  }
0x1d: {  	s0 =	rddreg [dreg:$0x4]  }
0x1e: {  	s14 =	rddreg [dreg:$0x5]  }
0x1f: {  	[tilespmem:s3], [sflag:$0x1] =	stream.linear.gather [hbm4b:s0+s3], $0x100, $0x38;
	[tilespmem:$0x1A800] =	vst v63  }
0x20: {  	s15 =	rddreg [dreg:$0x6]  }
0x21: {  	[tilespmem:s6], [sflag:$0x2] =	stream.linear.gather [hbm4b:s14+s3], $0x100, $0x38;
	[tilespmem:$0x1A800] =	vst v63  }
0x22: {  	s21 =	rddreg [dreg:$0x7]  }
0x23: {  	[tilespmem:s7], [sflag:$0x3] =	stream.linear.gather [hbm4b:s15+s3], $0x100, $0x38;
	[tilespmem:$0x1A800] =	vst v63  }
0x24: {  	s5 =	rddreg [dreg:$0x8]  }
0x25: {  	[tilespmem:s10], [sflag:$0x4] =	stream.linear.gather [hbm4b:s21+s3], $0x100, $0x38;
	[tilespmem:$0x1A800] =	vst v63  }
0x26: {  	s11 =	simm.s32 $0x400;
	s8 =	rddreg [dreg:$0xe]  }
0x27: {  	[tilespmem:s11], [sflag:$0x5] =	stream.linear.gather [hbm4b:s5+s3], $0x100, $0x38;
	[tilespmem:$0x1A800] =	vst v63  }
0x28: {  	[spmem:s30], [sflag:s28] =	dma.local [hbm:s8], $0x1400  }
0x29: {  	_ =	swait.ge [sflag:s22], $0x1400  }
0x2a: {  	[sflag:s22] =	ssyncset.done $0x0  }
0x2b: {  	[sflag:s22] =	ssyncadd.s32 $0xFFFFEC00  }
0x2c: {  	_ =	swait.ge [sflag:s23], $0x100  }
0x2d: {  	[sflag:s23] =	ssyncset.done $0x0  }
0x2e: {  	s5 =	simm.s32 $0x800;
	[sflag:s23] =	ssyncadd.s32 $0xFFFFFF00  }
0x2f: {  	[tilespmem:s5], [sflag:$0x9] =	stream.indirect.gather [hbm4b:s4+s24], $0x40, s3, s24, $0xb8;
	[tilespmem:$0x1A800] =	vst v63  }
0x30: {  	_ =	swait.ge [sflag:s26], $0x100  }
0x31: {  	[sflag:s26] =	ssyncset.done $0x0  }
0x32: {  	s15 =	simm.s32 $0x2800;
	[sflag:s26] =	ssyncadd.s32 $0xFFFFFF00  }
0x33: {  	[tilespmem:s15], [sflag:$0xA] =	stream.indirect.gather [hbm4b:s4+s24], $0x40, s6, s24, $0xb8;
	[tilespmem:$0x1A800] =	vst v63  }
0x34: {  	_ =	swait.ge [sflag:s29], $0x100  }
0x35: {  	[sflag:s29] =	ssyncset.done $0x0  }
0x36: {  	s6 =	simm.s32 $0x4800;
	[sflag:s29] =	ssyncadd.s32 $0xFFFFFF00  }
0x37: {  	[tilespmem:s6], [sflag:$0xB] =	stream.indirect.gather [hbm4b:s4+s24], $0x40, s7, s24, $0xb8;
	[tilespmem:$0x1A800] =	vst v63  }
0x38: {  	_ =	swait.ge [sflag:s1], $0x100  }
0x39: {  	[sflag:s1] =	ssyncset.done $0x0  }
0x3a: {  	s21 =	simm.s32 $0x6800;
	[sflag:s1] =	ssyncadd.s32 $0xFFFFFF00  }
0x3b: {  	[tilespmem:s21], [sflag:$0xC] =	stream.indirect.gather [hbm4b:s4+s24], $0x40, s10, s24, $0xb8;
	[tilespmem:$0x1A800] =	vst v63  }
0x3c: {  	s9 =	simm.s32 $0x5;
	[bflag:$0x0] =	sbarrier.arrive $0xFFFF  }
0x3d: {  	_ =	swait.ge [sflag:s9], $0x100  }
0x3e: {  	[sflag:s9] =	ssyncset.done $0x0;
	s28 =	rddreg [dreg:$0x3]  }
0x3f: {  	s7 =	simm.s32 $0x8800;
	[sflag:s9] =	ssyncadd.s32 $0xFFFFFF00;
	s28 =	sadd.s32 $0x0, s28  }
0x40: {  	[tilespmem:s7], [sflag:$0xD] =	stream.indirect.gather [hbm4b:s4+s24], $0x40, s11, s24, $0xb8;
	[tilespmem:$0x1A800] =	vst v63  }
0x41: {  	s12 =	simm.s32 $0x500;
	s8 =	simm.s32 $0x9;
	s10 =	sadd.s32 $0xA0, s28  }
0x42: {  	[tilespmem:s12], [sflag:$0x6] =	stream.linear.gather [hbm4b:s10+s3], $0x100, $0x38;
	[tilespmem:$0x1A800] =	vst v63  }
0x43: {  	_ =	swait.ge [sflag:s8], $0x2000  }
0x44: {  	[sflag:s8] =	ssyncset.done $0x0  }
0x45: {  	[sflag:s8] =	ssyncadd.s32 $0xFFFFE000  }
0x46: {  	[spmem:s2] =	stream.indirect.scatter.add.f32 [tilespmem:s5], [sflag:$0x11], $0x40, s24, s24, $0xb8;
	[tilespmem:$0x1A800] =	vst v63  }
0x47: {  	_ =	swait.ge [sflag:s22], $0x2000  }
0x48: {  	[sflag:s22] =	ssyncset.done $0x0  }
0x49: {  	s30 =	simm.s32 $0x6;
	[sflag:s22] =	ssyncadd.s32 $0xFFFFE000  }
0x4a: {  	_ =	swait.ge [sflag:s30], $0x100  }
0x4b: {  	[sflag:s30] =	ssyncset.done $0x0  }
0x4c: {  	s8 =	simm.s32 $0xA800;
	[sflag:s30] =	ssyncadd.s32 $0xFFFFFF00  }
0x4d: {  	[tilespmem:s8], [sflag:$0xE] =	stream.indirect.gather [hbm4b:s4+s24], $0x40, s12, s24, $0xb8;
	[tilespmem:$0x1A800] =	vst v63  }
0x4e: {  	s9 =	sadd.s32 $0xC0, s28;
	s10 =	simm.s32 $0x600  }
0x4f: {  	[tilespmem:s10], [sflag:$0x7] =	stream.linear.gather [hbm4b:s9+s3], $0x100, $0x38;
	[tilespmem:$0x1A800] =	vst v63  }
0x50: {  	s9 =	simm.s32 $0xA  }
0x51: {  	_ =	swait.ge [sflag:s9], $0x2000  }
0x52: {  	[sflag:s9] =	ssyncset.done $0x0  }
0x53: {  	s12 =	simm.s32 $0x180;
	[sflag:s9] =	ssyncadd.s32 $0xFFFFE000  }
0x54: {  	[spmem:s2] =	stream.indirect.scatter.add.f32 [tilespmem:s15], [sflag:$0x11], $0x40, s12, s24, $0xb8;
	[tilespmem:$0x1A800] =	vst v63  }
0x55: {  	_ =	swait.ge [sflag:s22], $0x2000  }
0x56: {  	[sflag:s22] =	ssyncset.done $0x0  }
0x57: {  	s30 =	simm.s32 $0x7;
	[sflag:s22] =	ssyncadd.s32 $0xFFFFE000  }
0x58: {  	_ =	swait.ge [sflag:s30], $0x100  }
0x59: {  	[sflag:s30] =	ssyncset.done $0x0  }
0x5a: {  	s9 =	simm.s32 $0xC800;
	[sflag:s30] =	ssyncadd.s32 $0xFFFFFF00  }
0x5b: {  	[tilespmem:s9], [sflag:$0xF] =	stream.indirect.gather [hbm4b:s4+s24], $0x40, s10, s24, $0xb8;
	[tilespmem:$0x1A800] =	vst v63  }
0x5c: {  	s12 =	sadd.s32 $0xE0, s28;
	s10 =	simm.s32 $0x700  }
0x5d: {  	[tilespmem:s10], [sflag:$0x8] =	stream.linear.gather [hbm4b:s12+s3], $0x100, $0x38;
	[tilespmem:$0x1A800] =	vst v63  }
0x5e: {  	_ =	swait.ge [sflag:s16], $0x2000  }
0x5f: {  	[sflag:s16] =	ssyncset.done $0x0  }
0x60: {  	s12 =	simm.s32 $0x280;
	[sflag:s16] =	ssyncadd.s32 $0xFFFFE000  }
0x61: {  	[spmem:s2] =	stream.indirect.scatter.add.f32 [tilespmem:s6], [sflag:$0x11], $0x40, s12, s24, $0xb8;
	[tilespmem:$0x1A800] =	vst v63  }
0x62: {  	_ =	swait.ge [sflag:s22], $0x2000  }
0x63: {  	[sflag:s22] =	ssyncset.done $0x0  }
0x64: {  	[sflag:s22] =	ssyncadd.s32 $0xFFFFE000  }
0x65: {  	_ =	swait.ge [sflag:s13], $0x100  }
0x66: {  	[sflag:s13] =	ssyncset.done $0x0  }
0x67: {  	s12 =	simm.s32 $0xE800;
	[sflag:s13] =	ssyncadd.s32 $0xFFFFFF00  }
0x68: {  	[tilespmem:s12], [sflag:$0x10] =	stream.indirect.gather [hbm4b:s4+s24], $0x40, s10, s24, $0xb8;
	[tilespmem:$0x1A800] =	vst v63  }
0x69: {  	s10 =	sadd.s32 $0x100, s28  }
0x6a: {  	[tilespmem:s3], [sflag:$0x1] =	stream.linear.gather [hbm4b:s10+s3], $0x100, $0x38;
	[tilespmem:$0x1A800] =	vst v63  }
0x6b: {  	_ =	swait.ge [sflag:s17], $0x2000  }
0x6c: {  	[sflag:s17] =	ssyncset.done $0x0  }
0x6d: {  	s30 =	simm.s32 $0x380;
	[sflag:s17] =	ssyncadd.s32 $0xFFFFE000  }
0x6e: {  	[spmem:s2] =	stream.indirect.scatter.add.f32 [tilespmem:s21], [sflag:$0x11], $0x40, s30, s24, $0xb8;
	[tilespmem:$0x1A800] =	vst v63  }
0x6f: {  	_ =	swait.ge [sflag:s22], $0x2000  }
0x70: {  	[sflag:s22] =	ssyncset.done $0x0  }
0x71: {  	[sflag:s22] =	ssyncadd.s32 $0xFFFFE000  }
0x72: {  	_ =	swait.ge [sflag:s23], $0x100  }
0x73: {  	[sflag:s23] =	ssyncset.done $0x0  }
0x74: {  	[sflag:s23] =	ssyncadd.s32 $0xFFFFFF00  }
0x75: {  	[tilespmem:s5], [sflag:$0x9] =	stream.indirect.gather [hbm4b:s4+s24], $0x40, s3, s24, $0xb8;
	[tilespmem:$0x1A800] =	vst v63  }
0x76: {  	s31 =	simm.s32 $0x100;
	s23 =	sadd.s32 $0x120, s28  }
0x77: {  	[tilespmem:s31], [sflag:$0x2] =	stream.linear.gather [hbm4b:s23+s3], $0x100, $0x38;
	[tilespmem:$0x1A800] =	vst v63  }
0x78: {  	_ =	swait.ge [sflag:s18], $0x2000  }
0x79: {  	[sflag:s18] =	ssyncset.done $0x0  }
0x7a: {  	s30 =	simm.s32 $0x480;
	[sflag:s18] =	ssyncadd.s32 $0xFFFFE000  }
0x7b: {  	[spmem:s2] =	stream.indirect.scatter.add.f32 [tilespmem:s7], [sflag:$0x11], $0x40, s30, s24, $0xb8;
	[tilespmem:$0x1A800] =	vst v63  }
0x7c: {  	_ =	swait.ge [sflag:s22], $0x2000  }
0x7d: {  	[sflag:s22] =	ssyncset.done $0x0  }
0x7e: {  	[sflag:s22] =	ssyncadd.s32 $0xFFFFE000  }
0x7f: {  	_ =	swait.ge [sflag:s26], $0x100  }
0x80: {  	[sflag:s26] =	ssyncset.done $0x0  }
0x81: {  	[sflag:s26] =	ssyncadd.s32 $0xFFFFFF00  }
0x82: {  	[tilespmem:s15], [sflag:$0xA] =	stream.indirect.gather [hbm4b:s4+s24], $0x40, s31, s24, $0xb8;
	[tilespmem:$0x1A800] =	vst v63  }
0x83: {  	s14 =	simm.s32 $0x200;
	s7 =	sadd.s32 $0x140, s28  }
0x84: {  	[tilespmem:s14], [sflag:$0x3] =	stream.linear.gather [hbm4b:s7+s3], $0x100, $0x38;
	[tilespmem:$0x1A800] =	vst v63  }
0x85: {  	_ =	swait.ge [sflag:s19], $0x2000  }
0x86: {  	[sflag:s19] =	ssyncset.done $0x0  }
0x87: {  	s10 =	simm.s32 $0x580;
	[sflag:s19] =	ssyncadd.s32 $0xFFFFE000  }
0x88: {  	[spmem:s2] =	stream.indirect.scatter.add.f32 [tilespmem:s8], [sflag:$0x11], $0x40, s10, s24, $0xb8;
	[tilespmem:$0x1A800] =	vst v63  }
0x89: {  	_ =	swait.ge [sflag:s22], $0x2000  }
0x8a: {  	[sflag:s22] =	ssyncset.done $0x0  }
0x8b: {  	[sflag:s22] =	ssyncadd.s32 $0xFFFFE000  }
0x8c: {  	_ =	swait.ge [sflag:s29], $0x100  }
0x8d: {  	[sflag:s29] =	ssyncset.done $0x0  }
0x8e: {  	[sflag:s29] =	ssyncadd.s32 $0xFFFFFF00  }
0x8f: {  	[tilespmem:s6], [sflag:$0xB] =	stream.indirect.gather [hbm4b:s4+s24], $0x40, s14, s24, $0xb8;
	[tilespmem:$0x1A800] =	vst v63  }
0x90: {  	s0 =	simm.s32 $0x300;
	s15 =	sadd.s32 $0x160, s28  }
0x91: {  	[tilespmem:s0], [sflag:$0x4] =	stream.linear.gather [hbm4b:s15+s3], $0x100, $0x38;
	[tilespmem:$0x1A800] =	vst v63  }
0x92: {  	_ =	swait.ge [sflag:s20], $0x2000  }
0x93: {  	[sflag:s20] =	ssyncset.done $0x0  }
0x94: {  	s26 =	simm.s32 $0x680;
	[sflag:s20] =	ssyncadd.s32 $0xFFFFE000  }
0x95: {  	[spmem:s2] =	stream.indirect.scatter.add.f32 [tilespmem:s9], [sflag:$0x11], $0x40, s26, s24, $0xb8;
	[tilespmem:$0x1A800] =	vst v63  }
0x96: {  	_ =	swait.ge [sflag:s22], $0x2000  }
0x97: {  	[sflag:s22] =	ssyncset.done $0x0  }
0x98: {  	[sflag:s22] =	ssyncadd.s32 $0xFFFFE000  }
0x99: {  	_ =	swait.ge [sflag:s1], $0x100  }
0x9a: {  	[sflag:s1] =	ssyncset.done $0x0  }
0x9b: {  	s23 =	simm.s32 $0x300;
	[sflag:s1] =	ssyncadd.s32 $0xFFFFFF00  }
0x9c: {  	[tilespmem:s21], [sflag:$0xC] =	stream.indirect.gather [hbm4b:s4+s24], $0x40, s23, s24, $0xb8;
	[tilespmem:$0x1A800] =	vst v63  }
0x9d: {  	s28 =	sadd.s32 $0x180, s28  }
0x9e: {  	[tilespmem:s11], [sflag:$0x5] =	stream.linear.gather [hbm4b:s28+s3], $0x100, $0x38;
	[tilespmem:$0x1A800] =	vst v63  }
0x9f: {  	_ =	swait.ge [sflag:s25], $0x2000  }
0xa0: {  	s30 =	simm.s32 $0x780;
	s31 =	simm.s32 $0x3;
	[sflag:s25] =	ssyncset.done $0x0  }
0xa1: {  	s29 =	simm.s32 $0x2;
	s26 =	simm.s32 $0x1;
	[sflag:s25] =	ssyncadd.s32 $0xFFFFE000  }
0xa2: {  	[spmem:s2] =	stream.indirect.scatter.add.f32 [tilespmem:s12], [sflag:$0x11], $0x40, s30, s24, $0xb8;
	[tilespmem:$0x1A800] =	vst v63  }
0xa3: {  	s1 =	simm.s32 $0x4;
	s28 =	simm.s32 $0x100;
	_ =	swait.ge [sflag:s22], $0x2000  }
.LBB2_2:
0xa4: {  	[sflag:s22] =	ssyncset.done $0x0  }
0xa5: {  	s5 =	simm.s32 $0x5;
	[sflag:s22] =	ssyncadd.s32 $0xFFFFE000  }
0xa6: {  	s30 =	smov.u32 s28;
	_ =	swait.ge [sflag:s5], $0x100  }
0xa7: {  	s11 =	simm.s32 $0x400;
	[sflag:s5] =	ssyncset.done $0x0;
	s0 =	rddreg [dreg:$0x3]  }
0xa8: {  	s23 =	simm.s32 $0x8800;
	[sflag:s5] =	ssyncadd.s32 $0xFFFFFF00;
	s30 =	sadd.s32 s30, s0  }
0xa9: {  	[tilespmem:s23], [sflag:$0xD] =	stream.indirect.gather [hbm4b:s4+s24], $0x40, s11, s24, $0xb8;
	[tilespmem:$0x1A800] =	vst v63  }
0xaa: {  	s6 =	simm.s32 $0x500;
	s14 =	simm.s32 $0x9;
	s0 =	sadd.s32 $0xA0, s30  }
0xab: {  	[tilespmem:s6], [sflag:$0x6] =	stream.linear.gather [hbm4b:s0+s3], $0x100, $0x38;
	[tilespmem:$0x1A800] =	vst v63  }
0xac: {  	_ =	swait.ge [sflag:s14], $0x2000  }
0xad: {  	[sflag:s14] =	ssyncset.done $0x0  }
0xae: {  	s5 =	simm.s32 $0x800;
	[sflag:s14] =	ssyncadd.s32 $0xFFFFE000  }
0xaf: {  	[spmem:s2] =	stream.indirect.scatter.add.f32 [tilespmem:s5], [sflag:$0x11], $0x40, s24, s24, $0xb8;
	[tilespmem:$0x1A800] =	vst v63  }
0xb0: {  	_ =	swait.ge [sflag:s22], $0x2000  }
0xb1: {  	[sflag:s22] =	ssyncset.done $0x0  }
0xb2: {  	s15 =	simm.s32 $0x6;
	[sflag:s22] =	ssyncadd.s32 $0xFFFFE000  }
0xb3: {  	_ =	swait.ge [sflag:s15], $0x100  }
0xb4: {  	[sflag:s15] =	ssyncset.done $0x0  }
0xb5: {  	s8 =	simm.s32 $0xA800;
	[sflag:s15] =	ssyncadd.s32 $0xFFFFFF00  }
0xb6: {  	[tilespmem:s8], [sflag:$0xE] =	stream.indirect.gather [hbm4b:s4+s24], $0x40, s6, s24, $0xb8;
	[tilespmem:$0x1A800] =	vst v63  }
0xb7: {  	s7 =	simm.s32 $0x600;
	s9 =	simm.s32 $0xA;
	s21 =	sadd.s32 $0xC0, s30  }
0xb8: {  	[tilespmem:s7], [sflag:$0x7] =	stream.linear.gather [hbm4b:s21+s3], $0x100, $0x38;
	[tilespmem:$0x1A800] =	vst v63  }
0xb9: {  	_ =	swait.ge [sflag:s9], $0x2000  }
0xba: {  	[sflag:s9] =	ssyncset.done $0x0  }
0xbb: {  	s12 =	simm.s32 $0x180;
	s21 =	simm.s32 $0x2800;
	[sflag:s9] =	ssyncadd.s32 $0xFFFFE000  }
0xbc: {  	[spmem:s2] =	stream.indirect.scatter.add.f32 [tilespmem:s21], [sflag:$0x11], $0x40, s12, s24, $0xb8;
	[tilespmem:$0x1A800] =	vst v63  }
0xbd: {  	_ =	swait.ge [sflag:s22], $0x2000  }
0xbe: {  	[sflag:s22] =	ssyncset.done $0x0  }
0xbf: {  	s14 =	simm.s32 $0x7;
	[sflag:s22] =	ssyncadd.s32 $0xFFFFE000  }
0xc0: {  	_ =	swait.ge [sflag:s14], $0x100  }
0xc1: {  	[sflag:s14] =	ssyncset.done $0x0  }
0xc2: {  	s9 =	simm.s32 $0xC800;
	[sflag:s14] =	ssyncadd.s32 $0xFFFFFF00  }
0xc3: {  	[tilespmem:s9], [sflag:$0xF] =	stream.indirect.gather [hbm4b:s4+s24], $0x40, s7, s24, $0xb8;
	[tilespmem:$0x1A800] =	vst v63  }
0xc4: {  	s15 =	sadd.s32 $0xE0, s30;
	s7 =	simm.s32 $0x700  }
0xc5: {  	[tilespmem:s7], [sflag:$0x8] =	stream.linear.gather [hbm4b:s15+s3], $0x100, $0x38;
	[tilespmem:$0x1A800] =	vst v63  }
0xc6: {  	_ =	swait.ge [sflag:s16], $0x2000  }
0xc7: {  	[sflag:s16] =	ssyncset.done $0x0  }
0xc8: {  	s6 =	simm.s32 $0x4800;
	s12 =	simm.s32 $0x280;
	[sflag:s16] =	ssyncadd.s32 $0xFFFFE000  }
0xc9: {  	[spmem:s2] =	stream.indirect.scatter.add.f32 [tilespmem:s6], [sflag:$0x11], $0x40, s12, s24, $0xb8;
	[tilespmem:$0x1A800] =	vst v63  }
0xca: {  	_ =	swait.ge [sflag:s22], $0x2000  }
0xcb: {  	[sflag:s22] =	ssyncset.done $0x0  }
0xcc: {  	[sflag:s22] =	ssyncadd.s32 $0xFFFFE000  }
0xcd: {  	_ =	swait.ge [sflag:s13], $0x100  }
0xce: {  	[sflag:s13] =	ssyncset.done $0x0  }
0xcf: {  	s12 =	simm.s32 $0xE800;
	[sflag:s13] =	ssyncadd.s32 $0xFFFFFF00  }
0xd0: {  	[tilespmem:s12], [sflag:$0x10] =	stream.indirect.gather [hbm4b:s4+s24], $0x40, s7, s24, $0xb8;
	[tilespmem:$0x1A800] =	vst v63  }
0xd1: {  	s14 =	sadd.s32 $0x100, s30  }
0xd2: {  	[tilespmem:s3], [sflag:$0x1] =	stream.linear.gather [hbm4b:s14+s3], $0x100, $0x38;
	[tilespmem:$0x1A800] =	vst v63  }
0xd3: {  	_ =	swait.ge [sflag:s17], $0x2000  }
0xd4: {  	[sflag:s17] =	ssyncset.done $0x0  }
0xd5: {  	s15 =	simm.s32 $0x380;
	s7 =	simm.s32 $0x6800;
	[sflag:s17] =	ssyncadd.s32 $0xFFFFE000  }
0xd6: {  	[spmem:s2] =	stream.indirect.scatter.add.f32 [tilespmem:s7], [sflag:$0x11], $0x40, s15, s24, $0xb8;
	[tilespmem:$0x1A800] =	vst v63  }
0xd7: {  	_ =	swait.ge [sflag:s22], $0x2000  }
0xd8: {  	[sflag:s22] =	ssyncset.done $0x0  }
0xd9: {  	[sflag:s22] =	ssyncadd.s32 $0xFFFFE000  }
0xda: {  	_ =	swait.ge [sflag:s26], $0x100  }
0xdb: {  	[sflag:s26] =	ssyncset.done $0x0  }
0xdc: {  	[sflag:s26] =	ssyncadd.s32 $0xFFFFFF00  }
0xdd: {  	[tilespmem:s5], [sflag:$0x9] =	stream.indirect.gather [hbm4b:s4+s24], $0x40, s3, s24, $0xb8;
	[tilespmem:$0x1A800] =	vst v63  }
0xde: {  	s0 =	sadd.s32 $0x120, s30;
	s14 =	simm.s32 $0x100  }
0xdf: {  	[tilespmem:s14], [sflag:$0x2] =	stream.linear.gather [hbm4b:s0+s3], $0x100, $0x38;
	[tilespmem:$0x1A800] =	vst v63  }
0xe0: {  	_ =	swait.ge [sflag:s18], $0x2000  }
0xe1: {  	[sflag:s18] =	ssyncset.done $0x0  }
0xe2: {  	s5 =	simm.s32 $0x480;
	[sflag:s18] =	ssyncadd.s32 $0xFFFFE000  }
0xe3: {  	[spmem:s2] =	stream.indirect.scatter.add.f32 [tilespmem:s23], [sflag:$0x11], $0x40, s5, s24, $0xb8;
	[tilespmem:$0x1A800] =	vst v63  }
0xe4: {  	_ =	swait.ge [sflag:s22], $0x2000  }
0xe5: {  	[sflag:s22] =	ssyncset.done $0x0  }
0xe6: {  	[sflag:s22] =	ssyncadd.s32 $0xFFFFE000  }
0xe7: {  	_ =	swait.ge [sflag:s29], $0x100  }
0xe8: {  	[sflag:s29] =	ssyncset.done $0x0  }
0xe9: {  	[sflag:s29] =	ssyncadd.s32 $0xFFFFFF00  }
0xea: {  	[tilespmem:s21], [sflag:$0xA] =	stream.indirect.gather [hbm4b:s4+s24], $0x40, s14, s24, $0xb8;
	[tilespmem:$0x1A800] =	vst v63  }
0xeb: {  	s23 =	sadd.s32 $0x140, s30;
	s14 =	simm.s32 $0x200  }
0xec: {  	[tilespmem:s14], [sflag:$0x3] =	stream.linear.gather [hbm4b:s23+s3], $0x100, $0x38;
	[tilespmem:$0x1A800] =	vst v63  }
0xed: {  	_ =	swait.ge [sflag:s19], $0x2000  }
0xee: {  	[sflag:s19] =	ssyncset.done $0x0  }
0xef: {  	s23 =	simm.s32 $0x580;
	[sflag:s19] =	ssyncadd.s32 $0xFFFFE000  }
0xf0: {  	[spmem:s2] =	stream.indirect.scatter.add.f32 [tilespmem:s8], [sflag:$0x11], $0x40, s23, s24, $0xb8;
	[tilespmem:$0x1A800] =	vst v63  }
0xf1: {  	_ =	swait.ge [sflag:s22], $0x2000  }
0xf2: {  	[sflag:s22] =	ssyncset.done $0x0  }
0xf3: {  	[sflag:s22] =	ssyncadd.s32 $0xFFFFE000  }
0xf4: {  	_ =	swait.ge [sflag:s31], $0x100  }
0xf5: {  	[sflag:s31] =	ssyncset.done $0x0  }
0xf6: {  	[sflag:s31] =	ssyncadd.s32 $0xFFFFFF00  }
0xf7: {  	[tilespmem:s6], [sflag:$0xB] =	stream.indirect.gather [hbm4b:s4+s24], $0x40, s14, s24, $0xb8;
	[tilespmem:$0x1A800] =	vst v63  }
0xf8: {  	s10 =	simm.s32 $0x300;
	s8 =	sadd.s32 $0x160, s30  }
0xf9: {  	[tilespmem:s10], [sflag:$0x4] =	stream.linear.gather [hbm4b:s8+s3], $0x100, $0x38;
	[tilespmem:$0x1A800] =	vst v63  }
0xfa: {  	_ =	swait.ge [sflag:s20], $0x2000  }
0xfb: {  	[sflag:s20] =	ssyncset.done $0x0  }
0xfc: {  	s10 =	simm.s32 $0x680;
	[sflag:s20] =	ssyncadd.s32 $0xFFFFE000  }
0xfd: {  	[spmem:s2] =	stream.indirect.scatter.add.f32 [tilespmem:s9], [sflag:$0x11], $0x40, s10, s24, $0xb8;
	[tilespmem:$0x1A800] =	vst v63  }
0xfe: {  	_ =	swait.ge [sflag:s22], $0x2000  }
0xff: {  	[sflag:s22] =	ssyncset.done $0x0  }
0x100: {  	[sflag:s22] =	ssyncadd.s32 $0xFFFFE000  }
0x101: {  	_ =	swait.ge [sflag:s1], $0x100  }
0x102: {  	[sflag:s1] =	ssyncset.done $0x0  }
0x103: {  	s10 =	simm.s32 $0x300;
	[sflag:s1] =	ssyncadd.s32 $0xFFFFFF00  }
0x104: {  	[tilespmem:s7], [sflag:$0xC] =	stream.indirect.gather [hbm4b:s4+s24], $0x40, s10, s24, $0xb8;
	[tilespmem:$0x1A800] =	vst v63  }
0x105: {  	p0 =	sne.s32 s28, $0x800;
	s14 =	sadd.s32 $0x180, s30  }
0x106: {  	[tilespmem:s11], [sflag:$0x5] =	stream.linear.gather [hbm4b:s14+s3], $0x100, $0x38;
	[tilespmem:$0x1A800] =	vst v63  }
.Ltmp0:
0x107: {  	s28 =	sadd.s32 $0x100, s28;
	_ =	swait.ge [sflag:s25], $0x2000;
	(pc) =	sbr.rel @p0 .LBB2_2-.Ltmp0, $4  }
0x108: {  	s15 =	simm.s32 $0x800;
	s5 =	simm.s32 $0x2800;
	[sflag:s25] =	ssyncset.done $0x0  }
0x109: {  	s21 =	simm.s32 $0x4800;
	s23 =	simm.s32 $0x780;
	[sflag:s25] =	ssyncadd.s32 $0xFFFFE000  }
0x10a: {  	[spmem:s2] =	stream.indirect.scatter.add.f32 [tilespmem:s12], [sflag:$0x11], $0x40, s23, s24, $0xb8;
	[tilespmem:$0x1A800] =	vst v63  }
0x10b: {  	s6 =	simm.s32 $0x6800;
	s30 =	simm.s32 $0x400;
	_ =	swait.ge [sflag:s22], $0x2000  }
0x10c: {  	[sflag:s22] =	ssyncset.done $0x0  }
0x10d: {  	s0 =	simm.s32 $0x5;
	[sflag:s22] =	ssyncadd.s32 $0xFFFFE000  }
0x10e: {  	_ =	swait.ge [sflag:s0], $0x100  }
0x10f: {  	[sflag:s0] =	ssyncset.done $0x0  }
0x110: {  	s7 =	simm.s32 $0x8800;
	[sflag:s0] =	ssyncadd.s32 $0xFFFFFF00  }
0x111: {  	[tilespmem:s7], [sflag:$0xD] =	stream.indirect.gather [hbm4b:s4+s24], $0x40, s30, s24, $0xb8;
	[tilespmem:$0x1A800] =	vst v63  }
0x112: {  	s1 =	simm.s32 $0x500;
	s31 =	simm.s32 $0x9;
	s26 =	rddreg [dreg:$0x9]  }
0x113: {  	[tilespmem:s1], [sflag:$0x6] =	stream.linear.gather [hbm4b:s26+s3], $0x100, $0x38;
	[tilespmem:$0x1A800] =	vst v63  }
0x114: {  	_ =	swait.ge [sflag:s31], $0x2000  }
0x115: {  	[sflag:s31] =	ssyncset.done $0x0  }
0x116: {  	[sflag:s31] =	ssyncadd.s32 $0xFFFFE000  }
0x117: {  	[spmem:s2] =	stream.indirect.scatter.add.f32 [tilespmem:s15], [sflag:$0x11], $0x40, s24, s24, $0xb8;
	[tilespmem:$0x1A800] =	vst v63  }
0x118: {  	_ =	swait.ge [sflag:s22], $0x2000  }
0x119: {  	[sflag:s22] =	ssyncset.done $0x0  }
0x11a: {  	s8 =	simm.s32 $0x6;
	[sflag:s22] =	ssyncadd.s32 $0xFFFFE000  }
0x11b: {  	_ =	swait.ge [sflag:s8], $0x100  }
0x11c: {  	[sflag:s8] =	ssyncset.done $0x0  }
0x11d: {  	[sflag:s8] =	ssyncadd.s32 $0xFFFFFF00;
	s8 =	simm.s32 $0xA800  }
0x11e: {  	[tilespmem:s8], [sflag:$0xE] =	stream.indirect.gather [hbm4b:s4+s24], $0x40, s1, s24, $0xb8;
	[tilespmem:$0x1A800] =	vst v63  }
0x11f: {  	s11 =	simm.s32 $0x600;
	s12 =	simm.s32 $0xA;
	s9 =	rddreg [dreg:$0xa]  }
0x120: {  	[tilespmem:s11], [sflag:$0x7] =	stream.linear.gather [hbm4b:s9+s3], $0x100, $0x38;
	[tilespmem:$0x1A800] =	vst v63  }
0x121: {  	_ =	swait.ge [sflag:s12], $0x2000  }
0x122: {  	[sflag:s12] =	ssyncset.done $0x0  }
0x123: {  	s14 =	simm.s32 $0x180;
	[sflag:s12] =	ssyncadd.s32 $0xFFFFE000  }
0x124: {  	[spmem:s2] =	stream.indirect.scatter.add.f32 [tilespmem:s5], [sflag:$0x11], $0x40, s14, s24, $0xb8;
	[tilespmem:$0x1A800] =	vst v63  }
0x125: {  	_ =	swait.ge [sflag:s22], $0x2000  }
0x126: {  	[sflag:s22] =	ssyncset.done $0x0  }
0x127: {  	s15 =	simm.s32 $0x7;
	[sflag:s22] =	ssyncadd.s32 $0xFFFFE000  }
0x128: {  	_ =	swait.ge [sflag:s15], $0x100  }
0x129: {  	[sflag:s15] =	ssyncset.done $0x0  }
0x12a: {  	s5 =	simm.s32 $0xC800;
	[sflag:s15] =	ssyncadd.s32 $0xFFFFFF00  }
0x12b: {  	[tilespmem:s5], [sflag:$0xF] =	stream.indirect.gather [hbm4b:s4+s24], $0x40, s11, s24, $0xb8;
	[tilespmem:$0x1A800] =	vst v63  }
0x12c: {  	s26 =	simm.s32 $0x700;
	s23 =	rddreg [dreg:$0xb]  }
0x12d: {  	[tilespmem:s26], [sflag:$0x8] =	stream.linear.gather [hbm4b:s23+s3], $0x100, $0x38;
	[tilespmem:$0x1A800] =	vst v63  }
0x12e: {  	_ =	swait.ge [sflag:s16], $0x2000  }
0x12f: {  	[sflag:s16] =	ssyncset.done $0x0  }
0x130: {  	s31 =	simm.s32 $0x280;
	[sflag:s16] =	ssyncadd.s32 $0xFFFFE000  }
0x131: {  	[spmem:s2] =	stream.indirect.scatter.add.f32 [tilespmem:s21], [sflag:$0x11], $0x40, s31, s24, $0xb8;
	[tilespmem:$0x1A800] =	vst v63  }
0x132: {  	_ =	swait.ge [sflag:s22], $0x2000  }
0x133: {  	[sflag:s22] =	ssyncset.done $0x0  }
0x134: {  	[sflag:s22] =	ssyncadd.s32 $0xFFFFE000  }
0x135: {  	_ =	swait.ge [sflag:s13], $0x100  }
0x136: {  	[sflag:s13] =	ssyncset.done $0x0  }
0x137: {  	s9 =	simm.s32 $0xE800;
	[sflag:s13] =	ssyncadd.s32 $0xFFFFFF00  }
0x138: {  	[tilespmem:s9], [sflag:$0x10] =	stream.indirect.gather [hbm4b:s4+s24], $0x40, s26, s24, $0xb8;
	[tilespmem:$0x1A800] =	vst v63  }
0x139: {  	_ =	swait.ge [sflag:s17], $0x2000  }
0x13a: {  	[sflag:s17] =	ssyncset.done $0x0  }
0x13b: {  	s11 =	simm.s32 $0x380;
	[sflag:s17] =	ssyncadd.s32 $0xFFFFE000  }
0x13c: {  	[spmem:s2] =	stream.indirect.scatter.add.f32 [tilespmem:s6], [sflag:$0x11], $0x40, s11, s24, $0xb8;
	[tilespmem:$0x1A800] =	vst v63  }
0x13d: {  	_ =	swait.ge [sflag:s22], $0x2000  }
0x13e: {  	[sflag:s22] =	ssyncset.done $0x0  }
0x13f: {  	[sflag:s22] =	ssyncadd.s32 $0xFFFFE000  }
0x140: {  	_ =	swait.ge [sflag:s18], $0x2000  }
0x141: {  	[sflag:s18] =	ssyncset.done $0x0  }
0x142: {  	s12 =	simm.s32 $0x480;
	[sflag:s18] =	ssyncadd.s32 $0xFFFFE000  }
0x143: {  	[spmem:s2] =	stream.indirect.scatter.add.f32 [tilespmem:s7], [sflag:$0x11], $0x40, s12, s24, $0xb8;
	[tilespmem:$0x1A800] =	vst v63  }
0x144: {  	_ =	swait.ge [sflag:s22], $0x2000  }
0x145: {  	[sflag:s22] =	ssyncset.done $0x0  }
0x146: {  	[sflag:s22] =	ssyncadd.s32 $0xFFFFE000  }
0x147: {  	_ =	swait.ge [sflag:s19], $0x2000  }
0x148: {  	[sflag:s19] =	ssyncset.done $0x0  }
0x149: {  	s14 =	simm.s32 $0x580;
	[sflag:s19] =	ssyncadd.s32 $0xFFFFE000  }
0x14a: {  	[spmem:s2] =	stream.indirect.scatter.add.f32 [tilespmem:s8], [sflag:$0x11], $0x40, s14, s24, $0xb8;
	[tilespmem:$0x1A800] =	vst v63  }
0x14b: {  	_ =	swait.ge [sflag:s22], $0x2000  }
0x14c: {  	[sflag:s22] =	ssyncset.done $0x0  }
0x14d: {  	[sflag:s22] =	ssyncadd.s32 $0xFFFFE000  }
0x14e: {  	_ =	swait.ge [sflag:s20], $0x2000  }
0x14f: {  	[sflag:s20] =	ssyncset.done $0x0  }
0x150: {  	s15 =	simm.s32 $0x680;
	[sflag:s20] =	ssyncadd.s32 $0xFFFFE000  }
0x151: {  	[spmem:s2] =	stream.indirect.scatter.add.f32 [tilespmem:s5], [sflag:$0x11], $0x40, s15, s24, $0xb8;
	[tilespmem:$0x1A800] =	vst v63  }
0x152: {  	_ =	swait.ge [sflag:s22], $0x2000  }
0x153: {  	[sflag:s22] =	ssyncset.done $0x0  }
0x154: {  	[sflag:s22] =	ssyncadd.s32 $0xFFFFE000  }
0x155: {  	_ =	swait.ge [sflag:s25], $0x2000  }
0x156: {  	[sflag:s25] =	ssyncset.done $0x0  }
0x157: {  	s21 =	simm.s32 $0x780;
	[sflag:s25] =	ssyncadd.s32 $0xFFFFE000  }
0x158: {  	[spmem:s2] =	stream.indirect.scatter.add.f32 [tilespmem:s9], [sflag:$0x11], $0x40, s21, s24, $0xb8;
	[tilespmem:$0x1A800] =	vst v63  }
0x159: {  	_ =	swait.ge [sflag:s22], $0x2000  }
0x15a: {  	[sflag:s22] =	ssyncset.done $0x0  }
0x15b: {  	[sflag:s22] =	ssyncadd.s32 $0xFFFFE000  }
0x15c: {  	[bflag:$0x0] =	sbarrier.arrive $0xFFFF  }
0x15d: {  	s23 =	rddreg [dreg:$0xc]  }
0x15e: {  	s28 =	rddreg [dreg:$0xf]  }
0x15f: {  	s30 =	rddreg [dreg:$0x10]  }
0x160: {  	[hbm:s23], [sflag:s28] =	dma.local [spmem:s30], $0x1400  }
0x161: {  	_ =	swait.ge [sflag:s22], $0x1400  }
0x162: {  	s26 =	rddreg [dreg:$0x11]  }
0x163: {  	s31 =	rddreg [dreg:$0xd];
	s5 =	sadd.s32 $0x1, s26  }
0x164: {  	p0 =	sne.s32 s5, s31  }
.Ltmp1:
0x165: {  	_ = 	snop;
	(pc) =	sbr.rel @p0 .LBB2_1-.Ltmp1, $4  }
0x166: {  	_ = 	snop  }
0x167: {  	s29 =	simm.s32 $0x3;
	s1 =	simm.s32 $0x4  }
0x168: {  	s6 =	simm.s32 $0x100;
	s7 =	simm.s32 $0x200;
	[sflag:s22] =	ssyncset.done $0x0  }
0x169: {  	s23 =	simm.s32 $0x1;
	[sflag:s22] =	ssyncadd.s32 $0xFFFFEC00;
	s26 =	simm.s32 $0x2  }
0x16a: {  	_ =	sfence.sel $0x180000  }
0x16b: {  	[bflag:$0x0] =	sbarrier.arrive $0xFFFF  }
0x16c: {  	_ =	strace $0x9000004D  }
0x16d: {  	s0 =	stileid.u32;
	[bflag:$0x2] =	sbarrier.arrive $0xFFFF  }
0x16e: {  	p0 =	sne.s32 s0, $0x0;
	s0 =	rddreg [dreg:$0x2]  }
0x16f: {  	s0 =	sadd.s32 @!p0 $0x100000, s0  }
0x170: {  	[sflag:s0] =	ssyncadd.tile.s32 @!p0 $0x1;
	_ =	shalt  }
.Lfunc_end2:
_tile_overlayer_lowered:
.L_overlay_start_2:
0x171: {  	(tag) =	ssettag $0x2  }
0x172: {  	s0 =	rddreg [dreg:$0x0];
	s2 =	stileid.u32  }
0x173: {  	s1 =	rddreg [dreg:$0x1];
	p0 =	sne.s32 s2, $0x0  }
0x174: {  	s3 =	rddreg [dreg:$0x2];
	[bflag:$0x3] =	sbarrier.arrive $0xFFFF;
	s2 =	simm.s32 @!p0 $0x1C11  }
0x175: {  	[timem:s3], [sflag:s2] =	dma.local @!p0 [hbm:s0], s1  }
0x176: {  	s0 =	simm.s32 @!p0 $0x11  }
0x177: {  	_ =	swait.ge @!p0 [sflag:s0], s1  }
0x178: {  	s1 =	ssub.s32 @!p0 $0x0, s1;
	[sflag:s0] =	ssyncset.done @!p0 $0x0  }
0x179: {  	[sflag:s0] =	ssyncadd.s32 @!p0 s1  }
0x17a: {  	[bflag:$0x3] =	sbarrier.arrive $0xFFFF  }
0x17b: {  	_ =	shalt  }

// kernel: kernel.19.cloned.1.call-start
scs
__scs_entry_jumppad:
0x0: {  	(pc) =	sbr.rel $0x88, $3  }
0x1: {  	(tag) =	ssettag $0x0;
	lr =	simm.s32 $0x1  }
0x2: {  	[smem:$0x3F95] =	sst lr;
	_ =	strace $0xD0000000  }
0x3: {  	_ = 	snop  }
0x4: {  	_ = 	snop  }
0x5: {  	_ = 	snop  }
0x6: {  	_ = 	snop  }
0x7: {  	_ = 	snop  }
__scs_overlays_trampoline_lowered:
0x8: {  	[smem:$0x3FA4] =	sst s0  }
0x9: {  	[smem:$0x3FA5] =	sst s1  }
0xa: {  	[smem:$0x3FA6] =	sst s2  }
0xb: {  	[smem:$0x3FA7] =	sst s3  }
0xc: {  	[smem:$0x3FA8] =	sst s4  }
0xd: {  	[smem:$0x3FA9] =	sst s5  }
0xe: {  	[smem:$0x3FAA] =	sst s6  }
0xf: {  	[smem:$0x3FAB] =	sst s7  }
0x10: {  	[smem:$0x3FAC] =	sst s8  }
0x11: {  	[smem:$0x3FAD] =	sst s9;
	s0 =	simm.s32 @!p0 $0x0  }
0x12: {  	s1 =	sld [smem:$0x3F93];
	s0 =	simm.s32 @p0 $0x1  }
0x13: {  	[smem:$0x3FAE] =	sst s0;
	s0 =	simm.s32 @!p1 $0x0  }
0x14: {  	s2 =	sld [smem:$0x3F92];
	s0 =	simm.s32 @p1 $0x1  }
0x15: {  	[smem:$0x3FAF] =	sst s0;
	s0 =	simm.s32 @!p2 $0x0  }
0x16: {  	s3 =	sld [smem:$0x3FDB];
	s0 =	simm.s32 @p2 $0x1  }
0x17: {  	s4 =	simm.s32 $0x1BF5;
	[smem:$0x3FB1] =	sst s0  }
0x18: {  	s0 =	sld [smem:$0x3F94];
	_ =	swait.ge [sflag:s4], $0x0  }
0x19: {  	s7 =	sld [smem:$0x3F95]  }
0x1a: {  	s8 =	sadd.s32 $0xFFFFE003, lr  }
0x1b: {  	s9 =	sadd.s32 $0xFFFFFEF7, lr;
	s5 =	simm.s32 $0xFFFFFFFF;
	p2 =	slt.u32 s8, $0xFFFFF086  }
0x1c: {  	p1 =	slt.u32 s9, $0xF7A;
	s5 =	simm.s32 @!p2 $0x0  }
0x1d: {  	s5 =	simm.s32 @p1 $0x1;
	p0 =	seq.s32 s7, s2  }
0x1e: {  	s7 =	smul.u32 @!p0 $0xF7A, s2;
	p2 =	seq.s32 @!p0 s5, $0x0  }
0x1f: {  	s9 =	smul.u32 $0xF7A, s1;
	s8 =	simm.s32 @!p0 $0x1BF5;
	p2 =	por !p2, p0  }
0x20: {  	[sflag:s8] =	ssyncset.s32 @!p0 $0xFFFFF086;
	s6 =	sadd.s32 @!p0 s3, s7;
	s7 =	simm.s32 @!p0 $0x108  }
0x21: {  	s3 =	sadd.s32 s3, s9;
	s6 =	sadd.s32 @!p0 $0x88, s6;
	s7 =	simm.s32 @p2 $0x1082  }
0x22: {  	[simem:s7], [sflag:s8] =	dma.local @!p0 [hbm:s6], $0xF7A  }
0x23: {  	s9 =	sor.u32 $0xD0000000, s2;
	s6 =	simm.s32 $0x108;
	_ =	swait.ge @!p0 [sflag:s8], $0x0  }
0x24: {  	s3 =	sadd.s32 $0x88, s3;
	s6 =	simm.s32 @!p1 $0x1082;
	[sflag:s4] =	ssyncset.s32 $0xFFFFF086  }
0x25: {  	[simem:s6], [sflag:s4] =	dma.local [hbm:s3], $0xF7A  }
0x26: {  	[smem:$0x3F95] =	sst s1;
	(tag) =	ssettag s2;
	_ =	strace s9  }
0x27: {  	s1 =	sld [smem:$0x3FA5]  }
0x28: {  	s2 =	sld [smem:$0x3FA6]  }
0x29: {  	s4 =	sld [smem:$0x3FA8]  }
0x2a: {  	p0 =	seq.s32 s5, $0x0;
	s5 =	sld [smem:$0x3FA9]  }
0x2b: {  	s6 =	sld [smem:$0x3FAA]  }
0x2c: {  	s7 =	sld [smem:$0x3FAB]  }
0x2d: {  	s3 =	simm.s32 $0x108;
	s8 =	sld [smem:$0x3FAC]  }
0x2e: {  	s3 =	simm.s32 @!p0 $0x1082;
	s9 =	sld [smem:$0x3FAD]  }
0x2f: {  	lr =	sadd.s32 s0, s3;
	s0 =	sld [smem:$0x3FA4]  }
0x30: {  	s3 =	sld [smem:$0x3FA7]  }
0x31: {  	[smem:$0x3FB0] =	sst s10  }
0x32: {  	s10 =	sld [smem:$0x3FAE];
	_ =	sdelay $0x3  }
0x33: {  	p0 =	seq.s32 s10, $0x1;
	s10 =	sld [smem:$0x3FB0];
	_ =	sdelay $0x3  }
0x34: {  	[smem:$0x3FB0] =	sst s10  }
0x35: {  	s10 =	sld [smem:$0x3FAF];
	_ =	sdelay $0x3  }
0x36: {  	p1 =	seq.s32 s10, $0x1;
	s10 =	sld [smem:$0x3FB0];
	_ =	sdelay $0x3  }
0x37: {  	[smem:$0x3FB0] =	sst s10  }
0x38: {  	s10 =	sld [smem:$0x3FB1]  }
0x39: {  	_ = 	snop;
	(pc) =	sbr.ind lr, $3  }
0x3a: {  	_ = 	snop  }
0x3b: {  	_ = 	snop  }
0x3c: {  	p2 =	seq.s32 s10, $0x1;
	s10 =	sld [smem:$0x3FB0]  }
0x3d: {  	_ =	shalt  }
0x3e: {  	_ =	shalt  }
0x3f: {  	_ =	shalt  }
0x40: {  	_ =	shalt  }
0x41: {  	_ =	shalt  }
0x42: {  	_ =	shalt  }
0x43: {  	_ =	shalt  }
0x44: {  	_ =	shalt  }
0x45: {  	_ =	shalt  }
0x46: {  	_ =	shalt  }
0x47: {  	_ =	shalt  }
0x48: {  	_ =	shalt  }
0x49: {  	_ =	shalt  }
0x4a: {  	_ =	shalt  }
0x4b: {  	_ =	shalt  }
0x4c: {  	_ =	shalt  }
0x4d: {  	_ =	shalt  }
0x4e: {  	_ =	shalt  }
0x4f: {  	_ =	shalt  }
0x50: {  	_ =	shalt  }
0x51: {  	_ =	shalt  }
0x52: {  	_ =	shalt  }
0x53: {  	_ =	shalt  }
0x54: {  	_ =	shalt  }
0x55: {  	_ =	shalt  }
0x56: {  	_ =	shalt  }
0x57: {  	_ =	shalt  }
0x58: {  	_ =	shalt  }
0x59: {  	_ =	shalt  }
0x5a: {  	_ =	shalt  }
0x5b: {  	_ =	shalt  }
0x5c: {  	_ =	shalt  }
0x5d: {  	_ =	shalt  }
0x5e: {  	_ =	shalt  }
0x5f: {  	_ =	shalt  }
0x60: {  	_ =	shalt  }
0x61: {  	_ =	shalt  }
0x62: {  	_ =	shalt  }
0x63: {  	_ =	shalt  }
0x64: {  	_ =	shalt  }
0x65: {  	_ =	shalt  }
0x66: {  	_ =	shalt  }
0x67: {  	_ =	shalt  }
0x68: {  	_ =	shalt  }
0x69: {  	_ =	shalt  }
0x6a: {  	_ =	shalt  }
0x6b: {  	_ =	shalt  }
0x6c: {  	_ =	shalt  }
0x6d: {  	_ =	shalt  }
0x6e: {  	_ =	shalt  }
0x6f: {  	_ =	shalt  }
0x70: {  	_ =	shalt  }
0x71: {  	_ =	shalt  }
0x72: {  	_ =	shalt  }
0x73: {  	_ =	shalt  }
0x74: {  	_ =	shalt  }
0x75: {  	_ =	shalt  }
0x76: {  	_ =	shalt  }
0x77: {  	_ =	shalt  }
0x78: {  	_ =	shalt  }
0x79: {  	_ =	shalt  }
0x7a: {  	_ =	shalt  }
0x7b: {  	_ =	shalt  }
0x7c: {  	_ =	shalt  }
0x7d: {  	_ =	shalt  }
0x7e: {  	_ =	shalt  }
0x7f: {  	_ =	shalt  }
0x80: {  	_ =	shalt  }
0x81: {  	_ =	shalt  }
0x82: {  	_ =	shalt  }
0x83: {  	_ =	shalt  }
0x84: {  	_ =	shalt  }
0x85: {  	_ =	shalt  }
0x86: {  	_ =	shalt  }
0x87: {  	_ =	shalt  }
.Lfunc_end0:
.L_simem_size_0:
called_computation.3_lowered:
.L_overlay_start_0:
0x88: {  	s2 =	sld [smem:$0x3FD9]  }
0x89: {  	s3 =	sld [smem:$0x3FFE];
	_ =	sdelay $0x1  }
0x8a: {  	s1 =	srdreg.scid  }
0x8b: {  	s0 =	sand.u32 $0x1, s1  }
0x8c: {  	s16 =	sshll.u32 s0, $0xA;
	s2 =	sadd.s32 s3, s2  }
0x8d: {  	s2 =	sadd.s32 s2, s16  }
0x8e: {  	[smem:$0x3FBC] =	sst s2  }
0x8f: {  	_ = 	snop  }
0x90: {  	(tm) =	ssettm $0x1  }
0x91: {  	s17 =	sld [smem:$0x3FFB];
	_ =	sdelay $0x3  }
0x92: {  	_ =	strace s17  }
0x93: {  	s2 =	sld [smem:$0x3FFC];
	_ =	sdelay $0x3  }
0x94: {  	_ =	strace s2  }
0x95: {  	s2 =	sld [smem:$0x3FFD];
	_ =	sdelay $0x3  }
0x96: {  	_ =	strace s2  }
0x97: {  	_ =	strace $0x8FFFFFFF  }
0x98: {  	s18 =	sld [smem:$0x3FDB];
	_ =	sdelay $0x1  }
0x99: {  	s19 =	simm.s32 $_scs_section_size  }
0x9a: {  	s4 =	simm.s32 $_size__tile_overlayer_lowered;
	s5 =	simm.s32 $_tile_overlayer_lowered  }
0x9b: {  	s22 =	simm.s32 $0x1BFF;
	s21 =	sshll.u32 s5, $0x1;
	s2 =	sadd.s32 s19, s18  }
0x9c: {  	s6 =	simm.s32 $0x0;
	s20 =	sshll.u32 s4, $0x1;
	s4 =	sadd.s32 s21, s2  }
0x9d: {  	[timem:s6], [sflag:s22] =	dma.local [hbm:s4], s20  }
0x9e: {  	_ =	swait.ge [sflag:s22], s20  }
0x9f: {  	s3 =	ssub.s32 $0x0, s20;
	[sflag:s22] =	ssyncset.done $0x0  }
0xa0: {  	[sflag:s22] =	ssyncadd.s32 s3;
	_ =	sdelay $0x1  }
0xa1: {  	s23 =	simm.s32 $0x1B8B  }
0xa2: {  	_ =	swait.ge [sflag:s23], $0x1  }
0xa3: {  	[sflag:s23] =	ssyncset.done $0x0  }
0xa4: {  	s25 =	simm.s32 $0x1B8E;
	s24 =	sld [smem:$0x3FFE];
	[sflag:s23] =	ssyncadd.s32 $0xFFFFFFFF  }
0xa5: {  	s26 =	simm.s32 $execute0_lowered;
	[smem:$0x3FD2] =	sst s25  }
0xa6: {  	s4 =	sshll.u32 s26, $0x1;
	_ =	strace $0x8000004F;
	[dreg:$0x1] =	wrdreg $0xFFFFFFFF  }
0xa7: {  	s28 =	simm.s32 $_size_execute0_lowered;
	s2 =	sadd.s32 s2, s4;
	[dreg:$0x0] =	wrdreg $0x0  }
0xa8: {  	s4 =	sshll.u32 s28, $0x1;
	[dreg:$0x2] =	wrdreg s2  }
0xa9: {  	[dreg:$0x3] =	wrdreg s4  }
0xaa: {  	[dreg:$0x4] =	wrdreg $0xC0  }
0xab: {  	_ =	task [dreg:s6], $0x5FFFF  }
0xac: {  	[dreg:$0x1] =	wrdreg $0xFFFFFFFF  }
0xad: {  	[dreg:$0x0] =	wrdreg $0x60  }
0xae: {  	[dreg:$0x2] =	wrdreg s24  }
0xaf: {  	[dreg:$0x3] =	wrdreg $0x108000  }
0xb0: {  	[dreg:$0x4] =	wrdreg $0x9  }
0xb1: {  	_ =	task.clear_ibuf [dreg:s6], $0x5FFFF;
	_ =	strace $0x9000004F  }
0xb2: {  	s29 =	simm.s32 $0x9;
	_ =	strace $0x80000051  }
0xb3: {  	_ =	swait.ge [sflag:s29], $0x1  }
0xb4: {  	[sflag:s29] =	ssyncadd.s32 $0xFFFFFFFF  }
0xb5: {  	_ =	strace $0x90000051  }
0xb6: {  	_ =	sfence  }
0xb7: {  	s30 =	sld [smem:$0x0];
	_ =	sdelay $0x2  }
0xb8: {  	s31 =	sshll.u32 s1, $0xD;
	s1 =	sshrl.u32 s1, $0x2  }
0xb9: {  	s3 =	sand.u32 $0x4000, s31;
	s1 =	sadd.s32 s1, s30  }
0xba: {  	s0 =	sor.u32 s3, s0;
	s1 =	sshll.u32 s1, $0x11  }
0xbb: {  	s0 =	sor.u32 s1, s0  }
0xbc: {  	s0 =	sadd.s32 $0x8F2B, s0  }
0xbd: {  	[sflag:s0] =	ssyncadd.remote.s32 $0x1  }
0xbe: {  	_ =	sfence.sel $0xFFFF  }
0xbf: {  	[dreg:$0x0] =	wrdreg $0xFFFFFFFF;
	(pc) =	sbr.abs _section_cstart, $3  }
0xc0: {  	[dreg:$0x1] =	wrdreg $0xFFFFFFFF  }
0xc1: {  	_ =	task.clear_ibuf [dreg:s6], $0x2FFFF;
	_ =	strace $0x9FFFFFFF  }
0xc2: {  	(tm) =	ssettm $0x7FFFFFFF  }
0xc3: {  	_ =	shalt  }
tec
execute0_lowered:
.L_overlay_start_1:
0x0: {  	(tag) =	ssettag $0x1  }
0x1: {  	s0 =	rddreg [dreg:$0x0]  }
0x2: {  	s2 =	rddreg [dreg:$0x1];
	s1 =	srdreg.scid  }
0x3: {  	s12 =	stileid.u32;
	s3 =	simm.s32 $0x0;
	s29 =	simm.s32 $0x3  }
0x4: {  	s16 =	simm.s32 $0xB;
	s13 =	simm.s32 $0x8;
	s1 =	sand.u32 $0x1, s1  }
0x5: {  	s5 =	smul.u32 $0xA000, s12;
	[smem:$0x7FF] =	sst s3;
	s4 =	sadd.s32 $0x20A00, s0  }
0x6: {  	s8 =	sadd.s32 $0xCA00, s0;
	s10 =	sadd.s32 $0x34A00, s0;
	s24 =	smul.u32 $0xA00, s12  }
0x7: {  	s31 =	sshll.u32 s12, $0x6;
	s6 =	smul.u32 $0xA0000, s1;
	_ =	strace $0x80000050  }
0x8: {  	s7 =	sshll.u32 s1, $0x4;
	s17 =	ssub.s32 $0x2, s1;
	p0 =	seq.s32 s1, $0x0  }
0x9: {  	s1 =	smul.u32 $0xA000, s1;
	s28 =	sor.u32 $0x1C11, s31;
	s7 =	sor.u32 s12, s7  }
0xa: {  	s11 =	sshrl.u32 s17, $0x1;
	s21 =	sadd.s32 s5, s2;
	s10 =	smov.u32 @p0 s4  }
0xb: {  	[dreg:$0xf] =	wrdreg s28;
	s6 =	sadd.s32 s5, s6;
	s9 =	smul.u32 $0xA00, s7  }
0xc: {  	s7 =	smul.u32 $0x5000, s7;
	s5 =	sshrl.u32 s5, $0x3;
	s26 =	sadd.s32 s1, s8  }
0xd: {  	s30 =	sshrl.u32 s21, $0x3;
	s1 =	simm.s32 $0x4;
	s6 =	sshrl.u32 s6, $0x3  }
0xe: {  	s5 =	sadd.s32 s10, s5;
	s10 =	simm.s32 $0x300;
	[dreg:$0x10] =	wrdreg s30  }
0xf: {  	s0 =	sadd.s32 s6, s0;
	s9 =	sadd.s32 s8, s9;
	[dreg:$0xe] =	wrdreg s5  }
0x10: {  	s6 =	ssub.s32 s17, s11;
	s18 =	sadd.s32 $0x20, s9;
	[dreg:$0x4] =	wrdreg s9  }
0x11: {  	s7 =	sshrl.u32 s7, $0x3;
	s19 =	sadd.s32 $0x40, s9;
	[dreg:$0x5] =	wrdreg s18  }
0x12: {  	s17 =	simm.s32 $0xC;
	s20 =	sadd.s32 $0x60, s9;
	[dreg:$0x6] =	wrdreg s19  }
0x13: {  	s5 =	simm.s32 $0x0;
	s9 =	sadd.s32 $0x80, s9;
	[dreg:$0x7] =	wrdreg s20  }
0x14: {  	s7 =	sadd.s32 s8, s7;
	s0 =	sadd.s32 $0x48A00, s0;
	[dreg:$0x8] =	wrdreg s9  }
0x15: {  	s25 =	smax.u32 s6, $0x1;
	s6 =	simm.s32 $0x100;
	[dreg:$0xc] =	wrdreg s0  }
0x16: {  	s22 =	sadd.s32 $0x9A0, s7;
	s23 =	sadd.s32 $0x9C0, s7;
	[dreg:$0xd] =	wrdreg s25  }
0x17: {  	s7 =	sadd.s32 $0x9E0, s7;
	s0 =	sadd.s32 s24, s26;
	[dreg:$0x9] =	wrdreg s22  }
0x18: {  	s24 =	simm.s32 $0x80;
	s26 =	simm.s32 $0x2;
	[dreg:$0xa] =	wrdreg s23  }
0x19: {  	s18 =	simm.s32 $0xD;
	s19 =	simm.s32 $0xE;
	[dreg:$0xb] =	wrdreg s7  }
0x1a: {  	s20 =	simm.s32 $0xF;
	s25 =	simm.s32 $0x10;
	[dreg:$0x3] =	wrdreg s0  }
0x1b: {  	s7 =	simm.s32 $0x200;
	s22 =	simm.s32 $0x11;
	s23 =	simm.s32 $0x1  }
.LBB2_1:
0x1c: {  	[dreg:$0x11] =	wrdreg s5  }
0x1d: {  	s0 =	rddreg [dreg:$0x4]  }
0x1e: {  	s14 =	rddreg [dreg:$0x5]  }
0x1f: {  	[tilespmem:s3], [sflag:$0x1] =	stream.linear.gather [hbm4b:s0+s3], $0x100, $0x38;
	[tilespmem:$0x1A800] =	vst v63  }
0x20: {  	s15 =	rddreg [dreg:$0x6]  }
0x21: {  	[tilespmem:s6], [sflag:$0x2] =	stream.linear.gather [hbm4b:s14+s3], $0x100, $0x38;
	[tilespmem:$0x1A800] =	vst v63  }
0x22: {  	s21 =	rddreg [dreg:$0x7]  }
0x23: {  	[tilespmem:s7], [sflag:$0x3] =	stream.linear.gather [hbm4b:s15+s3], $0x100, $0x38;
	[tilespmem:$0x1A800] =	vst v63  }
0x24: {  	s5 =	rddreg [dreg:$0x8]  }
0x25: {  	[tilespmem:s10], [sflag:$0x4] =	stream.linear.gather [hbm4b:s21+s3], $0x100, $0x38;
	[tilespmem:$0x1A800] =	vst v63  }
0x26: {  	s11 =	simm.s32 $0x400;
	s8 =	rddreg [dreg:$0xe]  }
0x27: {  	[tilespmem:s11], [sflag:$0x5] =	stream.linear.gather [hbm4b:s5+s3], $0x100, $0x38;
	[tilespmem:$0x1A800] =	vst v63  }
0x28: {  	[spmem:s30], [sflag:s28] =	dma.local [hbm:s8], $0x1400  }
0x29: {  	_ =	swait.ge [sflag:s22], $0x1400  }
0x2a: {  	[sflag:s22] =	ssyncset.done $0x0  }
0x2b: {  	[sflag:s22] =	ssyncadd.s32 $0xFFFFEC00  }
0x2c: {  	_ =	swait.ge [sflag:s23], $0x100  }
0x2d: {  	[sflag:s23] =	ssyncset.done $0x0  }
0x2e: {  	s5 =	simm.s32 $0x800;
	[sflag:s23] =	ssyncadd.s32 $0xFFFFFF00  }
0x2f: {  	[tilespmem:s5], [sflag:$0x9] =	stream.indirect.gather [hbm4b:s4+s24], $0x40, s3, s24, $0xb8;
	[tilespmem:$0x1A800] =	vst v63  }
0x30: {  	_ =	swait.ge [sflag:s26], $0x100  }
0x31: {  	[sflag:s26] =	ssyncset.done $0x0  }
0x32: {  	s15 =	simm.s32 $0x2800;
	[sflag:s26] =	ssyncadd.s32 $0xFFFFFF00  }
0x33: {  	[tilespmem:s15], [sflag:$0xA] =	stream.indirect.gather [hbm4b:s4+s24], $0x40, s6, s24, $0xb8;
	[tilespmem:$0x1A800] =	vst v63  }
0x34: {  	_ =	swait.ge [sflag:s29], $0x100  }
0x35: {  	[sflag:s29] =	ssyncset.done $0x0  }
0x36: {  	s6 =	simm.s32 $0x4800;
	[sflag:s29] =	ssyncadd.s32 $0xFFFFFF00  }
0x37: {  	[tilespmem:s6], [sflag:$0xB] =	stream.indirect.gather [hbm4b:s4+s24], $0x40, s7, s24, $0xb8;
	[tilespmem:$0x1A800] =	vst v63  }
0x38: {  	_ =	swait.ge [sflag:s1], $0x100  }
0x39: {  	[sflag:s1] =	ssyncset.done $0x0  }
0x3a: {  	s21 =	simm.s32 $0x6800;
	[sflag:s1] =	ssyncadd.s32 $0xFFFFFF00  }
0x3b: {  	[tilespmem:s21], [sflag:$0xC] =	stream.indirect.gather [hbm4b:s4+s24], $0x40, s10, s24, $0xb8;
	[tilespmem:$0x1A800] =	vst v63  }
0x3c: {  	s9 =	simm.s32 $0x5;
	[bflag:$0x0] =	sbarrier.arrive $0xFFFF  }
0x3d: {  	_ =	swait.ge [sflag:s9], $0x100  }
0x3e: {  	[sflag:s9] =	ssyncset.done $0x0;
	s28 =	rddreg [dreg:$0x3]  }
0x3f: {  	s7 =	simm.s32 $0x8800;
	[sflag:s9] =	ssyncadd.s32 $0xFFFFFF00;
	s28 =	sadd.s32 $0x0, s28  }
0x40: {  	[tilespmem:s7], [sflag:$0xD] =	stream.indirect.gather [hbm4b:s4+s24], $0x40, s11, s24, $0xb8;
	[tilespmem:$0x1A800] =	vst v63  }
0x41: {  	s12 =	simm.s32 $0x500;
	s8 =	simm.s32 $0x9;
	s10 =	sadd.s32 $0xA0, s28  }
0x42: {  	[tilespmem:s12], [sflag:$0x6] =	stream.linear.gather [hbm4b:s10+s3], $0x100, $0x38;
	[tilespmem:$0x1A800] =	vst v63  }
0x43: {  	_ =	swait.ge [sflag:s8], $0x2000  }
0x44: {  	[sflag:s8] =	ssyncset.done $0x0  }
0x45: {  	[sflag:s8] =	ssyncadd.s32 $0xFFFFE000  }
0x46: {  	[spmem:s2] =	stream.indirect.scatter.add.f32 [tilespmem:s5], [sflag:$0x11], $0x40, s24, s24, $0xb8;
	[tilespmem:$0x1A800] =	vst v63  }
0x47: {  	_ =	swait.ge [sflag:s22], $0x2000  }
0x48: {  	[sflag:s22] =	ssyncset.done $0x0  }
0x49: {  	s30 =	simm.s32 $0x6;
	[sflag:s22] =	ssyncadd.s32 $0xFFFFE000  }
0x4a: {  	_ =	swait.ge [sflag:s30], $0x100  }
0x4b: {  	[sflag:s30] =	ssyncset.done $0x0  }
0x4c: {  	s8 =	simm.s32 $0xA800;
	[sflag:s30] =	ssyncadd.s32 $0xFFFFFF00  }
0x4d: {  	[tilespmem:s8], [sflag:$0xE] =	stream.indirect.gather [hbm4b:s4+s24], $0x40, s12, s24, $0xb8;
	[tilespmem:$0x1A800] =	vst v63  }
0x4e: {  	s9 =	sadd.s32 $0xC0, s28;
	s10 =	simm.s32 $0x600  }
0x4f: {  	[tilespmem:s10], [sflag:$0x7] =	stream.linear.gather [hbm4b:s9+s3], $0x100, $0x38;
	[tilespmem:$0x1A800] =	vst v63  }
0x50: {  	s9 =	simm.s32 $0xA  }
0x51: {  	_ =	swait.ge [sflag:s9], $0x2000  }
0x52: {  	[sflag:s9] =	ssyncset.done $0x0  }
0x53: {  	s12 =	simm.s32 $0x180;
	[sflag:s9] =	ssyncadd.s32 $0xFFFFE000  }
0x54: {  	[spmem:s2] =	stream.indirect.scatter.add.f32 [tilespmem:s15], [sflag:$0x11], $0x40, s12, s24, $0xb8;
	[tilespmem:$0x1A800] =	vst v63  }
0x55: {  	_ =	swait.ge [sflag:s22], $0x2000  }
0x56: {  	[sflag:s22] =	ssyncset.done $0x0  }
0x57: {  	s30 =	simm.s32 $0x7;
	[sflag:s22] =	ssyncadd.s32 $0xFFFFE000  }
0x58: {  	_ =	swait.ge [sflag:s30], $0x100  }
0x59: {  	[sflag:s30] =	ssyncset.done $0x0  }
0x5a: {  	s9 =	simm.s32 $0xC800;
	[sflag:s30] =	ssyncadd.s32 $0xFFFFFF00  }
0x5b: {  	[tilespmem:s9], [sflag:$0xF] =	stream.indirect.gather [hbm4b:s4+s24], $0x40, s10, s24, $0xb8;
	[tilespmem:$0x1A800] =	vst v63  }
0x5c: {  	s12 =	sadd.s32 $0xE0, s28;
	s10 =	simm.s32 $0x700  }
0x5d: {  	[tilespmem:s10], [sflag:$0x8] =	stream.linear.gather [hbm4b:s12+s3], $0x100, $0x38;
	[tilespmem:$0x1A800] =	vst v63  }
0x5e: {  	_ =	swait.ge [sflag:s16], $0x2000  }
0x5f: {  	[sflag:s16] =	ssyncset.done $0x0  }
0x60: {  	s12 =	simm.s32 $0x280;
	[sflag:s16] =	ssyncadd.s32 $0xFFFFE000  }
0x61: {  	[spmem:s2] =	stream.indirect.scatter.add.f32 [tilespmem:s6], [sflag:$0x11], $0x40, s12, s24, $0xb8;
	[tilespmem:$0x1A800] =	vst v63  }
0x62: {  	_ =	swait.ge [sflag:s22], $0x2000  }
0x63: {  	[sflag:s22] =	ssyncset.done $0x0  }
0x64: {  	[sflag:s22] =	ssyncadd.s32 $0xFFFFE000  }
0x65: {  	_ =	swait.ge [sflag:s13], $0x100  }
0x66: {  	[sflag:s13] =	ssyncset.done $0x0  }
0x67: {  	s12 =	simm.s32 $0xE800;
	[sflag:s13] =	ssyncadd.s32 $0xFFFFFF00  }
0x68: {  	[tilespmem:s12], [sflag:$0x10] =	stream.indirect.gather [hbm4b:s4+s24], $0x40, s10, s24, $0xb8;
	[tilespmem:$0x1A800] =	vst v63  }
0x69: {  	s10 =	sadd.s32 $0x100, s28  }
0x6a: {  	[tilespmem:s3], [sflag:$0x1] =	stream.linear.gather [hbm4b:s10+s3], $0x100, $0x38;
	[tilespmem:$0x1A800] =	vst v63  }
0x6b: {  	_ =	swait.ge [sflag:s17], $0x2000  }
0x6c: {  	[sflag:s17] =	ssyncset.done $0x0  }
0x6d: {  	s30 =	simm.s32 $0x380;
	[sflag:s17] =	ssyncadd.s32 $0xFFFFE000  }
0x6e: {  	[spmem:s2] =	stream.indirect.scatter.add.f32 [tilespmem:s21], [sflag:$0x11], $0x40, s30, s24, $0xb8;
	[tilespmem:$0x1A800] =	vst v63  }
0x6f: {  	_ =	swait.ge [sflag:s22], $0x2000  }
0x70: {  	[sflag:s22] =	ssyncset.done $0x0  }
0x71: {  	[sflag:s22] =	ssyncadd.s32 $0xFFFFE000  }
0x72: {  	_ =	swait.ge [sflag:s23], $0x100  }
0x73: {  	[sflag:s23] =	ssyncset.done $0x0  }
0x74: {  	[sflag:s23] =	ssyncadd.s32 $0xFFFFFF00  }
0x75: {  	[tilespmem:s5], [sflag:$0x9] =	stream.indirect.gather [hbm4b:s4+s24], $0x40, s3, s24, $0xb8;
	[tilespmem:$0x1A800] =	vst v63  }
0x76: {  	s31 =	simm.s32 $0x100;
	s23 =	sadd.s32 $0x120, s28  }
0x77: {  	[tilespmem:s31], [sflag:$0x2] =	stream.linear.gather [hbm4b:s23+s3], $0x100, $0x38;
	[tilespmem:$0x1A800] =	vst v63  }
0x78: {  	_ =	swait.ge [sflag:s18], $0x2000  }
0x79: {  	[sflag:s18] =	ssyncset.done $0x0  }
0x7a: {  	s30 =	simm.s32 $0x480;
	[sflag:s18] =	ssyncadd.s32 $0xFFFFE000  }
0x7b: {  	[spmem:s2] =	stream.indirect.scatter.add.f32 [tilespmem:s7], [sflag:$0x11], $0x40, s30, s24, $0xb8;
	[tilespmem:$0x1A800] =	vst v63  }
0x7c: {  	_ =	swait.ge [sflag:s22], $0x2000  }
0x7d: {  	[sflag:s22] =	ssyncset.done $0x0  }
0x7e: {  	[sflag:s22] =	ssyncadd.s32 $0xFFFFE000  }
0x7f: {  	_ =	swait.ge [sflag:s26], $0x100  }
0x80: {  	[sflag:s26] =	ssyncset.done $0x0  }
0x81: {  	[sflag:s26] =	ssyncadd.s32 $0xFFFFFF00  }
0x82: {  	[tilespmem:s15], [sflag:$0xA] =	stream.indirect.gather [hbm4b:s4+s24], $0x40, s31, s24, $0xb8;
	[tilespmem:$0x1A800] =	vst v63  }
0x83: {  	s14 =	simm.s32 $0x200;
	s7 =	sadd.s32 $0x140, s28  }
0x84: {  	[tilespmem:s14], [sflag:$0x3] =	stream.linear.gather [hbm4b:s7+s3], $0x100, $0x38;
	[tilespmem:$0x1A800] =	vst v63  }
0x85: {  	_ =	swait.ge [sflag:s19], $0x2000  }
0x86: {  	[sflag:s19] =	ssyncset.done $0x0  }
0x87: {  	s10 =	simm.s32 $0x580;
	[sflag:s19] =	ssyncadd.s32 $0xFFFFE000  }
0x88: {  	[spmem:s2] =	stream.indirect.scatter.add.f32 [tilespmem:s8], [sflag:$0x11], $0x40, s10, s24, $0xb8;
	[tilespmem:$0x1A800] =	vst v63  }
0x89: {  	_ =	swait.ge [sflag:s22], $0x2000  }
0x8a: {  	[sflag:s22] =	ssyncset.done $0x0  }
0x8b: {  	[sflag:s22] =	ssyncadd.s32 $0xFFFFE000  }
0x8c: {  	_ =	swait.ge [sflag:s29], $0x100  }
0x8d: {  	[sflag:s29] =	ssyncset.done $0x0  }
0x8e: {  	[sflag:s29] =	ssyncadd.s32 $0xFFFFFF00  }
0x8f: {  	[tilespmem:s6], [sflag:$0xB] =	stream.indirect.gather [hbm4b:s4+s24], $0x40, s14, s24, $0xb8;
	[tilespmem:$0x1A800] =	vst v63  }
0x90: {  	s0 =	simm.s32 $0x300;
	s15 =	sadd.s32 $0x160, s28  }
0x91: {  	[tilespmem:s0], [sflag:$0x4] =	stream.linear.gather [hbm4b:s15+s3], $0x100, $0x38;
	[tilespmem:$0x1A800] =	vst v63  }
0x92: {  	_ =	swait.ge [sflag:s20], $0x2000  }
0x93: {  	[sflag:s20] =	ssyncset.done $0x0  }
0x94: {  	s26 =	simm.s32 $0x680;
	[sflag:s20] =	ssyncadd.s32 $0xFFFFE000  }
0x95: {  	[spmem:s2] =	stream.indirect.scatter.add.f32 [tilespmem:s9], [sflag:$0x11], $0x40, s26, s24, $0xb8;
	[tilespmem:$0x1A800] =	vst v63  }
0x96: {  	_ =	swait.ge [sflag:s22], $0x2000  }
0x97: {  	[sflag:s22] =	ssyncset.done $0x0  }
0x98: {  	[sflag:s22] =	ssyncadd.s32 $0xFFFFE000  }
0x99: {  	_ =	swait.ge [sflag:s1], $0x100  }
0x9a: {  	[sflag:s1] =	ssyncset.done $0x0  }
0x9b: {  	s23 =	simm.s32 $0x300;
	[sflag:s1] =	ssyncadd.s32 $0xFFFFFF00  }
0x9c: {  	[tilespmem:s21], [sflag:$0xC] =	stream.indirect.gather [hbm4b:s4+s24], $0x40, s23, s24, $0xb8;
	[tilespmem:$0x1A800] =	vst v63  }
0x9d: {  	s28 =	sadd.s32 $0x180, s28  }
0x9e: {  	[tilespmem:s11], [sflag:$0x5] =	stream.linear.gather [hbm4b:s28+s3], $0x100, $0x38;
	[tilespmem:$0x1A800] =	vst v63  }
0x9f: {  	_ =	swait.ge [sflag:s25], $0x2000  }
0xa0: {  	s30 =	simm.s32 $0x780;
	s31 =	simm.s32 $0x3;
	[sflag:s25] =	ssyncset.done $0x0  }
0xa1: {  	s29 =	simm.s32 $0x2;
	s26 =	simm.s32 $0x1;
	[sflag:s25] =	ssyncadd.s32 $0xFFFFE000  }
0xa2: {  	[spmem:s2] =	stream.indirect.scatter.add.f32 [tilespmem:s12], [sflag:$0x11], $0x40, s30, s24, $0xb8;
	[tilespmem:$0x1A800] =	vst v63  }
0xa3: {  	s1 =	simm.s32 $0x4;
	s28 =	simm.s32 $0x100;
	_ =	swait.ge [sflag:s22], $0x2000  }
.LBB2_2:
0xa4: {  	[sflag:s22] =	ssyncset.done $0x0  }
0xa5: {  	s5 =	simm.s32 $0x5;
	[sflag:s22] =	ssyncadd.s32 $0xFFFFE000  }
0xa6: {  	s30 =	smov.u32 s28;
	_ =	swait.ge [sflag:s5], $0x100  }
0xa7: {  	s11 =	simm.s32 $0x400;
	[sflag:s5] =	ssyncset.done $0x0;
	s0 =	rddreg [dreg:$0x3]  }
0xa8: {  	s23 =	simm.s32 $0x8800;
	[sflag:s5] =	ssyncadd.s32 $0xFFFFFF00;
	s30 =	sadd.s32 s30, s0  }
0xa9: {  	[tilespmem:s23], [sflag:$0xD] =	stream.indirect.gather [hbm4b:s4+s24], $0x40, s11, s24, $0xb8;
	[tilespmem:$0x1A800] =	vst v63  }
0xaa: {  	s6 =	simm.s32 $0x500;
	s14 =	simm.s32 $0x9;
	s0 =	sadd.s32 $0xA0, s30  }
0xab: {  	[tilespmem:s6], [sflag:$0x6] =	stream.linear.gather [hbm4b:s0+s3], $0x100, $0x38;
	[tilespmem:$0x1A800] =	vst v63  }
0xac: {  	_ =	swait.ge [sflag:s14], $0x2000  }
0xad: {  	[sflag:s14] =	ssyncset.done $0x0  }
0xae: {  	s5 =	simm.s32 $0x800;
	[sflag:s14] =	ssyncadd.s32 $0xFFFFE000  }
0xaf: {  	[spmem:s2] =	stream.indirect.scatter.add.f32 [tilespmem:s5], [sflag:$0x11], $0x40, s24, s24, $0xb8;
	[tilespmem:$0x1A800] =	vst v63  }
0xb0: {  	_ =	swait.ge [sflag:s22], $0x2000  }
0xb1: {  	[sflag:s22] =	ssyncset.done $0x0  }
0xb2: {  	s15 =	simm.s32 $0x6;
	[sflag:s22] =	ssyncadd.s32 $0xFFFFE000  }
0xb3: {  	_ =	swait.ge [sflag:s15], $0x100  }
0xb4: {  	[sflag:s15] =	ssyncset.done $0x0  }
0xb5: {  	s8 =	simm.s32 $0xA800;
	[sflag:s15] =	ssyncadd.s32 $0xFFFFFF00  }
0xb6: {  	[tilespmem:s8], [sflag:$0xE] =	stream.indirect.gather [hbm4b:s4+s24], $0x40, s6, s24, $0xb8;
	[tilespmem:$0x1A800] =	vst v63  }
0xb7: {  	s7 =	simm.s32 $0x600;
	s9 =	simm.s32 $0xA;
	s21 =	sadd.s32 $0xC0, s30  }
0xb8: {  	[tilespmem:s7], [sflag:$0x7] =	stream.linear.gather [hbm4b:s21+s3], $0x100, $0x38;
	[tilespmem:$0x1A800] =	vst v63  }
0xb9: {  	_ =	swait.ge [sflag:s9], $0x2000  }
0xba: {  	[sflag:s9] =	ssyncset.done $0x0  }
0xbb: {  	s12 =	simm.s32 $0x180;
	s21 =	simm.s32 $0x2800;
	[sflag:s9] =	ssyncadd.s32 $0xFFFFE000  }
0xbc: {  	[spmem:s2] =	stream.indirect.scatter.add.f32 [tilespmem:s21], [sflag:$0x11], $0x40, s12, s24, $0xb8;
	[tilespmem:$0x1A800] =	vst v63  }
0xbd: {  	_ =	swait.ge [sflag:s22], $0x2000  }
0xbe: {  	[sflag:s22] =	ssyncset.done $0x0  }
0xbf: {  	s14 =	simm.s32 $0x7;
	[sflag:s22] =	ssyncadd.s32 $0xFFFFE000  }
0xc0: {  	_ =	swait.ge [sflag:s14], $0x100  }
0xc1: {  	[sflag:s14] =	ssyncset.done $0x0  }
0xc2: {  	s9 =	simm.s32 $0xC800;
	[sflag:s14] =	ssyncadd.s32 $0xFFFFFF00  }
0xc3: {  	[tilespmem:s9], [sflag:$0xF] =	stream.indirect.gather [hbm4b:s4+s24], $0x40, s7, s24, $0xb8;
	[tilespmem:$0x1A800] =	vst v63  }
0xc4: {  	s15 =	sadd.s32 $0xE0, s30;
	s7 =	simm.s32 $0x700  }
0xc5: {  	[tilespmem:s7], [sflag:$0x8] =	stream.linear.gather [hbm4b:s15+s3], $0x100, $0x38;
	[tilespmem:$0x1A800] =	vst v63  }
0xc6: {  	_ =	swait.ge [sflag:s16], $0x2000  }
0xc7: {  	[sflag:s16] =	ssyncset.done $0x0  }
0xc8: {  	s6 =	simm.s32 $0x4800;
	s12 =	simm.s32 $0x280;
	[sflag:s16] =	ssyncadd.s32 $0xFFFFE000  }
0xc9: {  	[spmem:s2] =	stream.indirect.scatter.add.f32 [tilespmem:s6], [sflag:$0x11], $0x40, s12, s24, $0xb8;
	[tilespmem:$0x1A800] =	vst v63  }
0xca: {  	_ =	swait.ge [sflag:s22], $0x2000  }
0xcb: {  	[sflag:s22] =	ssyncset.done $0x0  }
0xcc: {  	[sflag:s22] =	ssyncadd.s32 $0xFFFFE000  }
0xcd: {  	_ =	swait.ge [sflag:s13], $0x100  }
0xce: {  	[sflag:s13] =	ssyncset.done $0x0  }
0xcf: {  	s12 =	simm.s32 $0xE800;
	[sflag:s13] =	ssyncadd.s32 $0xFFFFFF00  }
0xd0: {  	[tilespmem:s12], [sflag:$0x10] =	stream.indirect.gather [hbm4b:s4+s24], $0x40, s7, s24, $0xb8;
	[tilespmem:$0x1A800] =	vst v63  }
0xd1: {  	s14 =	sadd.s32 $0x100, s30  }
0xd2: {  	[tilespmem:s3], [sflag:$0x1] =	stream.linear.gather [hbm4b:s14+s3], $0x100, $0x38;
	[tilespmem:$0x1A800] =	vst v63  }
0xd3: {  	_ =	swait.ge [sflag:s17], $0x2000  }
0xd4: {  	[sflag:s17] =	ssyncset.done $0x0  }
0xd5: {  	s15 =	simm.s32 $0x380;
	s7 =	simm.s32 $0x6800;
	[sflag:s17] =	ssyncadd.s32 $0xFFFFE000  }
0xd6: {  	[spmem:s2] =	stream.indirect.scatter.add.f32 [tilespmem:s7], [sflag:$0x11], $0x40, s15, s24, $0xb8;
	[tilespmem:$0x1A800] =	vst v63  }
0xd7: {  	_ =	swait.ge [sflag:s22], $0x2000  }
0xd8: {  	[sflag:s22] =	ssyncset.done $0x0  }
0xd9: {  	[sflag:s22] =	ssyncadd.s32 $0xFFFFE000  }
0xda: {  	_ =	swait.ge [sflag:s26], $0x100  }
0xdb: {  	[sflag:s26] =	ssyncset.done $0x0  }
0xdc: {  	[sflag:s26] =	ssyncadd.s32 $0xFFFFFF00  }
0xdd: {  	[tilespmem:s5], [sflag:$0x9] =	stream.indirect.gather [hbm4b:s4+s24], $0x40, s3, s24, $0xb8;
	[tilespmem:$0x1A800] =	vst v63  }
0xde: {  	s0 =	sadd.s32 $0x120, s30;
	s14 =	simm.s32 $0x100  }
0xdf: {  	[tilespmem:s14], [sflag:$0x2] =	stream.linear.gather [hbm4b:s0+s3], $0x100, $0x38;
	[tilespmem:$0x1A800] =	vst v63  }
0xe0: {  	_ =	swait.ge [sflag:s18], $0x2000  }
0xe1: {  	[sflag:s18] =	ssyncset.done $0x0  }
0xe2: {  	s5 =	simm.s32 $0x480;
	[sflag:s18] =	ssyncadd.s32 $0xFFFFE000  }
0xe3: {  	[spmem:s2] =	stream.indirect.scatter.add.f32 [tilespmem:s23], [sflag:$0x11], $0x40, s5, s24, $0xb8;
	[tilespmem:$0x1A800] =	vst v63  }
0xe4: {  	_ =	swait.ge [sflag:s22], $0x2000  }
0xe5: {  	[sflag:s22] =	ssyncset.done $0x0  }
0xe6: {  	[sflag:s22] =	ssyncadd.s32 $0xFFFFE000  }
0xe7: {  	_ =	swait.ge [sflag:s29], $0x100  }
0xe8: {  	[sflag:s29] =	ssyncset.done $0x0  }
0xe9: {  	[sflag:s29] =	ssyncadd.s32 $0xFFFFFF00  }
0xea: {  	[tilespmem:s21], [sflag:$0xA] =	stream.indirect.gather [hbm4b:s4+s24], $0x40, s14, s24, $0xb8;
	[tilespmem:$0x1A800] =	vst v63  }
0xeb: {  	s23 =	sadd.s32 $0x140, s30;
	s14 =	simm.s32 $0x200  }
0xec: {  	[tilespmem:s14], [sflag:$0x3] =	stream.linear.gather [hbm4b:s23+s3], $0x100, $0x38;
	[tilespmem:$0x1A800] =	vst v63  }
0xed: {  	_ =	swait.ge [sflag:s19], $0x2000  }
0xee: {  	[sflag:s19] =	ssyncset.done $0x0  }
0xef: {  	s23 =	simm.s32 $0x580;
	[sflag:s19] =	ssyncadd.s32 $0xFFFFE000  }
0xf0: {  	[spmem:s2] =	stream.indirect.scatter.add.f32 [tilespmem:s8], [sflag:$0x11], $0x40, s23, s24, $0xb8;
	[tilespmem:$0x1A800] =	vst v63  }
0xf1: {  	_ =	swait.ge [sflag:s22], $0x2000  }
0xf2: {  	[sflag:s22] =	ssyncset.done $0x0  }
0xf3: {  	[sflag:s22] =	ssyncadd.s32 $0xFFFFE000  }
0xf4: {  	_ =	swait.ge [sflag:s31], $0x100  }
0xf5: {  	[sflag:s31] =	ssyncset.done $0x0  }
0xf6: {  	[sflag:s31] =	ssyncadd.s32 $0xFFFFFF00  }
0xf7: {  	[tilespmem:s6], [sflag:$0xB] =	stream.indirect.gather [hbm4b:s4+s24], $0x40, s14, s24, $0xb8;
	[tilespmem:$0x1A800] =	vst v63  }
0xf8: {  	s10 =	simm.s32 $0x300;
	s8 =	sadd.s32 $0x160, s30  }
0xf9: {  	[tilespmem:s10], [sflag:$0x4] =	stream.linear.gather [hbm4b:s8+s3], $0x100, $0x38;
	[tilespmem:$0x1A800] =	vst v63  }
0xfa: {  	_ =	swait.ge [sflag:s20], $0x2000  }
0xfb: {  	[sflag:s20] =	ssyncset.done $0x0  }
0xfc: {  	s10 =	simm.s32 $0x680;
	[sflag:s20] =	ssyncadd.s32 $0xFFFFE000  }
0xfd: {  	[spmem:s2] =	stream.indirect.scatter.add.f32 [tilespmem:s9], [sflag:$0x11], $0x40, s10, s24, $0xb8;
	[tilespmem:$0x1A800] =	vst v63  }
0xfe: {  	_ =	swait.ge [sflag:s22], $0x2000  }
0xff: {  	[sflag:s22] =	ssyncset.done $0x0  }
0x100: {  	[sflag:s22] =	ssyncadd.s32 $0xFFFFE000  }
0x101: {  	_ =	swait.ge [sflag:s1], $0x100  }
0x102: {  	[sflag:s1] =	ssyncset.done $0x0  }
0x103: {  	s10 =	simm.s32 $0x300;
	[sflag:s1] =	ssyncadd.s32 $0xFFFFFF00  }
0x104: {  	[tilespmem:s7], [sflag:$0xC] =	stream.indirect.gather [hbm4b:s4+s24], $0x40, s10, s24, $0xb8;
	[tilespmem:$0x1A800] =	vst v63  }
0x105: {  	p0 =	sne.s32 s28, $0x800;
	s14 =	sadd.s32 $0x180, s30  }
0x106: {  	[tilespmem:s11], [sflag:$0x5] =	stream.linear.gather [hbm4b:s14+s3], $0x100, $0x38;
	[tilespmem:$0x1A800] =	vst v63  }
.Ltmp0:
0x107: {  	s28 =	sadd.s32 $0x100, s28;
	_ =	swait.ge [sflag:s25], $0x2000;
	(pc) =	sbr.rel @p0 .LBB2_2-.Ltmp0, $4  }
0x108: {  	s15 =	simm.s32 $0x800;
	s5 =	simm.s32 $0x2800;
	[sflag:s25] =	ssyncset.done $0x0  }
0x109: {  	s21 =	simm.s32 $0x4800;
	s23 =	simm.s32 $0x780;
	[sflag:s25] =	ssyncadd.s32 $0xFFFFE000  }
0x10a: {  	[spmem:s2] =	stream.indirect.scatter.add.f32 [tilespmem:s12], [sflag:$0x11], $0x40, s23, s24, $0xb8;
	[tilespmem:$0x1A800] =	vst v63  }
0x10b: {  	s6 =	simm.s32 $0x6800;
	s30 =	simm.s32 $0x400;
	_ =	swait.ge [sflag:s22], $0x2000  }
0x10c: {  	[sflag:s22] =	ssyncset.done $0x0  }
0x10d: {  	s0 =	simm.s32 $0x5;
	[sflag:s22] =	ssyncadd.s32 $0xFFFFE000  }
0x10e: {  	_ =	swait.ge [sflag:s0], $0x100  }
0x10f: {  	[sflag:s0] =	ssyncset.done $0x0  }
0x110: {  	s7 =	simm.s32 $0x8800;
	[sflag:s0] =	ssyncadd.s32 $0xFFFFFF00  }
0x111: {  	[tilespmem:s7], [sflag:$0xD] =	stream.indirect.gather [hbm4b:s4+s24], $0x40, s30, s24, $0xb8;
	[tilespmem:$0x1A800] =	vst v63  }
0x112: {  	s1 =	simm.s32 $0x500;
	s31 =	simm.s32 $0x9;
	s26 =	rddreg [dreg:$0x9]  }
0x113: {  	[tilespmem:s1], [sflag:$0x6] =	stream.linear.gather [hbm4b:s26+s3], $0x100, $0x38;
	[tilespmem:$0x1A800] =	vst v63  }
0x114: {  	_ =	swait.ge [sflag:s31], $0x2000  }
0x115: {  	[sflag:s31] =	ssyncset.done $0x0  }
0x116: {  	[sflag:s31] =	ssyncadd.s32 $0xFFFFE000  }
0x117: {  	[spmem:s2] =	stream.indirect.scatter.add.f32 [tilespmem:s15], [sflag:$0x11], $0x40, s24, s24, $0xb8;
	[tilespmem:$0x1A800] =	vst v63  }
0x118: {  	_ =	swait.ge [sflag:s22], $0x2000  }
0x119: {  	[sflag:s22] =	ssyncset.done $0x0  }
0x11a: {  	s8 =	simm.s32 $0x6;
	[sflag:s22] =	ssyncadd.s32 $0xFFFFE000  }
0x11b: {  	_ =	swait.ge [sflag:s8], $0x100  }
0x11c: {  	[sflag:s8] =	ssyncset.done $0x0  }
0x11d: {  	[sflag:s8] =	ssyncadd.s32 $0xFFFFFF00;
	s8 =	simm.s32 $0xA800  }
0x11e: {  	[tilespmem:s8], [sflag:$0xE] =	stream.indirect.gather [hbm4b:s4+s24], $0x40, s1, s24, $0xb8;
	[tilespmem:$0x1A800] =	vst v63  }
0x11f: {  	s11 =	simm.s32 $0x600;
	s12 =	simm.s32 $0xA;
	s9 =	rddreg [dreg:$0xa]  }
0x120: {  	[tilespmem:s11], [sflag:$0x7] =	stream.linear.gather [hbm4b:s9+s3], $0x100, $0x38;
	[tilespmem:$0x1A800] =	vst v63  }
0x121: {  	_ =	swait.ge [sflag:s12], $0x2000  }
0x122: {  	[sflag:s12] =	ssyncset.done $0x0  }
0x123: {  	s14 =	simm.s32 $0x180;
	[sflag:s12] =	ssyncadd.s32 $0xFFFFE000  }
0x124: {  	[spmem:s2] =	stream.indirect.scatter.add.f32 [tilespmem:s5], [sflag:$0x11], $0x40, s14, s24, $0xb8;
	[tilespmem:$0x1A800] =	vst v63  }
0x125: {  	_ =	swait.ge [sflag:s22], $0x2000  }
0x126: {  	[sflag:s22] =	ssyncset.done $0x0  }
0x127: {  	s15 =	simm.s32 $0x7;
	[sflag:s22] =	ssyncadd.s32 $0xFFFFE000  }
0x128: {  	_ =	swait.ge [sflag:s15], $0x100  }
0x129: {  	[sflag:s15] =	ssyncset.done $0x0  }
0x12a: {  	s5 =	simm.s32 $0xC800;
	[sflag:s15] =	ssyncadd.s32 $0xFFFFFF00  }
0x12b: {  	[tilespmem:s5], [sflag:$0xF] =	stream.indirect.gather [hbm4b:s4+s24], $0x40, s11, s24, $0xb8;
	[tilespmem:$0x1A800] =	vst v63  }
0x12c: {  	s26 =	simm.s32 $0x700;
	s23 =	rddreg [dreg:$0xb]  }
0x12d: {  	[tilespmem:s26], [sflag:$0x8] =	stream.linear.gather [hbm4b:s23+s3], $0x100, $0x38;
	[tilespmem:$0x1A800] =	vst v63  }
0x12e: {  	_ =	swait.ge [sflag:s16], $0x2000  }
0x12f: {  	[sflag:s16] =	ssyncset.done $0x0  }
0x130: {  	s31 =	simm.s32 $0x280;
	[sflag:s16] =	ssyncadd.s32 $0xFFFFE000  }
0x131: {  	[spmem:s2] =	stream.indirect.scatter.add.f32 [tilespmem:s21], [sflag:$0x11], $0x40, s31, s24, $0xb8;
	[tilespmem:$0x1A800] =	vst v63  }
0x132: {  	_ =	swait.ge [sflag:s22], $0x2000  }
0x133: {  	[sflag:s22] =	ssyncset.done $0x0  }
0x134: {  	[sflag:s22] =	ssyncadd.s32 $0xFFFFE000  }
0x135: {  	_ =	swait.ge [sflag:s13], $0x100  }
0x136: {  	[sflag:s13] =	ssyncset.done $0x0  }
0x137: {  	s9 =	simm.s32 $0xE800;
	[sflag:s13] =	ssyncadd.s32 $0xFFFFFF00  }
0x138: {  	[tilespmem:s9], [sflag:$0x10] =	stream.indirect.gather [hbm4b:s4+s24], $0x40, s26, s24, $0xb8;
	[tilespmem:$0x1A800] =	vst v63  }
0x139: {  	_ =	swait.ge [sflag:s17], $0x2000  }
0x13a: {  	[sflag:s17] =	ssyncset.done $0x0  }
0x13b: {  	s11 =	simm.s32 $0x380;
	[sflag:s17] =	ssyncadd.s32 $0xFFFFE000  }
0x13c: {  	[spmem:s2] =	stream.indirect.scatter.add.f32 [tilespmem:s6], [sflag:$0x11], $0x40, s11, s24, $0xb8;
	[tilespmem:$0x1A800] =	vst v63  }
0x13d: {  	_ =	swait.ge [sflag:s22], $0x2000  }
0x13e: {  	[sflag:s22] =	ssyncset.done $0x0  }
0x13f: {  	[sflag:s22] =	ssyncadd.s32 $0xFFFFE000  }
0x140: {  	_ =	swait.ge [sflag:s18], $0x2000  }
0x141: {  	[sflag:s18] =	ssyncset.done $0x0  }
0x142: {  	s12 =	simm.s32 $0x480;
	[sflag:s18] =	ssyncadd.s32 $0xFFFFE000  }
0x143: {  	[spmem:s2] =	stream.indirect.scatter.add.f32 [tilespmem:s7], [sflag:$0x11], $0x40, s12, s24, $0xb8;
	[tilespmem:$0x1A800] =	vst v63  }
0x144: {  	_ =	swait.ge [sflag:s22], $0x2000  }
0x145: {  	[sflag:s22] =	ssyncset.done $0x0  }
0x146: {  	[sflag:s22] =	ssyncadd.s32 $0xFFFFE000  }
0x147: {  	_ =	swait.ge [sflag:s19], $0x2000  }
0x148: {  	[sflag:s19] =	ssyncset.done $0x0  }
0x149: {  	s14 =	simm.s32 $0x580;
	[sflag:s19] =	ssyncadd.s32 $0xFFFFE000  }
0x14a: {  	[spmem:s2] =	stream.indirect.scatter.add.f32 [tilespmem:s8], [sflag:$0x11], $0x40, s14, s24, $0xb8;
	[tilespmem:$0x1A800] =	vst v63  }
0x14b: {  	_ =	swait.ge [sflag:s22], $0x2000  }
0x14c: {  	[sflag:s22] =	ssyncset.done $0x0  }
0x14d: {  	[sflag:s22] =	ssyncadd.s32 $0xFFFFE000  }
0x14e: {  	_ =	swait.ge [sflag:s20], $0x2000  }
0x14f: {  	[sflag:s20] =	ssyncset.done $0x0  }
0x150: {  	s15 =	simm.s32 $0x680;
	[sflag:s20] =	ssyncadd.s32 $0xFFFFE000  }
0x151: {  	[spmem:s2] =	stream.indirect.scatter.add.f32 [tilespmem:s5], [sflag:$0x11], $0x40, s15, s24, $0xb8;
	[tilespmem:$0x1A800] =	vst v63  }
0x152: {  	_ =	swait.ge [sflag:s22], $0x2000  }
0x153: {  	[sflag:s22] =	ssyncset.done $0x0  }
0x154: {  	[sflag:s22] =	ssyncadd.s32 $0xFFFFE000  }
0x155: {  	_ =	swait.ge [sflag:s25], $0x2000  }
0x156: {  	[sflag:s25] =	ssyncset.done $0x0  }
0x157: {  	s21 =	simm.s32 $0x780;
	[sflag:s25] =	ssyncadd.s32 $0xFFFFE000  }
0x158: {  	[spmem:s2] =	stream.indirect.scatter.add.f32 [tilespmem:s9], [sflag:$0x11], $0x40, s21, s24, $0xb8;
	[tilespmem:$0x1A800] =	vst v63  }
0x159: {  	_ =	swait.ge [sflag:s22], $0x2000  }
0x15a: {  	[sflag:s22] =	ssyncset.done $0x0  }
0x15b: {  	[sflag:s22] =	ssyncadd.s32 $0xFFFFE000  }
0x15c: {  	[bflag:$0x0] =	sbarrier.arrive $0xFFFF  }
0x15d: {  	s23 =	rddreg [dreg:$0xc]  }
0x15e: {  	s28 =	rddreg [dreg:$0xf]  }
0x15f: {  	s30 =	rddreg [dreg:$0x10]  }
0x160: {  	[hbm:s23], [sflag:s28] =	dma.local [spmem:s30], $0x1400  }
0x161: {  	_ =	swait.ge [sflag:s22], $0x1400  }
0x162: {  	s26 =	rddreg [dreg:$0x11]  }
0x163: {  	s31 =	rddreg [dreg:$0xd];
	s5 =	sadd.s32 $0x1, s26  }
0x164: {  	p0 =	sne.s32 s5, s31  }
.Ltmp1:
0x165: {  	_ = 	snop;
	(pc) =	sbr.rel @p0 .LBB2_1-.Ltmp1, $4  }
0x166: {  	_ = 	snop  }
0x167: {  	s29 =	simm.s32 $0x3;
	s1 =	simm.s32 $0x4  }
0x168: {  	s6 =	simm.s32 $0x100;
	s7 =	simm.s32 $0x200;
	[sflag:s22] =	ssyncset.done $0x0  }
0x169: {  	s23 =	simm.s32 $0x1;
	[sflag:s22] =	ssyncadd.s32 $0xFFFFEC00;
	s26 =	simm.s32 $0x2  }
0x16a: {  	_ =	sfence.sel $0x180000  }
0x16b: {  	[bflag:$0x0] =	sbarrier.arrive $0xFFFF  }
0x16c: {  	_ =	strace $0x90000050  }
0x16d: {  	s0 =	stileid.u32;
	[bflag:$0x2] =	sbarrier.arrive $0xFFFF  }
0x16e: {  	p0 =	sne.s32 s0, $0x0;
	s0 =	rddreg [dreg:$0x2]  }
0x16f: {  	s0 =	sadd.s32 @!p0 $0x100000, s0  }
0x170: {  	[sflag:s0] =	ssyncadd.tile.s32 @!p0 $0x1;
	_ =	shalt  }
.Lfunc_end2:
_tile_overlayer_lowered:
.L_overlay_start_2:
0x171: {  	(tag) =	ssettag $0x2  }
0x172: {  	s0 =	rddreg [dreg:$0x0];
	s2 =	stileid.u32  }
0x173: {  	s1 =	rddreg [dreg:$0x1];
	p0 =	sne.s32 s2, $0x0  }
0x174: {  	s3 =	rddreg [dreg:$0x2];
	[bflag:$0x3] =	sbarrier.arrive $0xFFFF;
	s2 =	simm.s32 @!p0 $0x1C11  }
0x175: {  	[timem:s3], [sflag:s2] =	dma.local @!p0 [hbm:s0], s1  }
0x176: {  	s0 =	simm.s32 @!p0 $0x11  }
0x177: {  	_ =	swait.ge @!p0 [sflag:s0], s1  }
0x178: {  	s1 =	ssub.s32 @!p0 $0x0, s1;
	[sflag:s0] =	ssyncset.done @!p0 $0x0  }
0x179: {  	[sflag:s0] =	ssyncadd.s32 @!p0 s1  }
0x17a: {  	[bflag:$0x3] =	sbarrier.arrive $0xFFFF  }
0x17b: {  	_ =	shalt  }

</sc_bundles>
